<compile_context>
chip_gen: v7x
topology: tpu7x:2x2x1
jax: 0.10.2.dev20260603
libtpu: 0.0.44.dev20260713+nightly
codegen_flags: <defaults>
</compile_context>

<pallas_src>
import functools

import jax
import jax.numpy as jnp
from jax import lax
from jax.experimental import pallas as pl
from jax.experimental.pallas import tpu as pltpu
from jax.experimental.pallas import tpu_sc as plsc

N = 10000
D = 128
E = 320000
LIVE = E + N
NC, NS = 2, 16
NW = NC * NS
CHUNK = 128
NCHUNK = 88
EPT = NCHUNK * CHUNK
E_PAD = EPT * NW
ACC_ROWS = 10112
ZROWS = ACC_ROWS // NS
ZFULL = ZROWS // CHUNK
ZTAIL = ZROWS - ZFULL * CHUNK
CW = 16
NBUF = 3
NQ = 4

_sc_mesh = plsc.VectorSubcoreMesh(core_axis_name="c", subcore_axis_name="s")


def _live_chunks(wid):
    n = (LIVE - wid * EPT + CHUNK - 1) // CHUNK
    return jnp.clip(n, 0, NCHUNK)


@functools.partial(
    pl.kernel,
    out_type=jax.ShapeDtypeStruct((NC, ACC_ROWS, CW), jnp.float32),
    mesh=_sc_mesh,
    scratch_types=[
        pltpu.VMEM_SHARED((ACC_ROWS, CW), jnp.float32),
        pltpu.VMEM((NCHUNK, CHUNK), jnp.int32),
        pltpu.VMEM((CHUNK, CW), jnp.float32),
        pltpu.SemaphoreType.DMA,
    ],
)
def _count_kernel(dst_hbm, out_hbm, acc_sh, idx_v, ones_v, csem):
    cid = lax.axis_index("c")
    sid = lax.axis_index("s")
    wid = cid * NS + sid

    def _fill(val):
        def body(i, _):
            ones_v[i, pl.ds(0, 16)] = jnp.zeros((16,), jnp.float32) + val
            return 0
        lax.fori_loop(0, CHUNK, body, 0)

    _fill(0.0)

    def _zero(k, _):
        pltpu.sync_copy(ones_v, acc_sh.at[pl.ds(sid * ZROWS + k * CHUNK, CHUNK)])
        return 0

    lax.fori_loop(0, ZFULL, _zero, 0)
    pltpu.sync_copy(ones_v.at[pl.ds(0, ZTAIL)],
                    acc_sh.at[pl.ds(sid * ZROWS + ZFULL * CHUNK, ZTAIL)])
    _fill(1.0)
    plsc.subcore_barrier()

    pltpu.sync_copy(dst_hbm.at[pl.ds(wid * NCHUNK, NCHUNK)], idx_v)

    nlive = _live_chunks(wid)

    def _scat(j, _):
        pltpu.async_copy(ones_v, acc_sh.at[idx_v.at[j]], csem, add=True)

        @pl.when(j >= 16)
        def _():
            pltpu.make_async_copy(ones_v, acc_sh.at[idx_v.at[0]], csem).wait()

        return 0

    lax.fori_loop(0, nlive, _scat, 0)

    def _cdrain(j, _):
        pltpu.make_async_copy(ones_v, acc_sh.at[idx_v.at[0]], csem).wait()
        return 0

    lax.fori_loop(0, jnp.minimum(nlive, 16), _cdrain, 0)
    plsc.subcore_barrier()
    pltpu.sync_copy(acc_sh.at[pl.ds(sid * ZROWS, ZROWS)],
                    out_hbm.at[cid, pl.ds(sid * ZROWS, ZROWS)])


@functools.partial(
    pl.kernel,
    out_type=jax.ShapeDtypeStruct((NC, ACC_ROWS, D), jnp.float32),
    mesh=_sc_mesh,
    scratch_types=[
        pltpu.VMEM_SHARED((ACC_ROWS, D), jnp.float32),
        pltpu.VMEM((NQ * 2, CHUNK), jnp.int32),
        pltpu.VMEM((NBUF, CHUNK, D), jnp.float32),
        pltpu.SemaphoreType.DMA,
        pltpu.SemaphoreType.DMA,
        pltpu.SemaphoreType.DMA,
    ],
)
def _prop_kernel(hp_hbm, idx_hbm, out_hbm, acc_sh, idx_v, rows_v, isem, gsem,
                 ssem):
    cid = lax.axis_index("c")
    sid = lax.axis_index("s")
    wid = cid * NS + sid

    nlive = _live_chunks(wid)

    def _start_i(jj):
        pltpu.async_copy(idx_hbm.at[wid * NCHUNK + jj],
                         idx_v.at[pl.ds((jj % NQ) * 2, 2)], isem)

    def _wait_i(jj):
        pltpu.make_async_copy(idx_hbm.at[wid * NCHUNK + jj],
                              idx_v.at[pl.ds((jj % NQ) * 2, 2)], isem).wait()

    def _start_g(jj):
        pltpu.async_copy(hp_hbm.at[idx_v.at[(jj % NQ) * 2]],
                         rows_v.at[jj % NBUF], gsem)

    def _wait_g(jj):
        pltpu.make_async_copy(hp_hbm.at[idx_v.at[(jj % NQ) * 2]],
                              rows_v.at[jj % NBUF], gsem).wait()

    def _start_s(jj):
        pltpu.async_copy(rows_v.at[jj % NBUF],
                         acc_sh.at[idx_v.at[(jj % NQ) * 2 + 1]], ssem,
                         add=True)

    def _wait_s(jj):
        pltpu.make_async_copy(rows_v.at[jj % NBUF],
                              acc_sh.at[idx_v.at[(jj % NQ) * 2 + 1]],
                              ssem).wait()

    for k in range(NBUF):
        @pl.when(k < nlive)
        def _():
            _start_i(k)

    def _zfill(i, _):
        rows_v[NBUF - 1, i // (D // 16),
               pl.ds((i % (D // 16)) * 16, 16)] = jnp.zeros((16,), jnp.float32)
        return 0

    lax.fori_loop(0, CHUNK * D // 16, _zfill, 0)

    def _zero(k, _):
        pltpu.sync_copy(rows_v.at[NBUF - 1],
                        acc_sh.at[pl.ds(sid * ZROWS + k * CHUNK, CHUNK)])
        return 0

    lax.fori_loop(0, ZFULL, _zero, 0)
    pltpu.sync_copy(rows_v.at[NBUF - 1, pl.ds(0, ZTAIL)],
                    acc_sh.at[pl.ds(sid * ZROWS + ZFULL * CHUNK, ZTAIL)])

    for k in range(NBUF - 1):
        @pl.when(k < nlive)
        def _():
            _wait_i(k)
            _start_g(k)

    plsc.subcore_barrier()

    def _edge(j, _):
        _wait_g(j)
        _start_s(j)

        @pl.when(j >= 1)
        def _():
            _wait_s(j - 1)

        @pl.when(j + 2 < nlive)
        def _():
            _wait_i(j + 2)
            _start_g(j + 2)

        @pl.when(j + 3 < nlive)
        def _():
            _start_i(j + 3)

        return 0

    lax.fori_loop(0, nlive, _edge, 0)

    @pl.when(nlive >= 1)
    def _():
        _wait_s(nlive - 1)

    plsc.subcore_barrier()
    pltpu.sync_copy(acc_sh.at[pl.ds(sid * ZROWS, ZROWS)],
                    out_hbm.at[cid, pl.ds(sid * ZROWS, ZROWS)])


BLK = 2000
GRID = N // BLK


def _disb(cnt):
    deg = cnt[0, :, 0:1] + cnt[1, :, 0:1]
    return jnp.broadcast_to(lax.rsqrt(deg), (BLK, D))


def _in_body(cnt_ref, x_ref, w_ref, hp_ref):
    h = jnp.dot(x_ref[...], w_ref[...], preferred_element_type=jnp.float32)
    hp_ref[...] = _disb(cnt_ref[...]) * h


_in_call = pl.pallas_call(
    _in_body,
    grid=(GRID,),
    in_specs=[
        pl.BlockSpec((NC, BLK, CW), lambda i: (0, i, 0)),
        pl.BlockSpec((BLK, D), lambda i: (i, 0)),
        pl.BlockSpec((D, D), lambda i: (0, 0)),
    ],
    out_specs=pl.BlockSpec((BLK, D), lambda i: (i, 0)),
    out_shape=jax.ShapeDtypeStruct((N, D), jnp.float32),
)


def _mid_body(cnt_ref, p_ref, b_ref, w_ref, hn_ref):
    p = p_ref[...]
    disb = _disb(cnt_ref[...])
    act = jnp.maximum(disb * (p[0] + p[1]) + b_ref[...], 0.0)
    hn_ref[...] = disb * jnp.dot(act, w_ref[...],
                                 preferred_element_type=jnp.float32)


def _mid_act_body(cnt_ref, p_ref, b_ref, w_ref, hn_ref, act_ref):
    p = p_ref[...]
    disb = _disb(cnt_ref[...])
    act = jnp.maximum(disb * (p[0] + p[1]) + b_ref[...], 0.0)
    hn_ref[...] = disb * jnp.dot(act, w_ref[...],
                                 preferred_element_type=jnp.float32)
    act_ref[...] = act


_mid_specs = dict(
    grid=(GRID,),
    in_specs=[
        pl.BlockSpec((NC, BLK, CW), lambda i: (0, i, 0)),
        pl.BlockSpec((NC, BLK, D), lambda i: (0, i, 0)),
        pl.BlockSpec((1, D), lambda i: (0, 0)),
        pl.BlockSpec((D, D), lambda i: (0, 0)),
    ],
)

_mid_call = pl.pallas_call(
    _mid_body,
    out_specs=pl.BlockSpec((BLK, D), lambda i: (i, 0)),
    out_shape=jax.ShapeDtypeStruct((N, D), jnp.float32),
    **_mid_specs,
)

_mid_act_call = pl.pallas_call(
    _mid_act_body,
    out_specs=[
        pl.BlockSpec((BLK, D), lambda i: (i, 0)),
        pl.BlockSpec((BLK, D), lambda i: (i, 0)),
    ],
    out_shape=[
        jax.ShapeDtypeStruct((N, D), jnp.float32),
        jax.ShapeDtypeStruct((N, D), jnp.float32),
    ],
    **_mid_specs,
)


def _out_body(cnt_ref, p_ref, b_ref, xh_ref):
    p = p_ref[...]
    xh_ref[...] = _disb(cnt_ref[...]) * (p[0] + p[1]) + b_ref[...]


_out_call = pl.pallas_call(
    _out_body,
    grid=(GRID,),
    in_specs=[
        pl.BlockSpec((NC, BLK, CW), lambda i: (0, i, 0)),
        pl.BlockSpec((NC, BLK, D), lambda i: (0, i, 0)),
        pl.BlockSpec((1, D), lambda i: (0, 0)),
    ],
    out_specs=pl.BlockSpec((BLK, D), lambda i: (i, 0)),
    out_shape=jax.ShapeDtypeStruct((N, D), jnp.float32),
)


def kernel(x, edge_index, W1, b1, W2, b2, W3, b3, W4, b4):
    iota = jnp.arange(N, dtype=jnp.int32)
    pad = E_PAD - LIVE
    ext_src = jnp.concatenate(
        [edge_index[0], iota, jnp.zeros((pad,), jnp.int32)])
    ext_dst = jnp.concatenate(
        [edge_index[1], iota, jnp.full((pad,), N, jnp.int32)])
    ext2 = jnp.stack(
        [ext_src.reshape(NW * NCHUNK, CHUNK),
         ext_dst.reshape(NW * NCHUNK, CHUNK)], axis=1)

    cnt = _count_kernel(ext_dst.reshape(NW * NCHUNK, CHUNK))
    hp1 = _in_call(cnt, x, W1)
    p1 = _prop_kernel(hp1, ext2)
    hp2 = _mid_call(cnt, p1, b1.reshape(1, D), W2)
    p2 = _prop_kernel(hp2, ext2)
    hp3, z = _mid_act_call(cnt, p2, b2.reshape(1, D), W3)
    p3 = _prop_kernel(hp3, ext2)
    hp4 = _mid_call(cnt, p3, b3.reshape(1, D), W4)
    p4 = _prop_kernel(hp4, ext2)
    x_hat = _out_call(cnt, p4, b4.reshape(1, D))
    return (x_hat, z)

# --- scband reference (transcript-rebuilt; emitter-appended) ---
"""Pipeline reference for scband-dominant-86045374808287 (READ-ONLY COPY).

The authoritative reference and input builder live on the scoring server;
editing this copy changes nothing except your own understanding.
"""

import jax, jax.numpy as jnp
import numpy as np

N = 10000
E = 320000
D_IN = 128
D_H = 128


def _glorot(key, fan_in, fan_out):
    lim = np.sqrt(6.0 / (fan_in + fan_out))
    return jax.random.uniform(key, (fan_in, fan_out), dtype=jnp.float32, minval=-lim, maxval=lim)


def setup_inputs(seed: int = 0):
    key = jax.random.key(seed)
    ks = jax.random.split(key, 10)
    x = jax.random.normal(ks[0], (N, D_IN), dtype=jnp.float32)
    edge_index = jax.random.randint(ks[1], (2, E), 0, N, dtype=jnp.int32)
    W1 = _glorot(ks[2], D_IN, D_H)
    b1 = jnp.zeros((D_H,), dtype=jnp.float32)
    W2 = _glorot(ks[3], D_H, D_H)
    b2 = jnp.zeros((D_H,), dtype=jnp.float32)
    W3 = _glorot(ks[4], D_H, D_H)
    b3 = jnp.zeros((D_H,), dtype=jnp.float32)
    W4 = _glorot(ks[5], D_H, D_IN)
    b4 = jnp.zeros((D_IN,), dtype=jnp.float32)
    return {"x": x, "edge_index": edge_index, "W1": W1, "b1": b1, "W2": W2, "b2": b2, "W3": W3, "b3": b3, "W4": W4, "b4": b4}


def gcn_conv(x, edge_index, W, b):
    # PyG GCNConv: add self-loops, symmetric normalization D^-1/2 (A+I) D^-1/2, then X W + b
    n = x.shape[0]
    loop = jnp.arange(n, dtype=edge_index.dtype)
    src = jnp.concatenate([edge_index[0], loop])
    dst = jnp.concatenate([edge_index[1], loop])
    h = x @ W
    deg = jnp.zeros((n,), dtype=h.dtype).at[dst].add(1.0)
    dis = jnp.where(deg > 0, 1.0 / jnp.sqrt(deg), 0.0)
    norm = dis[src] * dis[dst]
    out = jnp.zeros_like(h).at[dst].add(h[src] * norm[:, None])
    return out + b


def reference(x, edge_index, W1, b1, W2, b2, W3, b3, W4, b4):
    # eval mode: dropout is identity
    h = jax.nn.relu(gcn_conv(x, edge_index, W1, b1))
    z = jax.nn.relu(gcn_conv(h, edge_index, W2, b2))
    xh = jax.nn.relu(gcn_conv(z, edge_index, W3, b3))
    x_hat = gcn_conv(xh, edge_index, W4, b4)
    return (x_hat, z)

if __name__ == "__main__":
    import jax
    _d = setup_inputs()
    print(jax.jit(kernel)(*tuple(_d.values())))

</pallas_src>

<mosaic_0001>
#map = affine_map<(d0, d1) -> (0, 0)>
#map1 = affine_map<(d0, d1) -> (0, 0, 0)>
module attributes {stable_mosaic.version = 14 : i64} {
  func.func @_prop_kernel(%arg0: i32, %arg1: i32, %arg2: memref<10000x128xf32, #tpu.memory_space<hbm>>, %arg3: memref<2816x2x128xi32, #tpu.memory_space<hbm>>, %arg4: memref<2x10112x128xf32, #tpu.memory_space<hbm>>, %arg5: memref<10112x128xf32, #tpu.memory_space<vmem_shared>>, %arg6: memref<8x128xi32, #tpu.memory_space<vmem>>, %arg7: memref<3x128x128xf32, #tpu.memory_space<vmem>>, %arg8: memref<!tpu.dma_semaphore, #tpu.memory_space<semaphore_mem>>, %arg9: memref<!tpu.dma_semaphore, #tpu.memory_space<semaphore_mem>>, %arg10: memref<!tpu.dma_semaphore, #tpu.memory_space<semaphore_mem>>) attributes {dimension_semantics = [#tpu.dimension_semantics<core_parallel>, #tpu.dimension_semantics<subcore_parallel>], iteration_bounds = array<i64: 2, 16>, scalar_prefetch = 0 : i64, scratch_operands = 6 : i64, tpu.core_type = #tpu.core_type<sc_vector_subcore>, window_params = [{transform_indices = #map}, {transform_indices = #map1}, {transform_indices = #map1}]} {
    %mul3A = arith.constant 16 : i32
    %mul3A_0 = arith.muli %arg0, %mul3A : i32
    %add3A = arith.addi %mul3A_0, %arg1 : i32
    %mul3A_1 = arith.constant 11264 : i32
    %mul3A_2 = arith.muli %add3A, %mul3A_1 : i32
    %sub3A = arith.constant 330000 : i32
    %sub3A_3 = arith.subi %sub3A, %mul3A_2 : i32
    %add3A_4 = arith.constant 128 : i32
    %add3A_5 = arith.addi %sub3A_3, %add3A_4 : i32
    %sub3A_6 = arith.constant 1 : i32
    %sub3A_7 = arith.subi %add3A_5, %sub3A_6 : i32
    %jit3A = arith.constant 128 : i32
    %div3A = arith.divsi %sub3A_7, %jit3A : i32
    %sign3A = arith.constant 0 : i32
    %sign3A_8 = arith.cmpi sgt, %sub3A_7, %sign3A : i32
    %sign3A_9 = arith.extui %sign3A_8 : i1 to i32
    %sign3A_10 = arith.constant 0 : i32
    %sign3A_11 = arith.cmpi slt, %sub3A_7, %sign3A_10 : i32
    %sign3A_12 = arith.extui %sign3A_11 : i1 to i32
    %sign3A_13 = arith.subi %sign3A_9, %sign3A_12 : i32
    %sign3A_14 = arith.constant 0 : i32
    %sign3A_15 = arith.cmpi sgt, %jit3A, %sign3A_14 : i32
    %sign3A_16 = arith.extui %sign3A_15 : i1 to i32
    %sign3A_17 = arith.constant 0 : i32
    %sign3A_18 = arith.cmpi slt, %jit3A, %sign3A_17 : i32
    %sign3A_19 = arith.extui %sign3A_18 : i1 to i32
    %sign3A_20 = arith.subi %sign3A_16, %sign3A_19 : i32
    %ne3A = arith.cmpi ne, %sign3A_13, %sign3A_20 : i32
    %rem3A = arith.remsi %sub3A_7, %jit3A : i32
    %ne3A_21 = arith.constant 0 : i32
    %ne3A_22 = arith.cmpi ne, %rem3A, %ne3A_21 : i32
    %and3A = arith.andi %ne3A, %ne3A_22 : i1
    %sub3A_23 = arith.constant 1 : i32
    %sub3A_24 = arith.subi %div3A, %sub3A_23 : i32
    %select_n3A = arith.select %and3A, %sub3A_24, %div3A : i32
    %jit3A_25 = arith.constant 0 : i32
    %jit3A_26 = arith.constant 88 : i32
    %max3A = arith.maxsi %jit3A_25, %select_n3A : i32
    %min3A = arith.minsi %jit3A_26, %max3A : i32
    %gt3A = arith.constant 0 : i32
    %gt3A_27 = arith.cmpi sgt, %min3A, %gt3A : i32
    %convert_element_type3A = arith.extui %gt3A_27 : i1 to i32
    %cond3A = arith.constant 0 : i32
    %cond3A_28 = arith.cmpi ne, %convert_element_type3A, %cond3A : i32
    scf.if %cond3A_28 {
      %mul3A_86 = arith.constant 88 : i32
      %mul3A_87 = arith.muli %add3A, %mul3A_86 : i32
      %add3A_88 = arith.constant 0 : i32
      %add3A_89 = arith.addi %mul3A_87, %add3A_88 : i32
      %dma_start3A = arith.constant 0 : i32
      %dma_start3A_90 = arith.constant 0 : i32
      %dma_start3A_91 = tpu.memref_slice %arg6[%dma_start3A, %dma_start3A_90] : memref<8x128xi32, #tpu.memory_space<vmem>> -> memref<2x128xi32, #tpu.memory_space<vmem>>
      %dma_start3A_92 = arith.constant 0 : i32
      %dma_start3A_93 = arith.constant 0 : i32
      %dma_start3A_94 = tpu.memref_slice %arg3[%add3A_89, %dma_start3A_92, %dma_start3A_93] : memref<2816x2x128xi32, #tpu.memory_space<hbm>> -> memref<1x2x128xi32, #tpu.memory_space<hbm>>
      %dma_start3A_95 = tpu.memref_squeeze %dma_start3A_94 : memref<1x2x128xi32, #tpu.memory_space<hbm>> -> memref<2x128xi32, #tpu.memory_space<hbm>>
      %dma_start3A_96 = arith.constant 0 : i32
      %dma_start3A_97 = arith.constant 0 : i32
      %dma_start3A_98 = tpu.memref_slice %arg6[%dma_start3A_96, %dma_start3A_97] : memref<8x128xi32, #tpu.memory_space<vmem>> -> memref<2x128xi32, #tpu.memory_space<vmem>>
      %dma_start3A_99 = arith.constant 0 : i32
      %dma_start3A_100 = arith.constant 0 : i32
      %dma_start3A_101 = tpu.memref_slice %arg3[%add3A_89, %dma_start3A_99, %dma_start3A_100] : memref<2816x2x128xi32, #tpu.memory_space<hbm>> -> memref<1x2x128xi32, #tpu.memory_space<hbm>>
      %dma_start3A_102 = tpu.memref_squeeze %dma_start3A_101 : memref<1x2x128xi32, #tpu.memory_space<hbm>> -> memref<2x128xi32, #tpu.memory_space<hbm>>
      tpu.enqueue_dma source(%dma_start3A_102 : memref<2x128xi32, #tpu.memory_space<hbm>>) target(%dma_start3A_98 : memref<2x128xi32, #tpu.memory_space<vmem>>) target_semaphore(%arg8 : memref<!tpu.dma_semaphore, #tpu.memory_space<semaphore_mem>>)
    } else {
    }
    %gt3A_29 = arith.constant 1 : i32
    %gt3A_30 = arith.cmpi sgt, %min3A, %gt3A_29 : i32
    %convert_element_type3A_31 = arith.extui %gt3A_30 : i1 to i32
    %cond3A_32 = arith.constant 0 : i32
    %cond3A_33 = arith.cmpi ne, %convert_element_type3A_31, %cond3A_32 : i32
    scf.if %cond3A_33 {
      %mul3A_86 = arith.constant 88 : i32
      %mul3A_87 = arith.muli %add3A, %mul3A_86 : i32
      %add3A_88 = arith.constant 1 : i32
      %add3A_89 = arith.addi %mul3A_87, %add3A_88 : i32
      %dma_start3A = arith.constant 2 : i32
      %dma_start3A_90 = arith.constant 0 : i32
      %dma_start3A_91 = tpu.memref_slice %arg6[%dma_start3A, %dma_start3A_90] : memref<8x128xi32, #tpu.memory_space<vmem>> -> memref<2x128xi32, #tpu.memory_space<vmem>>
      %dma_start3A_92 = arith.constant 0 : i32
      %dma_start3A_93 = arith.constant 0 : i32
      %dma_start3A_94 = tpu.memref_slice %arg3[%add3A_89, %dma_start3A_92, %dma_start3A_93] : memref<2816x2x128xi32, #tpu.memory_space<hbm>> -> memref<1x2x128xi32, #tpu.memory_space<hbm>>
      %dma_start3A_95 = tpu.memref_squeeze %dma_start3A_94 : memref<1x2x128xi32, #tpu.memory_space<hbm>> -> memref<2x128xi32, #tpu.memory_space<hbm>>
      %dma_start3A_96 = arith.constant 2 : i32
      %dma_start3A_97 = arith.constant 0 : i32
      %dma_start3A_98 = tpu.memref_slice %arg6[%dma_start3A_96, %dma_start3A_97] : memref<8x128xi32, #tpu.memory_space<vmem>> -> memref<2x128xi32, #tpu.memory_space<vmem>>
      %dma_start3A_99 = arith.constant 0 : i32
      %dma_start3A_100 = arith.constant 0 : i32
      %dma_start3A_101 = tpu.memref_slice %arg3[%add3A_89, %dma_start3A_99, %dma_start3A_100] : memref<2816x2x128xi32, #tpu.memory_space<hbm>> -> memref<1x2x128xi32, #tpu.memory_space<hbm>>
      %dma_start3A_102 = tpu.memref_squeeze %dma_start3A_101 : memref<1x2x128xi32, #tpu.memory_space<hbm>> -> memref<2x128xi32, #tpu.memory_space<hbm>>
      tpu.enqueue_dma source(%dma_start3A_102 : memref<2x128xi32, #tpu.memory_space<hbm>>) target(%dma_start3A_98 : memref<2x128xi32, #tpu.memory_space<vmem>>) target_semaphore(%arg8 : memref<!tpu.dma_semaphore, #tpu.memory_space<semaphore_mem>>)
    } else {
    }
    %gt3A_34 = arith.constant 2 : i32
    %gt3A_35 = arith.cmpi sgt, %min3A, %gt3A_34 : i32
    %convert_element_type3A_36 = arith.extui %gt3A_35 : i1 to i32
    %cond3A_37 = arith.constant 0 : i32
    %cond3A_38 = arith.cmpi ne, %convert_element_type3A_36, %cond3A_37 : i32
    scf.if %cond3A_38 {
      %mul3A_86 = arith.constant 88 : i32
      %mul3A_87 = arith.muli %add3A, %mul3A_86 : i32
      %add3A_88 = arith.constant 2 : i32
      %add3A_89 = arith.addi %mul3A_87, %add3A_88 : i32
      %dma_start3A = arith.constant 4 : i32
      %dma_start3A_90 = arith.constant 0 : i32
      %dma_start3A_91 = tpu.memref_slice %arg6[%dma_start3A, %dma_start3A_90] : memref<8x128xi32, #tpu.memory_space<vmem>> -> memref<2x128xi32, #tpu.memory_space<vmem>>
      %dma_start3A_92 = arith.constant 0 : i32
      %dma_start3A_93 = arith.constant 0 : i32
      %dma_start3A_94 = tpu.memref_slice %arg3[%add3A_89, %dma_start3A_92, %dma_start3A_93] : memref<2816x2x128xi32, #tpu.memory_space<hbm>> -> memref<1x2x128xi32, #tpu.memory_space<hbm>>
      %dma_start3A_95 = tpu.memref_squeeze %dma_start3A_94 : memref<1x2x128xi32, #tpu.memory_space<hbm>> -> memref<2x128xi32, #tpu.memory_space<hbm>>
      %dma_start3A_96 = arith.constant 4 : i32
      %dma_start3A_97 = arith.constant 0 : i32
      %dma_start3A_98 = tpu.memref_slice %arg6[%dma_start3A_96, %dma_start3A_97] : memref<8x128xi32, #tpu.memory_space<vmem>> -> memref<2x128xi32, #tpu.memory_space<vmem>>
      %dma_start3A_99 = arith.constant 0 : i32
      %dma_start3A_100 = arith.constant 0 : i32
      %dma_start3A_101 = tpu.memref_slice %arg3[%add3A_89, %dma_start3A_99, %dma_start3A_100] : memref<2816x2x128xi32, #tpu.memory_space<hbm>> -> memref<1x2x128xi32, #tpu.memory_space<hbm>>
      %dma_start3A_102 = tpu.memref_squeeze %dma_start3A_101 : memref<1x2x128xi32, #tpu.memory_space<hbm>> -> memref<2x128xi32, #tpu.memory_space<hbm>>
      tpu.enqueue_dma source(%dma_start3A_102 : memref<2x128xi32, #tpu.memory_space<hbm>>) target(%dma_start3A_98 : memref<2x128xi32, #tpu.memory_space<vmem>>) target_semaphore(%arg8 : memref<!tpu.dma_semaphore, #tpu.memory_space<semaphore_mem>>)
    } else {
    }
    %scan3A = arith.constant 0 : i32
    %scan3A_39 = arith.constant 0 : i32
    %scan3A_40 = arith.constant 1024 : i32
    %scan3A_41 = arith.addi %scan3A_39, %scan3A_40 : i32
    %scan3A_42 = arith.constant 1 : i32
    %scan3A_43 = scf.for %scan3A_86 = %scan3A_39 to %scan3A_41 step %scan3A_42 iter_args(%scan3A_87 = %scan3A) -> (i32)  : i32 {
      %broadcast_in_dim3A = arith.constant 0.000000e+00 : f32
      %broadcast_in_dim3A_88 = vector.broadcast %broadcast_in_dim3A : f32 to vector<16xf32>
      %jit3A_89 = arith.constant 8 : i32
      %div3A_90 = arith.divsi %scan3A_86, %jit3A_89 : i32
      %sign3A_91 = arith.constant 0 : i32
      %sign3A_92 = arith.cmpi sgt, %scan3A_86, %sign3A_91 : i32
      %sign3A_93 = arith.extui %sign3A_92 : i1 to i32
      %sign3A_94 = arith.constant 0 : i32
      %sign3A_95 = arith.cmpi slt, %scan3A_86, %sign3A_94 : i32
      %sign3A_96 = arith.extui %sign3A_95 : i1 to i32
      %sign3A_97 = arith.subi %sign3A_93, %sign3A_96 : i32
      %sign3A_98 = arith.constant 0 : i32
      %sign3A_99 = arith.cmpi sgt, %jit3A_89, %sign3A_98 : i32
      %sign3A_100 = arith.extui %sign3A_99 : i1 to i32
      %sign3A_101 = arith.constant 0 : i32
      %sign3A_102 = arith.cmpi slt, %jit3A_89, %sign3A_101 : i32
      %sign3A_103 = arith.extui %sign3A_102 : i1 to i32
      %sign3A_104 = arith.subi %sign3A_100, %sign3A_103 : i32
      %ne3A_105 = arith.cmpi ne, %sign3A_97, %sign3A_104 : i32
      %rem3A_106 = arith.remsi %scan3A_86, %jit3A_89 : i32
      %ne3A_107 = arith.constant 0 : i32
      %ne3A_108 = arith.cmpi ne, %rem3A_106, %ne3A_107 : i32
      %and3A_109 = arith.andi %ne3A_105, %ne3A_108 : i1
      %sub3A_110 = arith.constant 1 : i32
      %sub3A_111 = arith.subi %div3A_90, %sub3A_110 : i32
      %select_n3A_112 = arith.select %and3A_109, %sub3A_111, %div3A_90 : i32
      %jit3A_113 = arith.constant 8 : i32
      %eq3A = arith.constant 0 : i32
      %eq3A_114 = arith.cmpi eq, %jit3A_113, %eq3A : i32
      %jit3A_115 = arith.constant 1 : i32
      %select_n3A_116 = arith.select %eq3A_114, %jit3A_115, %jit3A_113 : i32
      %rem3A_117 = arith.remsi %scan3A_86, %select_n3A_116 : i32
      %ne3A_118 = arith.constant 0 : i32
      %ne3A_119 = arith.cmpi ne, %rem3A_117, %ne3A_118 : i32
      %lt3A = arith.constant 0 : i32
      %lt3A_120 = arith.cmpi slt, %rem3A_117, %lt3A : i32
      %lt3A_121 = arith.constant 0 : i32
      %lt3A_122 = arith.cmpi slt, %select_n3A_116, %lt3A_121 : i32
      %ne3A_123 = arith.xori %lt3A_120, %lt3A_122 : i1
      %and3A_124 = arith.andi %ne3A_123, %ne3A_119 : i1
      %add3A_125 = arith.addi %rem3A_117, %select_n3A_116 : i32
      %select_n3A_126 = arith.select %and3A_124, %add3A_125, %rem3A_117 : i32
      %mul3A_127 = arith.constant 16 : i32
      %mul3A_128 = arith.muli %select_n3A_126, %mul3A_127 : i32
      %swap3A = arith.constant 2 : i32
      %swap3A_129 = arith.index_cast %swap3A : i32 to index
      %swap3A_130 = arith.index_cast %select_n3A_112 : i32 to index
      %swap3A_131 = arith.index_cast %mul3A_128 : i32 to index
      %swap3A_132 = tpu.vector_load %arg7[%swap3A_129, %swap3A_130, %swap3A_131] {strides = array<i32>} : memref<3x128x128xf32, #tpu.memory_space<vmem>>, vector<1x1x16xf32>,
      %swap3A_133 = vector.shape_cast %swap3A_132 : vector<1x1x16xf32> to vector<16xf32>
      %swap3A_134 = vector.shape_cast %broadcast_in_dim3A_88 : vector<16xf32> to vector<1x1x16xf32>
      tpu.vector_store %arg7[%swap3A_129, %swap3A_130, %swap3A_131], %swap3A_134 {strides = array<i32>} : memref<3x128x128xf32, #tpu.memory_space<vmem>>, vector<1x1x16xf32>,
      %scan3A_135 = arith.constant 0 : i32
      scf.yield %scan3A_135 : i32
    }
    %scan3A_44 = arith.constant 1024 : i32
    %scan3A_45 = arith.constant 0 : i32
    %scan3A_46 = arith.constant 0 : i32
    %scan3A_47 = arith.constant 4 : i32
    %scan3A_48 = arith.addi %scan3A_46, %scan3A_47 : i32
    %scan3A_49 = arith.constant 1 : i32
    %scan3A_50 = scf.for %scan3A_86 = %scan3A_46 to %scan3A_48 step %scan3A_49 iter_args(%scan3A_87 = %scan3A_45) -> (i32)  : i32 {
      %mul3A_88 = arith.constant 632 : i32
      %mul3A_89 = arith.muli %arg1, %mul3A_88 : i32
      %mul3A_90 = arith.constant 128 : i32
      %mul3A_91 = arith.muli %scan3A_86, %mul3A_90 : i32
      %add3A_92 = arith.addi %mul3A_89, %mul3A_91 : i32
      %run_scoped3A_93 = arith.constant 2 : i32
      "tpu.region"() ({
        %run_scoped3A_95 = tpu.sem_alloc : memref<!tpu.dma_semaphore, #tpu.memory_space<semaphore_mem>>
        %dma_start3A = arith.constant 0 : i32
        %dma_start3A_96 = arith.constant 0 : i32
        %dma_start3A_97 = tpu.memref_slice %arg7[%run_scoped3A_93, %dma_start3A, %dma_start3A_96] : memref<3x128x128xf32, #tpu.memory_space<vmem>> -> memref<1x128x128xf32, #tpu.memory_space<vmem>>
        %dma_start3A_98 = tpu.memref_squeeze %dma_start3A_97 : memref<1x128x128xf32, #tpu.memory_space<vmem>> -> memref<128x128xf32, #tpu.memory_space<vmem>>
        %dma_start3A_99 = arith.constant 0 : i32
        %dma_start3A_100 = tpu.memref_slice %arg5[%add3A_92, %dma_start3A_99] : memref<10112x128xf32, #tpu.memory_space<vmem_shared>> -> memref<128x128xf32, #tpu.memory_space<vmem_shared>>
        %dma_start3A_101 = arith.constant 0 : i32
        %dma_start3A_102 = tpu.memref_slice %arg5[%add3A_92, %dma_start3A_101] : memref<10112x128xf32, #tpu.memory_space<vmem_shared>> -> memref<128x128xf32, #tpu.memory_space<vmem_shared>>
        %dma_start3A_103 = arith.constant 0 : i32
        %dma_start3A_104 = arith.constant 0 : i32
        %dma_start3A_105 = tpu.memref_slice %arg7[%run_scoped3A_93, %dma_start3A_103, %dma_start3A_104] : memref<3x128x128xf32, #tpu.memory_space<vmem>> -> memref<1x128x128xf32, #tpu.memory_space<vmem>>
        %dma_start3A_106 = tpu.memref_squeeze %dma_start3A_105 : memref<1x128x128xf32, #tpu.memory_space<vmem>> -> memref<128x128xf32, #tpu.memory_space<vmem>>
        tpu.enqueue_dma source(%dma_start3A_106 : memref<128x128xf32, #tpu.memory_space<vmem>>) target(%dma_start3A_102 : memref<128x128xf32, #tpu.memory_space<vmem_shared>>) target_semaphore(%run_scoped3A_95 : memref<!tpu.dma_semaphore, #tpu.memory_space<semaphore_mem>>)
        %dma_wait3A = arith.constant 0 : i32
        %dma_wait3A_107 = arith.constant 0 : i32
        %dma_wait3A_108 = tpu.memref_slice %arg7[%run_scoped3A_93, %dma_wait3A, %dma_wait3A_107] : memref<3x128x128xf32, #tpu.memory_space<vmem>> -> memref<1x128x128xf32, #tpu.memory_space<vmem>>
        %dma_wait3A_109 = tpu.memref_squeeze %dma_wait3A_108 : memref<1x128x128xf32, #tpu.memory_space<vmem>> -> memref<128x128xf32, #tpu.memory_space<vmem>>
        %dma_wait3A_110 = arith.constant 0 : i32
        %dma_wait3A_111 = tpu.memref_slice %arg5[%add3A_92, %dma_wait3A_110] : memref<10112x128xf32, #tpu.memory_space<vmem_shared>> -> memref<128x128xf32, #tpu.memory_space<vmem_shared>>
        %dma_wait3A_112 = arith.constant 0 : i32
        %dma_wait3A_113 = tpu.memref_slice %arg5[%add3A_92, %dma_wait3A_112] : memref<10112x128xf32, #tpu.memory_space<vmem_shared>> -> memref<128x128xf32, #tpu.memory_space<vmem_shared>>
        %dma_wait3A_114 = arith.constant 0 : i32
        %dma_wait3A_115 = arith.constant 0 : i32
        %dma_wait3A_116 = tpu.memref_slice %arg7[%run_scoped3A_93, %dma_wait3A_114, %dma_wait3A_115] : memref<3x128x128xf32, #tpu.memory_space<vmem>> -> memref<1x128x128xf32, #tpu.memory_space<vmem>>
        %dma_wait3A_117 = tpu.memref_squeeze %dma_wait3A_116 : memref<1x128x128xf32, #tpu.memory_space<vmem>> -> memref<128x128xf32, #tpu.memory_space<vmem>>
        tpu.wait_dma2 semaphore(%run_scoped3A_95 : memref<!tpu.dma_semaphore, #tpu.memory_space<semaphore_mem>>) src(%dma_wait3A_117 : memref<128x128xf32, #tpu.memory_space<vmem>>) dst(%dma_wait3A_113 : memref<128x128xf32, #tpu.memory_space<vmem_shared>>)
        tpu.yield
      }) : () -> ()
      %scan3A_94 = arith.constant 0 : i32
      scf.yield %scan3A_94 : i32
    }
    %scan3A_51 = arith.constant 4 : i32
    %mul3A_52 = arith.constant 632 : i32
    %mul3A_53 = arith.muli %arg1, %mul3A_52 : i32
    %add3A_54 = arith.constant 512 : i32
    %add3A_55 = arith.addi %mul3A_53, %add3A_54 : i32
    %run_scoped3A = arith.constant 2 : i32
    "tpu.region"() ({
      %run_scoped3A_86 = tpu.sem_alloc : memref<!tpu.dma_semaphore, #tpu.memory_space<semaphore_mem>>
      %dma_start3A = arith.constant 0 : i32
      %dma_start3A_87 = arith.constant 0 : i32
      %dma_start3A_88 = tpu.memref_slice %arg7[%run_scoped3A, %dma_start3A, %dma_start3A_87] : memref<3x128x128xf32, #tpu.memory_space<vmem>> -> memref<1x120x128xf32, #tpu.memory_space<vmem>>
      %dma_start3A_89 = tpu.memref_squeeze %dma_start3A_88 : memref<1x120x128xf32, #tpu.memory_space<vmem>> -> memref<120x128xf32, #tpu.memory_space<vmem>>
      %dma_start3A_90 = arith.constant 0 : i32
      %dma_start3A_91 = tpu.memref_slice %arg5[%add3A_55, %dma_start3A_90] : memref<10112x128xf32, #tpu.memory_space<vmem_shared>> -> memref<120x128xf32, #tpu.memory_space<vmem_shared>>
      %dma_start3A_92 = arith.constant 0 : i32
      %dma_start3A_93 = tpu.memref_slice %arg5[%add3A_55, %dma_start3A_92] : memref<10112x128xf32, #tpu.memory_space<vmem_shared>> -> memref<120x128xf32, #tpu.memory_space<vmem_shared>>
      %dma_start3A_94 = arith.constant 0 : i32
      %dma_start3A_95 = arith.constant 0 : i32
      %dma_start3A_96 = tpu.memref_slice %arg7[%run_scoped3A, %dma_start3A_94, %dma_start3A_95] : memref<3x128x128xf32, #tpu.memory_space<vmem>> -> memref<1x120x128xf32, #tpu.memory_space<vmem>>
      %dma_start3A_97 = tpu.memref_squeeze %dma_start3A_96 : memref<1x120x128xf32, #tpu.memory_space<vmem>> -> memref<120x128xf32, #tpu.memory_space<vmem>>
      tpu.enqueue_dma source(%dma_start3A_97 : memref<120x128xf32, #tpu.memory_space<vmem>>) target(%dma_start3A_93 : memref<120x128xf32, #tpu.memory_space<vmem_shared>>) target_semaphore(%run_scoped3A_86 : memref<!tpu.dma_semaphore, #tpu.memory_space<semaphore_mem>>)
      %dma_wait3A = arith.constant 0 : i32
      %dma_wait3A_98 = arith.constant 0 : i32
      %dma_wait3A_99 = tpu.memref_slice %arg7[%run_scoped3A, %dma_wait3A, %dma_wait3A_98] : memref<3x128x128xf32, #tpu.memory_space<vmem>> -> memref<1x120x128xf32, #tpu.memory_space<vmem>>
      %dma_wait3A_100 = tpu.memref_squeeze %dma_wait3A_99 : memref<1x120x128xf32, #tpu.memory_space<vmem>> -> memref<120x128xf32, #tpu.memory_space<vmem>>
      %dma_wait3A_101 = arith.constant 0 : i32
      %dma_wait3A_102 = tpu.memref_slice %arg5[%add3A_55, %dma_wait3A_101] : memref<10112x128xf32, #tpu.memory_space<vmem_shared>> -> memref<120x128xf32, #tpu.memory_space<vmem_shared>>
      %dma_wait3A_103 = arith.constant 0 : i32
      %dma_wait3A_104 = tpu.memref_slice %arg5[%add3A_55, %dma_wait3A_103] : memref<10112x128xf32, #tpu.memory_space<vmem_shared>> -> memref<120x128xf32, #tpu.memory_space<vmem_shared>>
      %dma_wait3A_105 = arith.constant 0 : i32
      %dma_wait3A_106 = arith.constant 0 : i32
      %dma_wait3A_107 = tpu.memref_slice %arg7[%run_scoped3A, %dma_wait3A_105, %dma_wait3A_106] : memref<3x128x128xf32, #tpu.memory_space<vmem>> -> memref<1x120x128xf32, #tpu.memory_space<vmem>>
      %dma_wait3A_108 = tpu.memref_squeeze %dma_wait3A_107 : memref<1x120x128xf32, #tpu.memory_space<vmem>> -> memref<120x128xf32, #tpu.memory_space<vmem>>
      tpu.wait_dma2 semaphore(%run_scoped3A_86 : memref<!tpu.dma_semaphore, #tpu.memory_space<semaphore_mem>>) src(%dma_wait3A_108 : memref<120x128xf32, #tpu.memory_space<vmem>>) dst(%dma_wait3A_104 : memref<120x128xf32, #tpu.memory_space<vmem_shared>>)
      tpu.yield
    }) : () -> ()
    %gt3A_56 = arith.constant 0 : i32
    %gt3A_57 = arith.cmpi sgt, %min3A, %gt3A_56 : i32
    %convert_element_type3A_58 = arith.extui %gt3A_57 : i1 to i32
    %cond3A_59 = arith.constant 0 : i32
    %cond3A_60 = arith.cmpi ne, %convert_element_type3A_58, %cond3A_59 : i32
    scf.if %cond3A_60 {
      %mul3A_86 = arith.constant 88 : i32
      %mul3A_87 = arith.muli %add3A, %mul3A_86 : i32
      %add3A_88 = arith.constant 0 : i32
      %add3A_89 = arith.addi %mul3A_87, %add3A_88 : i32
      %dma_wait3A = arith.constant 0 : i32
      %dma_wait3A_90 = arith.constant 0 : i32
      %dma_wait3A_91 = tpu.memref_slice %arg6[%dma_wait3A, %dma_wait3A_90] : memref<8x128xi32, #tpu.memory_space<vmem>> -> memref<2x128xi32, #tpu.memory_space<vmem>>
      %dma_wait3A_92 = arith.constant 0 : i32
      %dma_wait3A_93 = arith.constant 0 : i32
      %dma_wait3A_94 = tpu.memref_slice %arg3[%add3A_89, %dma_wait3A_92, %dma_wait3A_93] : memref<2816x2x128xi32, #tpu.memory_space<hbm>> -> memref<1x2x128xi32, #tpu.memory_space<hbm>>
      %dma_wait3A_95 = tpu.memref_squeeze %dma_wait3A_94 : memref<1x2x128xi32, #tpu.memory_space<hbm>> -> memref<2x128xi32, #tpu.memory_space<hbm>>
      %dma_wait3A_96 = arith.constant 0 : i32
      %dma_wait3A_97 = arith.constant 0 : i32
      %dma_wait3A_98 = tpu.memref_slice %arg6[%dma_wait3A_96, %dma_wait3A_97] : memref<8x128xi32, #tpu.memory_space<vmem>> -> memref<2x128xi32, #tpu.memory_space<vmem>>
      %dma_wait3A_99 = arith.constant 0 : i32
      %dma_wait3A_100 = arith.constant 0 : i32
      %dma_wait3A_101 = tpu.memref_slice %arg3[%add3A_89, %dma_wait3A_99, %dma_wait3A_100] : memref<2816x2x128xi32, #tpu.memory_space<hbm>> -> memref<1x2x128xi32, #tpu.memory_space<hbm>>
      %dma_wait3A_102 = tpu.memref_squeeze %dma_wait3A_101 : memref<1x2x128xi32, #tpu.memory_space<hbm>> -> memref<2x128xi32, #tpu.memory_space<hbm>>
      tpu.wait_dma2 semaphore(%arg8 : memref<!tpu.dma_semaphore, #tpu.memory_space<semaphore_mem>>) src(%dma_wait3A_102 : memref<2x128xi32, #tpu.memory_space<hbm>>) dst(%dma_wait3A_98 : memref<2x128xi32, #tpu.memory_space<vmem>>)
      %dma_start3A = arith.constant 0 : i32
      %dma_start3A_103 = arith.constant 0 : i32
      %dma_start3A_104 = arith.constant 0 : i32
      %dma_start3A_105 = arith.constant 0 : i32
      %dma_start3A_106 = tpu.memref_slice %arg7[%dma_start3A_103, %dma_start3A_104, %dma_start3A_105] : memref<3x128x128xf32, #tpu.memory_space<vmem>> -> memref<1x128x128xf32, #tpu.memory_space<vmem>>
      %dma_start3A_107 = tpu.memref_squeeze %dma_start3A_106 : memref<1x128x128xf32, #tpu.memory_space<vmem>> -> memref<128x128xf32, #tpu.memory_space<vmem>>
      %dma_start3A_108 = arith.constant 0 : i32
      %dma_start3A_109 = tpu.memref_slice %arg6[%dma_start3A, %dma_start3A_108] : memref<8x128xi32, #tpu.memory_space<vmem>> -> memref<1x128xi32, #tpu.memory_space<vmem>>
      %dma_start3A_110 = tpu.memref_squeeze %dma_start3A_109 : memref<1x128xi32, #tpu.memory_space<vmem>> -> memref<128xi32, #tpu.memory_space<vmem>>
      %dma_start3A_111 = arith.constant 0 : i32
      %dma_start3A_112 = arith.constant 0 : i32
      %dma_start3A_113 = tpu.memref_slice %arg2[%dma_start3A_111, %dma_start3A_112] : memref<10000x128xf32, #tpu.memory_space<hbm>> -> memref<10000x128xf32, #tpu.memory_space<hbm>>
      tpu.enqueue_indirect_dma source(%dma_start3A_113 : memref<10000x128xf32, #tpu.memory_space<hbm>>) target(%dma_start3A_107 : memref<128x128xf32, #tpu.memory_space<vmem>>) offsets(%dma_start3A_110 : memref<128xi32, #tpu.memory_space<vmem>>) semaphore(%arg9 : memref<!tpu.dma_semaphore, #tpu.memory_space<semaphore_mem>>)
    } else {
    }
    %gt3A_61 = arith.constant 1 : i32
    %gt3A_62 = arith.cmpi sgt, %min3A, %gt3A_61 : i32
    %convert_element_type3A_63 = arith.extui %gt3A_62 : i1 to i32
    %cond3A_64 = arith.constant 0 : i32
    %cond3A_65 = arith.cmpi ne, %convert_element_type3A_63, %cond3A_64 : i32
    scf.if %cond3A_65 {
      %mul3A_86 = arith.constant 88 : i32
      %mul3A_87 = arith.muli %add3A, %mul3A_86 : i32
      %add3A_88 = arith.constant 1 : i32
      %add3A_89 = arith.addi %mul3A_87, %add3A_88 : i32
      %dma_wait3A = arith.constant 2 : i32
      %dma_wait3A_90 = arith.constant 0 : i32
      %dma_wait3A_91 = tpu.memref_slice %arg6[%dma_wait3A, %dma_wait3A_90] : memref<8x128xi32, #tpu.memory_space<vmem>> -> memref<2x128xi32, #tpu.memory_space<vmem>>
      %dma_wait3A_92 = arith.constant 0 : i32
      %dma_wait3A_93 = arith.constant 0 : i32
      %dma_wait3A_94 = tpu.memref_slice %arg3[%add3A_89, %dma_wait3A_92, %dma_wait3A_93] : memref<2816x2x128xi32, #tpu.memory_space<hbm>> -> memref<1x2x128xi32, #tpu.memory_space<hbm>>
      %dma_wait3A_95 = tpu.memref_squeeze %dma_wait3A_94 : memref<1x2x128xi32, #tpu.memory_space<hbm>> -> memref<2x128xi32, #tpu.memory_space<hbm>>
      %dma_wait3A_96 = arith.constant 2 : i32
      %dma_wait3A_97 = arith.constant 0 : i32
      %dma_wait3A_98 = tpu.memref_slice %arg6[%dma_wait3A_96, %dma_wait3A_97] : memref<8x128xi32, #tpu.memory_space<vmem>> -> memref<2x128xi32, #tpu.memory_space<vmem>>
      %dma_wait3A_99 = arith.constant 0 : i32
      %dma_wait3A_100 = arith.constant 0 : i32
      %dma_wait3A_101 = tpu.memref_slice %arg3[%add3A_89, %dma_wait3A_99, %dma_wait3A_100] : memref<2816x2x128xi32, #tpu.memory_space<hbm>> -> memref<1x2x128xi32, #tpu.memory_space<hbm>>
      %dma_wait3A_102 = tpu.memref_squeeze %dma_wait3A_101 : memref<1x2x128xi32, #tpu.memory_space<hbm>> -> memref<2x128xi32, #tpu.memory_space<hbm>>
      tpu.wait_dma2 semaphore(%arg8 : memref<!tpu.dma_semaphore, #tpu.memory_space<semaphore_mem>>) src(%dma_wait3A_102 : memref<2x128xi32, #tpu.memory_space<hbm>>) dst(%dma_wait3A_98 : memref<2x128xi32, #tpu.memory_space<vmem>>)
      %dma_start3A = arith.constant 2 : i32
      %dma_start3A_103 = arith.constant 1 : i32
      %dma_start3A_104 = arith.constant 0 : i32
      %dma_start3A_105 = arith.constant 0 : i32
      %dma_start3A_106 = tpu.memref_slice %arg7[%dma_start3A_103, %dma_start3A_104, %dma_start3A_105] : memref<3x128x128xf32, #tpu.memory_space<vmem>> -> memref<1x128x128xf32, #tpu.memory_space<vmem>>
      %dma_start3A_107 = tpu.memref_squeeze %dma_start3A_106 : memref<1x128x128xf32, #tpu.memory_space<vmem>> -> memref<128x128xf32, #tpu.memory_space<vmem>>
      %dma_start3A_108 = arith.constant 0 : i32
      %dma_start3A_109 = tpu.memref_slice %arg6[%dma_start3A, %dma_start3A_108] : memref<8x128xi32, #tpu.memory_space<vmem>> -> memref<1x128xi32, #tpu.memory_space<vmem>>
      %dma_start3A_110 = tpu.memref_squeeze %dma_start3A_109 : memref<1x128xi32, #tpu.memory_space<vmem>> -> memref<128xi32, #tpu.memory_space<vmem>>
      %dma_start3A_111 = arith.constant 0 : i32
      %dma_start3A_112 = arith.constant 0 : i32
      %dma_start3A_113 = tpu.memref_slice %arg2[%dma_start3A_111, %dma_start3A_112] : memref<10000x128xf32, #tpu.memory_space<hbm>> -> memref<10000x128xf32, #tpu.memory_space<hbm>>
      tpu.enqueue_indirect_dma source(%dma_start3A_113 : memref<10000x128xf32, #tpu.memory_space<hbm>>) target(%dma_start3A_107 : memref<128x128xf32, #tpu.memory_space<vmem>>) offsets(%dma_start3A_110 : memref<128xi32, #tpu.memory_space<vmem>>) semaphore(%arg9 : memref<!tpu.dma_semaphore, #tpu.memory_space<semaphore_mem>>)
    } else {
    }
    %barrier3A = arith.constant 0 : index
    tpu.barrier barrier_id(%barrier3A)
    %while3A = arith.constant 0 : i32
    %while3A_66 = arith.constant 0 : i32
    %while3A_67 = arith.subi %min3A, %while3A : i32
    %while3A_68 = arith.addi %while3A, %while3A_67 : i32
    %while3A_69 = arith.constant 1 : i32
    %while3A_70 = arith.divsi %while3A_67, %while3A_69 : i32
    %while3A_71 = arith.muli %while3A_70, %while3A_69 : i32
    %while3A_72 = arith.addi %while3A, %while3A_71 : i32
    %while3A_73 = arith.constant 1 : i32
    %while3A_74 = scf.for %while3A_86 = %while3A to %while3A_72 step %while3A_73 iter_args(%while3A_87 = %while3A_66) -> (i32)  : i32 {
      %jit3A_88 = arith.constant 4 : i32
      %eq3A = arith.constant 0 : i32
      %eq3A_89 = arith.cmpi eq, %jit3A_88, %eq3A : i32
      %jit3A_90 = arith.constant 1 : i32
      %select_n3A_91 = arith.select %eq3A_89, %jit3A_90, %jit3A_88 : i32
      %rem3A_92 = arith.remsi %while3A_86, %select_n3A_91 : i32
      %ne3A_93 = arith.constant 0 : i32
      %ne3A_94 = arith.cmpi ne, %rem3A_92, %ne3A_93 : i32
      %lt3A = arith.constant 0 : i32
      %lt3A_95 = arith.cmpi slt, %rem3A_92, %lt3A : i32
      %lt3A_96 = arith.constant 0 : i32
      %lt3A_97 = arith.cmpi slt, %select_n3A_91, %lt3A_96 : i32
      %ne3A_98 = arith.xori %lt3A_95, %lt3A_97 : i1
      %and3A_99 = arith.andi %ne3A_98, %ne3A_94 : i1
      %add3A_100 = arith.addi %rem3A_92, %select_n3A_91 : i32
      %select_n3A_101 = arith.select %and3A_99, %add3A_100, %rem3A_92 : i32
      %mul3A_102 = arith.constant 2 : i32
      %mul3A_103 = arith.muli %select_n3A_101, %mul3A_102 : i32
      %jit3A_104 = arith.constant 3 : i32
      %eq3A_105 = arith.constant 0 : i32
      %eq3A_106 = arith.cmpi eq, %jit3A_104, %eq3A_105 : i32
      %jit3A_107 = arith.constant 1 : i32
      %select_n3A_108 = arith.select %eq3A_106, %jit3A_107, %jit3A_104 : i32
      %rem3A_109 = arith.remsi %while3A_86, %select_n3A_108 : i32
      %ne3A_110 = arith.constant 0 : i32
      %ne3A_111 = arith.cmpi ne, %rem3A_109, %ne3A_110 : i32
      %lt3A_112 = arith.constant 0 : i32
      %lt3A_113 = arith.cmpi slt, %rem3A_109, %lt3A_112 : i32
      %lt3A_114 = arith.constant 0 : i32
      %lt3A_115 = arith.cmpi slt, %select_n3A_108, %lt3A_114 : i32
      %ne3A_116 = arith.xori %lt3A_113, %lt3A_115 : i1
      %and3A_117 = arith.andi %ne3A_116, %ne3A_111 : i1
      %add3A_118 = arith.addi %rem3A_109, %select_n3A_108 : i32
      %select_n3A_119 = arith.select %and3A_117, %add3A_118, %rem3A_109 : i32
      %dma_wait3A = arith.constant 0 : i32
      %dma_wait3A_120 = arith.constant 0 : i32
      %dma_wait3A_121 = tpu.memref_slice %arg7[%select_n3A_119, %dma_wait3A, %dma_wait3A_120] : memref<3x128x128xf32, #tpu.memory_space<vmem>> -> memref<1x128x128xf32, #tpu.memory_space<vmem>>
      %dma_wait3A_122 = tpu.memref_squeeze %dma_wait3A_121 : memref<1x128x128xf32, #tpu.memory_space<vmem>> -> memref<128x128xf32, #tpu.memory_space<vmem>>
      %dma_wait3A_123 = arith.constant 0 : i32
      %dma_wait3A_124 = tpu.memref_slice %arg6[%mul3A_103, %dma_wait3A_123] : memref<8x128xi32, #tpu.memory_space<vmem>> -> memref<1x128xi32, #tpu.memory_space<vmem>>
      %dma_wait3A_125 = tpu.memref_squeeze %dma_wait3A_124 : memref<1x128xi32, #tpu.memory_space<vmem>> -> memref<128xi32, #tpu.memory_space<vmem>>
      %dma_wait3A_126 = arith.constant 0 : i32
      %dma_wait3A_127 = arith.constant 0 : i32
      %dma_wait3A_128 = tpu.memref_slice %arg2[%dma_wait3A_126, %dma_wait3A_127] : memref<10000x128xf32, #tpu.memory_space<hbm>> -> memref<10000x128xf32, #tpu.memory_space<hbm>>
      tpu.wait_indirect_dma semaphore(%arg9 : memref<!tpu.dma_semaphore, #tpu.memory_space<semaphore_mem>>) src(%dma_wait3A_128 : memref<10000x128xf32, #tpu.memory_space<hbm>>) dst(%dma_wait3A_122 : memref<128x128xf32, #tpu.memory_space<vmem>>)
      %jit3A_129 = arith.constant 3 : i32
      %eq3A_130 = arith.constant 0 : i32
      %eq3A_131 = arith.cmpi eq, %jit3A_129, %eq3A_130 : i32
      %jit3A_132 = arith.constant 1 : i32
      %select_n3A_133 = arith.select %eq3A_131, %jit3A_132, %jit3A_129 : i32
      %rem3A_134 = arith.remsi %while3A_86, %select_n3A_133 : i32
      %ne3A_135 = arith.constant 0 : i32
      %ne3A_136 = arith.cmpi ne, %rem3A_134, %ne3A_135 : i32
      %lt3A_137 = arith.constant 0 : i32
      %lt3A_138 = arith.cmpi slt, %rem3A_134, %lt3A_137 : i32
      %lt3A_139 = arith.constant 0 : i32
      %lt3A_140 = arith.cmpi slt, %select_n3A_133, %lt3A_139 : i32
      %ne3A_141 = arith.xori %lt3A_138, %lt3A_140 : i1
      %and3A_142 = arith.andi %ne3A_141, %ne3A_136 : i1
      %add3A_143 = arith.addi %rem3A_134, %select_n3A_133 : i32
      %select_n3A_144 = arith.select %and3A_142, %add3A_143, %rem3A_134 : i32
      %jit3A_145 = arith.constant 4 : i32
      %eq3A_146 = arith.constant 0 : i32
      %eq3A_147 = arith.cmpi eq, %jit3A_145, %eq3A_146 : i32
      %jit3A_148 = arith.constant 1 : i32
      %select_n3A_149 = arith.select %eq3A_147, %jit3A_148, %jit3A_145 : i32
      %rem3A_150 = arith.remsi %while3A_86, %select_n3A_149 : i32
      %ne3A_151 = arith.constant 0 : i32
      %ne3A_152 = arith.cmpi ne, %rem3A_150, %ne3A_151 : i32
      %lt3A_153 = arith.constant 0 : i32
      %lt3A_154 = arith.cmpi slt, %rem3A_150, %lt3A_153 : i32
      %lt3A_155 = arith.constant 0 : i32
      %lt3A_156 = arith.cmpi slt, %select_n3A_149, %lt3A_155 : i32
      %ne3A_157 = arith.xori %lt3A_154, %lt3A_156 : i1
      %and3A_158 = arith.andi %ne3A_157, %ne3A_152 : i1
      %add3A_159 = arith.addi %rem3A_150, %select_n3A_149 : i32
      %select_n3A_160 = arith.select %and3A_158, %add3A_159, %rem3A_150 : i32
      %mul3A_161 = arith.constant 2 : i32
      %mul3A_162 = arith.muli %select_n3A_160, %mul3A_161 : i32
      %add3A_163 = arith.constant 1 : i32
      %add3A_164 = arith.addi %mul3A_162, %add3A_163 : i32
      %dma_start3A = arith.constant 0 : i32
      %dma_start3A_165 = arith.constant 0 : i32
      %dma_start3A_166 = tpu.memref_slice %arg7[%select_n3A_144, %dma_start3A, %dma_start3A_165] : memref<3x128x128xf32, #tpu.memory_space<vmem>> -> memref<1x128x128xf32, #tpu.memory_space<vmem>>
      %dma_start3A_167 = tpu.memref_squeeze %dma_start3A_166 : memref<1x128x128xf32, #tpu.memory_space<vmem>> -> memref<128x128xf32, #tpu.memory_space<vmem>>
      %dma_start3A_168 = arith.constant 0 : i32
      %dma_start3A_169 = tpu.memref_slice %arg6[%add3A_164, %dma_start3A_168] : memref<8x128xi32, #tpu.memory_space<vmem>> -> memref<1x128xi32, #tpu.memory_space<vmem>>
      %dma_start3A_170 = tpu.memref_squeeze %dma_start3A_169 : memref<1x128xi32, #tpu.memory_space<vmem>> -> memref<128xi32, #tpu.memory_space<vmem>>
      %dma_start3A_171 = arith.constant 0 : i32
      %dma_start3A_172 = arith.constant 0 : i32
      %dma_start3A_173 = tpu.memref_slice %arg5[%dma_start3A_171, %dma_start3A_172] : memref<10112x128xf32, #tpu.memory_space<vmem_shared>> -> memref<10112x128xf32, #tpu.memory_space<vmem_shared>>
      tpu.enqueue_indirect_dma source(%dma_start3A_167 : memref<128x128xf32, #tpu.memory_space<vmem>>) target(%dma_start3A_173 : memref<10112x128xf32, #tpu.memory_space<vmem_shared>>) offsets(%dma_start3A_170 : memref<128xi32, #tpu.memory_space<vmem>>) semaphore(%arg10 : memref<!tpu.dma_semaphore, #tpu.memory_space<semaphore_mem>>) {add = true}
      %ge3A_174 = arith.constant 1 : i32
      %ge3A_175 = arith.cmpi sge, %while3A_86, %ge3A_174 : i32
      %convert_element_type3A_176 = arith.extui %ge3A_175 : i1 to i32
      %cond3A_177 = arith.constant 0 : i32
      %cond3A_178 = arith.cmpi ne, %convert_element_type3A_176, %cond3A_177 : i32
      scf.if %cond3A_178 {
        %sub3A_192 = arith.constant 1 : i32
        %sub3A_193 = arith.subi %while3A_86, %sub3A_192 : i32
        %jit3A_194 = arith.constant 3 : i32
        %eq3A_195 = arith.constant 0 : i32
        %eq3A_196 = arith.cmpi eq, %jit3A_194, %eq3A_195 : i32
        %jit3A_197 = arith.constant 1 : i32
        %select_n3A_198 = arith.select %eq3A_196, %jit3A_197, %jit3A_194 : i32
        %rem3A_199 = arith.remsi %sub3A_193, %select_n3A_198 : i32
        %ne3A_200 = arith.constant 0 : i32
        %ne3A_201 = arith.cmpi ne, %rem3A_199, %ne3A_200 : i32
        %lt3A_202 = arith.constant 0 : i32
        %lt3A_203 = arith.cmpi slt, %rem3A_199, %lt3A_202 : i32
        %lt3A_204 = arith.constant 0 : i32
        %lt3A_205 = arith.cmpi slt, %select_n3A_198, %lt3A_204 : i32
        %ne3A_206 = arith.xori %lt3A_203, %lt3A_205 : i1
        %and3A_207 = arith.andi %ne3A_206, %ne3A_201 : i1
        %add3A_208 = arith.addi %rem3A_199, %select_n3A_198 : i32
        %select_n3A_209 = arith.select %and3A_207, %add3A_208, %rem3A_199 : i32
        %jit3A_210 = arith.constant 4 : i32
        %eq3A_211 = arith.constant 0 : i32
        %eq3A_212 = arith.cmpi eq, %jit3A_210, %eq3A_211 : i32
        %jit3A_213 = arith.constant 1 : i32
        %select_n3A_214 = arith.select %eq3A_212, %jit3A_213, %jit3A_210 : i32
        %rem3A_215 = arith.remsi %sub3A_193, %select_n3A_214 : i32
        %ne3A_216 = arith.constant 0 : i32
        %ne3A_217 = arith.cmpi ne, %rem3A_215, %ne3A_216 : i32
        %lt3A_218 = arith.constant 0 : i32
        %lt3A_219 = arith.cmpi slt, %rem3A_215, %lt3A_218 : i32
        %lt3A_220 = arith.constant 0 : i32
        %lt3A_221 = arith.cmpi slt, %select_n3A_214, %lt3A_220 : i32
        %ne3A_222 = arith.xori %lt3A_219, %lt3A_221 : i1
        %and3A_223 = arith.andi %ne3A_222, %ne3A_217 : i1
        %add3A_224 = arith.addi %rem3A_215, %select_n3A_214 : i32
        %select_n3A_225 = arith.select %and3A_223, %add3A_224, %rem3A_215 : i32
        %mul3A_226 = arith.constant 2 : i32
        %mul3A_227 = arith.muli %select_n3A_225, %mul3A_226 : i32
        %add3A_228 = arith.constant 1 : i32
        %add3A_229 = arith.addi %mul3A_227, %add3A_228 : i32
        %dma_wait3A_230 = arith.constant 0 : i32
        %dma_wait3A_231 = arith.constant 0 : i32
        %dma_wait3A_232 = tpu.memref_slice %arg7[%select_n3A_209, %dma_wait3A_230, %dma_wait3A_231] : memref<3x128x128xf32, #tpu.memory_space<vmem>> -> memref<1x128x128xf32, #tpu.memory_space<vmem>>
        %dma_wait3A_233 = tpu.memref_squeeze %dma_wait3A_232 : memref<1x128x128xf32, #tpu.memory_space<vmem>> -> memref<128x128xf32, #tpu.memory_space<vmem>>
        %dma_wait3A_234 = arith.constant 0 : i32
        %dma_wait3A_235 = tpu.memref_slice %arg6[%add3A_229, %dma_wait3A_234] : memref<8x128xi32, #tpu.memory_space<vmem>> -> memref<1x128xi32, #tpu.memory_space<vmem>>
        %dma_wait3A_236 = tpu.memref_squeeze %dma_wait3A_235 : memref<1x128xi32, #tpu.memory_space<vmem>> -> memref<128xi32, #tpu.memory_space<vmem>>
        %dma_wait3A_237 = arith.constant 0 : i32
        %dma_wait3A_238 = arith.constant 0 : i32
        %dma_wait3A_239 = tpu.memref_slice %arg5[%dma_wait3A_237, %dma_wait3A_238] : memref<10112x128xf32, #tpu.memory_space<vmem_shared>> -> memref<10112x128xf32, #tpu.memory_space<vmem_shared>>
        tpu.wait_indirect_dma semaphore(%arg10 : memref<!tpu.dma_semaphore, #tpu.memory_space<semaphore_mem>>) src(%dma_wait3A_233 : memref<128x128xf32, #tpu.memory_space<vmem>>) dst(%dma_wait3A_239 : memref<10112x128xf32, #tpu.memory_space<vmem_shared>>)
      } else {
      }
      %add3A_179 = arith.constant 2 : i32
      %add3A_180 = arith.addi %while3A_86, %add3A_179 : i32
      %lt3A_181 = arith.cmpi slt, %add3A_180, %min3A : i32
      %convert_element_type3A_182 = arith.extui %lt3A_181 : i1 to i32
      %cond3A_183 = arith.constant 0 : i32
      %cond3A_184 = arith.cmpi ne, %convert_element_type3A_182, %cond3A_183 : i32
      scf.if %cond3A_184 {
        %add3A_192 = arith.constant 2 : i32
        %add3A_193 = arith.addi %while3A_86, %add3A_192 : i32
        %mul3A_194 = arith.constant 88 : i32
        %mul3A_195 = arith.muli %add3A, %mul3A_194 : i32
        %add3A_196 = arith.addi %mul3A_195, %add3A_193 : i32
        %jit3A_197 = arith.constant 4 : i32
        %eq3A_198 = arith.constant 0 : i32
        %eq3A_199 = arith.cmpi eq, %jit3A_197, %eq3A_198 : i32
        %jit3A_200 = arith.constant 1 : i32
        %select_n3A_201 = arith.select %eq3A_199, %jit3A_200, %jit3A_197 : i32
        %rem3A_202 = arith.remsi %add3A_193, %select_n3A_201 : i32
        %ne3A_203 = arith.constant 0 : i32
        %ne3A_204 = arith.cmpi ne, %rem3A_202, %ne3A_203 : i32
        %lt3A_205 = arith.constant 0 : i32
        %lt3A_206 = arith.cmpi slt, %rem3A_202, %lt3A_205 : i32
        %lt3A_207 = arith.constant 0 : i32
        %lt3A_208 = arith.cmpi slt, %select_n3A_201, %lt3A_207 : i32
        %ne3A_209 = arith.xori %lt3A_206, %lt3A_208 : i1
        %and3A_210 = arith.andi %ne3A_209, %ne3A_204 : i1
        %add3A_211 = arith.addi %rem3A_202, %select_n3A_201 : i32
        %select_n3A_212 = arith.select %and3A_210, %add3A_211, %rem3A_202 : i32
        %mul3A_213 = arith.constant 2 : i32
        %mul3A_214 = arith.muli %select_n3A_212, %mul3A_213 : i32
        %dma_wait3A_215 = arith.constant 0 : i32
        %dma_wait3A_216 = tpu.memref_slice %arg6[%mul3A_214, %dma_wait3A_215] : memref<8x128xi32, #tpu.memory_space<vmem>> -> memref<2x128xi32, #tpu.memory_space<vmem>>
        %dma_wait3A_217 = arith.constant 0 : i32
        %dma_wait3A_218 = arith.constant 0 : i32
        %dma_wait3A_219 = tpu.memref_slice %arg3[%add3A_196, %dma_wait3A_217, %dma_wait3A_218] : memref<2816x2x128xi32, #tpu.memory_space<hbm>> -> memref<1x2x128xi32, #tpu.memory_space<hbm>>
        %dma_wait3A_220 = tpu.memref_squeeze %dma_wait3A_219 : memref<1x2x128xi32, #tpu.memory_space<hbm>> -> memref<2x128xi32, #tpu.memory_space<hbm>>
        %dma_wait3A_221 = arith.constant 0 : i32
        %dma_wait3A_222 = tpu.memref_slice %arg6[%mul3A_214, %dma_wait3A_221] : memref<8x128xi32, #tpu.memory_space<vmem>> -> memref<2x128xi32, #tpu.memory_space<vmem>>
        %dma_wait3A_223 = arith.constant 0 : i32
        %dma_wait3A_224 = arith.constant 0 : i32
        %dma_wait3A_225 = tpu.memref_slice %arg3[%add3A_196, %dma_wait3A_223, %dma_wait3A_224] : memref<2816x2x128xi32, #tpu.memory_space<hbm>> -> memref<1x2x128xi32, #tpu.memory_space<hbm>>
        %dma_wait3A_226 = tpu.memref_squeeze %dma_wait3A_225 : memref<1x2x128xi32, #tpu.memory_space<hbm>> -> memref<2x128xi32, #tpu.memory_space<hbm>>
        tpu.wait_dma2 semaphore(%arg8 : memref<!tpu.dma_semaphore, #tpu.memory_space<semaphore_mem>>) src(%dma_wait3A_226 : memref<2x128xi32, #tpu.memory_space<hbm>>) dst(%dma_wait3A_222 : memref<2x128xi32, #tpu.memory_space<vmem>>)
        %add3A_227 = arith.constant 2 : i32
        %add3A_228 = arith.addi %while3A_86, %add3A_227 : i32
        %jit3A_229 = arith.constant 4 : i32
        %eq3A_230 = arith.constant 0 : i32
        %eq3A_231 = arith.cmpi eq, %jit3A_229, %eq3A_230 : i32
        %jit3A_232 = arith.constant 1 : i32
        %select_n3A_233 = arith.select %eq3A_231, %jit3A_232, %jit3A_229 : i32
        %rem3A_234 = arith.remsi %add3A_228, %select_n3A_233 : i32
        %ne3A_235 = arith.constant 0 : i32
        %ne3A_236 = arith.cmpi ne, %rem3A_234, %ne3A_235 : i32
        %lt3A_237 = arith.constant 0 : i32
        %lt3A_238 = arith.cmpi slt, %rem3A_234, %lt3A_237 : i32
        %lt3A_239 = arith.constant 0 : i32
        %lt3A_240 = arith.cmpi slt, %select_n3A_233, %lt3A_239 : i32
        %ne3A_241 = arith.xori %lt3A_238, %lt3A_240 : i1
        %and3A_242 = arith.andi %ne3A_241, %ne3A_236 : i1
        %add3A_243 = arith.addi %rem3A_234, %select_n3A_233 : i32
        %select_n3A_244 = arith.select %and3A_242, %add3A_243, %rem3A_234 : i32
        %mul3A_245 = arith.constant 2 : i32
        %mul3A_246 = arith.muli %select_n3A_244, %mul3A_245 : i32
        %jit3A_247 = arith.constant 3 : i32
        %eq3A_248 = arith.constant 0 : i32
        %eq3A_249 = arith.cmpi eq, %jit3A_247, %eq3A_248 : i32
        %jit3A_250 = arith.constant 1 : i32
        %select_n3A_251 = arith.select %eq3A_249, %jit3A_250, %jit3A_247 : i32
        %rem3A_252 = arith.remsi %add3A_228, %select_n3A_251 : i32
        %ne3A_253 = arith.constant 0 : i32
        %ne3A_254 = arith.cmpi ne, %rem3A_252, %ne3A_253 : i32
        %lt3A_255 = arith.constant 0 : i32
        %lt3A_256 = arith.cmpi slt, %rem3A_252, %lt3A_255 : i32
        %lt3A_257 = arith.constant 0 : i32
        %lt3A_258 = arith.cmpi slt, %select_n3A_251, %lt3A_257 : i32
        %ne3A_259 = arith.xori %lt3A_256, %lt3A_258 : i1
        %and3A_260 = arith.andi %ne3A_259, %ne3A_254 : i1
        %add3A_261 = arith.addi %rem3A_252, %select_n3A_251 : i32
        %select_n3A_262 = arith.select %and3A_260, %add3A_261, %rem3A_252 : i32
        %dma_start3A_263 = arith.constant 0 : i32
        %dma_start3A_264 = arith.constant 0 : i32
        %dma_start3A_265 = tpu.memref_slice %arg7[%select_n3A_262, %dma_start3A_263, %dma_start3A_264] : memref<3x128x128xf32, #tpu.memory_space<vmem>> -> memref<1x128x128xf32, #tpu.memory_space<vmem>>
        %dma_start3A_266 = tpu.memref_squeeze %dma_start3A_265 : memref<1x128x128xf32, #tpu.memory_space<vmem>> -> memref<128x128xf32, #tpu.memory_space<vmem>>
        %dma_start3A_267 = arith.constant 0 : i32
        %dma_start3A_268 = tpu.memref_slice %arg6[%mul3A_246, %dma_start3A_267] : memref<8x128xi32, #tpu.memory_space<vmem>> -> memref<1x128xi32, #tpu.memory_space<vmem>>
        %dma_start3A_269 = tpu.memref_squeeze %dma_start3A_268 : memref<1x128xi32, #tpu.memory_space<vmem>> -> memref<128xi32, #tpu.memory_space<vmem>>
        %dma_start3A_270 = arith.constant 0 : i32
        %dma_start3A_271 = arith.constant 0 : i32
        %dma_start3A_272 = tpu.memref_slice %arg2[%dma_start3A_270, %dma_start3A_271] : memref<10000x128xf32, #tpu.memory_space<hbm>> -> memref<10000x128xf32, #tpu.memory_space<hbm>>
        tpu.enqueue_indirect_dma source(%dma_start3A_272 : memref<10000x128xf32, #tpu.memory_space<hbm>>) target(%dma_start3A_266 : memref<128x128xf32, #tpu.memory_space<vmem>>) offsets(%dma_start3A_269 : memref<128xi32, #tpu.memory_space<vmem>>) semaphore(%arg9 : memref<!tpu.dma_semaphore, #tpu.memory_space<semaphore_mem>>)
      } else {
      }
      %add3A_185 = arith.constant 3 : i32
      %add3A_186 = arith.addi %while3A_86, %add3A_185 : i32
      %lt3A_187 = arith.cmpi slt, %add3A_186, %min3A : i32
      %convert_element_type3A_188 = arith.extui %lt3A_187 : i1 to i32
      %cond3A_189 = arith.constant 0 : i32
      %cond3A_190 = arith.cmpi ne, %convert_element_type3A_188, %cond3A_189 : i32
      scf.if %cond3A_190 {
        %add3A_192 = arith.constant 3 : i32
        %add3A_193 = arith.addi %while3A_86, %add3A_192 : i32
        %mul3A_194 = arith.constant 88 : i32
        %mul3A_195 = arith.muli %add3A, %mul3A_194 : i32
        %add3A_196 = arith.addi %mul3A_195, %add3A_193 : i32
        %jit3A_197 = arith.constant 4 : i32
        %eq3A_198 = arith.constant 0 : i32
        %eq3A_199 = arith.cmpi eq, %jit3A_197, %eq3A_198 : i32
        %jit3A_200 = arith.constant 1 : i32
        %select_n3A_201 = arith.select %eq3A_199, %jit3A_200, %jit3A_197 : i32
        %rem3A_202 = arith.remsi %add3A_193, %select_n3A_201 : i32
        %ne3A_203 = arith.constant 0 : i32
        %ne3A_204 = arith.cmpi ne, %rem3A_202, %ne3A_203 : i32
        %lt3A_205 = arith.constant 0 : i32
        %lt3A_206 = arith.cmpi slt, %rem3A_202, %lt3A_205 : i32
        %lt3A_207 = arith.constant 0 : i32
        %lt3A_208 = arith.cmpi slt, %select_n3A_201, %lt3A_207 : i32
        %ne3A_209 = arith.xori %lt3A_206, %lt3A_208 : i1
        %and3A_210 = arith.andi %ne3A_209, %ne3A_204 : i1
        %add3A_211 = arith.addi %rem3A_202, %select_n3A_201 : i32
        %select_n3A_212 = arith.select %and3A_210, %add3A_211, %rem3A_202 : i32
        %mul3A_213 = arith.constant 2 : i32
        %mul3A_214 = arith.muli %select_n3A_212, %mul3A_213 : i32
        %dma_start3A_215 = arith.constant 0 : i32
        %dma_start3A_216 = tpu.memref_slice %arg6[%mul3A_214, %dma_start3A_215] : memref<8x128xi32, #tpu.memory_space<vmem>> -> memref<2x128xi32, #tpu.memory_space<vmem>>
        %dma_start3A_217 = arith.constant 0 : i32
        %dma_start3A_218 = arith.constant 0 : i32
        %dma_start3A_219 = tpu.memref_slice %arg3[%add3A_196, %dma_start3A_217, %dma_start3A_218] : memref<2816x2x128xi32, #tpu.memory_space<hbm>> -> memref<1x2x128xi32, #tpu.memory_space<hbm>>
        %dma_start3A_220 = tpu.memref_squeeze %dma_start3A_219 : memref<1x2x128xi32, #tpu.memory_space<hbm>> -> memref<2x128xi32, #tpu.memory_space<hbm>>
        %dma_start3A_221 = arith.constant 0 : i32
        %dma_start3A_222 = tpu.memref_slice %arg6[%mul3A_214, %dma_start3A_221] : memref<8x128xi32, #tpu.memory_space<vmem>> -> memref<2x128xi32, #tpu.memory_space<vmem>>
        %dma_start3A_223 = arith.constant 0 : i32
        %dma_start3A_224 = arith.constant 0 : i32
        %dma_start3A_225 = tpu.memref_slice %arg3[%add3A_196, %dma_start3A_223, %dma_start3A_224] : memref<2816x2x128xi32, #tpu.memory_space<hbm>> -> memref<1x2x128xi32, #tpu.memory_space<hbm>>
        %dma_start3A_226 = tpu.memref_squeeze %dma_start3A_225 : memref<1x2x128xi32, #tpu.memory_space<hbm>> -> memref<2x128xi32, #tpu.memory_space<hbm>>
        tpu.enqueue_dma source(%dma_start3A_226 : memref<2x128xi32, #tpu.memory_space<hbm>>) target(%dma_start3A_222 : memref<2x128xi32, #tpu.memory_space<vmem>>) target_semaphore(%arg8 : memref<!tpu.dma_semaphore, #tpu.memory_space<semaphore_mem>>)
      } else {
      }
      %while3A_191 = arith.constant 0 : i32
      scf.yield %while3A_191 : i32
    }
    %while3A_75 = arith.constant 1 : i32
    %while3A_76 = scf.for %while3A_86 = %while3A_72 to %while3A_68 step %while3A_75 iter_args(%while3A_87 = %while3A_74) -> (i32)  : i32 {
      %jit3A_88 = arith.constant 4 : i32
      %eq3A = arith.constant 0 : i32
      %eq3A_89 = arith.cmpi eq, %jit3A_88, %eq3A : i32
      %jit3A_90 = arith.constant 1 : i32
      %select_n3A_91 = arith.select %eq3A_89, %jit3A_90, %jit3A_88 : i32
      %rem3A_92 = arith.remsi %while3A_86, %select_n3A_91 : i32
      %ne3A_93 = arith.constant 0 : i32
      %ne3A_94 = arith.cmpi ne, %rem3A_92, %ne3A_93 : i32
      %lt3A = arith.constant 0 : i32
      %lt3A_95 = arith.cmpi slt, %rem3A_92, %lt3A : i32
      %lt3A_96 = arith.constant 0 : i32
      %lt3A_97 = arith.cmpi slt, %select_n3A_91, %lt3A_96 : i32
      %ne3A_98 = arith.xori %lt3A_95, %lt3A_97 : i1
      %and3A_99 = arith.andi %ne3A_98, %ne3A_94 : i1
      %add3A_100 = arith.addi %rem3A_92, %select_n3A_91 : i32
      %select_n3A_101 = arith.select %and3A_99, %add3A_100, %rem3A_92 : i32
      %mul3A_102 = arith.constant 2 : i32
      %mul3A_103 = arith.muli %select_n3A_101, %mul3A_102 : i32
      %jit3A_104 = arith.constant 3 : i32
      %eq3A_105 = arith.constant 0 : i32
      %eq3A_106 = arith.cmpi eq, %jit3A_104, %eq3A_105 : i32
      %jit3A_107 = arith.constant 1 : i32
      %select_n3A_108 = arith.select %eq3A_106, %jit3A_107, %jit3A_104 : i32
      %rem3A_109 = arith.remsi %while3A_86, %select_n3A_108 : i32
      %ne3A_110 = arith.constant 0 : i32
      %ne3A_111 = arith.cmpi ne, %rem3A_109, %ne3A_110 : i32
      %lt3A_112 = arith.constant 0 : i32
      %lt3A_113 = arith.cmpi slt, %rem3A_109, %lt3A_112 : i32
      %lt3A_114 = arith.constant 0 : i32
      %lt3A_115 = arith.cmpi slt, %select_n3A_108, %lt3A_114 : i32
      %ne3A_116 = arith.xori %lt3A_113, %lt3A_115 : i1
      %and3A_117 = arith.andi %ne3A_116, %ne3A_111 : i1
      %add3A_118 = arith.addi %rem3A_109, %select_n3A_108 : i32
      %select_n3A_119 = arith.select %and3A_117, %add3A_118, %rem3A_109 : i32
      %dma_wait3A = arith.constant 0 : i32
      %dma_wait3A_120 = arith.constant 0 : i32
      %dma_wait3A_121 = tpu.memref_slice %arg7[%select_n3A_119, %dma_wait3A, %dma_wait3A_120] : memref<3x128x128xf32, #tpu.memory_space<vmem>> -> memref<1x128x128xf32, #tpu.memory_space<vmem>>
      %dma_wait3A_122 = tpu.memref_squeeze %dma_wait3A_121 : memref<1x128x128xf32, #tpu.memory_space<vmem>> -> memref<128x128xf32, #tpu.memory_space<vmem>>
      %dma_wait3A_123 = arith.constant 0 : i32
      %dma_wait3A_124 = tpu.memref_slice %arg6[%mul3A_103, %dma_wait3A_123] : memref<8x128xi32, #tpu.memory_space<vmem>> -> memref<1x128xi32, #tpu.memory_space<vmem>>
      %dma_wait3A_125 = tpu.memref_squeeze %dma_wait3A_124 : memref<1x128xi32, #tpu.memory_space<vmem>> -> memref<128xi32, #tpu.memory_space<vmem>>
      %dma_wait3A_126 = arith.constant 0 : i32
      %dma_wait3A_127 = arith.constant 0 : i32
      %dma_wait3A_128 = tpu.memref_slice %arg2[%dma_wait3A_126, %dma_wait3A_127] : memref<10000x128xf32, #tpu.memory_space<hbm>> -> memref<10000x128xf32, #tpu.memory_space<hbm>>
      tpu.wait_indirect_dma semaphore(%arg9 : memref<!tpu.dma_semaphore, #tpu.memory_space<semaphore_mem>>) src(%dma_wait3A_128 : memref<10000x128xf32, #tpu.memory_space<hbm>>) dst(%dma_wait3A_122 : memref<128x128xf32, #tpu.memory_space<vmem>>)
      %jit3A_129 = arith.constant 3 : i32
      %eq3A_130 = arith.constant 0 : i32
      %eq3A_131 = arith.cmpi eq, %jit3A_129, %eq3A_130 : i32
      %jit3A_132 = arith.constant 1 : i32
      %select_n3A_133 = arith.select %eq3A_131, %jit3A_132, %jit3A_129 : i32
      %rem3A_134 = arith.remsi %while3A_86, %select_n3A_133 : i32
      %ne3A_135 = arith.constant 0 : i32
      %ne3A_136 = arith.cmpi ne, %rem3A_134, %ne3A_135 : i32
      %lt3A_137 = arith.constant 0 : i32
      %lt3A_138 = arith.cmpi slt, %rem3A_134, %lt3A_137 : i32
      %lt3A_139 = arith.constant 0 : i32
      %lt3A_140 = arith.cmpi slt, %select_n3A_133, %lt3A_139 : i32
      %ne3A_141 = arith.xori %lt3A_138, %lt3A_140 : i1
      %and3A_142 = arith.andi %ne3A_141, %ne3A_136 : i1
      %add3A_143 = arith.addi %rem3A_134, %select_n3A_133 : i32
      %select_n3A_144 = arith.select %and3A_142, %add3A_143, %rem3A_134 : i32
      %jit3A_145 = arith.constant 4 : i32
      %eq3A_146 = arith.constant 0 : i32
      %eq3A_147 = arith.cmpi eq, %jit3A_145, %eq3A_146 : i32
      %jit3A_148 = arith.constant 1 : i32
      %select_n3A_149 = arith.select %eq3A_147, %jit3A_148, %jit3A_145 : i32
      %rem3A_150 = arith.remsi %while3A_86, %select_n3A_149 : i32
      %ne3A_151 = arith.constant 0 : i32
      %ne3A_152 = arith.cmpi ne, %rem3A_150, %ne3A_151 : i32
      %lt3A_153 = arith.constant 0 : i32
      %lt3A_154 = arith.cmpi slt, %rem3A_150, %lt3A_153 : i32
      %lt3A_155 = arith.constant 0 : i32
      %lt3A_156 = arith.cmpi slt, %select_n3A_149, %lt3A_155 : i32
      %ne3A_157 = arith.xori %lt3A_154, %lt3A_156 : i1
      %and3A_158 = arith.andi %ne3A_157, %ne3A_152 : i1
      %add3A_159 = arith.addi %rem3A_150, %select_n3A_149 : i32
      %select_n3A_160 = arith.select %and3A_158, %add3A_159, %rem3A_150 : i32
      %mul3A_161 = arith.constant 2 : i32
      %mul3A_162 = arith.muli %select_n3A_160, %mul3A_161 : i32
      %add3A_163 = arith.constant 1 : i32
      %add3A_164 = arith.addi %mul3A_162, %add3A_163 : i32
      %dma_start3A = arith.constant 0 : i32
      %dma_start3A_165 = arith.constant 0 : i32
      %dma_start3A_166 = tpu.memref_slice %arg7[%select_n3A_144, %dma_start3A, %dma_start3A_165] : memref<3x128x128xf32, #tpu.memory_space<vmem>> -> memref<1x128x128xf32, #tpu.memory_space<vmem>>
      %dma_start3A_167 = tpu.memref_squeeze %dma_start3A_166 : memref<1x128x128xf32, #tpu.memory_space<vmem>> -> memref<128x128xf32, #tpu.memory_space<vmem>>
      %dma_start3A_168 = arith.constant 0 : i32
      %dma_start3A_169 = tpu.memref_slice %arg6[%add3A_164, %dma_start3A_168] : memref<8x128xi32, #tpu.memory_space<vmem>> -> memref<1x128xi32, #tpu.memory_space<vmem>>
      %dma_start3A_170 = tpu.memref_squeeze %dma_start3A_169 : memref<1x128xi32, #tpu.memory_space<vmem>> -> memref<128xi32, #tpu.memory_space<vmem>>
      %dma_start3A_171 = arith.constant 0 : i32
      %dma_start3A_172 = arith.constant 0 : i32
      %dma_start3A_173 = tpu.memref_slice %arg5[%dma_start3A_171, %dma_start3A_172] : memref<10112x128xf32, #tpu.memory_space<vmem_shared>> -> memref<10112x128xf32, #tpu.memory_space<vmem_shared>>
      tpu.enqueue_indirect_dma source(%dma_start3A_167 : memref<128x128xf32, #tpu.memory_space<vmem>>) target(%dma_start3A_173 : memref<10112x128xf32, #tpu.memory_space<vmem_shared>>) offsets(%dma_start3A_170 : memref<128xi32, #tpu.memory_space<vmem>>) semaphore(%arg10 : memref<!tpu.dma_semaphore, #tpu.memory_space<semaphore_mem>>) {add = true}
      %ge3A_174 = arith.constant 1 : i32
      %ge3A_175 = arith.cmpi sge, %while3A_86, %ge3A_174 : i32
      %convert_element_type3A_176 = arith.extui %ge3A_175 : i1 to i32
      %cond3A_177 = arith.constant 0 : i32
      %cond3A_178 = arith.cmpi ne, %convert_element_type3A_176, %cond3A_177 : i32
      scf.if %cond3A_178 {
        %sub3A_192 = arith.constant 1 : i32
        %sub3A_193 = arith.subi %while3A_86, %sub3A_192 : i32
        %jit3A_194 = arith.constant 3 : i32
        %eq3A_195 = arith.constant 0 : i32
        %eq3A_196 = arith.cmpi eq, %jit3A_194, %eq3A_195 : i32
        %jit3A_197 = arith.constant 1 : i32
        %select_n3A_198 = arith.select %eq3A_196, %jit3A_197, %jit3A_194 : i32
        %rem3A_199 = arith.remsi %sub3A_193, %select_n3A_198 : i32
        %ne3A_200 = arith.constant 0 : i32
        %ne3A_201 = arith.cmpi ne, %rem3A_199, %ne3A_200 : i32
        %lt3A_202 = arith.constant 0 : i32
        %lt3A_203 = arith.cmpi slt, %rem3A_199, %lt3A_202 : i32
        %lt3A_204 = arith.constant 0 : i32
        %lt3A_205 = arith.cmpi slt, %select_n3A_198, %lt3A_204 : i32
        %ne3A_206 = arith.xori %lt3A_203, %lt3A_205 : i1
        %and3A_207 = arith.andi %ne3A_206, %ne3A_201 : i1
        %add3A_208 = arith.addi %rem3A_199, %select_n3A_198 : i32
        %select_n3A_209 = arith.select %and3A_207, %add3A_208, %rem3A_199 : i32
        %jit3A_210 = arith.constant 4 : i32
        %eq3A_211 = arith.constant 0 : i32
        %eq3A_212 = arith.cmpi eq, %jit3A_210, %eq3A_211 : i32
        %jit3A_213 = arith.constant 1 : i32
        %select_n3A_214 = arith.select %eq3A_212, %jit3A_213, %jit3A_210 : i32
        %rem3A_215 = arith.remsi %sub3A_193, %select_n3A_214 : i32
        %ne3A_216 = arith.constant 0 : i32
        %ne3A_217 = arith.cmpi ne, %rem3A_215, %ne3A_216 : i32
        %lt3A_218 = arith.constant 0 : i32
        %lt3A_219 = arith.cmpi slt, %rem3A_215, %lt3A_218 : i32
        %lt3A_220 = arith.constant 0 : i32
        %lt3A_221 = arith.cmpi slt, %select_n3A_214, %lt3A_220 : i32
        %ne3A_222 = arith.xori %lt3A_219, %lt3A_221 : i1
        %and3A_223 = arith.andi %ne3A_222, %ne3A_217 : i1
        %add3A_224 = arith.addi %rem3A_215, %select_n3A_214 : i32
        %select_n3A_225 = arith.select %and3A_223, %add3A_224, %rem3A_215 : i32
        %mul3A_226 = arith.constant 2 : i32
        %mul3A_227 = arith.muli %select_n3A_225, %mul3A_226 : i32
        %add3A_228 = arith.constant 1 : i32
        %add3A_229 = arith.addi %mul3A_227, %add3A_228 : i32
        %dma_wait3A_230 = arith.constant 0 : i32
        %dma_wait3A_231 = arith.constant 0 : i32
        %dma_wait3A_232 = tpu.memref_slice %arg7[%select_n3A_209, %dma_wait3A_230, %dma_wait3A_231] : memref<3x128x128xf32, #tpu.memory_space<vmem>> -> memref<1x128x128xf32, #tpu.memory_space<vmem>>
        %dma_wait3A_233 = tpu.memref_squeeze %dma_wait3A_232 : memref<1x128x128xf32, #tpu.memory_space<vmem>> -> memref<128x128xf32, #tpu.memory_space<vmem>>
        %dma_wait3A_234 = arith.constant 0 : i32
        %dma_wait3A_235 = tpu.memref_slice %arg6[%add3A_229, %dma_wait3A_234] : memref<8x128xi32, #tpu.memory_space<vmem>> -> memref<1x128xi32, #tpu.memory_space<vmem>>
        %dma_wait3A_236 = tpu.memref_squeeze %dma_wait3A_235 : memref<1x128xi32, #tpu.memory_space<vmem>> -> memref<128xi32, #tpu.memory_space<vmem>>
        %dma_wait3A_237 = arith.constant 0 : i32
        %dma_wait3A_238 = arith.constant 0 : i32
        %dma_wait3A_239 = tpu.memref_slice %arg5[%dma_wait3A_237, %dma_wait3A_238] : memref<10112x128xf32, #tpu.memory_space<vmem_shared>> -> memref<10112x128xf32, #tpu.memory_space<vmem_shared>>
        tpu.wait_indirect_dma semaphore(%arg10 : memref<!tpu.dma_semaphore, #tpu.memory_space<semaphore_mem>>) src(%dma_wait3A_233 : memref<128x128xf32, #tpu.memory_space<vmem>>) dst(%dma_wait3A_239 : memref<10112x128xf32, #tpu.memory_space<vmem_shared>>)
      } else {
      }
      %add3A_179 = arith.constant 2 : i32
      %add3A_180 = arith.addi %while3A_86, %add3A_179 : i32
      %lt3A_181 = arith.cmpi slt, %add3A_180, %min3A : i32
      %convert_element_type3A_182 = arith.extui %lt3A_181 : i1 to i32
      %cond3A_183 = arith.constant 0 : i32
      %cond3A_184 = arith.cmpi ne, %convert_element_type3A_182, %cond3A_183 : i32
      scf.if %cond3A_184 {
        %add3A_192 = arith.constant 2 : i32
        %add3A_193 = arith.addi %while3A_86, %add3A_192 : i32
        %mul3A_194 = arith.constant 88 : i32
        %mul3A_195 = arith.muli %add3A, %mul3A_194 : i32
        %add3A_196 = arith.addi %mul3A_195, %add3A_193 : i32
        %jit3A_197 = arith.constant 4 : i32
        %eq3A_198 = arith.constant 0 : i32
        %eq3A_199 = arith.cmpi eq, %jit3A_197, %eq3A_198 : i32
        %jit3A_200 = arith.constant 1 : i32
        %select_n3A_201 = arith.select %eq3A_199, %jit3A_200, %jit3A_197 : i32
        %rem3A_202 = arith.remsi %add3A_193, %select_n3A_201 : i32
        %ne3A_203 = arith.constant 0 : i32
        %ne3A_204 = arith.cmpi ne, %rem3A_202, %ne3A_203 : i32
        %lt3A_205 = arith.constant 0 : i32
        %lt3A_206 = arith.cmpi slt, %rem3A_202, %lt3A_205 : i32
        %lt3A_207 = arith.constant 0 : i32
        %lt3A_208 = arith.cmpi slt, %select_n3A_201, %lt3A_207 : i32
        %ne3A_209 = arith.xori %lt3A_206, %lt3A_208 : i1
        %and3A_210 = arith.andi %ne3A_209, %ne3A_204 : i1
        %add3A_211 = arith.addi %rem3A_202, %select_n3A_201 : i32
        %select_n3A_212 = arith.select %and3A_210, %add3A_211, %rem3A_202 : i32
        %mul3A_213 = arith.constant 2 : i32
        %mul3A_214 = arith.muli %select_n3A_212, %mul3A_213 : i32
        %dma_wait3A_215 = arith.constant 0 : i32
        %dma_wait3A_216 = tpu.memref_slice %arg6[%mul3A_214, %dma_wait3A_215] : memref<8x128xi32, #tpu.memory_space<vmem>> -> memref<2x128xi32, #tpu.memory_space<vmem>>
        %dma_wait3A_217 = arith.constant 0 : i32
        %dma_wait3A_218 = arith.constant 0 : i32
        %dma_wait3A_219 = tpu.memref_slice %arg3[%add3A_196, %dma_wait3A_217, %dma_wait3A_218] : memref<2816x2x128xi32, #tpu.memory_space<hbm>> -> memref<1x2x128xi32, #tpu.memory_space<hbm>>
        %dma_wait3A_220 = tpu.memref_squeeze %dma_wait3A_219 : memref<1x2x128xi32, #tpu.memory_space<hbm>> -> memref<2x128xi32, #tpu.memory_space<hbm>>
        %dma_wait3A_221 = arith.constant 0 : i32
        %dma_wait3A_222 = tpu.memref_slice %arg6[%mul3A_214, %dma_wait3A_221] : memref<8x128xi32, #tpu.memory_space<vmem>> -> memref<2x128xi32, #tpu.memory_space<vmem>>
        %dma_wait3A_223 = arith.constant 0 : i32
        %dma_wait3A_224 = arith.constant 0 : i32
        %dma_wait3A_225 = tpu.memref_slice %arg3[%add3A_196, %dma_wait3A_223, %dma_wait3A_224] : memref<2816x2x128xi32, #tpu.memory_space<hbm>> -> memref<1x2x128xi32, #tpu.memory_space<hbm>>
        %dma_wait3A_226 = tpu.memref_squeeze %dma_wait3A_225 : memref<1x2x128xi32, #tpu.memory_space<hbm>> -> memref<2x128xi32, #tpu.memory_space<hbm>>
        tpu.wait_dma2 semaphore(%arg8 : memref<!tpu.dma_semaphore, #tpu.memory_space<semaphore_mem>>) src(%dma_wait3A_226 : memref<2x128xi32, #tpu.memory_space<hbm>>) dst(%dma_wait3A_222 : memref<2x128xi32, #tpu.memory_space<vmem>>)
        %add3A_227 = arith.constant 2 : i32
        %add3A_228 = arith.addi %while3A_86, %add3A_227 : i32
        %jit3A_229 = arith.constant 4 : i32
        %eq3A_230 = arith.constant 0 : i32
        %eq3A_231 = arith.cmpi eq, %jit3A_229, %eq3A_230 : i32
        %jit3A_232 = arith.constant 1 : i32
        %select_n3A_233 = arith.select %eq3A_231, %jit3A_232, %jit3A_229 : i32
        %rem3A_234 = arith.remsi %add3A_228, %select_n3A_233 : i32
        %ne3A_235 = arith.constant 0 : i32
        %ne3A_236 = arith.cmpi ne, %rem3A_234, %ne3A_235 : i32
        %lt3A_237 = arith.constant 0 : i32
        %lt3A_238 = arith.cmpi slt, %rem3A_234, %lt3A_237 : i32
        %lt3A_239 = arith.constant 0 : i32
        %lt3A_240 = arith.cmpi slt, %select_n3A_233, %lt3A_239 : i32
        %ne3A_241 = arith.xori %lt3A_238, %lt3A_240 : i1
        %and3A_242 = arith.andi %ne3A_241, %ne3A_236 : i1
        %add3A_243 = arith.addi %rem3A_234, %select_n3A_233 : i32
        %select_n3A_244 = arith.select %and3A_242, %add3A_243, %rem3A_234 : i32
        %mul3A_245 = arith.constant 2 : i32
        %mul3A_246 = arith.muli %select_n3A_244, %mul3A_245 : i32
        %jit3A_247 = arith.constant 3 : i32
        %eq3A_248 = arith.constant 0 : i32
        %eq3A_249 = arith.cmpi eq, %jit3A_247, %eq3A_248 : i32
        %jit3A_250 = arith.constant 1 : i32
        %select_n3A_251 = arith.select %eq3A_249, %jit3A_250, %jit3A_247 : i32
        %rem3A_252 = arith.remsi %add3A_228, %select_n3A_251 : i32
        %ne3A_253 = arith.constant 0 : i32
        %ne3A_254 = arith.cmpi ne, %rem3A_252, %ne3A_253 : i32
        %lt3A_255 = arith.constant 0 : i32
        %lt3A_256 = arith.cmpi slt, %rem3A_252, %lt3A_255 : i32
        %lt3A_257 = arith.constant 0 : i32
        %lt3A_258 = arith.cmpi slt, %select_n3A_251, %lt3A_257 : i32
        %ne3A_259 = arith.xori %lt3A_256, %lt3A_258 : i1
        %and3A_260 = arith.andi %ne3A_259, %ne3A_254 : i1
        %add3A_261 = arith.addi %rem3A_252, %select_n3A_251 : i32
        %select_n3A_262 = arith.select %and3A_260, %add3A_261, %rem3A_252 : i32
        %dma_start3A_263 = arith.constant 0 : i32
        %dma_start3A_264 = arith.constant 0 : i32
        %dma_start3A_265 = tpu.memref_slice %arg7[%select_n3A_262, %dma_start3A_263, %dma_start3A_264] : memref<3x128x128xf32, #tpu.memory_space<vmem>> -> memref<1x128x128xf32, #tpu.memory_space<vmem>>
        %dma_start3A_266 = tpu.memref_squeeze %dma_start3A_265 : memref<1x128x128xf32, #tpu.memory_space<vmem>> -> memref<128x128xf32, #tpu.memory_space<vmem>>
        %dma_start3A_267 = arith.constant 0 : i32
        %dma_start3A_268 = tpu.memref_slice %arg6[%mul3A_246, %dma_start3A_267] : memref<8x128xi32, #tpu.memory_space<vmem>> -> memref<1x128xi32, #tpu.memory_space<vmem>>
        %dma_start3A_269 = tpu.memref_squeeze %dma_start3A_268 : memref<1x128xi32, #tpu.memory_space<vmem>> -> memref<128xi32, #tpu.memory_space<vmem>>
        %dma_start3A_270 = arith.constant 0 : i32
        %dma_start3A_271 = arith.constant 0 : i32
        %dma_start3A_272 = tpu.memref_slice %arg2[%dma_start3A_270, %dma_start3A_271] : memref<10000x128xf32, #tpu.memory_space<hbm>> -> memref<10000x128xf32, #tpu.memory_space<hbm>>
        tpu.enqueue_indirect_dma source(%dma_start3A_272 : memref<10000x128xf32, #tpu.memory_space<hbm>>) target(%dma_start3A_266 : memref<128x128xf32, #tpu.memory_space<vmem>>) offsets(%dma_start3A_269 : memref<128xi32, #tpu.memory_space<vmem>>) semaphore(%arg9 : memref<!tpu.dma_semaphore, #tpu.memory_space<semaphore_mem>>)
      } else {
      }
      %add3A_185 = arith.constant 3 : i32
      %add3A_186 = arith.addi %while3A_86, %add3A_185 : i32
      %lt3A_187 = arith.cmpi slt, %add3A_186, %min3A : i32
      %convert_element_type3A_188 = arith.extui %lt3A_187 : i1 to i32
      %cond3A_189 = arith.constant 0 : i32
      %cond3A_190 = arith.cmpi ne, %convert_element_type3A_188, %cond3A_189 : i32
      scf.if %cond3A_190 {
        %add3A_192 = arith.constant 3 : i32
        %add3A_193 = arith.addi %while3A_86, %add3A_192 : i32
        %mul3A_194 = arith.constant 88 : i32
        %mul3A_195 = arith.muli %add3A, %mul3A_194 : i32
        %add3A_196 = arith.addi %mul3A_195, %add3A_193 : i32
        %jit3A_197 = arith.constant 4 : i32
        %eq3A_198 = arith.constant 0 : i32
        %eq3A_199 = arith.cmpi eq, %jit3A_197, %eq3A_198 : i32
        %jit3A_200 = arith.constant 1 : i32
        %select_n3A_201 = arith.select %eq3A_199, %jit3A_200, %jit3A_197 : i32
        %rem3A_202 = arith.remsi %add3A_193, %select_n3A_201 : i32
        %ne3A_203 = arith.constant 0 : i32
        %ne3A_204 = arith.cmpi ne, %rem3A_202, %ne3A_203 : i32
        %lt3A_205 = arith.constant 0 : i32
        %lt3A_206 = arith.cmpi slt, %rem3A_202, %lt3A_205 : i32
        %lt3A_207 = arith.constant 0 : i32
        %lt3A_208 = arith.cmpi slt, %select_n3A_201, %lt3A_207 : i32
        %ne3A_209 = arith.xori %lt3A_206, %lt3A_208 : i1
        %and3A_210 = arith.andi %ne3A_209, %ne3A_204 : i1
        %add3A_211 = arith.addi %rem3A_202, %select_n3A_201 : i32
        %select_n3A_212 = arith.select %and3A_210, %add3A_211, %rem3A_202 : i32
        %mul3A_213 = arith.constant 2 : i32
        %mul3A_214 = arith.muli %select_n3A_212, %mul3A_213 : i32
        %dma_start3A_215 = arith.constant 0 : i32
        %dma_start3A_216 = tpu.memref_slice %arg6[%mul3A_214, %dma_start3A_215] : memref<8x128xi32, #tpu.memory_space<vmem>> -> memref<2x128xi32, #tpu.memory_space<vmem>>
        %dma_start3A_217 = arith.constant 0 : i32
        %dma_start3A_218 = arith.constant 0 : i32
        %dma_start3A_219 = tpu.memref_slice %arg3[%add3A_196, %dma_start3A_217, %dma_start3A_218] : memref<2816x2x128xi32, #tpu.memory_space<hbm>> -> memref<1x2x128xi32, #tpu.memory_space<hbm>>
        %dma_start3A_220 = tpu.memref_squeeze %dma_start3A_219 : memref<1x2x128xi32, #tpu.memory_space<hbm>> -> memref<2x128xi32, #tpu.memory_space<hbm>>
        %dma_start3A_221 = arith.constant 0 : i32
        %dma_start3A_222 = tpu.memref_slice %arg6[%mul3A_214, %dma_start3A_221] : memref<8x128xi32, #tpu.memory_space<vmem>> -> memref<2x128xi32, #tpu.memory_space<vmem>>
        %dma_start3A_223 = arith.constant 0 : i32
        %dma_start3A_224 = arith.constant 0 : i32
        %dma_start3A_225 = tpu.memref_slice %arg3[%add3A_196, %dma_start3A_223, %dma_start3A_224] : memref<2816x2x128xi32, #tpu.memory_space<hbm>> -> memref<1x2x128xi32, #tpu.memory_space<hbm>>
        %dma_start3A_226 = tpu.memref_squeeze %dma_start3A_225 : memref<1x2x128xi32, #tpu.memory_space<hbm>> -> memref<2x128xi32, #tpu.memory_space<hbm>>
        tpu.enqueue_dma source(%dma_start3A_226 : memref<2x128xi32, #tpu.memory_space<hbm>>) target(%dma_start3A_222 : memref<2x128xi32, #tpu.memory_space<vmem>>) target_semaphore(%arg8 : memref<!tpu.dma_semaphore, #tpu.memory_space<semaphore_mem>>)
      } else {
      }
      %while3A_191 = arith.constant 0 : i32
      scf.yield %while3A_191 : i32
    }
    %ge3A = arith.constant 1 : i32
    %ge3A_77 = arith.cmpi sge, %min3A, %ge3A : i32
    %convert_element_type3A_78 = arith.extui %ge3A_77 : i1 to i32
    %cond3A_79 = arith.constant 0 : i32
    %cond3A_80 = arith.cmpi ne, %convert_element_type3A_78, %cond3A_79 : i32
    scf.if %cond3A_80 {
      %sub3A_86 = arith.constant 1 : i32
      %sub3A_87 = arith.subi %min3A, %sub3A_86 : i32
      %jit3A_88 = arith.constant 3 : i32
      %eq3A = arith.constant 0 : i32
      %eq3A_89 = arith.cmpi eq, %jit3A_88, %eq3A : i32
      %jit3A_90 = arith.constant 1 : i32
      %select_n3A_91 = arith.select %eq3A_89, %jit3A_90, %jit3A_88 : i32
      %rem3A_92 = arith.remsi %sub3A_87, %select_n3A_91 : i32
      %ne3A_93 = arith.constant 0 : i32
      %ne3A_94 = arith.cmpi ne, %rem3A_92, %ne3A_93 : i32
      %lt3A = arith.constant 0 : i32
      %lt3A_95 = arith.cmpi slt, %rem3A_92, %lt3A : i32
      %lt3A_96 = arith.constant 0 : i32
      %lt3A_97 = arith.cmpi slt, %select_n3A_91, %lt3A_96 : i32
      %ne3A_98 = arith.xori %lt3A_95, %lt3A_97 : i1
      %and3A_99 = arith.andi %ne3A_98, %ne3A_94 : i1
      %add3A_100 = arith.addi %rem3A_92, %select_n3A_91 : i32
      %select_n3A_101 = arith.select %and3A_99, %add3A_100, %rem3A_92 : i32
      %jit3A_102 = arith.constant 4 : i32
      %eq3A_103 = arith.constant 0 : i32
      %eq3A_104 = arith.cmpi eq, %jit3A_102, %eq3A_103 : i32
      %jit3A_105 = arith.constant 1 : i32
      %select_n3A_106 = arith.select %eq3A_104, %jit3A_105, %jit3A_102 : i32
      %rem3A_107 = arith.remsi %sub3A_87, %select_n3A_106 : i32
      %ne3A_108 = arith.constant 0 : i32
      %ne3A_109 = arith.cmpi ne, %rem3A_107, %ne3A_108 : i32
      %lt3A_110 = arith.constant 0 : i32
      %lt3A_111 = arith.cmpi slt, %rem3A_107, %lt3A_110 : i32
      %lt3A_112 = arith.constant 0 : i32
      %lt3A_113 = arith.cmpi slt, %select_n3A_106, %lt3A_112 : i32
      %ne3A_114 = arith.xori %lt3A_111, %lt3A_113 : i1
      %and3A_115 = arith.andi %ne3A_114, %ne3A_109 : i1
      %add3A_116 = arith.addi %rem3A_107, %select_n3A_106 : i32
      %select_n3A_117 = arith.select %and3A_115, %add3A_116, %rem3A_107 : i32
      %mul3A_118 = arith.constant 2 : i32
      %mul3A_119 = arith.muli %select_n3A_117, %mul3A_118 : i32
      %add3A_120 = arith.constant 1 : i32
      %add3A_121 = arith.addi %mul3A_119, %add3A_120 : i32
      %dma_wait3A = arith.constant 0 : i32
      %dma_wait3A_122 = arith.constant 0 : i32
      %dma_wait3A_123 = tpu.memref_slice %arg7[%select_n3A_101, %dma_wait3A, %dma_wait3A_122] : memref<3x128x128xf32, #tpu.memory_space<vmem>> -> memref<1x128x128xf32, #tpu.memory_space<vmem>>
      %dma_wait3A_124 = tpu.memref_squeeze %dma_wait3A_123 : memref<1x128x128xf32, #tpu.memory_space<vmem>> -> memref<128x128xf32, #tpu.memory_space<vmem>>
      %dma_wait3A_125 = arith.constant 0 : i32
      %dma_wait3A_126 = tpu.memref_slice %arg6[%add3A_121, %dma_wait3A_125] : memref<8x128xi32, #tpu.memory_space<vmem>> -> memref<1x128xi32, #tpu.memory_space<vmem>>
      %dma_wait3A_127 = tpu.memref_squeeze %dma_wait3A_126 : memref<1x128xi32, #tpu.memory_space<vmem>> -> memref<128xi32, #tpu.memory_space<vmem>>
      %dma_wait3A_128 = arith.constant 0 : i32
      %dma_wait3A_129 = arith.constant 0 : i32
      %dma_wait3A_130 = tpu.memref_slice %arg5[%dma_wait3A_128, %dma_wait3A_129] : memref<10112x128xf32, #tpu.memory_space<vmem_shared>> -> memref<10112x128xf32, #tpu.memory_space<vmem_shared>>
      tpu.wait_indirect_dma semaphore(%arg10 : memref<!tpu.dma_semaphore, #tpu.memory_space<semaphore_mem>>) src(%dma_wait3A_124 : memref<128x128xf32, #tpu.memory_space<vmem>>) dst(%dma_wait3A_130 : memref<10112x128xf32, #tpu.memory_space<vmem_shared>>)
    } else {
    }
    %barrier3A_81 = arith.constant 0 : index
    tpu.barrier barrier_id(%barrier3A_81)
    %mul3A_82 = arith.constant 632 : i32
    %mul3A_83 = arith.muli %arg1, %mul3A_82 : i32
    %mul3A_84 = arith.constant 632 : i32
    %mul3A_85 = arith.muli %arg1, %mul3A_84 : i32
    "tpu.region"() ({
      %run_scoped3A_86 = tpu.sem_alloc : memref<!tpu.dma_semaphore, #tpu.memory_space<semaphore_mem>>
      %dma_start3A = arith.constant 0 : i32
      %dma_start3A_87 = tpu.memref_slice %arg4[%arg0, %mul3A_85, %dma_start3A] : memref<2x10112x128xf32, #tpu.memory_space<hbm>> -> memref<1x632x128xf32, #tpu.memory_space<hbm>>
      %dma_start3A_88 = tpu.memref_squeeze %dma_start3A_87 : memref<1x632x128xf32, #tpu.memory_space<hbm>> -> memref<632x128xf32, #tpu.memory_space<hbm>>
      %dma_start3A_89 = arith.constant 0 : i32
      %dma_start3A_90 = tpu.memref_slice %arg5[%mul3A_83, %dma_start3A_89] : memref<10112x128xf32, #tpu.memory_space<vmem_shared>> -> memref<632x128xf32, #tpu.memory_space<vmem_shared>>
      tpu.enqueue_dma source(%dma_start3A_90 : memref<632x128xf32, #tpu.memory_space<vmem_shared>>) target(%dma_start3A_88 : memref<632x128xf32, #tpu.memory_space<hbm>>) target_semaphore(%run_scoped3A_86 : memref<!tpu.dma_semaphore, #tpu.memory_space<semaphore_mem>>)
      %dma_wait3A = arith.constant 0 : i32
      %dma_wait3A_91 = tpu.memref_slice %arg4[%arg0, %mul3A_85, %dma_wait3A] : memref<2x10112x128xf32, #tpu.memory_space<hbm>> -> memref<1x632x128xf32, #tpu.memory_space<hbm>>
      %dma_wait3A_92 = tpu.memref_squeeze %dma_wait3A_91 : memref<1x632x128xf32, #tpu.memory_space<hbm>> -> memref<632x128xf32, #tpu.memory_space<hbm>>
      %dma_wait3A_93 = arith.constant 0 : i32
      %dma_wait3A_94 = tpu.memref_slice %arg5[%mul3A_83, %dma_wait3A_93] : memref<10112x128xf32, #tpu.memory_space<vmem_shared>> -> memref<632x128xf32, #tpu.memory_space<vmem_shared>>
      tpu.wait_dma2 semaphore(%run_scoped3A_86 : memref<!tpu.dma_semaphore, #tpu.memory_space<semaphore_mem>>) src(%dma_wait3A_94 : memref<632x128xf32, #tpu.memory_space<vmem_shared>>) dst(%dma_wait3A_92 : memref<632x128xf32, #tpu.memory_space<hbm>>)
      tpu.yield
    }) : () -> ()
    return
  }
}

#map = affine_map<(d0, d1) -> (0, 0)>
#map1 = affine_map<(d0, d1) -> (0, 0, 0)>
module attributes {stable_mosaic.version = 14 : i64} {
  func.func @_count_kernel(%arg0: i32, %arg1: i32, %arg2: memref<2816x128xi32, #tpu.memory_space<hbm>>, %arg3: memref<2x10112x16xf32, #tpu.memory_space<hbm>>, %arg4: memref<10112x16xf32, #tpu.memory_space<vmem_shared>>, %arg5: memref<88x128xi32, #tpu.memory_space<vmem>>, %arg6: memref<128x16xf32, #tpu.memory_space<vmem>>, %arg7: memref<!tpu.dma_semaphore, #tpu.memory_space<semaphore_mem>>) attributes {dimension_semantics = [#tpu.dimension_semantics<core_parallel>, #tpu.dimension_semantics<subcore_parallel>], iteration_bounds = array<i64: 2, 16>, scalar_prefetch = 0 : i64, scratch_operands = 4 : i64, tpu.core_type = #tpu.core_type<sc_vector_subcore>, window_params = [{transform_indices = #map}, {transform_indices = #map1}]} {
    %mul3A = arith.constant 16 : i32
    %mul3A_0 = arith.muli %arg0, %mul3A : i32
    %add3A = arith.addi %mul3A_0, %arg1 : i32
    %scan3A = arith.constant 0 : i32
    %scan3A_1 = arith.constant 0 : i32
    %scan3A_2 = arith.constant 128 : i32
    %scan3A_3 = arith.addi %scan3A_1, %scan3A_2 : i32
    %scan3A_4 = arith.constant 1 : i32
    %scan3A_5 = scf.for %scan3A_83 = %scan3A_1 to %scan3A_3 step %scan3A_4 iter_args(%scan3A_84 = %scan3A) -> (i32)  : i32 {
      %broadcast_in_dim3A = arith.constant 0.000000e+00 : f32
      %broadcast_in_dim3A_85 = vector.broadcast %broadcast_in_dim3A : f32 to vector<16xf32>
      %add3A_86 = arith.constant 0.000000e+00 : f32
      %add3A_87 = vector.broadcast %add3A_86 : f32 to vector<16xf32>
      %add3A_88 = arith.addf %broadcast_in_dim3A_85, %add3A_87 : vector<16xf32>
      %swap3A = arith.index_cast %scan3A_83 : i32 to index
      %swap3A_89 = arith.constant 0 : index
      %swap3A_90 = tpu.vector_load %arg6[%swap3A, %swap3A_89] {strides = array<i32>} : memref<128x16xf32, #tpu.memory_space<vmem>>, vector<1x16xf32>,
      %swap3A_91 = vector.shape_cast %swap3A_90 : vector<1x16xf32> to vector<16xf32>
      %swap3A_92 = vector.shape_cast %add3A_88 : vector<16xf32> to vector<1x16xf32>
      tpu.vector_store %arg6[%swap3A, %swap3A_89], %swap3A_92 {strides = array<i32>} : memref<128x16xf32, #tpu.memory_space<vmem>>, vector<1x16xf32>,
      %scan3A_93 = arith.constant 0 : i32
      scf.yield %scan3A_93 : i32
    }
    %scan3A_6 = arith.constant 128 : i32
    %scan3A_7 = arith.constant 0 : i32
    %scan3A_8 = arith.constant 0 : i32
    %scan3A_9 = arith.constant 4 : i32
    %scan3A_10 = arith.addi %scan3A_8, %scan3A_9 : i32
    %scan3A_11 = arith.constant 1 : i32
    %scan3A_12 = scf.for %scan3A_83 = %scan3A_8 to %scan3A_10 step %scan3A_11 iter_args(%scan3A_84 = %scan3A_7) -> (i32)  : i32 {
      %mul3A_85 = arith.constant 632 : i32
      %mul3A_86 = arith.muli %arg1, %mul3A_85 : i32
      %mul3A_87 = arith.constant 128 : i32
      %mul3A_88 = arith.muli %scan3A_83, %mul3A_87 : i32
      %add3A_89 = arith.addi %mul3A_86, %mul3A_88 : i32
      "tpu.region"() ({
        %run_scoped3A = tpu.sem_alloc : memref<!tpu.dma_semaphore, #tpu.memory_space<semaphore_mem>>
        %dma_start3A = arith.constant 0 : i32
        %dma_start3A_91 = tpu.memref_slice %arg4[%add3A_89, %dma_start3A] : memref<10112x16xf32, #tpu.memory_space<vmem_shared>> -> memref<128x16xf32, #tpu.memory_space<vmem_shared>>
        %dma_start3A_92 = arith.constant 0 : i32
        %dma_start3A_93 = tpu.memref_slice %arg4[%add3A_89, %dma_start3A_92] : memref<10112x16xf32, #tpu.memory_space<vmem_shared>> -> memref<128x16xf32, #tpu.memory_space<vmem_shared>>
        tpu.enqueue_dma source(%arg6 : memref<128x16xf32, #tpu.memory_space<vmem>>) target(%dma_start3A_93 : memref<128x16xf32, #tpu.memory_space<vmem_shared>>) target_semaphore(%run_scoped3A : memref<!tpu.dma_semaphore, #tpu.memory_space<semaphore_mem>>)
        %dma_wait3A = arith.constant 0 : i32
        %dma_wait3A_94 = tpu.memref_slice %arg4[%add3A_89, %dma_wait3A] : memref<10112x16xf32, #tpu.memory_space<vmem_shared>> -> memref<128x16xf32, #tpu.memory_space<vmem_shared>>
        %dma_wait3A_95 = arith.constant 0 : i32
        %dma_wait3A_96 = tpu.memref_slice %arg4[%add3A_89, %dma_wait3A_95] : memref<10112x16xf32, #tpu.memory_space<vmem_shared>> -> memref<128x16xf32, #tpu.memory_space<vmem_shared>>
        tpu.wait_dma2 semaphore(%run_scoped3A : memref<!tpu.dma_semaphore, #tpu.memory_space<semaphore_mem>>) src(%arg6 : memref<128x16xf32, #tpu.memory_space<vmem>>) dst(%dma_wait3A_96 : memref<128x16xf32, #tpu.memory_space<vmem_shared>>)
        tpu.yield
      }) : () -> ()
      %scan3A_90 = arith.constant 0 : i32
      scf.yield %scan3A_90 : i32
    }
    %scan3A_13 = arith.constant 4 : i32
    %mul3A_14 = arith.constant 632 : i32
    %mul3A_15 = arith.muli %arg1, %mul3A_14 : i32
    %add3A_16 = arith.constant 512 : i32
    %add3A_17 = arith.addi %mul3A_15, %add3A_16 : i32
    "tpu.region"() ({
      %run_scoped3A = tpu.sem_alloc : memref<!tpu.dma_semaphore, #tpu.memory_space<semaphore_mem>>
      %dma_start3A = arith.constant 0 : i32
      %dma_start3A_83 = arith.constant 0 : i32
      %dma_start3A_84 = tpu.memref_slice %arg6[%dma_start3A, %dma_start3A_83] : memref<128x16xf32, #tpu.memory_space<vmem>> -> memref<120x16xf32, #tpu.memory_space<vmem>>
      %dma_start3A_85 = arith.constant 0 : i32
      %dma_start3A_86 = tpu.memref_slice %arg4[%add3A_17, %dma_start3A_85] : memref<10112x16xf32, #tpu.memory_space<vmem_shared>> -> memref<120x16xf32, #tpu.memory_space<vmem_shared>>
      %dma_start3A_87 = arith.constant 0 : i32
      %dma_start3A_88 = tpu.memref_slice %arg4[%add3A_17, %dma_start3A_87] : memref<10112x16xf32, #tpu.memory_space<vmem_shared>> -> memref<120x16xf32, #tpu.memory_space<vmem_shared>>
      %dma_start3A_89 = arith.constant 0 : i32
      %dma_start3A_90 = arith.constant 0 : i32
      %dma_start3A_91 = tpu.memref_slice %arg6[%dma_start3A_89, %dma_start3A_90] : memref<128x16xf32, #tpu.memory_space<vmem>> -> memref<120x16xf32, #tpu.memory_space<vmem>>
      tpu.enqueue_dma source(%dma_start3A_91 : memref<120x16xf32, #tpu.memory_space<vmem>>) target(%dma_start3A_88 : memref<120x16xf32, #tpu.memory_space<vmem_shared>>) target_semaphore(%run_scoped3A : memref<!tpu.dma_semaphore, #tpu.memory_space<semaphore_mem>>)
      %dma_wait3A = arith.constant 0 : i32
      %dma_wait3A_92 = arith.constant 0 : i32
      %dma_wait3A_93 = tpu.memref_slice %arg6[%dma_wait3A, %dma_wait3A_92] : memref<128x16xf32, #tpu.memory_space<vmem>> -> memref<120x16xf32, #tpu.memory_space<vmem>>
      %dma_wait3A_94 = arith.constant 0 : i32
      %dma_wait3A_95 = tpu.memref_slice %arg4[%add3A_17, %dma_wait3A_94] : memref<10112x16xf32, #tpu.memory_space<vmem_shared>> -> memref<120x16xf32, #tpu.memory_space<vmem_shared>>
      %dma_wait3A_96 = arith.constant 0 : i32
      %dma_wait3A_97 = tpu.memref_slice %arg4[%add3A_17, %dma_wait3A_96] : memref<10112x16xf32, #tpu.memory_space<vmem_shared>> -> memref<120x16xf32, #tpu.memory_space<vmem_shared>>
      %dma_wait3A_98 = arith.constant 0 : i32
      %dma_wait3A_99 = arith.constant 0 : i32
      %dma_wait3A_100 = tpu.memref_slice %arg6[%dma_wait3A_98, %dma_wait3A_99] : memref<128x16xf32, #tpu.memory_space<vmem>> -> memref<120x16xf32, #tpu.memory_space<vmem>>
      tpu.wait_dma2 semaphore(%run_scoped3A : memref<!tpu.dma_semaphore, #tpu.memory_space<semaphore_mem>>) src(%dma_wait3A_100 : memref<120x16xf32, #tpu.memory_space<vmem>>) dst(%dma_wait3A_97 : memref<120x16xf32, #tpu.memory_space<vmem_shared>>)
      tpu.yield
    }) : () -> ()
    %scan3A_18 = arith.constant 0 : i32
    %scan3A_19 = arith.constant 0 : i32
    %scan3A_20 = arith.constant 128 : i32
    %scan3A_21 = arith.addi %scan3A_19, %scan3A_20 : i32
    %scan3A_22 = arith.constant 1 : i32
    %scan3A_23 = scf.for %scan3A_83 = %scan3A_19 to %scan3A_21 step %scan3A_22 iter_args(%scan3A_84 = %scan3A_18) -> (i32)  : i32 {
      %broadcast_in_dim3A = arith.constant 0.000000e+00 : f32
      %broadcast_in_dim3A_85 = vector.broadcast %broadcast_in_dim3A : f32 to vector<16xf32>
      %add3A_86 = arith.constant 1.000000e+00 : f32
      %add3A_87 = vector.broadcast %add3A_86 : f32 to vector<16xf32>
      %add3A_88 = arith.addf %broadcast_in_dim3A_85, %add3A_87 : vector<16xf32>
      %swap3A = arith.index_cast %scan3A_83 : i32 to index
      %swap3A_89 = arith.constant 0 : index
      %swap3A_90 = tpu.vector_load %arg6[%swap3A, %swap3A_89] {strides = array<i32>} : memref<128x16xf32, #tpu.memory_space<vmem>>, vector<1x16xf32>,
      %swap3A_91 = vector.shape_cast %swap3A_90 : vector<1x16xf32> to vector<16xf32>
      %swap3A_92 = vector.shape_cast %add3A_88 : vector<16xf32> to vector<1x16xf32>
      tpu.vector_store %arg6[%swap3A, %swap3A_89], %swap3A_92 {strides = array<i32>} : memref<128x16xf32, #tpu.memory_space<vmem>>, vector<1x16xf32>,
      %scan3A_93 = arith.constant 0 : i32
      scf.yield %scan3A_93 : i32
    }
    %scan3A_24 = arith.constant 128 : i32
    %barrier3A = arith.constant 0 : index
    tpu.barrier barrier_id(%barrier3A)
    %mul3A_25 = arith.constant 88 : i32
    %mul3A_26 = arith.muli %add3A, %mul3A_25 : i32
    "tpu.region"() ({
      %run_scoped3A = tpu.sem_alloc : memref<!tpu.dma_semaphore, #tpu.memory_space<semaphore_mem>>
      %dma_start3A = arith.constant 0 : i32
      %dma_start3A_83 = tpu.memref_slice %arg2[%mul3A_26, %dma_start3A] : memref<2816x128xi32, #tpu.memory_space<hbm>> -> memref<88x128xi32, #tpu.memory_space<hbm>>
      %dma_start3A_84 = arith.constant 0 : i32
      %dma_start3A_85 = tpu.memref_slice %arg2[%mul3A_26, %dma_start3A_84] : memref<2816x128xi32, #tpu.memory_space<hbm>> -> memref<88x128xi32, #tpu.memory_space<hbm>>
      tpu.enqueue_dma source(%dma_start3A_85 : memref<88x128xi32, #tpu.memory_space<hbm>>) target(%arg5 : memref<88x128xi32, #tpu.memory_space<vmem>>) target_semaphore(%run_scoped3A : memref<!tpu.dma_semaphore, #tpu.memory_space<semaphore_mem>>)
      %dma_wait3A = arith.constant 0 : i32
      %dma_wait3A_86 = tpu.memref_slice %arg2[%mul3A_26, %dma_wait3A] : memref<2816x128xi32, #tpu.memory_space<hbm>> -> memref<88x128xi32, #tpu.memory_space<hbm>>
      %dma_wait3A_87 = arith.constant 0 : i32
      %dma_wait3A_88 = tpu.memref_slice %arg2[%mul3A_26, %dma_wait3A_87] : memref<2816x128xi32, #tpu.memory_space<hbm>> -> memref<88x128xi32, #tpu.memory_space<hbm>>
      tpu.wait_dma2 semaphore(%run_scoped3A : memref<!tpu.dma_semaphore, #tpu.memory_space<semaphore_mem>>) src(%dma_wait3A_88 : memref<88x128xi32, #tpu.memory_space<hbm>>) dst(%arg5 : memref<88x128xi32, #tpu.memory_space<vmem>>)
      tpu.yield
    }) : () -> ()
    %mul3A_27 = arith.constant 11264 : i32
    %mul3A_28 = arith.muli %add3A, %mul3A_27 : i32
    %sub3A = arith.constant 330000 : i32
    %sub3A_29 = arith.subi %sub3A, %mul3A_28 : i32
    %add3A_30 = arith.constant 128 : i32
    %add3A_31 = arith.addi %sub3A_29, %add3A_30 : i32
    %sub3A_32 = arith.constant 1 : i32
    %sub3A_33 = arith.subi %add3A_31, %sub3A_32 : i32
    %jit3A = arith.constant 128 : i32
    %div3A = arith.divsi %sub3A_33, %jit3A : i32
    %sign3A = arith.constant 0 : i32
    %sign3A_34 = arith.cmpi sgt, %sub3A_33, %sign3A : i32
    %sign3A_35 = arith.extui %sign3A_34 : i1 to i32
    %sign3A_36 = arith.constant 0 : i32
    %sign3A_37 = arith.cmpi slt, %sub3A_33, %sign3A_36 : i32
    %sign3A_38 = arith.extui %sign3A_37 : i1 to i32
    %sign3A_39 = arith.subi %sign3A_35, %sign3A_38 : i32
    %sign3A_40 = arith.constant 0 : i32
    %sign3A_41 = arith.cmpi sgt, %jit3A, %sign3A_40 : i32
    %sign3A_42 = arith.extui %sign3A_41 : i1 to i32
    %sign3A_43 = arith.constant 0 : i32
    %sign3A_44 = arith.cmpi slt, %jit3A, %sign3A_43 : i32
    %sign3A_45 = arith.extui %sign3A_44 : i1 to i32
    %sign3A_46 = arith.subi %sign3A_42, %sign3A_45 : i32
    %ne3A = arith.cmpi ne, %sign3A_39, %sign3A_46 : i32
    %rem3A = arith.remsi %sub3A_33, %jit3A : i32
    %ne3A_47 = arith.constant 0 : i32
    %ne3A_48 = arith.cmpi ne, %rem3A, %ne3A_47 : i32
    %and3A = arith.andi %ne3A, %ne3A_48 : i1
    %sub3A_49 = arith.constant 1 : i32
    %sub3A_50 = arith.subi %div3A, %sub3A_49 : i32
    %select_n3A = arith.select %and3A, %sub3A_50, %div3A : i32
    %jit3A_51 = arith.constant 0 : i32
    %jit3A_52 = arith.constant 88 : i32
    %max3A = arith.maxsi %jit3A_51, %select_n3A : i32
    %min3A = arith.minsi %jit3A_52, %max3A : i32
    %while3A = arith.constant 0 : i32
    %while3A_53 = arith.constant 0 : i32
    %while3A_54 = arith.subi %min3A, %while3A : i32
    %while3A_55 = arith.addi %while3A, %while3A_54 : i32
    %while3A_56 = arith.constant 1 : i32
    %while3A_57 = arith.divsi %while3A_54, %while3A_56 : i32
    %while3A_58 = arith.muli %while3A_57, %while3A_56 : i32
    %while3A_59 = arith.addi %while3A, %while3A_58 : i32
    %while3A_60 = arith.constant 1 : i32
    %while3A_61 = scf.for %while3A_83 = %while3A to %while3A_59 step %while3A_60 iter_args(%while3A_84 = %while3A_53) -> (i32)  : i32 {
      %dma_start3A = arith.constant 0 : i32
      %dma_start3A_85 = tpu.memref_slice %arg5[%while3A_83, %dma_start3A] : memref<88x128xi32, #tpu.memory_space<vmem>> -> memref<1x128xi32, #tpu.memory_space<vmem>>
      %dma_start3A_86 = tpu.memref_squeeze %dma_start3A_85 : memref<1x128xi32, #tpu.memory_space<vmem>> -> memref<128xi32, #tpu.memory_space<vmem>>
      %dma_start3A_87 = arith.constant 0 : i32
      %dma_start3A_88 = arith.constant 0 : i32
      %dma_start3A_89 = tpu.memref_slice %arg4[%dma_start3A_87, %dma_start3A_88] : memref<10112x16xf32, #tpu.memory_space<vmem_shared>> -> memref<10112x16xf32, #tpu.memory_space<vmem_shared>>
      tpu.enqueue_indirect_dma source(%arg6 : memref<128x16xf32, #tpu.memory_space<vmem>>) target(%dma_start3A_89 : memref<10112x16xf32, #tpu.memory_space<vmem_shared>>) offsets(%dma_start3A_86 : memref<128xi32, #tpu.memory_space<vmem>>) semaphore(%arg7 : memref<!tpu.dma_semaphore, #tpu.memory_space<semaphore_mem>>) {add = true}
      %ge3A = arith.constant 16 : i32
      %ge3A_90 = arith.cmpi sge, %while3A_83, %ge3A : i32
      %convert_element_type3A = arith.extui %ge3A_90 : i1 to i32
      %cond3A = arith.constant 0 : i32
      %cond3A_91 = arith.cmpi ne, %convert_element_type3A, %cond3A : i32
      scf.if %cond3A_91 {
        %dma_wait3A = arith.constant 0 : i32
        %dma_wait3A_93 = arith.constant 0 : i32
        %dma_wait3A_94 = tpu.memref_slice %arg5[%dma_wait3A, %dma_wait3A_93] : memref<88x128xi32, #tpu.memory_space<vmem>> -> memref<1x128xi32, #tpu.memory_space<vmem>>
        %dma_wait3A_95 = tpu.memref_squeeze %dma_wait3A_94 : memref<1x128xi32, #tpu.memory_space<vmem>> -> memref<128xi32, #tpu.memory_space<vmem>>
        %dma_wait3A_96 = arith.constant 0 : i32
        %dma_wait3A_97 = arith.constant 0 : i32
        %dma_wait3A_98 = tpu.memref_slice %arg4[%dma_wait3A_96, %dma_wait3A_97] : memref<10112x16xf32, #tpu.memory_space<vmem_shared>> -> memref<10112x16xf32, #tpu.memory_space<vmem_shared>>
        tpu.wait_indirect_dma semaphore(%arg7 : memref<!tpu.dma_semaphore, #tpu.memory_space<semaphore_mem>>) src(%arg6 : memref<128x16xf32, #tpu.memory_space<vmem>>) dst(%dma_wait3A_98 : memref<10112x16xf32, #tpu.memory_space<vmem_shared>>)
      } else {
      }
      %while3A_92 = arith.constant 0 : i32
      scf.yield %while3A_92 : i32
    }
    %while3A_62 = arith.constant 1 : i32
    %while3A_63 = scf.for %while3A_83 = %while3A_59 to %while3A_55 step %while3A_62 iter_args(%while3A_84 = %while3A_61) -> (i32)  : i32 {
      %dma_start3A = arith.constant 0 : i32
      %dma_start3A_85 = tpu.memref_slice %arg5[%while3A_83, %dma_start3A] : memref<88x128xi32, #tpu.memory_space<vmem>> -> memref<1x128xi32, #tpu.memory_space<vmem>>
      %dma_start3A_86 = tpu.memref_squeeze %dma_start3A_85 : memref<1x128xi32, #tpu.memory_space<vmem>> -> memref<128xi32, #tpu.memory_space<vmem>>
      %dma_start3A_87 = arith.constant 0 : i32
      %dma_start3A_88 = arith.constant 0 : i32
      %dma_start3A_89 = tpu.memref_slice %arg4[%dma_start3A_87, %dma_start3A_88] : memref<10112x16xf32, #tpu.memory_space<vmem_shared>> -> memref<10112x16xf32, #tpu.memory_space<vmem_shared>>
      tpu.enqueue_indirect_dma source(%arg6 : memref<128x16xf32, #tpu.memory_space<vmem>>) target(%dma_start3A_89 : memref<10112x16xf32, #tpu.memory_space<vmem_shared>>) offsets(%dma_start3A_86 : memref<128xi32, #tpu.memory_space<vmem>>) semaphore(%arg7 : memref<!tpu.dma_semaphore, #tpu.memory_space<semaphore_mem>>) {add = true}
      %ge3A = arith.constant 16 : i32
      %ge3A_90 = arith.cmpi sge, %while3A_83, %ge3A : i32
      %convert_element_type3A = arith.extui %ge3A_90 : i1 to i32
      %cond3A = arith.constant 0 : i32
      %cond3A_91 = arith.cmpi ne, %convert_element_type3A, %cond3A : i32
      scf.if %cond3A_91 {
        %dma_wait3A = arith.constant 0 : i32
        %dma_wait3A_93 = arith.constant 0 : i32
        %dma_wait3A_94 = tpu.memref_slice %arg5[%dma_wait3A, %dma_wait3A_93] : memref<88x128xi32, #tpu.memory_space<vmem>> -> memref<1x128xi32, #tpu.memory_space<vmem>>
        %dma_wait3A_95 = tpu.memref_squeeze %dma_wait3A_94 : memref<1x128xi32, #tpu.memory_space<vmem>> -> memref<128xi32, #tpu.memory_space<vmem>>
        %dma_wait3A_96 = arith.constant 0 : i32
        %dma_wait3A_97 = arith.constant 0 : i32
        %dma_wait3A_98 = tpu.memref_slice %arg4[%dma_wait3A_96, %dma_wait3A_97] : memref<10112x16xf32, #tpu.memory_space<vmem_shared>> -> memref<10112x16xf32, #tpu.memory_space<vmem_shared>>
        tpu.wait_indirect_dma semaphore(%arg7 : memref<!tpu.dma_semaphore, #tpu.memory_space<semaphore_mem>>) src(%arg6 : memref<128x16xf32, #tpu.memory_space<vmem>>) dst(%dma_wait3A_98 : memref<10112x16xf32, #tpu.memory_space<vmem_shared>>)
      } else {
      }
      %while3A_92 = arith.constant 0 : i32
      scf.yield %while3A_92 : i32
    }
    %min3A_64 = arith.constant 16 : i32
    %min3A_65 = arith.minsi %min3A, %min3A_64 : i32
    %while3A_66 = arith.constant 0 : i32
    %while3A_67 = arith.constant 0 : i32
    %while3A_68 = arith.subi %min3A_65, %while3A_66 : i32
    %while3A_69 = arith.addi %while3A_66, %while3A_68 : i32
    %while3A_70 = arith.constant 1 : i32
    %while3A_71 = arith.divsi %while3A_68, %while3A_70 : i32
    %while3A_72 = arith.muli %while3A_71, %while3A_70 : i32
    %while3A_73 = arith.addi %while3A_66, %while3A_72 : i32
    %while3A_74 = arith.constant 1 : i32
    %while3A_75 = scf.for %while3A_83 = %while3A_66 to %while3A_73 step %while3A_74 iter_args(%while3A_84 = %while3A_67) -> (i32)  : i32 {
      %dma_wait3A = arith.constant 0 : i32
      %dma_wait3A_85 = arith.constant 0 : i32
      %dma_wait3A_86 = tpu.memref_slice %arg5[%dma_wait3A, %dma_wait3A_85] : memref<88x128xi32, #tpu.memory_space<vmem>> -> memref<1x128xi32, #tpu.memory_space<vmem>>
      %dma_wait3A_87 = tpu.memref_squeeze %dma_wait3A_86 : memref<1x128xi32, #tpu.memory_space<vmem>> -> memref<128xi32, #tpu.memory_space<vmem>>
      %dma_wait3A_88 = arith.constant 0 : i32
      %dma_wait3A_89 = arith.constant 0 : i32
      %dma_wait3A_90 = tpu.memref_slice %arg4[%dma_wait3A_88, %dma_wait3A_89] : memref<10112x16xf32, #tpu.memory_space<vmem_shared>> -> memref<10112x16xf32, #tpu.memory_space<vmem_shared>>
      tpu.wait_indirect_dma semaphore(%arg7 : memref<!tpu.dma_semaphore, #tpu.memory_space<semaphore_mem>>) src(%arg6 : memref<128x16xf32, #tpu.memory_space<vmem>>) dst(%dma_wait3A_90 : memref<10112x16xf32, #tpu.memory_space<vmem_shared>>)
      %while3A_91 = arith.constant 0 : i32
      scf.yield %while3A_91 : i32
    }
    %while3A_76 = arith.constant 1 : i32
    %while3A_77 = scf.for %while3A_83 = %while3A_73 to %while3A_69 step %while3A_76 iter_args(%while3A_84 = %while3A_75) -> (i32)  : i32 {
      %dma_wait3A = arith.constant 0 : i32
      %dma_wait3A_85 = arith.constant 0 : i32
      %dma_wait3A_86 = tpu.memref_slice %arg5[%dma_wait3A, %dma_wait3A_85] : memref<88x128xi32, #tpu.memory_space<vmem>> -> memref<1x128xi32, #tpu.memory_space<vmem>>
      %dma_wait3A_87 = tpu.memref_squeeze %dma_wait3A_86 : memref<1x128xi32, #tpu.memory_space<vmem>> -> memref<128xi32, #tpu.memory_space<vmem>>
      %dma_wait3A_88 = arith.constant 0 : i32
      %dma_wait3A_89 = arith.constant 0 : i32
      %dma_wait3A_90 = tpu.memref_slice %arg4[%dma_wait3A_88, %dma_wait3A_89] : memref<10112x16xf32, #tpu.memory_space<vmem_shared>> -> memref<10112x16xf32, #tpu.memory_space<vmem_shared>>
      tpu.wait_indirect_dma semaphore(%arg7 : memref<!tpu.dma_semaphore, #tpu.memory_space<semaphore_mem>>) src(%arg6 : memref<128x16xf32, #tpu.memory_space<vmem>>) dst(%dma_wait3A_90 : memref<10112x16xf32, #tpu.memory_space<vmem_shared>>)
      %while3A_91 = arith.constant 0 : i32
      scf.yield %while3A_91 : i32
    }
    %barrier3A_78 = arith.constant 0 : index
    tpu.barrier barrier_id(%barrier3A_78)
    %mul3A_79 = arith.constant 632 : i32
    %mul3A_80 = arith.muli %arg1, %mul3A_79 : i32
    %mul3A_81 = arith.constant 632 : i32
    %mul3A_82 = arith.muli %arg1, %mul3A_81 : i32
    "tpu.region"() ({
      %run_scoped3A = tpu.sem_alloc : memref<!tpu.dma_semaphore, #tpu.memory_space<semaphore_mem>>
      %dma_start3A = arith.constant 0 : i32
      %dma_start3A_83 = tpu.memref_slice %arg3[%arg0, %mul3A_82, %dma_start3A] : memref<2x10112x16xf32, #tpu.memory_space<hbm>> -> memref<1x632x16xf32, #tpu.memory_space<hbm>>
      %dma_start3A_84 = tpu.memref_squeeze %dma_start3A_83 : memref<1x632x16xf32, #tpu.memory_space<hbm>> -> memref<632x16xf32, #tpu.memory_space<hbm>>
      %dma_start3A_85 = arith.constant 0 : i32
      %dma_start3A_86 = tpu.memref_slice %arg4[%mul3A_80, %dma_start3A_85] : memref<10112x16xf32, #tpu.memory_space<vmem_shared>> -> memref<632x16xf32, #tpu.memory_space<vmem_shared>>
      tpu.enqueue_dma source(%dma_start3A_86 : memref<632x16xf32, #tpu.memory_space<vmem_shared>>) target(%dma_start3A_84 : memref<632x16xf32, #tpu.memory_space<hbm>>) target_semaphore(%run_scoped3A : memref<!tpu.dma_semaphore, #tpu.memory_space<semaphore_mem>>)
      %dma_wait3A = arith.constant 0 : i32
      %dma_wait3A_87 = tpu.memref_slice %arg3[%arg0, %mul3A_82, %dma_wait3A] : memref<2x10112x16xf32, #tpu.memory_space<hbm>> -> memref<1x632x16xf32, #tpu.memory_space<hbm>>
      %dma_wait3A_88 = tpu.memref_squeeze %dma_wait3A_87 : memref<1x632x16xf32, #tpu.memory_space<hbm>> -> memref<632x16xf32, #tpu.memory_space<hbm>>
      %dma_wait3A_89 = arith.constant 0 : i32
      %dma_wait3A_90 = tpu.memref_slice %arg4[%mul3A_80, %dma_wait3A_89] : memref<10112x16xf32, #tpu.memory_space<vmem_shared>> -> memref<632x16xf32, #tpu.memory_space<vmem_shared>>
      tpu.wait_dma2 semaphore(%run_scoped3A : memref<!tpu.dma_semaphore, #tpu.memory_space<semaphore_mem>>) src(%dma_wait3A_90 : memref<632x16xf32, #tpu.memory_space<vmem_shared>>) dst(%dma_wait3A_88 : memref<632x16xf32, #tpu.memory_space<hbm>>)
      tpu.yield
    }) : () -> ()
    return
  }
}

#map = affine_map<(d0, d1) -> (0, 0)>
#map1 = affine_map<(d0, d1) -> (0, 0, 0)>
module attributes {stable_mosaic.version = 14 : i64} {
  func.func @_prop_kernel(%arg0: i32, %arg1: i32, %arg2: memref<10000x128xf32, #tpu.memory_space<hbm>>, %arg3: memref<2816x2x128xi32, #tpu.memory_space<hbm>>, %arg4: memref<2x10112x128xf32, #tpu.memory_space<hbm>>, %arg5: memref<10112x128xf32, #tpu.memory_space<vmem_shared>>, %arg6: memref<8x128xi32, #tpu.memory_space<vmem>>, %arg7: memref<3x128x128xf32, #tpu.memory_space<vmem>>, %arg8: memref<!tpu.dma_semaphore, #tpu.memory_space<semaphore_mem>>, %arg9: memref<!tpu.dma_semaphore, #tpu.memory_space<semaphore_mem>>, %arg10: memref<!tpu.dma_semaphore, #tpu.memory_space<semaphore_mem>>) attributes {dimension_semantics = [#tpu.dimension_semantics<core_parallel>, #tpu.dimension_semantics<subcore_parallel>], iteration_bounds = array<i64: 2, 16>, scalar_prefetch = 0 : i64, scratch_operands = 6 : i64, tpu.core_type = #tpu.core_type<sc_vector_subcore>, window_params = [{transform_indices = #map}, {transform_indices = #map1}, {transform_indices = #map1}]} {
    %mul3A = arith.constant 16 : i32
    %mul3A_0 = arith.muli %arg0, %mul3A : i32
    %add3A = arith.addi %mul3A_0, %arg1 : i32
    %mul3A_1 = arith.constant 11264 : i32
    %mul3A_2 = arith.muli %add3A, %mul3A_1 : i32
    %sub3A = arith.constant 330000 : i32
    %sub3A_3 = arith.subi %sub3A, %mul3A_2 : i32
    %add3A_4 = arith.constant 128 : i32
    %add3A_5 = arith.addi %sub3A_3, %add3A_4 : i32
    %sub3A_6 = arith.constant 1 : i32
    %sub3A_7 = arith.subi %add3A_5, %sub3A_6 : i32
    %jit3A = arith.constant 128 : i32
    %div3A = arith.divsi %sub3A_7, %jit3A : i32
    %sign3A = arith.constant 0 : i32
    %sign3A_8 = arith.cmpi sgt, %sub3A_7, %sign3A : i32
    %sign3A_9 = arith.extui %sign3A_8 : i1 to i32
    %sign3A_10 = arith.constant 0 : i32
    %sign3A_11 = arith.cmpi slt, %sub3A_7, %sign3A_10 : i32
    %sign3A_12 = arith.extui %sign3A_11 : i1 to i32
    %sign3A_13 = arith.subi %sign3A_9, %sign3A_12 : i32
    %sign3A_14 = arith.constant 0 : i32
    %sign3A_15 = arith.cmpi sgt, %jit3A, %sign3A_14 : i32
    %sign3A_16 = arith.extui %sign3A_15 : i1 to i32
    %sign3A_17 = arith.constant 0 : i32
    %sign3A_18 = arith.cmpi slt, %jit3A, %sign3A_17 : i32
    %sign3A_19 = arith.extui %sign3A_18 : i1 to i32
    %sign3A_20 = arith.subi %sign3A_16, %sign3A_19 : i32
    %ne3A = arith.cmpi ne, %sign3A_13, %sign3A_20 : i32
    %rem3A = arith.remsi %sub3A_7, %jit3A : i32
    %ne3A_21 = arith.constant 0 : i32
    %ne3A_22 = arith.cmpi ne, %rem3A, %ne3A_21 : i32
    %and3A = arith.andi %ne3A, %ne3A_22 : i1
    %sub3A_23 = arith.constant 1 : i32
    %sub3A_24 = arith.subi %div3A, %sub3A_23 : i32
    %select_n3A = arith.select %and3A, %sub3A_24, %div3A : i32
    %jit3A_25 = arith.constant 0 : i32
    %jit3A_26 = arith.constant 88 : i32
    %max3A = arith.maxsi %jit3A_25, %select_n3A : i32
    %min3A = arith.minsi %jit3A_26, %max3A : i32
    %gt3A = arith.constant 0 : i32
    %gt3A_27 = arith.cmpi sgt, %min3A, %gt3A : i32
    %convert_element_type3A = arith.extui %gt3A_27 : i1 to i32
    %cond3A = arith.constant 0 : i32
    %cond3A_28 = arith.cmpi ne, %convert_element_type3A, %cond3A : i32
    scf.if %cond3A_28 {
      %mul3A_86 = arith.constant 88 : i32
      %mul3A_87 = arith.muli %add3A, %mul3A_86 : i32
      %add3A_88 = arith.constant 0 : i32
      %add3A_89 = arith.addi %mul3A_87, %add3A_88 : i32
      %dma_start3A = arith.constant 0 : i32
      %dma_start3A_90 = arith.constant 0 : i32
      %dma_start3A_91 = tpu.memref_slice %arg6[%dma_start3A, %dma_start3A_90] : memref<8x128xi32, #tpu.memory_space<vmem>> -> memref<2x128xi32, #tpu.memory_space<vmem>>
      %dma_start3A_92 = arith.constant 0 : i32
      %dma_start3A_93 = arith.constant 0 : i32
      %dma_start3A_94 = tpu.memref_slice %arg3[%add3A_89, %dma_start3A_92, %dma_start3A_93] : memref<2816x2x128xi32, #tpu.memory_space<hbm>> -> memref<1x2x128xi32, #tpu.memory_space<hbm>>
      %dma_start3A_95 = tpu.memref_squeeze %dma_start3A_94 : memref<1x2x128xi32, #tpu.memory_space<hbm>> -> memref<2x128xi32, #tpu.memory_space<hbm>>
      %dma_start3A_96 = arith.constant 0 : i32
      %dma_start3A_97 = arith.constant 0 : i32
      %dma_start3A_98 = tpu.memref_slice %arg6[%dma_start3A_96, %dma_start3A_97] : memref<8x128xi32, #tpu.memory_space<vmem>> -> memref<2x128xi32, #tpu.memory_space<vmem>>
      %dma_start3A_99 = arith.constant 0 : i32
      %dma_start3A_100 = arith.constant 0 : i32
      %dma_start3A_101 = tpu.memref_slice %arg3[%add3A_89, %dma_start3A_99, %dma_start3A_100] : memref<2816x2x128xi32, #tpu.memory_space<hbm>> -> memref<1x2x128xi32, #tpu.memory_space<hbm>>
      %dma_start3A_102 = tpu.memref_squeeze %dma_start3A_101 : memref<1x2x128xi32, #tpu.memory_space<hbm>> -> memref<2x128xi32, #tpu.memory_space<hbm>>
      tpu.enqueue_dma source(%dma_start3A_102 : memref<2x128xi32, #tpu.memory_space<hbm>>) target(%dma_start3A_98 : memref<2x128xi32, #tpu.memory_space<vmem>>) target_semaphore(%arg8 : memref<!tpu.dma_semaphore, #tpu.memory_space<semaphore_mem>>)
    } else {
    }
    %gt3A_29 = arith.constant 1 : i32
    %gt3A_30 = arith.cmpi sgt, %min3A, %gt3A_29 : i32
    %convert_element_type3A_31 = arith.extui %gt3A_30 : i1 to i32
    %cond3A_32 = arith.constant 0 : i32
    %cond3A_33 = arith.cmpi ne, %convert_element_type3A_31, %cond3A_32 : i32
    scf.if %cond3A_33 {
      %mul3A_86 = arith.constant 88 : i32
      %mul3A_87 = arith.muli %add3A, %mul3A_86 : i32
      %add3A_88 = arith.constant 1 : i32
      %add3A_89 = arith.addi %mul3A_87, %add3A_88 : i32
      %dma_start3A = arith.constant 2 : i32
      %dma_start3A_90 = arith.constant 0 : i32
      %dma_start3A_91 = tpu.memref_slice %arg6[%dma_start3A, %dma_start3A_90] : memref<8x128xi32, #tpu.memory_space<vmem>> -> memref<2x128xi32, #tpu.memory_space<vmem>>
      %dma_start3A_92 = arith.constant 0 : i32
      %dma_start3A_93 = arith.constant 0 : i32
      %dma_start3A_94 = tpu.memref_slice %arg3[%add3A_89, %dma_start3A_92, %dma_start3A_93] : memref<2816x2x128xi32, #tpu.memory_space<hbm>> -> memref<1x2x128xi32, #tpu.memory_space<hbm>>
      %dma_start3A_95 = tpu.memref_squeeze %dma_start3A_94 : memref<1x2x128xi32, #tpu.memory_space<hbm>> -> memref<2x128xi32, #tpu.memory_space<hbm>>
      %dma_start3A_96 = arith.constant 2 : i32
      %dma_start3A_97 = arith.constant 0 : i32
      %dma_start3A_98 = tpu.memref_slice %arg6[%dma_start3A_96, %dma_start3A_97] : memref<8x128xi32, #tpu.memory_space<vmem>> -> memref<2x128xi32, #tpu.memory_space<vmem>>
      %dma_start3A_99 = arith.constant 0 : i32
      %dma_start3A_100 = arith.constant 0 : i32
      %dma_start3A_101 = tpu.memref_slice %arg3[%add3A_89, %dma_start3A_99, %dma_start3A_100] : memref<2816x2x128xi32, #tpu.memory_space<hbm>> -> memref<1x2x128xi32, #tpu.memory_space<hbm>>
      %dma_start3A_102 = tpu.memref_squeeze %dma_start3A_101 : memref<1x2x128xi32, #tpu.memory_space<hbm>> -> memref<2x128xi32, #tpu.memory_space<hbm>>
      tpu.enqueue_dma source(%dma_start3A_102 : memref<2x128xi32, #tpu.memory_space<hbm>>) target(%dma_start3A_98 : memref<2x128xi32, #tpu.memory_space<vmem>>) target_semaphore(%arg8 : memref<!tpu.dma_semaphore, #tpu.memory_space<semaphore_mem>>)
    } else {
    }
    %gt3A_34 = arith.constant 2 : i32
    %gt3A_35 = arith.cmpi sgt, %min3A, %gt3A_34 : i32
    %convert_element_type3A_36 = arith.extui %gt3A_35 : i1 to i32
    %cond3A_37 = arith.constant 0 : i32
    %cond3A_38 = arith.cmpi ne, %convert_element_type3A_36, %cond3A_37 : i32
    scf.if %cond3A_38 {
      %mul3A_86 = arith.constant 88 : i32
      %mul3A_87 = arith.muli %add3A, %mul3A_86 : i32
      %add3A_88 = arith.constant 2 : i32
      %add3A_89 = arith.addi %mul3A_87, %add3A_88 : i32
      %dma_start3A = arith.constant 4 : i32
      %dma_start3A_90 = arith.constant 0 : i32
      %dma_start3A_91 = tpu.memref_slice %arg6[%dma_start3A, %dma_start3A_90] : memref<8x128xi32, #tpu.memory_space<vmem>> -> memref<2x128xi32, #tpu.memory_space<vmem>>
      %dma_start3A_92 = arith.constant 0 : i32
      %dma_start3A_93 = arith.constant 0 : i32
      %dma_start3A_94 = tpu.memref_slice %arg3[%add3A_89, %dma_start3A_92, %dma_start3A_93] : memref<2816x2x128xi32, #tpu.memory_space<hbm>> -> memref<1x2x128xi32, #tpu.memory_space<hbm>>
      %dma_start3A_95 = tpu.memref_squeeze %dma_start3A_94 : memref<1x2x128xi32, #tpu.memory_space<hbm>> -> memref<2x128xi32, #tpu.memory_space<hbm>>
      %dma_start3A_96 = arith.constant 4 : i32
      %dma_start3A_97 = arith.constant 0 : i32
      %dma_start3A_98 = tpu.memref_slice %arg6[%dma_start3A_96, %dma_start3A_97] : memref<8x128xi32, #tpu.memory_space<vmem>> -> memref<2x128xi32, #tpu.memory_space<vmem>>
      %dma_start3A_99 = arith.constant 0 : i32
      %dma_start3A_100 = arith.constant 0 : i32
      %dma_start3A_101 = tpu.memref_slice %arg3[%add3A_89, %dma_start3A_99, %dma_start3A_100] : memref<2816x2x128xi32, #tpu.memory_space<hbm>> -> memref<1x2x128xi32, #tpu.memory_space<hbm>>
      %dma_start3A_102 = tpu.memref_squeeze %dma_start3A_101 : memref<1x2x128xi32, #tpu.memory_space<hbm>> -> memref<2x128xi32, #tpu.memory_space<hbm>>
      tpu.enqueue_dma source(%dma_start3A_102 : memref<2x128xi32, #tpu.memory_space<hbm>>) target(%dma_start3A_98 : memref<2x128xi32, #tpu.memory_space<vmem>>) target_semaphore(%arg8 : memref<!tpu.dma_semaphore, #tpu.memory_space<semaphore_mem>>)
    } else {
    }
    %scan3A = arith.constant 0 : i32
    %scan3A_39 = arith.constant 0 : i32
    %scan3A_40 = arith.constant 1024 : i32
    %scan3A_41 = arith.addi %scan3A_39, %scan3A_40 : i32
    %scan3A_42 = arith.constant 1 : i32
    %scan3A_43 = scf.for %scan3A_86 = %scan3A_39 to %scan3A_41 step %scan3A_42 iter_args(%scan3A_87 = %scan3A) -> (i32)  : i32 {
      %broadcast_in_dim3A = arith.constant 0.000000e+00 : f32
      %broadcast_in_dim3A_88 = vector.broadcast %broadcast_in_dim3A : f32 to vector<16xf32>
      %jit3A_89 = arith.constant 8 : i32
      %div3A_90 = arith.divsi %scan3A_86, %jit3A_89 : i32
      %sign3A_91 = arith.constant 0 : i32
      %sign3A_92 = arith.cmpi sgt, %scan3A_86, %sign3A_91 : i32
      %sign3A_93 = arith.extui %sign3A_92 : i1 to i32
      %sign3A_94 = arith.constant 0 : i32
      %sign3A_95 = arith.cmpi slt, %scan3A_86, %sign3A_94 : i32
      %sign3A_96 = arith.extui %sign3A_95 : i1 to i32
      %sign3A_97 = arith.subi %sign3A_93, %sign3A_96 : i32
      %sign3A_98 = arith.constant 0 : i32
      %sign3A_99 = arith.cmpi sgt, %jit3A_89, %sign3A_98 : i32
      %sign3A_100 = arith.extui %sign3A_99 : i1 to i32
      %sign3A_101 = arith.constant 0 : i32
      %sign3A_102 = arith.cmpi slt, %jit3A_89, %sign3A_101 : i32
      %sign3A_103 = arith.extui %sign3A_102 : i1 to i32
      %sign3A_104 = arith.subi %sign3A_100, %sign3A_103 : i32
      %ne3A_105 = arith.cmpi ne, %sign3A_97, %sign3A_104 : i32
      %rem3A_106 = arith.remsi %scan3A_86, %jit3A_89 : i32
      %ne3A_107 = arith.constant 0 : i32
      %ne3A_108 = arith.cmpi ne, %rem3A_106, %ne3A_107 : i32
      %and3A_109 = arith.andi %ne3A_105, %ne3A_108 : i1
      %sub3A_110 = arith.constant 1 : i32
      %sub3A_111 = arith.subi %div3A_90, %sub3A_110 : i32
      %select_n3A_112 = arith.select %and3A_109, %sub3A_111, %div3A_90 : i32
      %jit3A_113 = arith.constant 8 : i32
      %eq3A = arith.constant 0 : i32
      %eq3A_114 = arith.cmpi eq, %jit3A_113, %eq3A : i32
      %jit3A_115 = arith.constant 1 : i32
      %select_n3A_116 = arith.select %eq3A_114, %jit3A_115, %jit3A_113 : i32
      %rem3A_117 = arith.remsi %scan3A_86, %select_n3A_116 : i32
      %ne3A_118 = arith.constant 0 : i32
      %ne3A_119 = arith.cmpi ne, %rem3A_117, %ne3A_118 : i32
      %lt3A = arith.constant 0 : i32
      %lt3A_120 = arith.cmpi slt, %rem3A_117, %lt3A : i32
      %lt3A_121 = arith.constant 0 : i32
      %lt3A_122 = arith.cmpi slt, %select_n3A_116, %lt3A_121 : i32
      %ne3A_123 = arith.xori %lt3A_120, %lt3A_122 : i1
      %and3A_124 = arith.andi %ne3A_123, %ne3A_119 : i1
      %add3A_125 = arith.addi %rem3A_117, %select_n3A_116 : i32
      %select_n3A_126 = arith.select %and3A_124, %add3A_125, %rem3A_117 : i32
      %mul3A_127 = arith.constant 16 : i32
      %mul3A_128 = arith.muli %select_n3A_126, %mul3A_127 : i32
      %swap3A = arith.constant 2 : i32
      %swap3A_129 = arith.index_cast %swap3A : i32 to index
      %swap3A_130 = arith.index_cast %select_n3A_112 : i32 to index
      %swap3A_131 = arith.index_cast %mul3A_128 : i32 to index
      %swap3A_132 = tpu.vector_load %arg7[%swap3A_129, %swap3A_130, %swap3A_131] {strides = array<i32>} : memref<3x128x128xf32, #tpu.memory_space<vmem>>, vector<1x1x16xf32>,
      %swap3A_133 = vector.shape_cast %swap3A_132 : vector<1x1x16xf32> to vector<16xf32>
      %swap3A_134 = vector.shape_cast %broadcast_in_dim3A_88 : vector<16xf32> to vector<1x1x16xf32>
      tpu.vector_store %arg7[%swap3A_129, %swap3A_130, %swap3A_131], %swap3A_134 {strides = array<i32>} : memref<3x128x128xf32, #tpu.memory_space<vmem>>, vector<1x1x16xf32>,
      %scan3A_135 = arith.constant 0 : i32
      scf.yield %scan3A_135 : i32
    }
    %scan3A_44 = arith.constant 1024 : i32
    %scan3A_45 = arith.constant 0 : i32
    %scan3A_46 = arith.constant 0 : i32
    %scan3A_47 = arith.constant 4 : i32
    %scan3A_48 = arith.addi %scan3A_46, %scan3A_47 : i32
    %scan3A_49 = arith.constant 1 : i32
    %scan3A_50 = scf.for %scan3A_86 = %scan3A_46 to %scan3A_48 step %scan3A_49 iter_args(%scan3A_87 = %scan3A_45) -> (i32)  : i32 {
      %mul3A_88 = arith.constant 632 : i32
      %mul3A_89 = arith.muli %arg1, %mul3A_88 : i32
      %mul3A_90 = arith.constant 128 : i32
      %mul3A_91 = arith.muli %scan3A_86, %mul3A_90 : i32
      %add3A_92 = arith.addi %mul3A_89, %mul3A_91 : i32
      %run_scoped3A_93 = arith.constant 2 : i32
      "tpu.region"() ({
        %run_scoped3A_95 = tpu.sem_alloc : memref<!tpu.dma_semaphore, #tpu.memory_space<semaphore_mem>>
        %dma_start3A = arith.constant 0 : i32
        %dma_start3A_96 = arith.constant 0 : i32
        %dma_start3A_97 = tpu.memref_slice %arg7[%run_scoped3A_93, %dma_start3A, %dma_start3A_96] : memref<3x128x128xf32, #tpu.memory_space<vmem>> -> memref<1x128x128xf32, #tpu.memory_space<vmem>>
        %dma_start3A_98 = tpu.memref_squeeze %dma_start3A_97 : memref<1x128x128xf32, #tpu.memory_space<vmem>> -> memref<128x128xf32, #tpu.memory_space<vmem>>
        %dma_start3A_99 = arith.constant 0 : i32
        %dma_start3A_100 = tpu.memref_slice %arg5[%add3A_92, %dma_start3A_99] : memref<10112x128xf32, #tpu.memory_space<vmem_shared>> -> memref<128x128xf32, #tpu.memory_space<vmem_shared>>
        %dma_start3A_101 = arith.constant 0 : i32
        %dma_start3A_102 = tpu.memref_slice %arg5[%add3A_92, %dma_start3A_101] : memref<10112x128xf32, #tpu.memory_space<vmem_shared>> -> memref<128x128xf32, #tpu.memory_space<vmem_shared>>
        %dma_start3A_103 = arith.constant 0 : i32
        %dma_start3A_104 = arith.constant 0 : i32
        %dma_start3A_105 = tpu.memref_slice %arg7[%run_scoped3A_93, %dma_start3A_103, %dma_start3A_104] : memref<3x128x128xf32, #tpu.memory_space<vmem>> -> memref<1x128x128xf32, #tpu.memory_space<vmem>>
        %dma_start3A_106 = tpu.memref_squeeze %dma_start3A_105 : memref<1x128x128xf32, #tpu.memory_space<vmem>> -> memref<128x128xf32, #tpu.memory_space<vmem>>
        tpu.enqueue_dma source(%dma_start3A_106 : memref<128x128xf32, #tpu.memory_space<vmem>>) target(%dma_start3A_102 : memref<128x128xf32, #tpu.memory_space<vmem_shared>>) target_semaphore(%run_scoped3A_95 : memref<!tpu.dma_semaphore, #tpu.memory_space<semaphore_mem>>)
        %dma_wait3A = arith.constant 0 : i32
        %dma_wait3A_107 = arith.constant 0 : i32
        %dma_wait3A_108 = tpu.memref_slice %arg7[%run_scoped3A_93, %dma_wait3A, %dma_wait3A_107] : memref<3x128x128xf32, #tpu.memory_space<vmem>> -> memref<1x128x128xf32, #tpu.memory_space<vmem>>
        %dma_wait3A_109 = tpu.memref_squeeze %dma_wait3A_108 : memref<1x128x128xf32, #tpu.memory_space<vmem>> -> memref<128x128xf32, #tpu.memory_space<vmem>>
        %dma_wait3A_110 = arith.constant 0 : i32
        %dma_wait3A_111 = tpu.memref_slice %arg5[%add3A_92, %dma_wait3A_110] : memref<10112x128xf32, #tpu.memory_space<vmem_shared>> -> memref<128x128xf32, #tpu.memory_space<vmem_shared>>
        %dma_wait3A_112 = arith.constant 0 : i32
        %dma_wait3A_113 = tpu.memref_slice %arg5[%add3A_92, %dma_wait3A_112] : memref<10112x128xf32, #tpu.memory_space<vmem_shared>> -> memref<128x128xf32, #tpu.memory_space<vmem_shared>>
        %dma_wait3A_114 = arith.constant 0 : i32
        %dma_wait3A_115 = arith.constant 0 : i32
        %dma_wait3A_116 = tpu.memref_slice %arg7[%run_scoped3A_93, %dma_wait3A_114, %dma_wait3A_115] : memref<3x128x128xf32, #tpu.memory_space<vmem>> -> memref<1x128x128xf32, #tpu.memory_space<vmem>>
        %dma_wait3A_117 = tpu.memref_squeeze %dma_wait3A_116 : memref<1x128x128xf32, #tpu.memory_space<vmem>> -> memref<128x128xf32, #tpu.memory_space<vmem>>
        tpu.wait_dma2 semaphore(%run_scoped3A_95 : memref<!tpu.dma_semaphore, #tpu.memory_space<semaphore_mem>>) src(%dma_wait3A_117 : memref<128x128xf32, #tpu.memory_space<vmem>>) dst(%dma_wait3A_113 : memref<128x128xf32, #tpu.memory_space<vmem_shared>>)
        tpu.yield
      }) : () -> ()
      %scan3A_94 = arith.constant 0 : i32
      scf.yield %scan3A_94 : i32
    }
    %scan3A_51 = arith.constant 4 : i32
    %mul3A_52 = arith.constant 632 : i32
    %mul3A_53 = arith.muli %arg1, %mul3A_52 : i32
    %add3A_54 = arith.constant 512 : i32
    %add3A_55 = arith.addi %mul3A_53, %add3A_54 : i32
    %run_scoped3A = arith.constant 2 : i32
    "tpu.region"() ({
      %run_scoped3A_86 = tpu.sem_alloc : memref<!tpu.dma_semaphore, #tpu.memory_space<semaphore_mem>>
      %dma_start3A = arith.constant 0 : i32
      %dma_start3A_87 = arith.constant 0 : i32
      %dma_start3A_88 = tpu.memref_slice %arg7[%run_scoped3A, %dma_start3A, %dma_start3A_87] : memref<3x128x128xf32, #tpu.memory_space<vmem>> -> memref<1x120x128xf32, #tpu.memory_space<vmem>>
      %dma_start3A_89 = tpu.memref_squeeze %dma_start3A_88 : memref<1x120x128xf32, #tpu.memory_space<vmem>> -> memref<120x128xf32, #tpu.memory_space<vmem>>
      %dma_start3A_90 = arith.constant 0 : i32
      %dma_start3A_91 = tpu.memref_slice %arg5[%add3A_55, %dma_start3A_90] : memref<10112x128xf32, #tpu.memory_space<vmem_shared>> -> memref<120x128xf32, #tpu.memory_space<vmem_shared>>
      %dma_start3A_92 = arith.constant 0 : i32
      %dma_start3A_93 = tpu.memref_slice %arg5[%add3A_55, %dma_start3A_92] : memref<10112x128xf32, #tpu.memory_space<vmem_shared>> -> memref<120x128xf32, #tpu.memory_space<vmem_shared>>
      %dma_start3A_94 = arith.constant 0 : i32
      %dma_start3A_95 = arith.constant 0 : i32
      %dma_start3A_96 = tpu.memref_slice %arg7[%run_scoped3A, %dma_start3A_94, %dma_start3A_95] : memref<3x128x128xf32, #tpu.memory_space<vmem>> -> memref<1x120x128xf32, #tpu.memory_space<vmem>>
      %dma_start3A_97 = tpu.memref_squeeze %dma_start3A_96 : memref<1x120x128xf32, #tpu.memory_space<vmem>> -> memref<120x128xf32, #tpu.memory_space<vmem>>
      tpu.enqueue_dma source(%dma_start3A_97 : memref<120x128xf32, #tpu.memory_space<vmem>>) target(%dma_start3A_93 : memref<120x128xf32, #tpu.memory_space<vmem_shared>>) target_semaphore(%run_scoped3A_86 : memref<!tpu.dma_semaphore, #tpu.memory_space<semaphore_mem>>)
      %dma_wait3A = arith.constant 0 : i32
      %dma_wait3A_98 = arith.constant 0 : i32
      %dma_wait3A_99 = tpu.memref_slice %arg7[%run_scoped3A, %dma_wait3A, %dma_wait3A_98] : memref<3x128x128xf32, #tpu.memory_space<vmem>> -> memref<1x120x128xf32, #tpu.memory_space<vmem>>
      %dma_wait3A_100 = tpu.memref_squeeze %dma_wait3A_99 : memref<1x120x128xf32, #tpu.memory_space<vmem>> -> memref<120x128xf32, #tpu.memory_space<vmem>>
      %dma_wait3A_101 = arith.constant 0 : i32
      %dma_wait3A_102 = tpu.memref_slice %arg5[%add3A_55, %dma_wait3A_101] : memref<10112x128xf32, #tpu.memory_space<vmem_shared>> -> memref<120x128xf32, #tpu.memory_space<vmem_shared>>
      %dma_wait3A_103 = arith.constant 0 : i32
      %dma_wait3A_104 = tpu.memref_slice %arg5[%add3A_55, %dma_wait3A_103] : memref<10112x128xf32, #tpu.memory_space<vmem_shared>> -> memref<120x128xf32, #tpu.memory_space<vmem_shared>>
      %dma_wait3A_105 = arith.constant 0 : i32
      %dma_wait3A_106 = arith.constant 0 : i32
      %dma_wait3A_107 = tpu.memref_slice %arg7[%run_scoped3A, %dma_wait3A_105, %dma_wait3A_106] : memref<3x128x128xf32, #tpu.memory_space<vmem>> -> memref<1x120x128xf32, #tpu.memory_space<vmem>>
      %dma_wait3A_108 = tpu.memref_squeeze %dma_wait3A_107 : memref<1x120x128xf32, #tpu.memory_space<vmem>> -> memref<120x128xf32, #tpu.memory_space<vmem>>
      tpu.wait_dma2 semaphore(%run_scoped3A_86 : memref<!tpu.dma_semaphore, #tpu.memory_space<semaphore_mem>>) src(%dma_wait3A_108 : memref<120x128xf32, #tpu.memory_space<vmem>>) dst(%dma_wait3A_104 : memref<120x128xf32, #tpu.memory_space<vmem_shared>>)
      tpu.yield
    }) : () -> ()
    %gt3A_56 = arith.constant 0 : i32
    %gt3A_57 = arith.cmpi sgt, %min3A, %gt3A_56 : i32
    %convert_element_type3A_58 = arith.extui %gt3A_57 : i1 to i32
    %cond3A_59 = arith.constant 0 : i32
    %cond3A_60 = arith.cmpi ne, %convert_element_type3A_58, %cond3A_59 : i32
    scf.if %cond3A_60 {
      %mul3A_86 = arith.constant 88 : i32
      %mul3A_87 = arith.muli %add3A, %mul3A_86 : i32
      %add3A_88 = arith.constant 0 : i32
      %add3A_89 = arith.addi %mul3A_87, %add3A_88 : i32
      %dma_wait3A = arith.constant 0 : i32
      %dma_wait3A_90 = arith.constant 0 : i32
      %dma_wait3A_91 = tpu.memref_slice %arg6[%dma_wait3A, %dma_wait3A_90] : memref<8x128xi32, #tpu.memory_space<vmem>> -> memref<2x128xi32, #tpu.memory_space<vmem>>
      %dma_wait3A_92 = arith.constant 0 : i32
      %dma_wait3A_93 = arith.constant 0 : i32
      %dma_wait3A_94 = tpu.memref_slice %arg3[%add3A_89, %dma_wait3A_92, %dma_wait3A_93] : memref<2816x2x128xi32, #tpu.memory_space<hbm>> -> memref<1x2x128xi32, #tpu.memory_space<hbm>>
      %dma_wait3A_95 = tpu.memref_squeeze %dma_wait3A_94 : memref<1x2x128xi32, #tpu.memory_space<hbm>> -> memref<2x128xi32, #tpu.memory_space<hbm>>
      %dma_wait3A_96 = arith.constant 0 : i32
      %dma_wait3A_97 = arith.constant 0 : i32
      %dma_wait3A_98 = tpu.memref_slice %arg6[%dma_wait3A_96, %dma_wait3A_97] : memref<8x128xi32, #tpu.memory_space<vmem>> -> memref<2x128xi32, #tpu.memory_space<vmem>>
      %dma_wait3A_99 = arith.constant 0 : i32
      %dma_wait3A_100 = arith.constant 0 : i32
      %dma_wait3A_101 = tpu.memref_slice %arg3[%add3A_89, %dma_wait3A_99, %dma_wait3A_100] : memref<2816x2x128xi32, #tpu.memory_space<hbm>> -> memref<1x2x128xi32, #tpu.memory_space<hbm>>
      %dma_wait3A_102 = tpu.memref_squeeze %dma_wait3A_101 : memref<1x2x128xi32, #tpu.memory_space<hbm>> -> memref<2x128xi32, #tpu.memory_space<hbm>>
      tpu.wait_dma2 semaphore(%arg8 : memref<!tpu.dma_semaphore, #tpu.memory_space<semaphore_mem>>) src(%dma_wait3A_102 : memref<2x128xi32, #tpu.memory_space<hbm>>) dst(%dma_wait3A_98 : memref<2x128xi32, #tpu.memory_space<vmem>>)
      %dma_start3A = arith.constant 0 : i32
      %dma_start3A_103 = arith.constant 0 : i32
      %dma_start3A_104 = arith.constant 0 : i32
      %dma_start3A_105 = arith.constant 0 : i32
      %dma_start3A_106 = tpu.memref_slice %arg7[%dma_start3A_103, %dma_start3A_104, %dma_start3A_105] : memref<3x128x128xf32, #tpu.memory_space<vmem>> -> memref<1x128x128xf32, #tpu.memory_space<vmem>>
      %dma_start3A_107 = tpu.memref_squeeze %dma_start3A_106 : memref<1x128x128xf32, #tpu.memory_space<vmem>> -> memref<128x128xf32, #tpu.memory_space<vmem>>
      %dma_start3A_108 = arith.constant 0 : i32
      %dma_start3A_109 = tpu.memref_slice %arg6[%dma_start3A, %dma_start3A_108] : memref<8x128xi32, #tpu.memory_space<vmem>> -> memref<1x128xi32, #tpu.memory_space<vmem>>
      %dma_start3A_110 = tpu.memref_squeeze %dma_start3A_109 : memref<1x128xi32, #tpu.memory_space<vmem>> -> memref<128xi32, #tpu.memory_space<vmem>>
      %dma_start3A_111 = arith.constant 0 : i32
      %dma_start3A_112 = arith.constant 0 : i32
      %dma_start3A_113 = tpu.memref_slice %arg2[%dma_start3A_111, %dma_start3A_112] : memref<10000x128xf32, #tpu.memory_space<hbm>> -> memref<10000x128xf32, #tpu.memory_space<hbm>>
      tpu.enqueue_indirect_dma source(%dma_start3A_113 : memref<10000x128xf32, #tpu.memory_space<hbm>>) target(%dma_start3A_107 : memref<128x128xf32, #tpu.memory_space<vmem>>) offsets(%dma_start3A_110 : memref<128xi32, #tpu.memory_space<vmem>>) semaphore(%arg9 : memref<!tpu.dma_semaphore, #tpu.memory_space<semaphore_mem>>)
    } else {
    }
    %gt3A_61 = arith.constant 1 : i32
    %gt3A_62 = arith.cmpi sgt, %min3A, %gt3A_61 : i32
    %convert_element_type3A_63 = arith.extui %gt3A_62 : i1 to i32
    %cond3A_64 = arith.constant 0 : i32
    %cond3A_65 = arith.cmpi ne, %convert_element_type3A_63, %cond3A_64 : i32
    scf.if %cond3A_65 {
      %mul3A_86 = arith.constant 88 : i32
      %mul3A_87 = arith.muli %add3A, %mul3A_86 : i32
      %add3A_88 = arith.constant 1 : i32
      %add3A_89 = arith.addi %mul3A_87, %add3A_88 : i32
      %dma_wait3A = arith.constant 2 : i32
      %dma_wait3A_90 = arith.constant 0 : i32
      %dma_wait3A_91 = tpu.memref_slice %arg6[%dma_wait3A, %dma_wait3A_90] : memref<8x128xi32, #tpu.memory_space<vmem>> -> memref<2x128xi32, #tpu.memory_space<vmem>>
      %dma_wait3A_92 = arith.constant 0 : i32
      %dma_wait3A_93 = arith.constant 0 : i32
      %dma_wait3A_94 = tpu.memref_slice %arg3[%add3A_89, %dma_wait3A_92, %dma_wait3A_93] : memref<2816x2x128xi32, #tpu.memory_space<hbm>> -> memref<1x2x128xi32, #tpu.memory_space<hbm>>
      %dma_wait3A_95 = tpu.memref_squeeze %dma_wait3A_94 : memref<1x2x128xi32, #tpu.memory_space<hbm>> -> memref<2x128xi32, #tpu.memory_space<hbm>>
      %dma_wait3A_96 = arith.constant 2 : i32
      %dma_wait3A_97 = arith.constant 0 : i32
      %dma_wait3A_98 = tpu.memref_slice %arg6[%dma_wait3A_96, %dma_wait3A_97] : memref<8x128xi32, #tpu.memory_space<vmem>> -> memref<2x128xi32, #tpu.memory_space<vmem>>
      %dma_wait3A_99 = arith.constant 0 : i32
      %dma_wait3A_100 = arith.constant 0 : i32
      %dma_wait3A_101 = tpu.memref_slice %arg3[%add3A_89, %dma_wait3A_99, %dma_wait3A_100] : memref<2816x2x128xi32, #tpu.memory_space<hbm>> -> memref<1x2x128xi32, #tpu.memory_space<hbm>>
      %dma_wait3A_102 = tpu.memref_squeeze %dma_wait3A_101 : memref<1x2x128xi32, #tpu.memory_space<hbm>> -> memref<2x128xi32, #tpu.memory_space<hbm>>
      tpu.wait_dma2 semaphore(%arg8 : memref<!tpu.dma_semaphore, #tpu.memory_space<semaphore_mem>>) src(%dma_wait3A_102 : memref<2x128xi32, #tpu.memory_space<hbm>>) dst(%dma_wait3A_98 : memref<2x128xi32, #tpu.memory_space<vmem>>)
      %dma_start3A = arith.constant 2 : i32
      %dma_start3A_103 = arith.constant 1 : i32
      %dma_start3A_104 = arith.constant 0 : i32
      %dma_start3A_105 = arith.constant 0 : i32
      %dma_start3A_106 = tpu.memref_slice %arg7[%dma_start3A_103, %dma_start3A_104, %dma_start3A_105] : memref<3x128x128xf32, #tpu.memory_space<vmem>> -> memref<1x128x128xf32, #tpu.memory_space<vmem>>
      %dma_start3A_107 = tpu.memref_squeeze %dma_start3A_106 : memref<1x128x128xf32, #tpu.memory_space<vmem>> -> memref<128x128xf32, #tpu.memory_space<vmem>>
      %dma_start3A_108 = arith.constant 0 : i32
      %dma_start3A_109 = tpu.memref_slice %arg6[%dma_start3A, %dma_start3A_108] : memref<8x128xi32, #tpu.memory_space<vmem>> -> memref<1x128xi32, #tpu.memory_space<vmem>>
      %dma_start3A_110 = tpu.memref_squeeze %dma_start3A_109 : memref<1x128xi32, #tpu.memory_space<vmem>> -> memref<128xi32, #tpu.memory_space<vmem>>
      %dma_start3A_111 = arith.constant 0 : i32
      %dma_start3A_112 = arith.constant 0 : i32
      %dma_start3A_113 = tpu.memref_slice %arg2[%dma_start3A_111, %dma_start3A_112] : memref<10000x128xf32, #tpu.memory_space<hbm>> -> memref<10000x128xf32, #tpu.memory_space<hbm>>
      tpu.enqueue_indirect_dma source(%dma_start3A_113 : memref<10000x128xf32, #tpu.memory_space<hbm>>) target(%dma_start3A_107 : memref<128x128xf32, #tpu.memory_space<vmem>>) offsets(%dma_start3A_110 : memref<128xi32, #tpu.memory_space<vmem>>) semaphore(%arg9 : memref<!tpu.dma_semaphore, #tpu.memory_space<semaphore_mem>>)
    } else {
    }
    %barrier3A = arith.constant 0 : index
    tpu.barrier barrier_id(%barrier3A)
    %while3A = arith.constant 0 : i32
    %while3A_66 = arith.constant 0 : i32
    %while3A_67 = arith.subi %min3A, %while3A : i32
    %while3A_68 = arith.addi %while3A, %while3A_67 : i32
    %while3A_69 = arith.constant 1 : i32
    %while3A_70 = arith.divsi %while3A_67, %while3A_69 : i32
    %while3A_71 = arith.muli %while3A_70, %while3A_69 : i32
    %while3A_72 = arith.addi %while3A, %while3A_71 : i32
    %while3A_73 = arith.constant 1 : i32
    %while3A_74 = scf.for %while3A_86 = %while3A to %while3A_72 step %while3A_73 iter_args(%while3A_87 = %while3A_66) -> (i32)  : i32 {
      %jit3A_88 = arith.constant 4 : i32
      %eq3A = arith.constant 0 : i32
      %eq3A_89 = arith.cmpi eq, %jit3A_88, %eq3A : i32
      %jit3A_90 = arith.constant 1 : i32
      %select_n3A_91 = arith.select %eq3A_89, %jit3A_90, %jit3A_88 : i32
      %rem3A_92 = arith.remsi %while3A_86, %select_n3A_91 : i32
      %ne3A_93 = arith.constant 0 : i32
      %ne3A_94 = arith.cmpi ne, %rem3A_92, %ne3A_93 : i32
      %lt3A = arith.constant 0 : i32
      %lt3A_95 = arith.cmpi slt, %rem3A_92, %lt3A : i32
      %lt3A_96 = arith.constant 0 : i32
      %lt3A_97 = arith.cmpi slt, %select_n3A_91, %lt3A_96 : i32
      %ne3A_98 = arith.xori %lt3A_95, %lt3A_97 : i1
      %and3A_99 = arith.andi %ne3A_98, %ne3A_94 : i1
      %add3A_100 = arith.addi %rem3A_92, %select_n3A_91 : i32
      %select_n3A_101 = arith.select %and3A_99, %add3A_100, %rem3A_92 : i32
      %mul3A_102 = arith.constant 2 : i32
      %mul3A_103 = arith.muli %select_n3A_101, %mul3A_102 : i32
      %jit3A_104 = arith.constant 3 : i32
      %eq3A_105 = arith.constant 0 : i32
      %eq3A_106 = arith.cmpi eq, %jit3A_104, %eq3A_105 : i32
      %jit3A_107 = arith.constant 1 : i32
      %select_n3A_108 = arith.select %eq3A_106, %jit3A_107, %jit3A_104 : i32
      %rem3A_109 = arith.remsi %while3A_86, %select_n3A_108 : i32
      %ne3A_110 = arith.constant 0 : i32
      %ne3A_111 = arith.cmpi ne, %rem3A_109, %ne3A_110 : i32
      %lt3A_112 = arith.constant 0 : i32
      %lt3A_113 = arith.cmpi slt, %rem3A_109, %lt3A_112 : i32
      %lt3A_114 = arith.constant 0 : i32
      %lt3A_115 = arith.cmpi slt, %select_n3A_108, %lt3A_114 : i32
      %ne3A_116 = arith.xori %lt3A_113, %lt3A_115 : i1
      %and3A_117 = arith.andi %ne3A_116, %ne3A_111 : i1
      %add3A_118 = arith.addi %rem3A_109, %select_n3A_108 : i32
      %select_n3A_119 = arith.select %and3A_117, %add3A_118, %rem3A_109 : i32
      %dma_wait3A = arith.constant 0 : i32
      %dma_wait3A_120 = arith.constant 0 : i32
      %dma_wait3A_121 = tpu.memref_slice %arg7[%select_n3A_119, %dma_wait3A, %dma_wait3A_120] : memref<3x128x128xf32, #tpu.memory_space<vmem>> -> memref<1x128x128xf32, #tpu.memory_space<vmem>>
      %dma_wait3A_122 = tpu.memref_squeeze %dma_wait3A_121 : memref<1x128x128xf32, #tpu.memory_space<vmem>> -> memref<128x128xf32, #tpu.memory_space<vmem>>
      %dma_wait3A_123 = arith.constant 0 : i32
      %dma_wait3A_124 = tpu.memref_slice %arg6[%mul3A_103, %dma_wait3A_123] : memref<8x128xi32, #tpu.memory_space<vmem>> -> memref<1x128xi32, #tpu.memory_space<vmem>>
      %dma_wait3A_125 = tpu.memref_squeeze %dma_wait3A_124 : memref<1x128xi32, #tpu.memory_space<vmem>> -> memref<128xi32, #tpu.memory_space<vmem>>
      %dma_wait3A_126 = arith.constant 0 : i32
      %dma_wait3A_127 = arith.constant 0 : i32
      %dma_wait3A_128 = tpu.memref_slice %arg2[%dma_wait3A_126, %dma_wait3A_127] : memref<10000x128xf32, #tpu.memory_space<hbm>> -> memref<10000x128xf32, #tpu.memory_space<hbm>>
      tpu.wait_indirect_dma semaphore(%arg9 : memref<!tpu.dma_semaphore, #tpu.memory_space<semaphore_mem>>) src(%dma_wait3A_128 : memref<10000x128xf32, #tpu.memory_space<hbm>>) dst(%dma_wait3A_122 : memref<128x128xf32, #tpu.memory_space<vmem>>)
      %jit3A_129 = arith.constant 3 : i32
      %eq3A_130 = arith.constant 0 : i32
      %eq3A_131 = arith.cmpi eq, %jit3A_129, %eq3A_130 : i32
      %jit3A_132 = arith.constant 1 : i32
      %select_n3A_133 = arith.select %eq3A_131, %jit3A_132, %jit3A_129 : i32
      %rem3A_134 = arith.remsi %while3A_86, %select_n3A_133 : i32
      %ne3A_135 = arith.constant 0 : i32
      %ne3A_136 = arith.cmpi ne, %rem3A_134, %ne3A_135 : i32
      %lt3A_137 = arith.constant 0 : i32
      %lt3A_138 = arith.cmpi slt, %rem3A_134, %lt3A_137 : i32
      %lt3A_139 = arith.constant 0 : i32
      %lt3A_140 = arith.cmpi slt, %select_n3A_133, %lt3A_139 : i32
      %ne3A_141 = arith.xori %lt3A_138, %lt3A_140 : i1
      %and3A_142 = arith.andi %ne3A_141, %ne3A_136 : i1
      %add3A_143 = arith.addi %rem3A_134, %select_n3A_133 : i32
      %select_n3A_144 = arith.select %and3A_142, %add3A_143, %rem3A_134 : i32
      %jit3A_145 = arith.constant 4 : i32
      %eq3A_146 = arith.constant 0 : i32
      %eq3A_147 = arith.cmpi eq, %jit3A_145, %eq3A_146 : i32
      %jit3A_148 = arith.constant 1 : i32
      %select_n3A_149 = arith.select %eq3A_147, %jit3A_148, %jit3A_145 : i32
      %rem3A_150 = arith.remsi %while3A_86, %select_n3A_149 : i32
      %ne3A_151 = arith.constant 0 : i32
      %ne3A_152 = arith.cmpi ne, %rem3A_150, %ne3A_151 : i32
      %lt3A_153 = arith.constant 0 : i32
      %lt3A_154 = arith.cmpi slt, %rem3A_150, %lt3A_153 : i32
      %lt3A_155 = arith.constant 0 : i32
      %lt3A_156 = arith.cmpi slt, %select_n3A_149, %lt3A_155 : i32
      %ne3A_157 = arith.xori %lt3A_154, %lt3A_156 : i1
      %and3A_158 = arith.andi %ne3A_157, %ne3A_152 : i1
      %add3A_159 = arith.addi %rem3A_150, %select_n3A_149 : i32
      %select_n3A_160 = arith.select %and3A_158, %add3A_159, %rem3A_150 : i32
      %mul3A_161 = arith.constant 2 : i32
      %mul3A_162 = arith.muli %select_n3A_160, %mul3A_161 : i32
      %add3A_163 = arith.constant 1 : i32
      %add3A_164 = arith.addi %mul3A_162, %add3A_163 : i32
      %dma_start3A = arith.constant 0 : i32
      %dma_start3A_165 = arith.constant 0 : i32
      %dma_start3A_166 = tpu.memref_slice %arg7[%select_n3A_144, %dma_start3A, %dma_start3A_165] : memref<3x128x128xf32, #tpu.memory_space<vmem>> -> memref<1x128x128xf32, #tpu.memory_space<vmem>>
      %dma_start3A_167 = tpu.memref_squeeze %dma_start3A_166 : memref<1x128x128xf32, #tpu.memory_space<vmem>> -> memref<128x128xf32, #tpu.memory_space<vmem>>
      %dma_start3A_168 = arith.constant 0 : i32
      %dma_start3A_169 = tpu.memref_slice %arg6[%add3A_164, %dma_start3A_168] : memref<8x128xi32, #tpu.memory_space<vmem>> -> memref<1x128xi32, #tpu.memory_space<vmem>>
      %dma_start3A_170 = tpu.memref_squeeze %dma_start3A_169 : memref<1x128xi32, #tpu.memory_space<vmem>> -> memref<128xi32, #tpu.memory_space<vmem>>
      %dma_start3A_171 = arith.constant 0 : i32
      %dma_start3A_172 = arith.constant 0 : i32
      %dma_start3A_173 = tpu.memref_slice %arg5[%dma_start3A_171, %dma_start3A_172] : memref<10112x128xf32, #tpu.memory_space<vmem_shared>> -> memref<10112x128xf32, #tpu.memory_space<vmem_shared>>
      tpu.enqueue_indirect_dma source(%dma_start3A_167 : memref<128x128xf32, #tpu.memory_space<vmem>>) target(%dma_start3A_173 : memref<10112x128xf32, #tpu.memory_space<vmem_shared>>) offsets(%dma_start3A_170 : memref<128xi32, #tpu.memory_space<vmem>>) semaphore(%arg10 : memref<!tpu.dma_semaphore, #tpu.memory_space<semaphore_mem>>) {add = true}
      %ge3A_174 = arith.constant 1 : i32
      %ge3A_175 = arith.cmpi sge, %while3A_86, %ge3A_174 : i32
      %convert_element_type3A_176 = arith.extui %ge3A_175 : i1 to i32
      %cond3A_177 = arith.constant 0 : i32
      %cond3A_178 = arith.cmpi ne, %convert_element_type3A_176, %cond3A_177 : i32
      scf.if %cond3A_178 {
        %sub3A_192 = arith.constant 1 : i32
        %sub3A_193 = arith.subi %while3A_86, %sub3A_192 : i32
        %jit3A_194 = arith.constant 3 : i32
        %eq3A_195 = arith.constant 0 : i32
        %eq3A_196 = arith.cmpi eq, %jit3A_194, %eq3A_195 : i32
        %jit3A_197 = arith.constant 1 : i32
        %select_n3A_198 = arith.select %eq3A_196, %jit3A_197, %jit3A_194 : i32
        %rem3A_199 = arith.remsi %sub3A_193, %select_n3A_198 : i32
        %ne3A_200 = arith.constant 0 : i32
        %ne3A_201 = arith.cmpi ne, %rem3A_199, %ne3A_200 : i32
        %lt3A_202 = arith.constant 0 : i32
        %lt3A_203 = arith.cmpi slt, %rem3A_199, %lt3A_202 : i32
        %lt3A_204 = arith.constant 0 : i32
        %lt3A_205 = arith.cmpi slt, %select_n3A_198, %lt3A_204 : i32
        %ne3A_206 = arith.xori %lt3A_203, %lt3A_205 : i1
        %and3A_207 = arith.andi %ne3A_206, %ne3A_201 : i1
        %add3A_208 = arith.addi %rem3A_199, %select_n3A_198 : i32
        %select_n3A_209 = arith.select %and3A_207, %add3A_208, %rem3A_199 : i32
        %jit3A_210 = arith.constant 4 : i32
        %eq3A_211 = arith.constant 0 : i32
        %eq3A_212 = arith.cmpi eq, %jit3A_210, %eq3A_211 : i32
        %jit3A_213 = arith.constant 1 : i32
        %select_n3A_214 = arith.select %eq3A_212, %jit3A_213, %jit3A_210 : i32
        %rem3A_215 = arith.remsi %sub3A_193, %select_n3A_214 : i32
        %ne3A_216 = arith.constant 0 : i32
        %ne3A_217 = arith.cmpi ne, %rem3A_215, %ne3A_216 : i32
        %lt3A_218 = arith.constant 0 : i32
        %lt3A_219 = arith.cmpi slt, %rem3A_215, %lt3A_218 : i32
        %lt3A_220 = arith.constant 0 : i32
        %lt3A_221 = arith.cmpi slt, %select_n3A_214, %lt3A_220 : i32
        %ne3A_222 = arith.xori %lt3A_219, %lt3A_221 : i1
        %and3A_223 = arith.andi %ne3A_222, %ne3A_217 : i1
        %add3A_224 = arith.addi %rem3A_215, %select_n3A_214 : i32
        %select_n3A_225 = arith.select %and3A_223, %add3A_224, %rem3A_215 : i32
        %mul3A_226 = arith.constant 2 : i32
        %mul3A_227 = arith.muli %select_n3A_225, %mul3A_226 : i32
        %add3A_228 = arith.constant 1 : i32
        %add3A_229 = arith.addi %mul3A_227, %add3A_228 : i32
        %dma_wait3A_230 = arith.constant 0 : i32
        %dma_wait3A_231 = arith.constant 0 : i32
        %dma_wait3A_232 = tpu.memref_slice %arg7[%select_n3A_209, %dma_wait3A_230, %dma_wait3A_231] : memref<3x128x128xf32, #tpu.memory_space<vmem>> -> memref<1x128x128xf32, #tpu.memory_space<vmem>>
        %dma_wait3A_233 = tpu.memref_squeeze %dma_wait3A_232 : memref<1x128x128xf32, #tpu.memory_space<vmem>> -> memref<128x128xf32, #tpu.memory_space<vmem>>
        %dma_wait3A_234 = arith.constant 0 : i32
        %dma_wait3A_235 = tpu.memref_slice %arg6[%add3A_229, %dma_wait3A_234] : memref<8x128xi32, #tpu.memory_space<vmem>> -> memref<1x128xi32, #tpu.memory_space<vmem>>
        %dma_wait3A_236 = tpu.memref_squeeze %dma_wait3A_235 : memref<1x128xi32, #tpu.memory_space<vmem>> -> memref<128xi32, #tpu.memory_space<vmem>>
        %dma_wait3A_237 = arith.constant 0 : i32
        %dma_wait3A_238 = arith.constant 0 : i32
        %dma_wait3A_239 = tpu.memref_slice %arg5[%dma_wait3A_237, %dma_wait3A_238] : memref<10112x128xf32, #tpu.memory_space<vmem_shared>> -> memref<10112x128xf32, #tpu.memory_space<vmem_shared>>
        tpu.wait_indirect_dma semaphore(%arg10 : memref<!tpu.dma_semaphore, #tpu.memory_space<semaphore_mem>>) src(%dma_wait3A_233 : memref<128x128xf32, #tpu.memory_space<vmem>>) dst(%dma_wait3A_239 : memref<10112x128xf32, #tpu.memory_space<vmem_shared>>)
      } else {
      }
      %add3A_179 = arith.constant 2 : i32
      %add3A_180 = arith.addi %while3A_86, %add3A_179 : i32
      %lt3A_181 = arith.cmpi slt, %add3A_180, %min3A : i32
      %convert_element_type3A_182 = arith.extui %lt3A_181 : i1 to i32
      %cond3A_183 = arith.constant 0 : i32
      %cond3A_184 = arith.cmpi ne, %convert_element_type3A_182, %cond3A_183 : i32
      scf.if %cond3A_184 {
        %add3A_192 = arith.constant 2 : i32
        %add3A_193 = arith.addi %while3A_86, %add3A_192 : i32
        %mul3A_194 = arith.constant 88 : i32
        %mul3A_195 = arith.muli %add3A, %mul3A_194 : i32
        %add3A_196 = arith.addi %mul3A_195, %add3A_193 : i32
        %jit3A_197 = arith.constant 4 : i32
        %eq3A_198 = arith.constant 0 : i32
        %eq3A_199 = arith.cmpi eq, %jit3A_197, %eq3A_198 : i32
        %jit3A_200 = arith.constant 1 : i32
        %select_n3A_201 = arith.select %eq3A_199, %jit3A_200, %jit3A_197 : i32
        %rem3A_202 = arith.remsi %add3A_193, %select_n3A_201 : i32
        %ne3A_203 = arith.constant 0 : i32
        %ne3A_204 = arith.cmpi ne, %rem3A_202, %ne3A_203 : i32
        %lt3A_205 = arith.constant 0 : i32
        %lt3A_206 = arith.cmpi slt, %rem3A_202, %lt3A_205 : i32
        %lt3A_207 = arith.constant 0 : i32
        %lt3A_208 = arith.cmpi slt, %select_n3A_201, %lt3A_207 : i32
        %ne3A_209 = arith.xori %lt3A_206, %lt3A_208 : i1
        %and3A_210 = arith.andi %ne3A_209, %ne3A_204 : i1
        %add3A_211 = arith.addi %rem3A_202, %select_n3A_201 : i32
        %select_n3A_212 = arith.select %and3A_210, %add3A_211, %rem3A_202 : i32
        %mul3A_213 = arith.constant 2 : i32
        %mul3A_214 = arith.muli %select_n3A_212, %mul3A_213 : i32
        %dma_wait3A_215 = arith.constant 0 : i32
        %dma_wait3A_216 = tpu.memref_slice %arg6[%mul3A_214, %dma_wait3A_215] : memref<8x128xi32, #tpu.memory_space<vmem>> -> memref<2x128xi32, #tpu.memory_space<vmem>>
        %dma_wait3A_217 = arith.constant 0 : i32
        %dma_wait3A_218 = arith.constant 0 : i32
        %dma_wait3A_219 = tpu.memref_slice %arg3[%add3A_196, %dma_wait3A_217, %dma_wait3A_218] : memref<2816x2x128xi32, #tpu.memory_space<hbm>> -> memref<1x2x128xi32, #tpu.memory_space<hbm>>
        %dma_wait3A_220 = tpu.memref_squeeze %dma_wait3A_219 : memref<1x2x128xi32, #tpu.memory_space<hbm>> -> memref<2x128xi32, #tpu.memory_space<hbm>>
        %dma_wait3A_221 = arith.constant 0 : i32
        %dma_wait3A_222 = tpu.memref_slice %arg6[%mul3A_214, %dma_wait3A_221] : memref<8x128xi32, #tpu.memory_space<vmem>> -> memref<2x128xi32, #tpu.memory_space<vmem>>
        %dma_wait3A_223 = arith.constant 0 : i32
        %dma_wait3A_224 = arith.constant 0 : i32
        %dma_wait3A_225 = tpu.memref_slice %arg3[%add3A_196, %dma_wait3A_223, %dma_wait3A_224] : memref<2816x2x128xi32, #tpu.memory_space<hbm>> -> memref<1x2x128xi32, #tpu.memory_space<hbm>>
        %dma_wait3A_226 = tpu.memref_squeeze %dma_wait3A_225 : memref<1x2x128xi32, #tpu.memory_space<hbm>> -> memref<2x128xi32, #tpu.memory_space<hbm>>
        tpu.wait_dma2 semaphore(%arg8 : memref<!tpu.dma_semaphore, #tpu.memory_space<semaphore_mem>>) src(%dma_wait3A_226 : memref<2x128xi32, #tpu.memory_space<hbm>>) dst(%dma_wait3A_222 : memref<2x128xi32, #tpu.memory_space<vmem>>)
        %add3A_227 = arith.constant 2 : i32
        %add3A_228 = arith.addi %while3A_86, %add3A_227 : i32
        %jit3A_229 = arith.constant 4 : i32
        %eq3A_230 = arith.constant 0 : i32
        %eq3A_231 = arith.cmpi eq, %jit3A_229, %eq3A_230 : i32
        %jit3A_232 = arith.constant 1 : i32
        %select_n3A_233 = arith.select %eq3A_231, %jit3A_232, %jit3A_229 : i32
        %rem3A_234 = arith.remsi %add3A_228, %select_n3A_233 : i32
        %ne3A_235 = arith.constant 0 : i32
        %ne3A_236 = arith.cmpi ne, %rem3A_234, %ne3A_235 : i32
        %lt3A_237 = arith.constant 0 : i32
        %lt3A_238 = arith.cmpi slt, %rem3A_234, %lt3A_237 : i32
        %lt3A_239 = arith.constant 0 : i32
        %lt3A_240 = arith.cmpi slt, %select_n3A_233, %lt3A_239 : i32
        %ne3A_241 = arith.xori %lt3A_238, %lt3A_240 : i1
        %and3A_242 = arith.andi %ne3A_241, %ne3A_236 : i1
        %add3A_243 = arith.addi %rem3A_234, %select_n3A_233 : i32
        %select_n3A_244 = arith.select %and3A_242, %add3A_243, %rem3A_234 : i32
        %mul3A_245 = arith.constant 2 : i32
        %mul3A_246 = arith.muli %select_n3A_244, %mul3A_245 : i32
        %jit3A_247 = arith.constant 3 : i32
        %eq3A_248 = arith.constant 0 : i32
        %eq3A_249 = arith.cmpi eq, %jit3A_247, %eq3A_248 : i32
        %jit3A_250 = arith.constant 1 : i32
        %select_n3A_251 = arith.select %eq3A_249, %jit3A_250, %jit3A_247 : i32
        %rem3A_252 = arith.remsi %add3A_228, %select_n3A_251 : i32
        %ne3A_253 = arith.constant 0 : i32
        %ne3A_254 = arith.cmpi ne, %rem3A_252, %ne3A_253 : i32
        %lt3A_255 = arith.constant 0 : i32
        %lt3A_256 = arith.cmpi slt, %rem3A_252, %lt3A_255 : i32
        %lt3A_257 = arith.constant 0 : i32
        %lt3A_258 = arith.cmpi slt, %select_n3A_251, %lt3A_257 : i32
        %ne3A_259 = arith.xori %lt3A_256, %lt3A_258 : i1
        %and3A_260 = arith.andi %ne3A_259, %ne3A_254 : i1
        %add3A_261 = arith.addi %rem3A_252, %select_n3A_251 : i32
        %select_n3A_262 = arith.select %and3A_260, %add3A_261, %rem3A_252 : i32
        %dma_start3A_263 = arith.constant 0 : i32
        %dma_start3A_264 = arith.constant 0 : i32
        %dma_start3A_265 = tpu.memref_slice %arg7[%select_n3A_262, %dma_start3A_263, %dma_start3A_264] : memref<3x128x128xf32, #tpu.memory_space<vmem>> -> memref<1x128x128xf32, #tpu.memory_space<vmem>>
        %dma_start3A_266 = tpu.memref_squeeze %dma_start3A_265 : memref<1x128x128xf32, #tpu.memory_space<vmem>> -> memref<128x128xf32, #tpu.memory_space<vmem>>
        %dma_start3A_267 = arith.constant 0 : i32
        %dma_start3A_268 = tpu.memref_slice %arg6[%mul3A_246, %dma_start3A_267] : memref<8x128xi32, #tpu.memory_space<vmem>> -> memref<1x128xi32, #tpu.memory_space<vmem>>
        %dma_start3A_269 = tpu.memref_squeeze %dma_start3A_268 : memref<1x128xi32, #tpu.memory_space<vmem>> -> memref<128xi32, #tpu.memory_space<vmem>>
        %dma_start3A_270 = arith.constant 0 : i32
        %dma_start3A_271 = arith.constant 0 : i32
        %dma_start3A_272 = tpu.memref_slice %arg2[%dma_start3A_270, %dma_start3A_271] : memref<10000x128xf32, #tpu.memory_space<hbm>> -> memref<10000x128xf32, #tpu.memory_space<hbm>>
        tpu.enqueue_indirect_dma source(%dma_start3A_272 : memref<10000x128xf32, #tpu.memory_space<hbm>>) target(%dma_start3A_266 : memref<128x128xf32, #tpu.memory_space<vmem>>) offsets(%dma_start3A_269 : memref<128xi32, #tpu.memory_space<vmem>>) semaphore(%arg9 : memref<!tpu.dma_semaphore, #tpu.memory_space<semaphore_mem>>)
      } else {
      }
      %add3A_185 = arith.constant 3 : i32
      %add3A_186 = arith.addi %while3A_86, %add3A_185 : i32
      %lt3A_187 = arith.cmpi slt, %add3A_186, %min3A : i32
      %convert_element_type3A_188 = arith.extui %lt3A_187 : i1 to i32
      %cond3A_189 = arith.constant 0 : i32
      %cond3A_190 = arith.cmpi ne, %convert_element_type3A_188, %cond3A_189 : i32
      scf.if %cond3A_190 {
        %add3A_192 = arith.constant 3 : i32
        %add3A_193 = arith.addi %while3A_86, %add3A_192 : i32
        %mul3A_194 = arith.constant 88 : i32
        %mul3A_195 = arith.muli %add3A, %mul3A_194 : i32
        %add3A_196 = arith.addi %mul3A_195, %add3A_193 : i32
        %jit3A_197 = arith.constant 4 : i32
        %eq3A_198 = arith.constant 0 : i32
        %eq3A_199 = arith.cmpi eq, %jit3A_197, %eq3A_198 : i32
        %jit3A_200 = arith.constant 1 : i32
        %select_n3A_201 = arith.select %eq3A_199, %jit3A_200, %jit3A_197 : i32
        %rem3A_202 = arith.remsi %add3A_193, %select_n3A_201 : i32
        %ne3A_203 = arith.constant 0 : i32
        %ne3A_204 = arith.cmpi ne, %rem3A_202, %ne3A_203 : i32
        %lt3A_205 = arith.constant 0 : i32
        %lt3A_206 = arith.cmpi slt, %rem3A_202, %lt3A_205 : i32
        %lt3A_207 = arith.constant 0 : i32
        %lt3A_208 = arith.cmpi slt, %select_n3A_201, %lt3A_207 : i32
        %ne3A_209 = arith.xori %lt3A_206, %lt3A_208 : i1
        %and3A_210 = arith.andi %ne3A_209, %ne3A_204 : i1
        %add3A_211 = arith.addi %rem3A_202, %select_n3A_201 : i32
        %select_n3A_212 = arith.select %and3A_210, %add3A_211, %rem3A_202 : i32
        %mul3A_213 = arith.constant 2 : i32
        %mul3A_214 = arith.muli %select_n3A_212, %mul3A_213 : i32
        %dma_start3A_215 = arith.constant 0 : i32
        %dma_start3A_216 = tpu.memref_slice %arg6[%mul3A_214, %dma_start3A_215] : memref<8x128xi32, #tpu.memory_space<vmem>> -> memref<2x128xi32, #tpu.memory_space<vmem>>
        %dma_start3A_217 = arith.constant 0 : i32
        %dma_start3A_218 = arith.constant 0 : i32
        %dma_start3A_219 = tpu.memref_slice %arg3[%add3A_196, %dma_start3A_217, %dma_start3A_218] : memref<2816x2x128xi32, #tpu.memory_space<hbm>> -> memref<1x2x128xi32, #tpu.memory_space<hbm>>
        %dma_start3A_220 = tpu.memref_squeeze %dma_start3A_219 : memref<1x2x128xi32, #tpu.memory_space<hbm>> -> memref<2x128xi32, #tpu.memory_space<hbm>>
        %dma_start3A_221 = arith.constant 0 : i32
        %dma_start3A_222 = tpu.memref_slice %arg6[%mul3A_214, %dma_start3A_221] : memref<8x128xi32, #tpu.memory_space<vmem>> -> memref<2x128xi32, #tpu.memory_space<vmem>>
        %dma_start3A_223 = arith.constant 0 : i32
        %dma_start3A_224 = arith.constant 0 : i32
        %dma_start3A_225 = tpu.memref_slice %arg3[%add3A_196, %dma_start3A_223, %dma_start3A_224] : memref<2816x2x128xi32, #tpu.memory_space<hbm>> -> memref<1x2x128xi32, #tpu.memory_space<hbm>>
        %dma_start3A_226 = tpu.memref_squeeze %dma_start3A_225 : memref<1x2x128xi32, #tpu.memory_space<hbm>> -> memref<2x128xi32, #tpu.memory_space<hbm>>
        tpu.enqueue_dma source(%dma_start3A_226 : memref<2x128xi32, #tpu.memory_space<hbm>>) target(%dma_start3A_222 : memref<2x128xi32, #tpu.memory_space<vmem>>) target_semaphore(%arg8 : memref<!tpu.dma_semaphore, #tpu.memory_space<semaphore_mem>>)
      } else {
      }
      %while3A_191 = arith.constant 0 : i32
      scf.yield %while3A_191 : i32
    }
    %while3A_75 = arith.constant 1 : i32
    %while3A_76 = scf.for %while3A_86 = %while3A_72 to %while3A_68 step %while3A_75 iter_args(%while3A_87 = %while3A_74) -> (i32)  : i32 {
      %jit3A_88 = arith.constant 4 : i32
      %eq3A = arith.constant 0 : i32
      %eq3A_89 = arith.cmpi eq, %jit3A_88, %eq3A : i32
      %jit3A_90 = arith.constant 1 : i32
      %select_n3A_91 = arith.select %eq3A_89, %jit3A_90, %jit3A_88 : i32
      %rem3A_92 = arith.remsi %while3A_86, %select_n3A_91 : i32
      %ne3A_93 = arith.constant 0 : i32
      %ne3A_94 = arith.cmpi ne, %rem3A_92, %ne3A_93 : i32
      %lt3A = arith.constant 0 : i32
      %lt3A_95 = arith.cmpi slt, %rem3A_92, %lt3A : i32
      %lt3A_96 = arith.constant 0 : i32
      %lt3A_97 = arith.cmpi slt, %select_n3A_91, %lt3A_96 : i32
      %ne3A_98 = arith.xori %lt3A_95, %lt3A_97 : i1
      %and3A_99 = arith.andi %ne3A_98, %ne3A_94 : i1
      %add3A_100 = arith.addi %rem3A_92, %select_n3A_91 : i32
      %select_n3A_101 = arith.select %and3A_99, %add3A_100, %rem3A_92 : i32
      %mul3A_102 = arith.constant 2 : i32
      %mul3A_103 = arith.muli %select_n3A_101, %mul3A_102 : i32
      %jit3A_104 = arith.constant 3 : i32
      %eq3A_105 = arith.constant 0 : i32
      %eq3A_106 = arith.cmpi eq, %jit3A_104, %eq3A_105 : i32
      %jit3A_107 = arith.constant 1 : i32
      %select_n3A_108 = arith.select %eq3A_106, %jit3A_107, %jit3A_104 : i32
      %rem3A_109 = arith.remsi %while3A_86, %select_n3A_108 : i32
      %ne3A_110 = arith.constant 0 : i32
      %ne3A_111 = arith.cmpi ne, %rem3A_109, %ne3A_110 : i32
      %lt3A_112 = arith.constant 0 : i32
      %lt3A_113 = arith.cmpi slt, %rem3A_109, %lt3A_112 : i32
      %lt3A_114 = arith.constant 0 : i32
      %lt3A_115 = arith.cmpi slt, %select_n3A_108, %lt3A_114 : i32
      %ne3A_116 = arith.xori %lt3A_113, %lt3A_115 : i1
      %and3A_117 = arith.andi %ne3A_116, %ne3A_111 : i1
      %add3A_118 = arith.addi %rem3A_109, %select_n3A_108 : i32
      %select_n3A_119 = arith.select %and3A_117, %add3A_118, %rem3A_109 : i32
      %dma_wait3A = arith.constant 0 : i32
      %dma_wait3A_120 = arith.constant 0 : i32
      %dma_wait3A_121 = tpu.memref_slice %arg7[%select_n3A_119, %dma_wait3A, %dma_wait3A_120] : memref<3x128x128xf32, #tpu.memory_space<vmem>> -> memref<1x128x128xf32, #tpu.memory_space<vmem>>
      %dma_wait3A_122 = tpu.memref_squeeze %dma_wait3A_121 : memref<1x128x128xf32, #tpu.memory_space<vmem>> -> memref<128x128xf32, #tpu.memory_space<vmem>>
      %dma_wait3A_123 = arith.constant 0 : i32
      %dma_wait3A_124 = tpu.memref_slice %arg6[%mul3A_103, %dma_wait3A_123] : memref<8x128xi32, #tpu.memory_space<vmem>> -> memref<1x128xi32, #tpu.memory_space<vmem>>
      %dma_wait3A_125 = tpu.memref_squeeze %dma_wait3A_124 : memref<1x128xi32, #tpu.memory_space<vmem>> -> memref<128xi32, #tpu.memory_space<vmem>>
      %dma_wait3A_126 = arith.constant 0 : i32
      %dma_wait3A_127 = arith.constant 0 : i32
      %dma_wait3A_128 = tpu.memref_slice %arg2[%dma_wait3A_126, %dma_wait3A_127] : memref<10000x128xf32, #tpu.memory_space<hbm>> -> memref<10000x128xf32, #tpu.memory_space<hbm>>
      tpu.wait_indirect_dma semaphore(%arg9 : memref<!tpu.dma_semaphore, #tpu.memory_space<semaphore_mem>>) src(%dma_wait3A_128 : memref<10000x128xf32, #tpu.memory_space<hbm>>) dst(%dma_wait3A_122 : memref<128x128xf32, #tpu.memory_space<vmem>>)
      %jit3A_129 = arith.constant 3 : i32
      %eq3A_130 = arith.constant 0 : i32
      %eq3A_131 = arith.cmpi eq, %jit3A_129, %eq3A_130 : i32
      %jit3A_132 = arith.constant 1 : i32
      %select_n3A_133 = arith.select %eq3A_131, %jit3A_132, %jit3A_129 : i32
      %rem3A_134 = arith.remsi %while3A_86, %select_n3A_133 : i32
      %ne3A_135 = arith.constant 0 : i32
      %ne3A_136 = arith.cmpi ne, %rem3A_134, %ne3A_135 : i32
      %lt3A_137 = arith.constant 0 : i32
      %lt3A_138 = arith.cmpi slt, %rem3A_134, %lt3A_137 : i32
      %lt3A_139 = arith.constant 0 : i32
      %lt3A_140 = arith.cmpi slt, %select_n3A_133, %lt3A_139 : i32
      %ne3A_141 = arith.xori %lt3A_138, %lt3A_140 : i1
      %and3A_142 = arith.andi %ne3A_141, %ne3A_136 : i1
      %add3A_143 = arith.addi %rem3A_134, %select_n3A_133 : i32
      %select_n3A_144 = arith.select %and3A_142, %add3A_143, %rem3A_134 : i32
      %jit3A_145 = arith.constant 4 : i32
      %eq3A_146 = arith.constant 0 : i32
      %eq3A_147 = arith.cmpi eq, %jit3A_145, %eq3A_146 : i32
      %jit3A_148 = arith.constant 1 : i32
      %select_n3A_149 = arith.select %eq3A_147, %jit3A_148, %jit3A_145 : i32
      %rem3A_150 = arith.remsi %while3A_86, %select_n3A_149 : i32
      %ne3A_151 = arith.constant 0 : i32
      %ne3A_152 = arith.cmpi ne, %rem3A_150, %ne3A_151 : i32
      %lt3A_153 = arith.constant 0 : i32
      %lt3A_154 = arith.cmpi slt, %rem3A_150, %lt3A_153 : i32
      %lt3A_155 = arith.constant 0 : i32
      %lt3A_156 = arith.cmpi slt, %select_n3A_149, %lt3A_155 : i32
      %ne3A_157 = arith.xori %lt3A_154, %lt3A_156 : i1
      %and3A_158 = arith.andi %ne3A_157, %ne3A_152 : i1
      %add3A_159 = arith.addi %rem3A_150, %select_n3A_149 : i32
      %select_n3A_160 = arith.select %and3A_158, %add3A_159, %rem3A_150 : i32
      %mul3A_161 = arith.constant 2 : i32
      %mul3A_162 = arith.muli %select_n3A_160, %mul3A_161 : i32
      %add3A_163 = arith.constant 1 : i32
      %add3A_164 = arith.addi %mul3A_162, %add3A_163 : i32
      %dma_start3A = arith.constant 0 : i32
      %dma_start3A_165 = arith.constant 0 : i32
      %dma_start3A_166 = tpu.memref_slice %arg7[%select_n3A_144, %dma_start3A, %dma_start3A_165] : memref<3x128x128xf32, #tpu.memory_space<vmem>> -> memref<1x128x128xf32, #tpu.memory_space<vmem>>
      %dma_start3A_167 = tpu.memref_squeeze %dma_start3A_166 : memref<1x128x128xf32, #tpu.memory_space<vmem>> -> memref<128x128xf32, #tpu.memory_space<vmem>>
      %dma_start3A_168 = arith.constant 0 : i32
      %dma_start3A_169 = tpu.memref_slice %arg6[%add3A_164, %dma_start3A_168] : memref<8x128xi32, #tpu.memory_space<vmem>> -> memref<1x128xi32, #tpu.memory_space<vmem>>
      %dma_start3A_170 = tpu.memref_squeeze %dma_start3A_169 : memref<1x128xi32, #tpu.memory_space<vmem>> -> memref<128xi32, #tpu.memory_space<vmem>>
      %dma_start3A_171 = arith.constant 0 : i32
      %dma_start3A_172 = arith.constant 0 : i32
      %dma_start3A_173 = tpu.memref_slice %arg5[%dma_start3A_171, %dma_start3A_172] : memref<10112x128xf32, #tpu.memory_space<vmem_shared>> -> memref<10112x128xf32, #tpu.memory_space<vmem_shared>>
      tpu.enqueue_indirect_dma source(%dma_start3A_167 : memref<128x128xf32, #tpu.memory_space<vmem>>) target(%dma_start3A_173 : memref<10112x128xf32, #tpu.memory_space<vmem_shared>>) offsets(%dma_start3A_170 : memref<128xi32, #tpu.memory_space<vmem>>) semaphore(%arg10 : memref<!tpu.dma_semaphore, #tpu.memory_space<semaphore_mem>>) {add = true}
      %ge3A_174 = arith.constant 1 : i32
      %ge3A_175 = arith.cmpi sge, %while3A_86, %ge3A_174 : i32
      %convert_element_type3A_176 = arith.extui %ge3A_175 : i1 to i32
      %cond3A_177 = arith.constant 0 : i32
      %cond3A_178 = arith.cmpi ne, %convert_element_type3A_176, %cond3A_177 : i32
      scf.if %cond3A_178 {
        %sub3A_192 = arith.constant 1 : i32
        %sub3A_193 = arith.subi %while3A_86, %sub3A_192 : i32
        %jit3A_194 = arith.constant 3 : i32
        %eq3A_195 = arith.constant 0 : i32
        %eq3A_196 = arith.cmpi eq, %jit3A_194, %eq3A_195 : i32
        %jit3A_197 = arith.constant 1 : i32
        %select_n3A_198 = arith.select %eq3A_196, %jit3A_197, %jit3A_194 : i32
        %rem3A_199 = arith.remsi %sub3A_193, %select_n3A_198 : i32
        %ne3A_200 = arith.constant 0 : i32
        %ne3A_201 = arith.cmpi ne, %rem3A_199, %ne3A_200 : i32
        %lt3A_202 = arith.constant 0 : i32
        %lt3A_203 = arith.cmpi slt, %rem3A_199, %lt3A_202 : i32
        %lt3A_204 = arith.constant 0 : i32
        %lt3A_205 = arith.cmpi slt, %select_n3A_198, %lt3A_204 : i32
        %ne3A_206 = arith.xori %lt3A_203, %lt3A_205 : i1
        %and3A_207 = arith.andi %ne3A_206, %ne3A_201 : i1
        %add3A_208 = arith.addi %rem3A_199, %select_n3A_198 : i32
        %select_n3A_209 = arith.select %and3A_207, %add3A_208, %rem3A_199 : i32
        %jit3A_210 = arith.constant 4 : i32
        %eq3A_211 = arith.constant 0 : i32
        %eq3A_212 = arith.cmpi eq, %jit3A_210, %eq3A_211 : i32
        %jit3A_213 = arith.constant 1 : i32
        %select_n3A_214 = arith.select %eq3A_212, %jit3A_213, %jit3A_210 : i32
        %rem3A_215 = arith.remsi %sub3A_193, %select_n3A_214 : i32
        %ne3A_216 = arith.constant 0 : i32
        %ne3A_217 = arith.cmpi ne, %rem3A_215, %ne3A_216 : i32
        %lt3A_218 = arith.constant 0 : i32
        %lt3A_219 = arith.cmpi slt, %rem3A_215, %lt3A_218 : i32
        %lt3A_220 = arith.constant 0 : i32
        %lt3A_221 = arith.cmpi slt, %select_n3A_214, %lt3A_220 : i32
        %ne3A_222 = arith.xori %lt3A_219, %lt3A_221 : i1
        %and3A_223 = arith.andi %ne3A_222, %ne3A_217 : i1
        %add3A_224 = arith.addi %rem3A_215, %select_n3A_214 : i32
        %select_n3A_225 = arith.select %and3A_223, %add3A_224, %rem3A_215 : i32
        %mul3A_226 = arith.constant 2 : i32
        %mul3A_227 = arith.muli %select_n3A_225, %mul3A_226 : i32
        %add3A_228 = arith.constant 1 : i32
        %add3A_229 = arith.addi %mul3A_227, %add3A_228 : i32
        %dma_wait3A_230 = arith.constant 0 : i32
        %dma_wait3A_231 = arith.constant 0 : i32
        %dma_wait3A_232 = tpu.memref_slice %arg7[%select_n3A_209, %dma_wait3A_230, %dma_wait3A_231] : memref<3x128x128xf32, #tpu.memory_space<vmem>> -> memref<1x128x128xf32, #tpu.memory_space<vmem>>
        %dma_wait3A_233 = tpu.memref_squeeze %dma_wait3A_232 : memref<1x128x128xf32, #tpu.memory_space<vmem>> -> memref<128x128xf32, #tpu.memory_space<vmem>>
        %dma_wait3A_234 = arith.constant 0 : i32
        %dma_wait3A_235 = tpu.memref_slice %arg6[%add3A_229, %dma_wait3A_234] : memref<8x128xi32, #tpu.memory_space<vmem>> -> memref<1x128xi32, #tpu.memory_space<vmem>>
        %dma_wait3A_236 = tpu.memref_squeeze %dma_wait3A_235 : memref<1x128xi32, #tpu.memory_space<vmem>> -> memref<128xi32, #tpu.memory_space<vmem>>
        %dma_wait3A_237 = arith.constant 0 : i32
        %dma_wait3A_238 = arith.constant 0 : i32
        %dma_wait3A_239 = tpu.memref_slice %arg5[%dma_wait3A_237, %dma_wait3A_238] : memref<10112x128xf32, #tpu.memory_space<vmem_shared>> -> memref<10112x128xf32, #tpu.memory_space<vmem_shared>>
        tpu.wait_indirect_dma semaphore(%arg10 : memref<!tpu.dma_semaphore, #tpu.memory_space<semaphore_mem>>) src(%dma_wait3A_233 : memref<128x128xf32, #tpu.memory_space<vmem>>) dst(%dma_wait3A_239 : memref<10112x128xf32, #tpu.memory_space<vmem_shared>>)
      } else {
      }
      %add3A_179 = arith.constant 2 : i32
      %add3A_180 = arith.addi %while3A_86, %add3A_179 : i32
      %lt3A_181 = arith.cmpi slt, %add3A_180, %min3A : i32
      %convert_element_type3A_182 = arith.extui %lt3A_181 : i1 to i32
      %cond3A_183 = arith.constant 0 : i32
      %cond3A_184 = arith.cmpi ne, %convert_element_type3A_182, %cond3A_183 : i32
      scf.if %cond3A_184 {
        %add3A_192 = arith.constant 2 : i32
        %add3A_193 = arith.addi %while3A_86, %add3A_192 : i32
        %mul3A_194 = arith.constant 88 : i32
        %mul3A_195 = arith.muli %add3A, %mul3A_194 : i32
        %add3A_196 = arith.addi %mul3A_195, %add3A_193 : i32
        %jit3A_197 = arith.constant 4 : i32
        %eq3A_198 = arith.constant 0 : i32
        %eq3A_199 = arith.cmpi eq, %jit3A_197, %eq3A_198 : i32
        %jit3A_200 = arith.constant 1 : i32
        %select_n3A_201 = arith.select %eq3A_199, %jit3A_200, %jit3A_197 : i32
        %rem3A_202 = arith.remsi %add3A_193, %select_n3A_201 : i32
        %ne3A_203 = arith.constant 0 : i32
        %ne3A_204 = arith.cmpi ne, %rem3A_202, %ne3A_203 : i32
        %lt3A_205 = arith.constant 0 : i32
        %lt3A_206 = arith.cmpi slt, %rem3A_202, %lt3A_205 : i32
        %lt3A_207 = arith.constant 0 : i32
        %lt3A_208 = arith.cmpi slt, %select_n3A_201, %lt3A_207 : i32
        %ne3A_209 = arith.xori %lt3A_206, %lt3A_208 : i1
        %and3A_210 = arith.andi %ne3A_209, %ne3A_204 : i1
        %add3A_211 = arith.addi %rem3A_202, %select_n3A_201 : i32
        %select_n3A_212 = arith.select %and3A_210, %add3A_211, %rem3A_202 : i32
        %mul3A_213 = arith.constant 2 : i32
        %mul3A_214 = arith.muli %select_n3A_212, %mul3A_213 : i32
        %dma_wait3A_215 = arith.constant 0 : i32
        %dma_wait3A_216 = tpu.memref_slice %arg6[%mul3A_214, %dma_wait3A_215] : memref<8x128xi32, #tpu.memory_space<vmem>> -> memref<2x128xi32, #tpu.memory_space<vmem>>
        %dma_wait3A_217 = arith.constant 0 : i32
        %dma_wait3A_218 = arith.constant 0 : i32
        %dma_wait3A_219 = tpu.memref_slice %arg3[%add3A_196, %dma_wait3A_217, %dma_wait3A_218] : memref<2816x2x128xi32, #tpu.memory_space<hbm>> -> memref<1x2x128xi32, #tpu.memory_space<hbm>>
        %dma_wait3A_220 = tpu.memref_squeeze %dma_wait3A_219 : memref<1x2x128xi32, #tpu.memory_space<hbm>> -> memref<2x128xi32, #tpu.memory_space<hbm>>
        %dma_wait3A_221 = arith.constant 0 : i32
        %dma_wait3A_222 = tpu.memref_slice %arg6[%mul3A_214, %dma_wait3A_221] : memref<8x128xi32, #tpu.memory_space<vmem>> -> memref<2x128xi32, #tpu.memory_space<vmem>>
        %dma_wait3A_223 = arith.constant 0 : i32
        %dma_wait3A_224 = arith.constant 0 : i32
        %dma_wait3A_225 = tpu.memref_slice %arg3[%add3A_196, %dma_wait3A_223, %dma_wait3A_224] : memref<2816x2x128xi32, #tpu.memory_space<hbm>> -> memref<1x2x128xi32, #tpu.memory_space<hbm>>
        %dma_wait3A_226 = tpu.memref_squeeze %dma_wait3A_225 : memref<1x2x128xi32, #tpu.memory_space<hbm>> -> memref<2x128xi32, #tpu.memory_space<hbm>>
        tpu.wait_dma2 semaphore(%arg8 : memref<!tpu.dma_semaphore, #tpu.memory_space<semaphore_mem>>) src(%dma_wait3A_226 : memref<2x128xi32, #tpu.memory_space<hbm>>) dst(%dma_wait3A_222 : memref<2x128xi32, #tpu.memory_space<vmem>>)
        %add3A_227 = arith.constant 2 : i32
        %add3A_228 = arith.addi %while3A_86, %add3A_227 : i32
        %jit3A_229 = arith.constant 4 : i32
        %eq3A_230 = arith.constant 0 : i32
        %eq3A_231 = arith.cmpi eq, %jit3A_229, %eq3A_230 : i32
        %jit3A_232 = arith.constant 1 : i32
        %select_n3A_233 = arith.select %eq3A_231, %jit3A_232, %jit3A_229 : i32
        %rem3A_234 = arith.remsi %add3A_228, %select_n3A_233 : i32
        %ne3A_235 = arith.constant 0 : i32
        %ne3A_236 = arith.cmpi ne, %rem3A_234, %ne3A_235 : i32
        %lt3A_237 = arith.constant 0 : i32
        %lt3A_238 = arith.cmpi slt, %rem3A_234, %lt3A_237 : i32
        %lt3A_239 = arith.constant 0 : i32
        %lt3A_240 = arith.cmpi slt, %select_n3A_233, %lt3A_239 : i32
        %ne3A_241 = arith.xori %lt3A_238, %lt3A_240 : i1
        %and3A_242 = arith.andi %ne3A_241, %ne3A_236 : i1
        %add3A_243 = arith.addi %rem3A_234, %select_n3A_233 : i32
        %select_n3A_244 = arith.select %and3A_242, %add3A_243, %rem3A_234 : i32
        %mul3A_245 = arith.constant 2 : i32
        %mul3A_246 = arith.muli %select_n3A_244, %mul3A_245 : i32
        %jit3A_247 = arith.constant 3 : i32
        %eq3A_248 = arith.constant 0 : i32
        %eq3A_249 = arith.cmpi eq, %jit3A_247, %eq3A_248 : i32
        %jit3A_250 = arith.constant 1 : i32
        %select_n3A_251 = arith.select %eq3A_249, %jit3A_250, %jit3A_247 : i32
        %rem3A_252 = arith.remsi %add3A_228, %select_n3A_251 : i32
        %ne3A_253 = arith.constant 0 : i32
        %ne3A_254 = arith.cmpi ne, %rem3A_252, %ne3A_253 : i32
        %lt3A_255 = arith.constant 0 : i32
        %lt3A_256 = arith.cmpi slt, %rem3A_252, %lt3A_255 : i32
        %lt3A_257 = arith.constant 0 : i32
        %lt3A_258 = arith.cmpi slt, %select_n3A_251, %lt3A_257 : i32
        %ne3A_259 = arith.xori %lt3A_256, %lt3A_258 : i1
        %and3A_260 = arith.andi %ne3A_259, %ne3A_254 : i1
        %add3A_261 = arith.addi %rem3A_252, %select_n3A_251 : i32
        %select_n3A_262 = arith.select %and3A_260, %add3A_261, %rem3A_252 : i32
        %dma_start3A_263 = arith.constant 0 : i32
        %dma_start3A_264 = arith.constant 0 : i32
        %dma_start3A_265 = tpu.memref_slice %arg7[%select_n3A_262, %dma_start3A_263, %dma_start3A_264] : memref<3x128x128xf32, #tpu.memory_space<vmem>> -> memref<1x128x128xf32, #tpu.memory_space<vmem>>
        %dma_start3A_266 = tpu.memref_squeeze %dma_start3A_265 : memref<1x128x128xf32, #tpu.memory_space<vmem>> -> memref<128x128xf32, #tpu.memory_space<vmem>>
        %dma_start3A_267 = arith.constant 0 : i32
        %dma_start3A_268 = tpu.memref_slice %arg6[%mul3A_246, %dma_start3A_267] : memref<8x128xi32, #tpu.memory_space<vmem>> -> memref<1x128xi32, #tpu.memory_space<vmem>>
        %dma_start3A_269 = tpu.memref_squeeze %dma_start3A_268 : memref<1x128xi32, #tpu.memory_space<vmem>> -> memref<128xi32, #tpu.memory_space<vmem>>
        %dma_start3A_270 = arith.constant 0 : i32
        %dma_start3A_271 = arith.constant 0 : i32
        %dma_start3A_272 = tpu.memref_slice %arg2[%dma_start3A_270, %dma_start3A_271] : memref<10000x128xf32, #tpu.memory_space<hbm>> -> memref<10000x128xf32, #tpu.memory_space<hbm>>
        tpu.enqueue_indirect_dma source(%dma_start3A_272 : memref<10000x128xf32, #tpu.memory_space<hbm>>) target(%dma_start3A_266 : memref<128x128xf32, #tpu.memory_space<vmem>>) offsets(%dma_start3A_269 : memref<128xi32, #tpu.memory_space<vmem>>) semaphore(%arg9 : memref<!tpu.dma_semaphore, #tpu.memory_space<semaphore_mem>>)
      } else {
      }
      %add3A_185 = arith.constant 3 : i32
      %add3A_186 = arith.addi %while3A_86, %add3A_185 : i32
      %lt3A_187 = arith.cmpi slt, %add3A_186, %min3A : i32
      %convert_element_type3A_188 = arith.extui %lt3A_187 : i1 to i32
      %cond3A_189 = arith.constant 0 : i32
      %cond3A_190 = arith.cmpi ne, %convert_element_type3A_188, %cond3A_189 : i32
      scf.if %cond3A_190 {
        %add3A_192 = arith.constant 3 : i32
        %add3A_193 = arith.addi %while3A_86, %add3A_192 : i32
        %mul3A_194 = arith.constant 88 : i32
        %mul3A_195 = arith.muli %add3A, %mul3A_194 : i32
        %add3A_196 = arith.addi %mul3A_195, %add3A_193 : i32
        %jit3A_197 = arith.constant 4 : i32
        %eq3A_198 = arith.constant 0 : i32
        %eq3A_199 = arith.cmpi eq, %jit3A_197, %eq3A_198 : i32
        %jit3A_200 = arith.constant 1 : i32
        %select_n3A_201 = arith.select %eq3A_199, %jit3A_200, %jit3A_197 : i32
        %rem3A_202 = arith.remsi %add3A_193, %select_n3A_201 : i32
        %ne3A_203 = arith.constant 0 : i32
        %ne3A_204 = arith.cmpi ne, %rem3A_202, %ne3A_203 : i32
        %lt3A_205 = arith.constant 0 : i32
        %lt3A_206 = arith.cmpi slt, %rem3A_202, %lt3A_205 : i32
        %lt3A_207 = arith.constant 0 : i32
        %lt3A_208 = arith.cmpi slt, %select_n3A_201, %lt3A_207 : i32
        %ne3A_209 = arith.xori %lt3A_206, %lt3A_208 : i1
        %and3A_210 = arith.andi %ne3A_209, %ne3A_204 : i1
        %add3A_211 = arith.addi %rem3A_202, %select_n3A_201 : i32
        %select_n3A_212 = arith.select %and3A_210, %add3A_211, %rem3A_202 : i32
        %mul3A_213 = arith.constant 2 : i32
        %mul3A_214 = arith.muli %select_n3A_212, %mul3A_213 : i32
        %dma_start3A_215 = arith.constant 0 : i32
        %dma_start3A_216 = tpu.memref_slice %arg6[%mul3A_214, %dma_start3A_215] : memref<8x128xi32, #tpu.memory_space<vmem>> -> memref<2x128xi32, #tpu.memory_space<vmem>>
        %dma_start3A_217 = arith.constant 0 : i32
        %dma_start3A_218 = arith.constant 0 : i32
        %dma_start3A_219 = tpu.memref_slice %arg3[%add3A_196, %dma_start3A_217, %dma_start3A_218] : memref<2816x2x128xi32, #tpu.memory_space<hbm>> -> memref<1x2x128xi32, #tpu.memory_space<hbm>>
        %dma_start3A_220 = tpu.memref_squeeze %dma_start3A_219 : memref<1x2x128xi32, #tpu.memory_space<hbm>> -> memref<2x128xi32, #tpu.memory_space<hbm>>
        %dma_start3A_221 = arith.constant 0 : i32
        %dma_start3A_222 = tpu.memref_slice %arg6[%mul3A_214, %dma_start3A_221] : memref<8x128xi32, #tpu.memory_space<vmem>> -> memref<2x128xi32, #tpu.memory_space<vmem>>
        %dma_start3A_223 = arith.constant 0 : i32
        %dma_start3A_224 = arith.constant 0 : i32
        %dma_start3A_225 = tpu.memref_slice %arg3[%add3A_196, %dma_start3A_223, %dma_start3A_224] : memref<2816x2x128xi32, #tpu.memory_space<hbm>> -> memref<1x2x128xi32, #tpu.memory_space<hbm>>
        %dma_start3A_226 = tpu.memref_squeeze %dma_start3A_225 : memref<1x2x128xi32, #tpu.memory_space<hbm>> -> memref<2x128xi32, #tpu.memory_space<hbm>>
        tpu.enqueue_dma source(%dma_start3A_226 : memref<2x128xi32, #tpu.memory_space<hbm>>) target(%dma_start3A_222 : memref<2x128xi32, #tpu.memory_space<vmem>>) target_semaphore(%arg8 : memref<!tpu.dma_semaphore, #tpu.memory_space<semaphore_mem>>)
      } else {
      }
      %while3A_191 = arith.constant 0 : i32
      scf.yield %while3A_191 : i32
    }
    %ge3A = arith.constant 1 : i32
    %ge3A_77 = arith.cmpi sge, %min3A, %ge3A : i32
    %convert_element_type3A_78 = arith.extui %ge3A_77 : i1 to i32
    %cond3A_79 = arith.constant 0 : i32
    %cond3A_80 = arith.cmpi ne, %convert_element_type3A_78, %cond3A_79 : i32
    scf.if %cond3A_80 {
      %sub3A_86 = arith.constant 1 : i32
      %sub3A_87 = arith.subi %min3A, %sub3A_86 : i32
      %jit3A_88 = arith.constant 3 : i32
      %eq3A = arith.constant 0 : i32
      %eq3A_89 = arith.cmpi eq, %jit3A_88, %eq3A : i32
      %jit3A_90 = arith.constant 1 : i32
      %select_n3A_91 = arith.select %eq3A_89, %jit3A_90, %jit3A_88 : i32
      %rem3A_92 = arith.remsi %sub3A_87, %select_n3A_91 : i32
      %ne3A_93 = arith.constant 0 : i32
      %ne3A_94 = arith.cmpi ne, %rem3A_92, %ne3A_93 : i32
      %lt3A = arith.constant 0 : i32
      %lt3A_95 = arith.cmpi slt, %rem3A_92, %lt3A : i32
      %lt3A_96 = arith.constant 0 : i32
      %lt3A_97 = arith.cmpi slt, %select_n3A_91, %lt3A_96 : i32
      %ne3A_98 = arith.xori %lt3A_95, %lt3A_97 : i1
      %and3A_99 = arith.andi %ne3A_98, %ne3A_94 : i1
      %add3A_100 = arith.addi %rem3A_92, %select_n3A_91 : i32
      %select_n3A_101 = arith.select %and3A_99, %add3A_100, %rem3A_92 : i32
      %jit3A_102 = arith.constant 4 : i32
      %eq3A_103 = arith.constant 0 : i32
      %eq3A_104 = arith.cmpi eq, %jit3A_102, %eq3A_103 : i32
      %jit3A_105 = arith.constant 1 : i32
      %select_n3A_106 = arith.select %eq3A_104, %jit3A_105, %jit3A_102 : i32
      %rem3A_107 = arith.remsi %sub3A_87, %select_n3A_106 : i32
      %ne3A_108 = arith.constant 0 : i32
      %ne3A_109 = arith.cmpi ne, %rem3A_107, %ne3A_108 : i32
      %lt3A_110 = arith.constant 0 : i32
      %lt3A_111 = arith.cmpi slt, %rem3A_107, %lt3A_110 : i32
      %lt3A_112 = arith.constant 0 : i32
      %lt3A_113 = arith.cmpi slt, %select_n3A_106, %lt3A_112 : i32
      %ne3A_114 = arith.xori %lt3A_111, %lt3A_113 : i1
      %and3A_115 = arith.andi %ne3A_114, %ne3A_109 : i1
      %add3A_116 = arith.addi %rem3A_107, %select_n3A_106 : i32
      %select_n3A_117 = arith.select %and3A_115, %add3A_116, %rem3A_107 : i32
      %mul3A_118 = arith.constant 2 : i32
      %mul3A_119 = arith.muli %select_n3A_117, %mul3A_118 : i32
      %add3A_120 = arith.constant 1 : i32
      %add3A_121 = arith.addi %mul3A_119, %add3A_120 : i32
      %dma_wait3A = arith.constant 0 : i32
      %dma_wait3A_122 = arith.constant 0 : i32
      %dma_wait3A_123 = tpu.memref_slice %arg7[%select_n3A_101, %dma_wait3A, %dma_wait3A_122] : memref<3x128x128xf32, #tpu.memory_space<vmem>> -> memref<1x128x128xf32, #tpu.memory_space<vmem>>
      %dma_wait3A_124 = tpu.memref_squeeze %dma_wait3A_123 : memref<1x128x128xf32, #tpu.memory_space<vmem>> -> memref<128x128xf32, #tpu.memory_space<vmem>>
      %dma_wait3A_125 = arith.constant 0 : i32
      %dma_wait3A_126 = tpu.memref_slice %arg6[%add3A_121, %dma_wait3A_125] : memref<8x128xi32, #tpu.memory_space<vmem>> -> memref<1x128xi32, #tpu.memory_space<vmem>>
      %dma_wait3A_127 = tpu.memref_squeeze %dma_wait3A_126 : memref<1x128xi32, #tpu.memory_space<vmem>> -> memref<128xi32, #tpu.memory_space<vmem>>
      %dma_wait3A_128 = arith.constant 0 : i32
      %dma_wait3A_129 = arith.constant 0 : i32
      %dma_wait3A_130 = tpu.memref_slice %arg5[%dma_wait3A_128, %dma_wait3A_129] : memref<10112x128xf32, #tpu.memory_space<vmem_shared>> -> memref<10112x128xf32, #tpu.memory_space<vmem_shared>>
      tpu.wait_indirect_dma semaphore(%arg10 : memref<!tpu.dma_semaphore, #tpu.memory_space<semaphore_mem>>) src(%dma_wait3A_124 : memref<128x128xf32, #tpu.memory_space<vmem>>) dst(%dma_wait3A_130 : memref<10112x128xf32, #tpu.memory_space<vmem_shared>>)
    } else {
    }
    %barrier3A_81 = arith.constant 0 : index
    tpu.barrier barrier_id(%barrier3A_81)
    %mul3A_82 = arith.constant 632 : i32
    %mul3A_83 = arith.muli %arg1, %mul3A_82 : i32
    %mul3A_84 = arith.constant 632 : i32
    %mul3A_85 = arith.muli %arg1, %mul3A_84 : i32
    "tpu.region"() ({
      %run_scoped3A_86 = tpu.sem_alloc : memref<!tpu.dma_semaphore, #tpu.memory_space<semaphore_mem>>
      %dma_start3A = arith.constant 0 : i32
      %dma_start3A_87 = tpu.memref_slice %arg4[%arg0, %mul3A_85, %dma_start3A] : memref<2x10112x128xf32, #tpu.memory_space<hbm>> -> memref<1x632x128xf32, #tpu.memory_space<hbm>>
      %dma_start3A_88 = tpu.memref_squeeze %dma_start3A_87 : memref<1x632x128xf32, #tpu.memory_space<hbm>> -> memref<632x128xf32, #tpu.memory_space<hbm>>
      %dma_start3A_89 = arith.constant 0 : i32
      %dma_start3A_90 = tpu.memref_slice %arg5[%mul3A_83, %dma_start3A_89] : memref<10112x128xf32, #tpu.memory_space<vmem_shared>> -> memref<632x128xf32, #tpu.memory_space<vmem_shared>>
      tpu.enqueue_dma source(%dma_start3A_90 : memref<632x128xf32, #tpu.memory_space<vmem_shared>>) target(%dma_start3A_88 : memref<632x128xf32, #tpu.memory_space<hbm>>) target_semaphore(%run_scoped3A_86 : memref<!tpu.dma_semaphore, #tpu.memory_space<semaphore_mem>>)
      %dma_wait3A = arith.constant 0 : i32
      %dma_wait3A_91 = tpu.memref_slice %arg4[%arg0, %mul3A_85, %dma_wait3A] : memref<2x10112x128xf32, #tpu.memory_space<hbm>> -> memref<1x632x128xf32, #tpu.memory_space<hbm>>
      %dma_wait3A_92 = tpu.memref_squeeze %dma_wait3A_91 : memref<1x632x128xf32, #tpu.memory_space<hbm>> -> memref<632x128xf32, #tpu.memory_space<hbm>>
      %dma_wait3A_93 = arith.constant 0 : i32
      %dma_wait3A_94 = tpu.memref_slice %arg5[%mul3A_83, %dma_wait3A_93] : memref<10112x128xf32, #tpu.memory_space<vmem_shared>> -> memref<632x128xf32, #tpu.memory_space<vmem_shared>>
      tpu.wait_dma2 semaphore(%run_scoped3A_86 : memref<!tpu.dma_semaphore, #tpu.memory_space<semaphore_mem>>) src(%dma_wait3A_94 : memref<632x128xf32, #tpu.memory_space<vmem_shared>>) dst(%dma_wait3A_92 : memref<632x128xf32, #tpu.memory_space<hbm>>)
      tpu.yield
    }) : () -> ()
    return
  }
}

#map = affine_map<(d0, d1) -> (0, 0)>
#map1 = affine_map<(d0, d1) -> (0, 0, 0)>
module attributes {stable_mosaic.version = 14 : i64} {
  func.func @_prop_kernel(%arg0: i32, %arg1: i32, %arg2: memref<10000x128xf32, #tpu.memory_space<hbm>>, %arg3: memref<2816x2x128xi32, #tpu.memory_space<hbm>>, %arg4: memref<2x10112x128xf32, #tpu.memory_space<hbm>>, %arg5: memref<10112x128xf32, #tpu.memory_space<vmem_shared>>, %arg6: memref<8x128xi32, #tpu.memory_space<vmem>>, %arg7: memref<3x128x128xf32, #tpu.memory_space<vmem>>, %arg8: memref<!tpu.dma_semaphore, #tpu.memory_space<semaphore_mem>>, %arg9: memref<!tpu.dma_semaphore, #tpu.memory_space<semaphore_mem>>, %arg10: memref<!tpu.dma_semaphore, #tpu.memory_space<semaphore_mem>>) attributes {dimension_semantics = [#tpu.dimension_semantics<core_parallel>, #tpu.dimension_semantics<subcore_parallel>], iteration_bounds = array<i64: 2, 16>, scalar_prefetch = 0 : i64, scratch_operands = 6 : i64, tpu.core_type = #tpu.core_type<sc_vector_subcore>, window_params = [{transform_indices = #map}, {transform_indices = #map1}, {transform_indices = #map1}]} {
    %mul3A = arith.constant 16 : i32
    %mul3A_0 = arith.muli %arg0, %mul3A : i32
    %add3A = arith.addi %mul3A_0, %arg1 : i32
    %mul3A_1 = arith.constant 11264 : i32
    %mul3A_2 = arith.muli %add3A, %mul3A_1 : i32
    %sub3A = arith.constant 330000 : i32
    %sub3A_3 = arith.subi %sub3A, %mul3A_2 : i32
    %add3A_4 = arith.constant 128 : i32
    %add3A_5 = arith.addi %sub3A_3, %add3A_4 : i32
    %sub3A_6 = arith.constant 1 : i32
    %sub3A_7 = arith.subi %add3A_5, %sub3A_6 : i32
    %jit3A = arith.constant 128 : i32
    %div3A = arith.divsi %sub3A_7, %jit3A : i32
    %sign3A = arith.constant 0 : i32
    %sign3A_8 = arith.cmpi sgt, %sub3A_7, %sign3A : i32
    %sign3A_9 = arith.extui %sign3A_8 : i1 to i32
    %sign3A_10 = arith.constant 0 : i32
    %sign3A_11 = arith.cmpi slt, %sub3A_7, %sign3A_10 : i32
    %sign3A_12 = arith.extui %sign3A_11 : i1 to i32
    %sign3A_13 = arith.subi %sign3A_9, %sign3A_12 : i32
    %sign3A_14 = arith.constant 0 : i32
    %sign3A_15 = arith.cmpi sgt, %jit3A, %sign3A_14 : i32
    %sign3A_16 = arith.extui %sign3A_15 : i1 to i32
    %sign3A_17 = arith.constant 0 : i32
    %sign3A_18 = arith.cmpi slt, %jit3A, %sign3A_17 : i32
    %sign3A_19 = arith.extui %sign3A_18 : i1 to i32
    %sign3A_20 = arith.subi %sign3A_16, %sign3A_19 : i32
    %ne3A = arith.cmpi ne, %sign3A_13, %sign3A_20 : i32
    %rem3A = arith.remsi %sub3A_7, %jit3A : i32
    %ne3A_21 = arith.constant 0 : i32
    %ne3A_22 = arith.cmpi ne, %rem3A, %ne3A_21 : i32
    %and3A = arith.andi %ne3A, %ne3A_22 : i1
    %sub3A_23 = arith.constant 1 : i32
    %sub3A_24 = arith.subi %div3A, %sub3A_23 : i32
    %select_n3A = arith.select %and3A, %sub3A_24, %div3A : i32
    %jit3A_25 = arith.constant 0 : i32
    %jit3A_26 = arith.constant 88 : i32
    %max3A = arith.maxsi %jit3A_25, %select_n3A : i32
    %min3A = arith.minsi %jit3A_26, %max3A : i32
    %gt3A = arith.constant 0 : i32
    %gt3A_27 = arith.cmpi sgt, %min3A, %gt3A : i32
    %convert_element_type3A = arith.extui %gt3A_27 : i1 to i32
    %cond3A = arith.constant 0 : i32
    %cond3A_28 = arith.cmpi ne, %convert_element_type3A, %cond3A : i32
    scf.if %cond3A_28 {
      %mul3A_86 = arith.constant 88 : i32
      %mul3A_87 = arith.muli %add3A, %mul3A_86 : i32
      %add3A_88 = arith.constant 0 : i32
      %add3A_89 = arith.addi %mul3A_87, %add3A_88 : i32
      %dma_start3A = arith.constant 0 : i32
      %dma_start3A_90 = arith.constant 0 : i32
      %dma_start3A_91 = tpu.memref_slice %arg6[%dma_start3A, %dma_start3A_90] : memref<8x128xi32, #tpu.memory_space<vmem>> -> memref<2x128xi32, #tpu.memory_space<vmem>>
      %dma_start3A_92 = arith.constant 0 : i32
      %dma_start3A_93 = arith.constant 0 : i32
      %dma_start3A_94 = tpu.memref_slice %arg3[%add3A_89, %dma_start3A_92, %dma_start3A_93] : memref<2816x2x128xi32, #tpu.memory_space<hbm>> -> memref<1x2x128xi32, #tpu.memory_space<hbm>>
      %dma_start3A_95 = tpu.memref_squeeze %dma_start3A_94 : memref<1x2x128xi32, #tpu.memory_space<hbm>> -> memref<2x128xi32, #tpu.memory_space<hbm>>
      %dma_start3A_96 = arith.constant 0 : i32
      %dma_start3A_97 = arith.constant 0 : i32
      %dma_start3A_98 = tpu.memref_slice %arg6[%dma_start3A_96, %dma_start3A_97] : memref<8x128xi32, #tpu.memory_space<vmem>> -> memref<2x128xi32, #tpu.memory_space<vmem>>
      %dma_start3A_99 = arith.constant 0 : i32
      %dma_start3A_100 = arith.constant 0 : i32
      %dma_start3A_101 = tpu.memref_slice %arg3[%add3A_89, %dma_start3A_99, %dma_start3A_100] : memref<2816x2x128xi32, #tpu.memory_space<hbm>> -> memref<1x2x128xi32, #tpu.memory_space<hbm>>
      %dma_start3A_102 = tpu.memref_squeeze %dma_start3A_101 : memref<1x2x128xi32, #tpu.memory_space<hbm>> -> memref<2x128xi32, #tpu.memory_space<hbm>>
      tpu.enqueue_dma source(%dma_start3A_102 : memref<2x128xi32, #tpu.memory_space<hbm>>) target(%dma_start3A_98 : memref<2x128xi32, #tpu.memory_space<vmem>>) target_semaphore(%arg8 : memref<!tpu.dma_semaphore, #tpu.memory_space<semaphore_mem>>)
    } else {
    }
    %gt3A_29 = arith.constant 1 : i32
    %gt3A_30 = arith.cmpi sgt, %min3A, %gt3A_29 : i32
    %convert_element_type3A_31 = arith.extui %gt3A_30 : i1 to i32
    %cond3A_32 = arith.constant 0 : i32
    %cond3A_33 = arith.cmpi ne, %convert_element_type3A_31, %cond3A_32 : i32
    scf.if %cond3A_33 {
      %mul3A_86 = arith.constant 88 : i32
      %mul3A_87 = arith.muli %add3A, %mul3A_86 : i32
      %add3A_88 = arith.constant 1 : i32
      %add3A_89 = arith.addi %mul3A_87, %add3A_88 : i32
      %dma_start3A = arith.constant 2 : i32
      %dma_start3A_90 = arith.constant 0 : i32
      %dma_start3A_91 = tpu.memref_slice %arg6[%dma_start3A, %dma_start3A_90] : memref<8x128xi32, #tpu.memory_space<vmem>> -> memref<2x128xi32, #tpu.memory_space<vmem>>
      %dma_start3A_92 = arith.constant 0 : i32
      %dma_start3A_93 = arith.constant 0 : i32
      %dma_start3A_94 = tpu.memref_slice %arg3[%add3A_89, %dma_start3A_92, %dma_start3A_93] : memref<2816x2x128xi32, #tpu.memory_space<hbm>> -> memref<1x2x128xi32, #tpu.memory_space<hbm>>
      %dma_start3A_95 = tpu.memref_squeeze %dma_start3A_94 : memref<1x2x128xi32, #tpu.memory_space<hbm>> -> memref<2x128xi32, #tpu.memory_space<hbm>>
      %dma_start3A_96 = arith.constant 2 : i32
      %dma_start3A_97 = arith.constant 0 : i32
      %dma_start3A_98 = tpu.memref_slice %arg6[%dma_start3A_96, %dma_start3A_97] : memref<8x128xi32, #tpu.memory_space<vmem>> -> memref<2x128xi32, #tpu.memory_space<vmem>>
      %dma_start3A_99 = arith.constant 0 : i32
      %dma_start3A_100 = arith.constant 0 : i32
      %dma_start3A_101 = tpu.memref_slice %arg3[%add3A_89, %dma_start3A_99, %dma_start3A_100] : memref<2816x2x128xi32, #tpu.memory_space<hbm>> -> memref<1x2x128xi32, #tpu.memory_space<hbm>>
      %dma_start3A_102 = tpu.memref_squeeze %dma_start3A_101 : memref<1x2x128xi32, #tpu.memory_space<hbm>> -> memref<2x128xi32, #tpu.memory_space<hbm>>
      tpu.enqueue_dma source(%dma_start3A_102 : memref<2x128xi32, #tpu.memory_space<hbm>>) target(%dma_start3A_98 : memref<2x128xi32, #tpu.memory_space<vmem>>) target_semaphore(%arg8 : memref<!tpu.dma_semaphore, #tpu.memory_space<semaphore_mem>>)
    } else {
    }
    %gt3A_34 = arith.constant 2 : i32
    %gt3A_35 = arith.cmpi sgt, %min3A, %gt3A_34 : i32
    %convert_element_type3A_36 = arith.extui %gt3A_35 : i1 to i32
    %cond3A_37 = arith.constant 0 : i32
    %cond3A_38 = arith.cmpi ne, %convert_element_type3A_36, %cond3A_37 : i32
    scf.if %cond3A_38 {
      %mul3A_86 = arith.constant 88 : i32
      %mul3A_87 = arith.muli %add3A, %mul3A_86 : i32
      %add3A_88 = arith.constant 2 : i32
      %add3A_89 = arith.addi %mul3A_87, %add3A_88 : i32
      %dma_start3A = arith.constant 4 : i32
      %dma_start3A_90 = arith.constant 0 : i32
      %dma_start3A_91 = tpu.memref_slice %arg6[%dma_start3A, %dma_start3A_90] : memref<8x128xi32, #tpu.memory_space<vmem>> -> memref<2x128xi32, #tpu.memory_space<vmem>>
      %dma_start3A_92 = arith.constant 0 : i32
      %dma_start3A_93 = arith.constant 0 : i32
      %dma_start3A_94 = tpu.memref_slice %arg3[%add3A_89, %dma_start3A_92, %dma_start3A_93] : memref<2816x2x128xi32, #tpu.memory_space<hbm>> -> memref<1x2x128xi32, #tpu.memory_space<hbm>>
      %dma_start3A_95 = tpu.memref_squeeze %dma_start3A_94 : memref<1x2x128xi32, #tpu.memory_space<hbm>> -> memref<2x128xi32, #tpu.memory_space<hbm>>
      %dma_start3A_96 = arith.constant 4 : i32
      %dma_start3A_97 = arith.constant 0 : i32
      %dma_start3A_98 = tpu.memref_slice %arg6[%dma_start3A_96, %dma_start3A_97] : memref<8x128xi32, #tpu.memory_space<vmem>> -> memref<2x128xi32, #tpu.memory_space<vmem>>
      %dma_start3A_99 = arith.constant 0 : i32
      %dma_start3A_100 = arith.constant 0 : i32
      %dma_start3A_101 = tpu.memref_slice %arg3[%add3A_89, %dma_start3A_99, %dma_start3A_100] : memref<2816x2x128xi32, #tpu.memory_space<hbm>> -> memref<1x2x128xi32, #tpu.memory_space<hbm>>
      %dma_start3A_102 = tpu.memref_squeeze %dma_start3A_101 : memref<1x2x128xi32, #tpu.memory_space<hbm>> -> memref<2x128xi32, #tpu.memory_space<hbm>>
      tpu.enqueue_dma source(%dma_start3A_102 : memref<2x128xi32, #tpu.memory_space<hbm>>) target(%dma_start3A_98 : memref<2x128xi32, #tpu.memory_space<vmem>>) target_semaphore(%arg8 : memref<!tpu.dma_semaphore, #tpu.memory_space<semaphore_mem>>)
    } else {
    }
    %scan3A = arith.constant 0 : i32
    %scan3A_39 = arith.constant 0 : i32
    %scan3A_40 = arith.constant 1024 : i32
    %scan3A_41 = arith.addi %scan3A_39, %scan3A_40 : i32
    %scan3A_42 = arith.constant 1 : i32
    %scan3A_43 = scf.for %scan3A_86 = %scan3A_39 to %scan3A_41 step %scan3A_42 iter_args(%scan3A_87 = %scan3A) -> (i32)  : i32 {
      %broadcast_in_dim3A = arith.constant 0.000000e+00 : f32
      %broadcast_in_dim3A_88 = vector.broadcast %broadcast_in_dim3A : f32 to vector<16xf32>
      %jit3A_89 = arith.constant 8 : i32
      %div3A_90 = arith.divsi %scan3A_86, %jit3A_89 : i32
      %sign3A_91 = arith.constant 0 : i32
      %sign3A_92 = arith.cmpi sgt, %scan3A_86, %sign3A_91 : i32
      %sign3A_93 = arith.extui %sign3A_92 : i1 to i32
      %sign3A_94 = arith.constant 0 : i32
      %sign3A_95 = arith.cmpi slt, %scan3A_86, %sign3A_94 : i32
      %sign3A_96 = arith.extui %sign3A_95 : i1 to i32
      %sign3A_97 = arith.subi %sign3A_93, %sign3A_96 : i32
      %sign3A_98 = arith.constant 0 : i32
      %sign3A_99 = arith.cmpi sgt, %jit3A_89, %sign3A_98 : i32
      %sign3A_100 = arith.extui %sign3A_99 : i1 to i32
      %sign3A_101 = arith.constant 0 : i32
      %sign3A_102 = arith.cmpi slt, %jit3A_89, %sign3A_101 : i32
      %sign3A_103 = arith.extui %sign3A_102 : i1 to i32
      %sign3A_104 = arith.subi %sign3A_100, %sign3A_103 : i32
      %ne3A_105 = arith.cmpi ne, %sign3A_97, %sign3A_104 : i32
      %rem3A_106 = arith.remsi %scan3A_86, %jit3A_89 : i32
      %ne3A_107 = arith.constant 0 : i32
      %ne3A_108 = arith.cmpi ne, %rem3A_106, %ne3A_107 : i32
      %and3A_109 = arith.andi %ne3A_105, %ne3A_108 : i1
      %sub3A_110 = arith.constant 1 : i32
      %sub3A_111 = arith.subi %div3A_90, %sub3A_110 : i32
      %select_n3A_112 = arith.select %and3A_109, %sub3A_111, %div3A_90 : i32
      %jit3A_113 = arith.constant 8 : i32
      %eq3A = arith.constant 0 : i32
      %eq3A_114 = arith.cmpi eq, %jit3A_113, %eq3A : i32
      %jit3A_115 = arith.constant 1 : i32
      %select_n3A_116 = arith.select %eq3A_114, %jit3A_115, %jit3A_113 : i32
      %rem3A_117 = arith.remsi %scan3A_86, %select_n3A_116 : i32
      %ne3A_118 = arith.constant 0 : i32
      %ne3A_119 = arith.cmpi ne, %rem3A_117, %ne3A_118 : i32
      %lt3A = arith.constant 0 : i32
      %lt3A_120 = arith.cmpi slt, %rem3A_117, %lt3A : i32
      %lt3A_121 = arith.constant 0 : i32
      %lt3A_122 = arith.cmpi slt, %select_n3A_116, %lt3A_121 : i32
      %ne3A_123 = arith.xori %lt3A_120, %lt3A_122 : i1
      %and3A_124 = arith.andi %ne3A_123, %ne3A_119 : i1
      %add3A_125 = arith.addi %rem3A_117, %select_n3A_116 : i32
      %select_n3A_126 = arith.select %and3A_124, %add3A_125, %rem3A_117 : i32
      %mul3A_127 = arith.constant 16 : i32
      %mul3A_128 = arith.muli %select_n3A_126, %mul3A_127 : i32
      %swap3A = arith.constant 2 : i32
      %swap3A_129 = arith.index_cast %swap3A : i32 to index
      %swap3A_130 = arith.index_cast %select_n3A_112 : i32 to index
      %swap3A_131 = arith.index_cast %mul3A_128 : i32 to index
      %swap3A_132 = tpu.vector_load %arg7[%swap3A_129, %swap3A_130, %swap3A_131] {strides = array<i32>} : memref<3x128x128xf32, #tpu.memory_space<vmem>>, vector<1x1x16xf32>,
      %swap3A_133 = vector.shape_cast %swap3A_132 : vector<1x1x16xf32> to vector<16xf32>
      %swap3A_134 = vector.shape_cast %broadcast_in_dim3A_88 : vector<16xf32> to vector<1x1x16xf32>
      tpu.vector_store %arg7[%swap3A_129, %swap3A_130, %swap3A_131], %swap3A_134 {strides = array<i32>} : memref<3x128x128xf32, #tpu.memory_space<vmem>>, vector<1x1x16xf32>,
      %scan3A_135 = arith.constant 0 : i32
      scf.yield %scan3A_135 : i32
    }
    %scan3A_44 = arith.constant 1024 : i32
    %scan3A_45 = arith.constant 0 : i32
    %scan3A_46 = arith.constant 0 : i32
    %scan3A_47 = arith.constant 4 : i32
    %scan3A_48 = arith.addi %scan3A_46, %scan3A_47 : i32
    %scan3A_49 = arith.constant 1 : i32
    %scan3A_50 = scf.for %scan3A_86 = %scan3A_46 to %scan3A_48 step %scan3A_49 iter_args(%scan3A_87 = %scan3A_45) -> (i32)  : i32 {
      %mul3A_88 = arith.constant 632 : i32
      %mul3A_89 = arith.muli %arg1, %mul3A_88 : i32
      %mul3A_90 = arith.constant 128 : i32
      %mul3A_91 = arith.muli %scan3A_86, %mul3A_90 : i32
      %add3A_92 = arith.addi %mul3A_89, %mul3A_91 : i32
      %run_scoped3A_93 = arith.constant 2 : i32
      "tpu.region"() ({
        %run_scoped3A_95 = tpu.sem_alloc : memref<!tpu.dma_semaphore, #tpu.memory_space<semaphore_mem>>
        %dma_start3A = arith.constant 0 : i32
        %dma_start3A_96 = arith.constant 0 : i32
        %dma_start3A_97 = tpu.memref_slice %arg7[%run_scoped3A_93, %dma_start3A, %dma_start3A_96] : memref<3x128x128xf32, #tpu.memory_space<vmem>> -> memref<1x128x128xf32, #tpu.memory_space<vmem>>
        %dma_start3A_98 = tpu.memref_squeeze %dma_start3A_97 : memref<1x128x128xf32, #tpu.memory_space<vmem>> -> memref<128x128xf32, #tpu.memory_space<vmem>>
        %dma_start3A_99 = arith.constant 0 : i32
        %dma_start3A_100 = tpu.memref_slice %arg5[%add3A_92, %dma_start3A_99] : memref<10112x128xf32, #tpu.memory_space<vmem_shared>> -> memref<128x128xf32, #tpu.memory_space<vmem_shared>>
        %dma_start3A_101 = arith.constant 0 : i32
        %dma_start3A_102 = tpu.memref_slice %arg5[%add3A_92, %dma_start3A_101] : memref<10112x128xf32, #tpu.memory_space<vmem_shared>> -> memref<128x128xf32, #tpu.memory_space<vmem_shared>>
        %dma_start3A_103 = arith.constant 0 : i32
        %dma_start3A_104 = arith.constant 0 : i32
        %dma_start3A_105 = tpu.memref_slice %arg7[%run_scoped3A_93, %dma_start3A_103, %dma_start3A_104] : memref<3x128x128xf32, #tpu.memory_space<vmem>> -> memref<1x128x128xf32, #tpu.memory_space<vmem>>
        %dma_start3A_106 = tpu.memref_squeeze %dma_start3A_105 : memref<1x128x128xf32, #tpu.memory_space<vmem>> -> memref<128x128xf32, #tpu.memory_space<vmem>>
        tpu.enqueue_dma source(%dma_start3A_106 : memref<128x128xf32, #tpu.memory_space<vmem>>) target(%dma_start3A_102 : memref<128x128xf32, #tpu.memory_space<vmem_shared>>) target_semaphore(%run_scoped3A_95 : memref<!tpu.dma_semaphore, #tpu.memory_space<semaphore_mem>>)
        %dma_wait3A = arith.constant 0 : i32
        %dma_wait3A_107 = arith.constant 0 : i32
        %dma_wait3A_108 = tpu.memref_slice %arg7[%run_scoped3A_93, %dma_wait3A, %dma_wait3A_107] : memref<3x128x128xf32, #tpu.memory_space<vmem>> -> memref<1x128x128xf32, #tpu.memory_space<vmem>>
        %dma_wait3A_109 = tpu.memref_squeeze %dma_wait3A_108 : memref<1x128x128xf32, #tpu.memory_space<vmem>> -> memref<128x128xf32, #tpu.memory_space<vmem>>
        %dma_wait3A_110 = arith.constant 0 : i32
        %dma_wait3A_111 = tpu.memref_slice %arg5[%add3A_92, %dma_wait3A_110] : memref<10112x128xf32, #tpu.memory_space<vmem_shared>> -> memref<128x128xf32, #tpu.memory_space<vmem_shared>>
        %dma_wait3A_112 = arith.constant 0 : i32
        %dma_wait3A_113 = tpu.memref_slice %arg5[%add3A_92, %dma_wait3A_112] : memref<10112x128xf32, #tpu.memory_space<vmem_shared>> -> memref<128x128xf32, #tpu.memory_space<vmem_shared>>
        %dma_wait3A_114 = arith.constant 0 : i32
        %dma_wait3A_115 = arith.constant 0 : i32
        %dma_wait3A_116 = tpu.memref_slice %arg7[%run_scoped3A_93, %dma_wait3A_114, %dma_wait3A_115] : memref<3x128x128xf32, #tpu.memory_space<vmem>> -> memref<1x128x128xf32, #tpu.memory_space<vmem>>
        %dma_wait3A_117 = tpu.memref_squeeze %dma_wait3A_116 : memref<1x128x128xf32, #tpu.memory_space<vmem>> -> memref<128x128xf32, #tpu.memory_space<vmem>>
        tpu.wait_dma2 semaphore(%run_scoped3A_95 : memref<!tpu.dma_semaphore, #tpu.memory_space<semaphore_mem>>) src(%dma_wait3A_117 : memref<128x128xf32, #tpu.memory_space<vmem>>) dst(%dma_wait3A_113 : memref<128x128xf32, #tpu.memory_space<vmem_shared>>)
        tpu.yield
      }) : () -> ()
      %scan3A_94 = arith.constant 0 : i32
      scf.yield %scan3A_94 : i32
    }
    %scan3A_51 = arith.constant 4 : i32
    %mul3A_52 = arith.constant 632 : i32
    %mul3A_53 = arith.muli %arg1, %mul3A_52 : i32
    %add3A_54 = arith.constant 512 : i32
    %add3A_55 = arith.addi %mul3A_53, %add3A_54 : i32
    %run_scoped3A = arith.constant 2 : i32
    "tpu.region"() ({
      %run_scoped3A_86 = tpu.sem_alloc : memref<!tpu.dma_semaphore, #tpu.memory_space<semaphore_mem>>
      %dma_start3A = arith.constant 0 : i32
      %dma_start3A_87 = arith.constant 0 : i32
      %dma_start3A_88 = tpu.memref_slice %arg7[%run_scoped3A, %dma_start3A, %dma_start3A_87] : memref<3x128x128xf32, #tpu.memory_space<vmem>> -> memref<1x120x128xf32, #tpu.memory_space<vmem>>
      %dma_start3A_89 = tpu.memref_squeeze %dma_start3A_88 : memref<1x120x128xf32, #tpu.memory_space<vmem>> -> memref<120x128xf32, #tpu.memory_space<vmem>>
      %dma_start3A_90 = arith.constant 0 : i32
      %dma_start3A_91 = tpu.memref_slice %arg5[%add3A_55, %dma_start3A_90] : memref<10112x128xf32, #tpu.memory_space<vmem_shared>> -> memref<120x128xf32, #tpu.memory_space<vmem_shared>>
      %dma_start3A_92 = arith.constant 0 : i32
      %dma_start3A_93 = tpu.memref_slice %arg5[%add3A_55, %dma_start3A_92] : memref<10112x128xf32, #tpu.memory_space<vmem_shared>> -> memref<120x128xf32, #tpu.memory_space<vmem_shared>>
      %dma_start3A_94 = arith.constant 0 : i32
      %dma_start3A_95 = arith.constant 0 : i32
      %dma_start3A_96 = tpu.memref_slice %arg7[%run_scoped3A, %dma_start3A_94, %dma_start3A_95] : memref<3x128x128xf32, #tpu.memory_space<vmem>> -> memref<1x120x128xf32, #tpu.memory_space<vmem>>
      %dma_start3A_97 = tpu.memref_squeeze %dma_start3A_96 : memref<1x120x128xf32, #tpu.memory_space<vmem>> -> memref<120x128xf32, #tpu.memory_space<vmem>>
      tpu.enqueue_dma source(%dma_start3A_97 : memref<120x128xf32, #tpu.memory_space<vmem>>) target(%dma_start3A_93 : memref<120x128xf32, #tpu.memory_space<vmem_shared>>) target_semaphore(%run_scoped3A_86 : memref<!tpu.dma_semaphore, #tpu.memory_space<semaphore_mem>>)
      %dma_wait3A = arith.constant 0 : i32
      %dma_wait3A_98 = arith.constant 0 : i32
      %dma_wait3A_99 = tpu.memref_slice %arg7[%run_scoped3A, %dma_wait3A, %dma_wait3A_98] : memref<3x128x128xf32, #tpu.memory_space<vmem>> -> memref<1x120x128xf32, #tpu.memory_space<vmem>>
      %dma_wait3A_100 = tpu.memref_squeeze %dma_wait3A_99 : memref<1x120x128xf32, #tpu.memory_space<vmem>> -> memref<120x128xf32, #tpu.memory_space<vmem>>
      %dma_wait3A_101 = arith.constant 0 : i32
      %dma_wait3A_102 = tpu.memref_slice %arg5[%add3A_55, %dma_wait3A_101] : memref<10112x128xf32, #tpu.memory_space<vmem_shared>> -> memref<120x128xf32, #tpu.memory_space<vmem_shared>>
      %dma_wait3A_103 = arith.constant 0 : i32
      %dma_wait3A_104 = tpu.memref_slice %arg5[%add3A_55, %dma_wait3A_103] : memref<10112x128xf32, #tpu.memory_space<vmem_shared>> -> memref<120x128xf32, #tpu.memory_space<vmem_shared>>
      %dma_wait3A_105 = arith.constant 0 : i32
      %dma_wait3A_106 = arith.constant 0 : i32
      %dma_wait3A_107 = tpu.memref_slice %arg7[%run_scoped3A, %dma_wait3A_105, %dma_wait3A_106] : memref<3x128x128xf32, #tpu.memory_space<vmem>> -> memref<1x120x128xf32, #tpu.memory_space<vmem>>
      %dma_wait3A_108 = tpu.memref_squeeze %dma_wait3A_107 : memref<1x120x128xf32, #tpu.memory_space<vmem>> -> memref<120x128xf32, #tpu.memory_space<vmem>>
      tpu.wait_dma2 semaphore(%run_scoped3A_86 : memref<!tpu.dma_semaphore, #tpu.memory_space<semaphore_mem>>) src(%dma_wait3A_108 : memref<120x128xf32, #tpu.memory_space<vmem>>) dst(%dma_wait3A_104 : memref<120x128xf32, #tpu.memory_space<vmem_shared>>)
      tpu.yield
    }) : () -> ()
    %gt3A_56 = arith.constant 0 : i32
    %gt3A_57 = arith.cmpi sgt, %min3A, %gt3A_56 : i32
    %convert_element_type3A_58 = arith.extui %gt3A_57 : i1 to i32
    %cond3A_59 = arith.constant 0 : i32
    %cond3A_60 = arith.cmpi ne, %convert_element_type3A_58, %cond3A_59 : i32
    scf.if %cond3A_60 {
      %mul3A_86 = arith.constant 88 : i32
      %mul3A_87 = arith.muli %add3A, %mul3A_86 : i32
      %add3A_88 = arith.constant 0 : i32
      %add3A_89 = arith.addi %mul3A_87, %add3A_88 : i32
      %dma_wait3A = arith.constant 0 : i32
      %dma_wait3A_90 = arith.constant 0 : i32
      %dma_wait3A_91 = tpu.memref_slice %arg6[%dma_wait3A, %dma_wait3A_90] : memref<8x128xi32, #tpu.memory_space<vmem>> -> memref<2x128xi32, #tpu.memory_space<vmem>>
      %dma_wait3A_92 = arith.constant 0 : i32
      %dma_wait3A_93 = arith.constant 0 : i32
      %dma_wait3A_94 = tpu.memref_slice %arg3[%add3A_89, %dma_wait3A_92, %dma_wait3A_93] : memref<2816x2x128xi32, #tpu.memory_space<hbm>> -> memref<1x2x128xi32, #tpu.memory_space<hbm>>
      %dma_wait3A_95 = tpu.memref_squeeze %dma_wait3A_94 : memref<1x2x128xi32, #tpu.memory_space<hbm>> -> memref<2x128xi32, #tpu.memory_space<hbm>>
      %dma_wait3A_96 = arith.constant 0 : i32
      %dma_wait3A_97 = arith.constant 0 : i32
      %dma_wait3A_98 = tpu.memref_slice %arg6[%dma_wait3A_96, %dma_wait3A_97] : memref<8x128xi32, #tpu.memory_space<vmem>> -> memref<2x128xi32, #tpu.memory_space<vmem>>
      %dma_wait3A_99 = arith.constant 0 : i32
      %dma_wait3A_100 = arith.constant 0 : i32
      %dma_wait3A_101 = tpu.memref_slice %arg3[%add3A_89, %dma_wait3A_99, %dma_wait3A_100] : memref<2816x2x128xi32, #tpu.memory_space<hbm>> -> memref<1x2x128xi32, #tpu.memory_space<hbm>>
      %dma_wait3A_102 = tpu.memref_squeeze %dma_wait3A_101 : memref<1x2x128xi32, #tpu.memory_space<hbm>> -> memref<2x128xi32, #tpu.memory_space<hbm>>
      tpu.wait_dma2 semaphore(%arg8 : memref<!tpu.dma_semaphore, #tpu.memory_space<semaphore_mem>>) src(%dma_wait3A_102 : memref<2x128xi32, #tpu.memory_space<hbm>>) dst(%dma_wait3A_98 : memref<2x128xi32, #tpu.memory_space<vmem>>)
      %dma_start3A = arith.constant 0 : i32
      %dma_start3A_103 = arith.constant 0 : i32
      %dma_start3A_104 = arith.constant 0 : i32
      %dma_start3A_105 = arith.constant 0 : i32
      %dma_start3A_106 = tpu.memref_slice %arg7[%dma_start3A_103, %dma_start3A_104, %dma_start3A_105] : memref<3x128x128xf32, #tpu.memory_space<vmem>> -> memref<1x128x128xf32, #tpu.memory_space<vmem>>
      %dma_start3A_107 = tpu.memref_squeeze %dma_start3A_106 : memref<1x128x128xf32, #tpu.memory_space<vmem>> -> memref<128x128xf32, #tpu.memory_space<vmem>>
      %dma_start3A_108 = arith.constant 0 : i32
      %dma_start3A_109 = tpu.memref_slice %arg6[%dma_start3A, %dma_start3A_108] : memref<8x128xi32, #tpu.memory_space<vmem>> -> memref<1x128xi32, #tpu.memory_space<vmem>>
      %dma_start3A_110 = tpu.memref_squeeze %dma_start3A_109 : memref<1x128xi32, #tpu.memory_space<vmem>> -> memref<128xi32, #tpu.memory_space<vmem>>
      %dma_start3A_111 = arith.constant 0 : i32
      %dma_start3A_112 = arith.constant 0 : i32
      %dma_start3A_113 = tpu.memref_slice %arg2[%dma_start3A_111, %dma_start3A_112] : memref<10000x128xf32, #tpu.memory_space<hbm>> -> memref<10000x128xf32, #tpu.memory_space<hbm>>
      tpu.enqueue_indirect_dma source(%dma_start3A_113 : memref<10000x128xf32, #tpu.memory_space<hbm>>) target(%dma_start3A_107 : memref<128x128xf32, #tpu.memory_space<vmem>>) offsets(%dma_start3A_110 : memref<128xi32, #tpu.memory_space<vmem>>) semaphore(%arg9 : memref<!tpu.dma_semaphore, #tpu.memory_space<semaphore_mem>>)
    } else {
    }
    %gt3A_61 = arith.constant 1 : i32
    %gt3A_62 = arith.cmpi sgt, %min3A, %gt3A_61 : i32
    %convert_element_type3A_63 = arith.extui %gt3A_62 : i1 to i32
    %cond3A_64 = arith.constant 0 : i32
    %cond3A_65 = arith.cmpi ne, %convert_element_type3A_63, %cond3A_64 : i32
    scf.if %cond3A_65 {
      %mul3A_86 = arith.constant 88 : i32
      %mul3A_87 = arith.muli %add3A, %mul3A_86 : i32
      %add3A_88 = arith.constant 1 : i32
      %add3A_89 = arith.addi %mul3A_87, %add3A_88 : i32
      %dma_wait3A = arith.constant 2 : i32
      %dma_wait3A_90 = arith.constant 0 : i32
      %dma_wait3A_91 = tpu.memref_slice %arg6[%dma_wait3A, %dma_wait3A_90] : memref<8x128xi32, #tpu.memory_space<vmem>> -> memref<2x128xi32, #tpu.memory_space<vmem>>
      %dma_wait3A_92 = arith.constant 0 : i32
      %dma_wait3A_93 = arith.constant 0 : i32
      %dma_wait3A_94 = tpu.memref_slice %arg3[%add3A_89, %dma_wait3A_92, %dma_wait3A_93] : memref<2816x2x128xi32, #tpu.memory_space<hbm>> -> memref<1x2x128xi32, #tpu.memory_space<hbm>>
      %dma_wait3A_95 = tpu.memref_squeeze %dma_wait3A_94 : memref<1x2x128xi32, #tpu.memory_space<hbm>> -> memref<2x128xi32, #tpu.memory_space<hbm>>
      %dma_wait3A_96 = arith.constant 2 : i32
      %dma_wait3A_97 = arith.constant 0 : i32
      %dma_wait3A_98 = tpu.memref_slice %arg6[%dma_wait3A_96, %dma_wait3A_97] : memref<8x128xi32, #tpu.memory_space<vmem>> -> memref<2x128xi32, #tpu.memory_space<vmem>>
      %dma_wait3A_99 = arith.constant 0 : i32
      %dma_wait3A_100 = arith.constant 0 : i32
      %dma_wait3A_101 = tpu.memref_slice %arg3[%add3A_89, %dma_wait3A_99, %dma_wait3A_100] : memref<2816x2x128xi32, #tpu.memory_space<hbm>> -> memref<1x2x128xi32, #tpu.memory_space<hbm>>
      %dma_wait3A_102 = tpu.memref_squeeze %dma_wait3A_101 : memref<1x2x128xi32, #tpu.memory_space<hbm>> -> memref<2x128xi32, #tpu.memory_space<hbm>>
      tpu.wait_dma2 semaphore(%arg8 : memref<!tpu.dma_semaphore, #tpu.memory_space<semaphore_mem>>) src(%dma_wait3A_102 : memref<2x128xi32, #tpu.memory_space<hbm>>) dst(%dma_wait3A_98 : memref<2x128xi32, #tpu.memory_space<vmem>>)
      %dma_start3A = arith.constant 2 : i32
      %dma_start3A_103 = arith.constant 1 : i32
      %dma_start3A_104 = arith.constant 0 : i32
      %dma_start3A_105 = arith.constant 0 : i32
      %dma_start3A_106 = tpu.memref_slice %arg7[%dma_start3A_103, %dma_start3A_104, %dma_start3A_105] : memref<3x128x128xf32, #tpu.memory_space<vmem>> -> memref<1x128x128xf32, #tpu.memory_space<vmem>>
      %dma_start3A_107 = tpu.memref_squeeze %dma_start3A_106 : memref<1x128x128xf32, #tpu.memory_space<vmem>> -> memref<128x128xf32, #tpu.memory_space<vmem>>
      %dma_start3A_108 = arith.constant 0 : i32
      %dma_start3A_109 = tpu.memref_slice %arg6[%dma_start3A, %dma_start3A_108] : memref<8x128xi32, #tpu.memory_space<vmem>> -> memref<1x128xi32, #tpu.memory_space<vmem>>
      %dma_start3A_110 = tpu.memref_squeeze %dma_start3A_109 : memref<1x128xi32, #tpu.memory_space<vmem>> -> memref<128xi32, #tpu.memory_space<vmem>>
      %dma_start3A_111 = arith.constant 0 : i32
      %dma_start3A_112 = arith.constant 0 : i32
      %dma_start3A_113 = tpu.memref_slice %arg2[%dma_start3A_111, %dma_start3A_112] : memref<10000x128xf32, #tpu.memory_space<hbm>> -> memref<10000x128xf32, #tpu.memory_space<hbm>>
      tpu.enqueue_indirect_dma source(%dma_start3A_113 : memref<10000x128xf32, #tpu.memory_space<hbm>>) target(%dma_start3A_107 : memref<128x128xf32, #tpu.memory_space<vmem>>) offsets(%dma_start3A_110 : memref<128xi32, #tpu.memory_space<vmem>>) semaphore(%arg9 : memref<!tpu.dma_semaphore, #tpu.memory_space<semaphore_mem>>)
    } else {
    }
    %barrier3A = arith.constant 0 : index
    tpu.barrier barrier_id(%barrier3A)
    %while3A = arith.constant 0 : i32
    %while3A_66 = arith.constant 0 : i32
    %while3A_67 = arith.subi %min3A, %while3A : i32
    %while3A_68 = arith.addi %while3A, %while3A_67 : i32
    %while3A_69 = arith.constant 1 : i32
    %while3A_70 = arith.divsi %while3A_67, %while3A_69 : i32
    %while3A_71 = arith.muli %while3A_70, %while3A_69 : i32
    %while3A_72 = arith.addi %while3A, %while3A_71 : i32
    %while3A_73 = arith.constant 1 : i32
    %while3A_74 = scf.for %while3A_86 = %while3A to %while3A_72 step %while3A_73 iter_args(%while3A_87 = %while3A_66) -> (i32)  : i32 {
      %jit3A_88 = arith.constant 4 : i32
      %eq3A = arith.constant 0 : i32
      %eq3A_89 = arith.cmpi eq, %jit3A_88, %eq3A : i32
      %jit3A_90 = arith.constant 1 : i32
      %select_n3A_91 = arith.select %eq3A_89, %jit3A_90, %jit3A_88 : i32
      %rem3A_92 = arith.remsi %while3A_86, %select_n3A_91 : i32
      %ne3A_93 = arith.constant 0 : i32
      %ne3A_94 = arith.cmpi ne, %rem3A_92, %ne3A_93 : i32
      %lt3A = arith.constant 0 : i32
      %lt3A_95 = arith.cmpi slt, %rem3A_92, %lt3A : i32
      %lt3A_96 = arith.constant 0 : i32
      %lt3A_97 = arith.cmpi slt, %select_n3A_91, %lt3A_96 : i32
      %ne3A_98 = arith.xori %lt3A_95, %lt3A_97 : i1
      %and3A_99 = arith.andi %ne3A_98, %ne3A_94 : i1
      %add3A_100 = arith.addi %rem3A_92, %select_n3A_91 : i32
      %select_n3A_101 = arith.select %and3A_99, %add3A_100, %rem3A_92 : i32
      %mul3A_102 = arith.constant 2 : i32
      %mul3A_103 = arith.muli %select_n3A_101, %mul3A_102 : i32
      %jit3A_104 = arith.constant 3 : i32
      %eq3A_105 = arith.constant 0 : i32
      %eq3A_106 = arith.cmpi eq, %jit3A_104, %eq3A_105 : i32
      %jit3A_107 = arith.constant 1 : i32
      %select_n3A_108 = arith.select %eq3A_106, %jit3A_107, %jit3A_104 : i32
      %rem3A_109 = arith.remsi %while3A_86, %select_n3A_108 : i32
      %ne3A_110 = arith.constant 0 : i32
      %ne3A_111 = arith.cmpi ne, %rem3A_109, %ne3A_110 : i32
      %lt3A_112 = arith.constant 0 : i32
      %lt3A_113 = arith.cmpi slt, %rem3A_109, %lt3A_112 : i32
      %lt3A_114 = arith.constant 0 : i32
      %lt3A_115 = arith.cmpi slt, %select_n3A_108, %lt3A_114 : i32
      %ne3A_116 = arith.xori %lt3A_113, %lt3A_115 : i1
      %and3A_117 = arith.andi %ne3A_116, %ne3A_111 : i1
      %add3A_118 = arith.addi %rem3A_109, %select_n3A_108 : i32
      %select_n3A_119 = arith.select %and3A_117, %add3A_118, %rem3A_109 : i32
      %dma_wait3A = arith.constant 0 : i32
      %dma_wait3A_120 = arith.constant 0 : i32
      %dma_wait3A_121 = tpu.memref_slice %arg7[%select_n3A_119, %dma_wait3A, %dma_wait3A_120] : memref<3x128x128xf32, #tpu.memory_space<vmem>> -> memref<1x128x128xf32, #tpu.memory_space<vmem>>
      %dma_wait3A_122 = tpu.memref_squeeze %dma_wait3A_121 : memref<1x128x128xf32, #tpu.memory_space<vmem>> -> memref<128x128xf32, #tpu.memory_space<vmem>>
      %dma_wait3A_123 = arith.constant 0 : i32
      %dma_wait3A_124 = tpu.memref_slice %arg6[%mul3A_103, %dma_wait3A_123] : memref<8x128xi32, #tpu.memory_space<vmem>> -> memref<1x128xi32, #tpu.memory_space<vmem>>
      %dma_wait3A_125 = tpu.memref_squeeze %dma_wait3A_124 : memref<1x128xi32, #tpu.memory_space<vmem>> -> memref<128xi32, #tpu.memory_space<vmem>>
      %dma_wait3A_126 = arith.constant 0 : i32
      %dma_wait3A_127 = arith.constant 0 : i32
      %dma_wait3A_128 = tpu.memref_slice %arg2[%dma_wait3A_126, %dma_wait3A_127] : memref<10000x128xf32, #tpu.memory_space<hbm>> -> memref<10000x128xf32, #tpu.memory_space<hbm>>
      tpu.wait_indirect_dma semaphore(%arg9 : memref<!tpu.dma_semaphore, #tpu.memory_space<semaphore_mem>>) src(%dma_wait3A_128 : memref<10000x128xf32, #tpu.memory_space<hbm>>) dst(%dma_wait3A_122 : memref<128x128xf32, #tpu.memory_space<vmem>>)
      %jit3A_129 = arith.constant 3 : i32
      %eq3A_130 = arith.constant 0 : i32
      %eq3A_131 = arith.cmpi eq, %jit3A_129, %eq3A_130 : i32
      %jit3A_132 = arith.constant 1 : i32
      %select_n3A_133 = arith.select %eq3A_131, %jit3A_132, %jit3A_129 : i32
      %rem3A_134 = arith.remsi %while3A_86, %select_n3A_133 : i32
      %ne3A_135 = arith.constant 0 : i32
      %ne3A_136 = arith.cmpi ne, %rem3A_134, %ne3A_135 : i32
      %lt3A_137 = arith.constant 0 : i32
      %lt3A_138 = arith.cmpi slt, %rem3A_134, %lt3A_137 : i32
      %lt3A_139 = arith.constant 0 : i32
      %lt3A_140 = arith.cmpi slt, %select_n3A_133, %lt3A_139 : i32
      %ne3A_141 = arith.xori %lt3A_138, %lt3A_140 : i1
      %and3A_142 = arith.andi %ne3A_141, %ne3A_136 : i1
      %add3A_143 = arith.addi %rem3A_134, %select_n3A_133 : i32
      %select_n3A_144 = arith.select %and3A_142, %add3A_143, %rem3A_134 : i32
      %jit3A_145 = arith.constant 4 : i32
      %eq3A_146 = arith.constant 0 : i32
      %eq3A_147 = arith.cmpi eq, %jit3A_145, %eq3A_146 : i32
      %jit3A_148 = arith.constant 1 : i32
      %select_n3A_149 = arith.select %eq3A_147, %jit3A_148, %jit3A_145 : i32
      %rem3A_150 = arith.remsi %while3A_86, %select_n3A_149 : i32
      %ne3A_151 = arith.constant 0 : i32
      %ne3A_152 = arith.cmpi ne, %rem3A_150, %ne3A_151 : i32
      %lt3A_153 = arith.constant 0 : i32
      %lt3A_154 = arith.cmpi slt, %rem3A_150, %lt3A_153 : i32
      %lt3A_155 = arith.constant 0 : i32
      %lt3A_156 = arith.cmpi slt, %select_n3A_149, %lt3A_155 : i32
      %ne3A_157 = arith.xori %lt3A_154, %lt3A_156 : i1
      %and3A_158 = arith.andi %ne3A_157, %ne3A_152 : i1
      %add3A_159 = arith.addi %rem3A_150, %select_n3A_149 : i32
      %select_n3A_160 = arith.select %and3A_158, %add3A_159, %rem3A_150 : i32
      %mul3A_161 = arith.constant 2 : i32
      %mul3A_162 = arith.muli %select_n3A_160, %mul3A_161 : i32
      %add3A_163 = arith.constant 1 : i32
      %add3A_164 = arith.addi %mul3A_162, %add3A_163 : i32
      %dma_start3A = arith.constant 0 : i32
      %dma_start3A_165 = arith.constant 0 : i32
      %dma_start3A_166 = tpu.memref_slice %arg7[%select_n3A_144, %dma_start3A, %dma_start3A_165] : memref<3x128x128xf32, #tpu.memory_space<vmem>> -> memref<1x128x128xf32, #tpu.memory_space<vmem>>
      %dma_start3A_167 = tpu.memref_squeeze %dma_start3A_166 : memref<1x128x128xf32, #tpu.memory_space<vmem>> -> memref<128x128xf32, #tpu.memory_space<vmem>>
      %dma_start3A_168 = arith.constant 0 : i32
      %dma_start3A_169 = tpu.memref_slice %arg6[%add3A_164, %dma_start3A_168] : memref<8x128xi32, #tpu.memory_space<vmem>> -> memref<1x128xi32, #tpu.memory_space<vmem>>
      %dma_start3A_170 = tpu.memref_squeeze %dma_start3A_169 : memref<1x128xi32, #tpu.memory_space<vmem>> -> memref<128xi32, #tpu.memory_space<vmem>>
      %dma_start3A_171 = arith.constant 0 : i32
      %dma_start3A_172 = arith.constant 0 : i32
      %dma_start3A_173 = tpu.memref_slice %arg5[%dma_start3A_171, %dma_start3A_172] : memref<10112x128xf32, #tpu.memory_space<vmem_shared>> -> memref<10112x128xf32, #tpu.memory_space<vmem_shared>>
      tpu.enqueue_indirect_dma source(%dma_start3A_167 : memref<128x128xf32, #tpu.memory_space<vmem>>) target(%dma_start3A_173 : memref<10112x128xf32, #tpu.memory_space<vmem_shared>>) offsets(%dma_start3A_170 : memref<128xi32, #tpu.memory_space<vmem>>) semaphore(%arg10 : memref<!tpu.dma_semaphore, #tpu.memory_space<semaphore_mem>>) {add = true}
      %ge3A_174 = arith.constant 1 : i32
      %ge3A_175 = arith.cmpi sge, %while3A_86, %ge3A_174 : i32
      %convert_element_type3A_176 = arith.extui %ge3A_175 : i1 to i32
      %cond3A_177 = arith.constant 0 : i32
      %cond3A_178 = arith.cmpi ne, %convert_element_type3A_176, %cond3A_177 : i32
      scf.if %cond3A_178 {
        %sub3A_192 = arith.constant 1 : i32
        %sub3A_193 = arith.subi %while3A_86, %sub3A_192 : i32
        %jit3A_194 = arith.constant 3 : i32
        %eq3A_195 = arith.constant 0 : i32
        %eq3A_196 = arith.cmpi eq, %jit3A_194, %eq3A_195 : i32
        %jit3A_197 = arith.constant 1 : i32
        %select_n3A_198 = arith.select %eq3A_196, %jit3A_197, %jit3A_194 : i32
        %rem3A_199 = arith.remsi %sub3A_193, %select_n3A_198 : i32
        %ne3A_200 = arith.constant 0 : i32
        %ne3A_201 = arith.cmpi ne, %rem3A_199, %ne3A_200 : i32
        %lt3A_202 = arith.constant 0 : i32
        %lt3A_203 = arith.cmpi slt, %rem3A_199, %lt3A_202 : i32
        %lt3A_204 = arith.constant 0 : i32
        %lt3A_205 = arith.cmpi slt, %select_n3A_198, %lt3A_204 : i32
        %ne3A_206 = arith.xori %lt3A_203, %lt3A_205 : i1
        %and3A_207 = arith.andi %ne3A_206, %ne3A_201 : i1
        %add3A_208 = arith.addi %rem3A_199, %select_n3A_198 : i32
        %select_n3A_209 = arith.select %and3A_207, %add3A_208, %rem3A_199 : i32
        %jit3A_210 = arith.constant 4 : i32
        %eq3A_211 = arith.constant 0 : i32
        %eq3A_212 = arith.cmpi eq, %jit3A_210, %eq3A_211 : i32
        %jit3A_213 = arith.constant 1 : i32
        %select_n3A_214 = arith.select %eq3A_212, %jit3A_213, %jit3A_210 : i32
        %rem3A_215 = arith.remsi %sub3A_193, %select_n3A_214 : i32
        %ne3A_216 = arith.constant 0 : i32
        %ne3A_217 = arith.cmpi ne, %rem3A_215, %ne3A_216 : i32
        %lt3A_218 = arith.constant 0 : i32
        %lt3A_219 = arith.cmpi slt, %rem3A_215, %lt3A_218 : i32
        %lt3A_220 = arith.constant 0 : i32
        %lt3A_221 = arith.cmpi slt, %select_n3A_214, %lt3A_220 : i32
        %ne3A_222 = arith.xori %lt3A_219, %lt3A_221 : i1
        %and3A_223 = arith.andi %ne3A_222, %ne3A_217 : i1
        %add3A_224 = arith.addi %rem3A_215, %select_n3A_214 : i32
        %select_n3A_225 = arith.select %and3A_223, %add3A_224, %rem3A_215 : i32
        %mul3A_226 = arith.constant 2 : i32
        %mul3A_227 = arith.muli %select_n3A_225, %mul3A_226 : i32
        %add3A_228 = arith.constant 1 : i32
        %add3A_229 = arith.addi %mul3A_227, %add3A_228 : i32
        %dma_wait3A_230 = arith.constant 0 : i32
        %dma_wait3A_231 = arith.constant 0 : i32
        %dma_wait3A_232 = tpu.memref_slice %arg7[%select_n3A_209, %dma_wait3A_230, %dma_wait3A_231] : memref<3x128x128xf32, #tpu.memory_space<vmem>> -> memref<1x128x128xf32, #tpu.memory_space<vmem>>
        %dma_wait3A_233 = tpu.memref_squeeze %dma_wait3A_232 : memref<1x128x128xf32, #tpu.memory_space<vmem>> -> memref<128x128xf32, #tpu.memory_space<vmem>>
        %dma_wait3A_234 = arith.constant 0 : i32
        %dma_wait3A_235 = tpu.memref_slice %arg6[%add3A_229, %dma_wait3A_234] : memref<8x128xi32, #tpu.memory_space<vmem>> -> memref<1x128xi32, #tpu.memory_space<vmem>>
        %dma_wait3A_236 = tpu.memref_squeeze %dma_wait3A_235 : memref<1x128xi32, #tpu.memory_space<vmem>> -> memref<128xi32, #tpu.memory_space<vmem>>
        %dma_wait3A_237 = arith.constant 0 : i32
        %dma_wait3A_238 = arith.constant 0 : i32
        %dma_wait3A_239 = tpu.memref_slice %arg5[%dma_wait3A_237, %dma_wait3A_238] : memref<10112x128xf32, #tpu.memory_space<vmem_shared>> -> memref<10112x128xf32, #tpu.memory_space<vmem_shared>>
        tpu.wait_indirect_dma semaphore(%arg10 : memref<!tpu.dma_semaphore, #tpu.memory_space<semaphore_mem>>) src(%dma_wait3A_233 : memref<128x128xf32, #tpu.memory_space<vmem>>) dst(%dma_wait3A_239 : memref<10112x128xf32, #tpu.memory_space<vmem_shared>>)
      } else {
      }
      %add3A_179 = arith.constant 2 : i32
      %add3A_180 = arith.addi %while3A_86, %add3A_179 : i32
      %lt3A_181 = arith.cmpi slt, %add3A_180, %min3A : i32
      %convert_element_type3A_182 = arith.extui %lt3A_181 : i1 to i32
      %cond3A_183 = arith.constant 0 : i32
      %cond3A_184 = arith.cmpi ne, %convert_element_type3A_182, %cond3A_183 : i32
      scf.if %cond3A_184 {
        %add3A_192 = arith.constant 2 : i32
        %add3A_193 = arith.addi %while3A_86, %add3A_192 : i32
        %mul3A_194 = arith.constant 88 : i32
        %mul3A_195 = arith.muli %add3A, %mul3A_194 : i32
        %add3A_196 = arith.addi %mul3A_195, %add3A_193 : i32
        %jit3A_197 = arith.constant 4 : i32
        %eq3A_198 = arith.constant 0 : i32
        %eq3A_199 = arith.cmpi eq, %jit3A_197, %eq3A_198 : i32
        %jit3A_200 = arith.constant 1 : i32
        %select_n3A_201 = arith.select %eq3A_199, %jit3A_200, %jit3A_197 : i32
        %rem3A_202 = arith.remsi %add3A_193, %select_n3A_201 : i32
        %ne3A_203 = arith.constant 0 : i32
        %ne3A_204 = arith.cmpi ne, %rem3A_202, %ne3A_203 : i32
        %lt3A_205 = arith.constant 0 : i32
        %lt3A_206 = arith.cmpi slt, %rem3A_202, %lt3A_205 : i32
        %lt3A_207 = arith.constant 0 : i32
        %lt3A_208 = arith.cmpi slt, %select_n3A_201, %lt3A_207 : i32
        %ne3A_209 = arith.xori %lt3A_206, %lt3A_208 : i1
        %and3A_210 = arith.andi %ne3A_209, %ne3A_204 : i1
        %add3A_211 = arith.addi %rem3A_202, %select_n3A_201 : i32
        %select_n3A_212 = arith.select %and3A_210, %add3A_211, %rem3A_202 : i32
        %mul3A_213 = arith.constant 2 : i32
        %mul3A_214 = arith.muli %select_n3A_212, %mul3A_213 : i32
        %dma_wait3A_215 = arith.constant 0 : i32
        %dma_wait3A_216 = tpu.memref_slice %arg6[%mul3A_214, %dma_wait3A_215] : memref<8x128xi32, #tpu.memory_space<vmem>> -> memref<2x128xi32, #tpu.memory_space<vmem>>
        %dma_wait3A_217 = arith.constant 0 : i32
        %dma_wait3A_218 = arith.constant 0 : i32
        %dma_wait3A_219 = tpu.memref_slice %arg3[%add3A_196, %dma_wait3A_217, %dma_wait3A_218] : memref<2816x2x128xi32, #tpu.memory_space<hbm>> -> memref<1x2x128xi32, #tpu.memory_space<hbm>>
        %dma_wait3A_220 = tpu.memref_squeeze %dma_wait3A_219 : memref<1x2x128xi32, #tpu.memory_space<hbm>> -> memref<2x128xi32, #tpu.memory_space<hbm>>
        %dma_wait3A_221 = arith.constant 0 : i32
        %dma_wait3A_222 = tpu.memref_slice %arg6[%mul3A_214, %dma_wait3A_221] : memref<8x128xi32, #tpu.memory_space<vmem>> -> memref<2x128xi32, #tpu.memory_space<vmem>>
        %dma_wait3A_223 = arith.constant 0 : i32
        %dma_wait3A_224 = arith.constant 0 : i32
        %dma_wait3A_225 = tpu.memref_slice %arg3[%add3A_196, %dma_wait3A_223, %dma_wait3A_224] : memref<2816x2x128xi32, #tpu.memory_space<hbm>> -> memref<1x2x128xi32, #tpu.memory_space<hbm>>
        %dma_wait3A_226 = tpu.memref_squeeze %dma_wait3A_225 : memref<1x2x128xi32, #tpu.memory_space<hbm>> -> memref<2x128xi32, #tpu.memory_space<hbm>>
        tpu.wait_dma2 semaphore(%arg8 : memref<!tpu.dma_semaphore, #tpu.memory_space<semaphore_mem>>) src(%dma_wait3A_226 : memref<2x128xi32, #tpu.memory_space<hbm>>) dst(%dma_wait3A_222 : memref<2x128xi32, #tpu.memory_space<vmem>>)
        %add3A_227 = arith.constant 2 : i32
        %add3A_228 = arith.addi %while3A_86, %add3A_227 : i32
        %jit3A_229 = arith.constant 4 : i32
        %eq3A_230 = arith.constant 0 : i32
        %eq3A_231 = arith.cmpi eq, %jit3A_229, %eq3A_230 : i32
        %jit3A_232 = arith.constant 1 : i32
        %select_n3A_233 = arith.select %eq3A_231, %jit3A_232, %jit3A_229 : i32
        %rem3A_234 = arith.remsi %add3A_228, %select_n3A_233 : i32
        %ne3A_235 = arith.constant 0 : i32
        %ne3A_236 = arith.cmpi ne, %rem3A_234, %ne3A_235 : i32
        %lt3A_237 = arith.constant 0 : i32
        %lt3A_238 = arith.cmpi slt, %rem3A_234, %lt3A_237 : i32
        %lt3A_239 = arith.constant 0 : i32
        %lt3A_240 = arith.cmpi slt, %select_n3A_233, %lt3A_239 : i32
        %ne3A_241 = arith.xori %lt3A_238, %lt3A_240 : i1
        %and3A_242 = arith.andi %ne3A_241, %ne3A_236 : i1
        %add3A_243 = arith.addi %rem3A_234, %select_n3A_233 : i32
        %select_n3A_244 = arith.select %and3A_242, %add3A_243, %rem3A_234 : i32
        %mul3A_245 = arith.constant 2 : i32
        %mul3A_246 = arith.muli %select_n3A_244, %mul3A_245 : i32
        %jit3A_247 = arith.constant 3 : i32
        %eq3A_248 = arith.constant 0 : i32
        %eq3A_249 = arith.cmpi eq, %jit3A_247, %eq3A_248 : i32
        %jit3A_250 = arith.constant 1 : i32
        %select_n3A_251 = arith.select %eq3A_249, %jit3A_250, %jit3A_247 : i32
        %rem3A_252 = arith.remsi %add3A_228, %select_n3A_251 : i32
        %ne3A_253 = arith.constant 0 : i32
        %ne3A_254 = arith.cmpi ne, %rem3A_252, %ne3A_253 : i32
        %lt3A_255 = arith.constant 0 : i32
        %lt3A_256 = arith.cmpi slt, %rem3A_252, %lt3A_255 : i32
        %lt3A_257 = arith.constant 0 : i32
        %lt3A_258 = arith.cmpi slt, %select_n3A_251, %lt3A_257 : i32
        %ne3A_259 = arith.xori %lt3A_256, %lt3A_258 : i1
        %and3A_260 = arith.andi %ne3A_259, %ne3A_254 : i1
        %add3A_261 = arith.addi %rem3A_252, %select_n3A_251 : i32
        %select_n3A_262 = arith.select %and3A_260, %add3A_261, %rem3A_252 : i32
        %dma_start3A_263 = arith.constant 0 : i32
        %dma_start3A_264 = arith.constant 0 : i32
        %dma_start3A_265 = tpu.memref_slice %arg7[%select_n3A_262, %dma_start3A_263, %dma_start3A_264] : memref<3x128x128xf32, #tpu.memory_space<vmem>> -> memref<1x128x128xf32, #tpu.memory_space<vmem>>
        %dma_start3A_266 = tpu.memref_squeeze %dma_start3A_265 : memref<1x128x128xf32, #tpu.memory_space<vmem>> -> memref<128x128xf32, #tpu.memory_space<vmem>>
        %dma_start3A_267 = arith.constant 0 : i32
        %dma_start3A_268 = tpu.memref_slice %arg6[%mul3A_246, %dma_start3A_267] : memref<8x128xi32, #tpu.memory_space<vmem>> -> memref<1x128xi32, #tpu.memory_space<vmem>>
        %dma_start3A_269 = tpu.memref_squeeze %dma_start3A_268 : memref<1x128xi32, #tpu.memory_space<vmem>> -> memref<128xi32, #tpu.memory_space<vmem>>
        %dma_start3A_270 = arith.constant 0 : i32
        %dma_start3A_271 = arith.constant 0 : i32
        %dma_start3A_272 = tpu.memref_slice %arg2[%dma_start3A_270, %dma_start3A_271] : memref<10000x128xf32, #tpu.memory_space<hbm>> -> memref<10000x128xf32, #tpu.memory_space<hbm>>
        tpu.enqueue_indirect_dma source(%dma_start3A_272 : memref<10000x128xf32, #tpu.memory_space<hbm>>) target(%dma_start3A_266 : memref<128x128xf32, #tpu.memory_space<vmem>>) offsets(%dma_start3A_269 : memref<128xi32, #tpu.memory_space<vmem>>) semaphore(%arg9 : memref<!tpu.dma_semaphore, #tpu.memory_space<semaphore_mem>>)
      } else {
      }
      %add3A_185 = arith.constant 3 : i32
      %add3A_186 = arith.addi %while3A_86, %add3A_185 : i32
      %lt3A_187 = arith.cmpi slt, %add3A_186, %min3A : i32
      %convert_element_type3A_188 = arith.extui %lt3A_187 : i1 to i32
      %cond3A_189 = arith.constant 0 : i32
      %cond3A_190 = arith.cmpi ne, %convert_element_type3A_188, %cond3A_189 : i32
      scf.if %cond3A_190 {
        %add3A_192 = arith.constant 3 : i32
        %add3A_193 = arith.addi %while3A_86, %add3A_192 : i32
        %mul3A_194 = arith.constant 88 : i32
        %mul3A_195 = arith.muli %add3A, %mul3A_194 : i32
        %add3A_196 = arith.addi %mul3A_195, %add3A_193 : i32
        %jit3A_197 = arith.constant 4 : i32
        %eq3A_198 = arith.constant 0 : i32
        %eq3A_199 = arith.cmpi eq, %jit3A_197, %eq3A_198 : i32
        %jit3A_200 = arith.constant 1 : i32
        %select_n3A_201 = arith.select %eq3A_199, %jit3A_200, %jit3A_197 : i32
        %rem3A_202 = arith.remsi %add3A_193, %select_n3A_201 : i32
        %ne3A_203 = arith.constant 0 : i32
        %ne3A_204 = arith.cmpi ne, %rem3A_202, %ne3A_203 : i32
        %lt3A_205 = arith.constant 0 : i32
        %lt3A_206 = arith.cmpi slt, %rem3A_202, %lt3A_205 : i32
        %lt3A_207 = arith.constant 0 : i32
        %lt3A_208 = arith.cmpi slt, %select_n3A_201, %lt3A_207 : i32
        %ne3A_209 = arith.xori %lt3A_206, %lt3A_208 : i1
        %and3A_210 = arith.andi %ne3A_209, %ne3A_204 : i1
        %add3A_211 = arith.addi %rem3A_202, %select_n3A_201 : i32
        %select_n3A_212 = arith.select %and3A_210, %add3A_211, %rem3A_202 : i32
        %mul3A_213 = arith.constant 2 : i32
        %mul3A_214 = arith.muli %select_n3A_212, %mul3A_213 : i32
        %dma_start3A_215 = arith.constant 0 : i32
        %dma_start3A_216 = tpu.memref_slice %arg6[%mul3A_214, %dma_start3A_215] : memref<8x128xi32, #tpu.memory_space<vmem>> -> memref<2x128xi32, #tpu.memory_space<vmem>>
        %dma_start3A_217 = arith.constant 0 : i32
        %dma_start3A_218 = arith.constant 0 : i32
        %dma_start3A_219 = tpu.memref_slice %arg3[%add3A_196, %dma_start3A_217, %dma_start3A_218] : memref<2816x2x128xi32, #tpu.memory_space<hbm>> -> memref<1x2x128xi32, #tpu.memory_space<hbm>>
        %dma_start3A_220 = tpu.memref_squeeze %dma_start3A_219 : memref<1x2x128xi32, #tpu.memory_space<hbm>> -> memref<2x128xi32, #tpu.memory_space<hbm>>
        %dma_start3A_221 = arith.constant 0 : i32
        %dma_start3A_222 = tpu.memref_slice %arg6[%mul3A_214, %dma_start3A_221] : memref<8x128xi32, #tpu.memory_space<vmem>> -> memref<2x128xi32, #tpu.memory_space<vmem>>
        %dma_start3A_223 = arith.constant 0 : i32
        %dma_start3A_224 = arith.constant 0 : i32
        %dma_start3A_225 = tpu.memref_slice %arg3[%add3A_196, %dma_start3A_223, %dma_start3A_224] : memref<2816x2x128xi32, #tpu.memory_space<hbm>> -> memref<1x2x128xi32, #tpu.memory_space<hbm>>
        %dma_start3A_226 = tpu.memref_squeeze %dma_start3A_225 : memref<1x2x128xi32, #tpu.memory_space<hbm>> -> memref<2x128xi32, #tpu.memory_space<hbm>>
        tpu.enqueue_dma source(%dma_start3A_226 : memref<2x128xi32, #tpu.memory_space<hbm>>) target(%dma_start3A_222 : memref<2x128xi32, #tpu.memory_space<vmem>>) target_semaphore(%arg8 : memref<!tpu.dma_semaphore, #tpu.memory_space<semaphore_mem>>)
      } else {
      }
      %while3A_191 = arith.constant 0 : i32
      scf.yield %while3A_191 : i32
    }
    %while3A_75 = arith.constant 1 : i32
    %while3A_76 = scf.for %while3A_86 = %while3A_72 to %while3A_68 step %while3A_75 iter_args(%while3A_87 = %while3A_74) -> (i32)  : i32 {
      %jit3A_88 = arith.constant 4 : i32
      %eq3A = arith.constant 0 : i32
      %eq3A_89 = arith.cmpi eq, %jit3A_88, %eq3A : i32
      %jit3A_90 = arith.constant 1 : i32
      %select_n3A_91 = arith.select %eq3A_89, %jit3A_90, %jit3A_88 : i32
      %rem3A_92 = arith.remsi %while3A_86, %select_n3A_91 : i32
      %ne3A_93 = arith.constant 0 : i32
      %ne3A_94 = arith.cmpi ne, %rem3A_92, %ne3A_93 : i32
      %lt3A = arith.constant 0 : i32
      %lt3A_95 = arith.cmpi slt, %rem3A_92, %lt3A : i32
      %lt3A_96 = arith.constant 0 : i32
      %lt3A_97 = arith.cmpi slt, %select_n3A_91, %lt3A_96 : i32
      %ne3A_98 = arith.xori %lt3A_95, %lt3A_97 : i1
      %and3A_99 = arith.andi %ne3A_98, %ne3A_94 : i1
      %add3A_100 = arith.addi %rem3A_92, %select_n3A_91 : i32
      %select_n3A_101 = arith.select %and3A_99, %add3A_100, %rem3A_92 : i32
      %mul3A_102 = arith.constant 2 : i32
      %mul3A_103 = arith.muli %select_n3A_101, %mul3A_102 : i32
      %jit3A_104 = arith.constant 3 : i32
      %eq3A_105 = arith.constant 0 : i32
      %eq3A_106 = arith.cmpi eq, %jit3A_104, %eq3A_105 : i32
      %jit3A_107 = arith.constant 1 : i32
      %select_n3A_108 = arith.select %eq3A_106, %jit3A_107, %jit3A_104 : i32
      %rem3A_109 = arith.remsi %while3A_86, %select_n3A_108 : i32
      %ne3A_110 = arith.constant 0 : i32
      %ne3A_111 = arith.cmpi ne, %rem3A_109, %ne3A_110 : i32
      %lt3A_112 = arith.constant 0 : i32
      %lt3A_113 = arith.cmpi slt, %rem3A_109, %lt3A_112 : i32
      %lt3A_114 = arith.constant 0 : i32
      %lt3A_115 = arith.cmpi slt, %select_n3A_108, %lt3A_114 : i32
      %ne3A_116 = arith.xori %lt3A_113, %lt3A_115 : i1
      %and3A_117 = arith.andi %ne3A_116, %ne3A_111 : i1
      %add3A_118 = arith.addi %rem3A_109, %select_n3A_108 : i32
      %select_n3A_119 = arith.select %and3A_117, %add3A_118, %rem3A_109 : i32
      %dma_wait3A = arith.constant 0 : i32
      %dma_wait3A_120 = arith.constant 0 : i32
      %dma_wait3A_121 = tpu.memref_slice %arg7[%select_n3A_119, %dma_wait3A, %dma_wait3A_120] : memref<3x128x128xf32, #tpu.memory_space<vmem>> -> memref<1x128x128xf32, #tpu.memory_space<vmem>>
      %dma_wait3A_122 = tpu.memref_squeeze %dma_wait3A_121 : memref<1x128x128xf32, #tpu.memory_space<vmem>> -> memref<128x128xf32, #tpu.memory_space<vmem>>
      %dma_wait3A_123 = arith.constant 0 : i32
      %dma_wait3A_124 = tpu.memref_slice %arg6[%mul3A_103, %dma_wait3A_123] : memref<8x128xi32, #tpu.memory_space<vmem>> -> memref<1x128xi32, #tpu.memory_space<vmem>>
      %dma_wait3A_125 = tpu.memref_squeeze %dma_wait3A_124 : memref<1x128xi32, #tpu.memory_space<vmem>> -> memref<128xi32, #tpu.memory_space<vmem>>
      %dma_wait3A_126 = arith.constant 0 : i32
      %dma_wait3A_127 = arith.constant 0 : i32
      %dma_wait3A_128 = tpu.memref_slice %arg2[%dma_wait3A_126, %dma_wait3A_127] : memref<10000x128xf32, #tpu.memory_space<hbm>> -> memref<10000x128xf32, #tpu.memory_space<hbm>>
      tpu.wait_indirect_dma semaphore(%arg9 : memref<!tpu.dma_semaphore, #tpu.memory_space<semaphore_mem>>) src(%dma_wait3A_128 : memref<10000x128xf32, #tpu.memory_space<hbm>>) dst(%dma_wait3A_122 : memref<128x128xf32, #tpu.memory_space<vmem>>)
      %jit3A_129 = arith.constant 3 : i32
      %eq3A_130 = arith.constant 0 : i32
      %eq3A_131 = arith.cmpi eq, %jit3A_129, %eq3A_130 : i32
      %jit3A_132 = arith.constant 1 : i32
      %select_n3A_133 = arith.select %eq3A_131, %jit3A_132, %jit3A_129 : i32
      %rem3A_134 = arith.remsi %while3A_86, %select_n3A_133 : i32
      %ne3A_135 = arith.constant 0 : i32
      %ne3A_136 = arith.cmpi ne, %rem3A_134, %ne3A_135 : i32
      %lt3A_137 = arith.constant 0 : i32
      %lt3A_138 = arith.cmpi slt, %rem3A_134, %lt3A_137 : i32
      %lt3A_139 = arith.constant 0 : i32
      %lt3A_140 = arith.cmpi slt, %select_n3A_133, %lt3A_139 : i32
      %ne3A_141 = arith.xori %lt3A_138, %lt3A_140 : i1
      %and3A_142 = arith.andi %ne3A_141, %ne3A_136 : i1
      %add3A_143 = arith.addi %rem3A_134, %select_n3A_133 : i32
      %select_n3A_144 = arith.select %and3A_142, %add3A_143, %rem3A_134 : i32
      %jit3A_145 = arith.constant 4 : i32
      %eq3A_146 = arith.constant 0 : i32
      %eq3A_147 = arith.cmpi eq, %jit3A_145, %eq3A_146 : i32
      %jit3A_148 = arith.constant 1 : i32
      %select_n3A_149 = arith.select %eq3A_147, %jit3A_148, %jit3A_145 : i32
      %rem3A_150 = arith.remsi %while3A_86, %select_n3A_149 : i32
      %ne3A_151 = arith.constant 0 : i32
      %ne3A_152 = arith.cmpi ne, %rem3A_150, %ne3A_151 : i32
      %lt3A_153 = arith.constant 0 : i32
      %lt3A_154 = arith.cmpi slt, %rem3A_150, %lt3A_153 : i32
      %lt3A_155 = arith.constant 0 : i32
      %lt3A_156 = arith.cmpi slt, %select_n3A_149, %lt3A_155 : i32
      %ne3A_157 = arith.xori %lt3A_154, %lt3A_156 : i1
      %and3A_158 = arith.andi %ne3A_157, %ne3A_152 : i1
      %add3A_159 = arith.addi %rem3A_150, %select_n3A_149 : i32
      %select_n3A_160 = arith.select %and3A_158, %add3A_159, %rem3A_150 : i32
      %mul3A_161 = arith.constant 2 : i32
      %mul3A_162 = arith.muli %select_n3A_160, %mul3A_161 : i32
      %add3A_163 = arith.constant 1 : i32
      %add3A_164 = arith.addi %mul3A_162, %add3A_163 : i32
      %dma_start3A = arith.constant 0 : i32
      %dma_start3A_165 = arith.constant 0 : i32
      %dma_start3A_166 = tpu.memref_slice %arg7[%select_n3A_144, %dma_start3A, %dma_start3A_165] : memref<3x128x128xf32, #tpu.memory_space<vmem>> -> memref<1x128x128xf32, #tpu.memory_space<vmem>>
      %dma_start3A_167 = tpu.memref_squeeze %dma_start3A_166 : memref<1x128x128xf32, #tpu.memory_space<vmem>> -> memref<128x128xf32, #tpu.memory_space<vmem>>
      %dma_start3A_168 = arith.constant 0 : i32
      %dma_start3A_169 = tpu.memref_slice %arg6[%add3A_164, %dma_start3A_168] : memref<8x128xi32, #tpu.memory_space<vmem>> -> memref<1x128xi32, #tpu.memory_space<vmem>>
      %dma_start3A_170 = tpu.memref_squeeze %dma_start3A_169 : memref<1x128xi32, #tpu.memory_space<vmem>> -> memref<128xi32, #tpu.memory_space<vmem>>
      %dma_start3A_171 = arith.constant 0 : i32
      %dma_start3A_172 = arith.constant 0 : i32
      %dma_start3A_173 = tpu.memref_slice %arg5[%dma_start3A_171, %dma_start3A_172] : memref<10112x128xf32, #tpu.memory_space<vmem_shared>> -> memref<10112x128xf32, #tpu.memory_space<vmem_shared>>
      tpu.enqueue_indirect_dma source(%dma_start3A_167 : memref<128x128xf32, #tpu.memory_space<vmem>>) target(%dma_start3A_173 : memref<10112x128xf32, #tpu.memory_space<vmem_shared>>) offsets(%dma_start3A_170 : memref<128xi32, #tpu.memory_space<vmem>>) semaphore(%arg10 : memref<!tpu.dma_semaphore, #tpu.memory_space<semaphore_mem>>) {add = true}
      %ge3A_174 = arith.constant 1 : i32
      %ge3A_175 = arith.cmpi sge, %while3A_86, %ge3A_174 : i32
      %convert_element_type3A_176 = arith.extui %ge3A_175 : i1 to i32
      %cond3A_177 = arith.constant 0 : i32
      %cond3A_178 = arith.cmpi ne, %convert_element_type3A_176, %cond3A_177 : i32
      scf.if %cond3A_178 {
        %sub3A_192 = arith.constant 1 : i32
        %sub3A_193 = arith.subi %while3A_86, %sub3A_192 : i32
        %jit3A_194 = arith.constant 3 : i32
        %eq3A_195 = arith.constant 0 : i32
        %eq3A_196 = arith.cmpi eq, %jit3A_194, %eq3A_195 : i32
        %jit3A_197 = arith.constant 1 : i32
        %select_n3A_198 = arith.select %eq3A_196, %jit3A_197, %jit3A_194 : i32
        %rem3A_199 = arith.remsi %sub3A_193, %select_n3A_198 : i32
        %ne3A_200 = arith.constant 0 : i32
        %ne3A_201 = arith.cmpi ne, %rem3A_199, %ne3A_200 : i32
        %lt3A_202 = arith.constant 0 : i32
        %lt3A_203 = arith.cmpi slt, %rem3A_199, %lt3A_202 : i32
        %lt3A_204 = arith.constant 0 : i32
        %lt3A_205 = arith.cmpi slt, %select_n3A_198, %lt3A_204 : i32
        %ne3A_206 = arith.xori %lt3A_203, %lt3A_205 : i1
        %and3A_207 = arith.andi %ne3A_206, %ne3A_201 : i1
        %add3A_208 = arith.addi %rem3A_199, %select_n3A_198 : i32
        %select_n3A_209 = arith.select %and3A_207, %add3A_208, %rem3A_199 : i32
        %jit3A_210 = arith.constant 4 : i32
        %eq3A_211 = arith.constant 0 : i32
        %eq3A_212 = arith.cmpi eq, %jit3A_210, %eq3A_211 : i32
        %jit3A_213 = arith.constant 1 : i32
        %select_n3A_214 = arith.select %eq3A_212, %jit3A_213, %jit3A_210 : i32
        %rem3A_215 = arith.remsi %sub3A_193, %select_n3A_214 : i32
        %ne3A_216 = arith.constant 0 : i32
        %ne3A_217 = arith.cmpi ne, %rem3A_215, %ne3A_216 : i32
        %lt3A_218 = arith.constant 0 : i32
        %lt3A_219 = arith.cmpi slt, %rem3A_215, %lt3A_218 : i32
        %lt3A_220 = arith.constant 0 : i32
        %lt3A_221 = arith.cmpi slt, %select_n3A_214, %lt3A_220 : i32
        %ne3A_222 = arith.xori %lt3A_219, %lt3A_221 : i1
        %and3A_223 = arith.andi %ne3A_222, %ne3A_217 : i1
        %add3A_224 = arith.addi %rem3A_215, %select_n3A_214 : i32
        %select_n3A_225 = arith.select %and3A_223, %add3A_224, %rem3A_215 : i32
        %mul3A_226 = arith.constant 2 : i32
        %mul3A_227 = arith.muli %select_n3A_225, %mul3A_226 : i32
        %add3A_228 = arith.constant 1 : i32
        %add3A_229 = arith.addi %mul3A_227, %add3A_228 : i32
        %dma_wait3A_230 = arith.constant 0 : i32
        %dma_wait3A_231 = arith.constant 0 : i32
        %dma_wait3A_232 = tpu.memref_slice %arg7[%select_n3A_209, %dma_wait3A_230, %dma_wait3A_231] : memref<3x128x128xf32, #tpu.memory_space<vmem>> -> memref<1x128x128xf32, #tpu.memory_space<vmem>>
        %dma_wait3A_233 = tpu.memref_squeeze %dma_wait3A_232 : memref<1x128x128xf32, #tpu.memory_space<vmem>> -> memref<128x128xf32, #tpu.memory_space<vmem>>
        %dma_wait3A_234 = arith.constant 0 : i32
        %dma_wait3A_235 = tpu.memref_slice %arg6[%add3A_229, %dma_wait3A_234] : memref<8x128xi32, #tpu.memory_space<vmem>> -> memref<1x128xi32, #tpu.memory_space<vmem>>
        %dma_wait3A_236 = tpu.memref_squeeze %dma_wait3A_235 : memref<1x128xi32, #tpu.memory_space<vmem>> -> memref<128xi32, #tpu.memory_space<vmem>>
        %dma_wait3A_237 = arith.constant 0 : i32
        %dma_wait3A_238 = arith.constant 0 : i32
        %dma_wait3A_239 = tpu.memref_slice %arg5[%dma_wait3A_237, %dma_wait3A_238] : memref<10112x128xf32, #tpu.memory_space<vmem_shared>> -> memref<10112x128xf32, #tpu.memory_space<vmem_shared>>
        tpu.wait_indirect_dma semaphore(%arg10 : memref<!tpu.dma_semaphore, #tpu.memory_space<semaphore_mem>>) src(%dma_wait3A_233 : memref<128x128xf32, #tpu.memory_space<vmem>>) dst(%dma_wait3A_239 : memref<10112x128xf32, #tpu.memory_space<vmem_shared>>)
      } else {
      }
      %add3A_179 = arith.constant 2 : i32
      %add3A_180 = arith.addi %while3A_86, %add3A_179 : i32
      %lt3A_181 = arith.cmpi slt, %add3A_180, %min3A : i32
      %convert_element_type3A_182 = arith.extui %lt3A_181 : i1 to i32
      %cond3A_183 = arith.constant 0 : i32
      %cond3A_184 = arith.cmpi ne, %convert_element_type3A_182, %cond3A_183 : i32
      scf.if %cond3A_184 {
        %add3A_192 = arith.constant 2 : i32
        %add3A_193 = arith.addi %while3A_86, %add3A_192 : i32
        %mul3A_194 = arith.constant 88 : i32
        %mul3A_195 = arith.muli %add3A, %mul3A_194 : i32
        %add3A_196 = arith.addi %mul3A_195, %add3A_193 : i32
        %jit3A_197 = arith.constant 4 : i32
        %eq3A_198 = arith.constant 0 : i32
        %eq3A_199 = arith.cmpi eq, %jit3A_197, %eq3A_198 : i32
        %jit3A_200 = arith.constant 1 : i32
        %select_n3A_201 = arith.select %eq3A_199, %jit3A_200, %jit3A_197 : i32
        %rem3A_202 = arith.remsi %add3A_193, %select_n3A_201 : i32
        %ne3A_203 = arith.constant 0 : i32
        %ne3A_204 = arith.cmpi ne, %rem3A_202, %ne3A_203 : i32
        %lt3A_205 = arith.constant 0 : i32
        %lt3A_206 = arith.cmpi slt, %rem3A_202, %lt3A_205 : i32
        %lt3A_207 = arith.constant 0 : i32
        %lt3A_208 = arith.cmpi slt, %select_n3A_201, %lt3A_207 : i32
        %ne3A_209 = arith.xori %lt3A_206, %lt3A_208 : i1
        %and3A_210 = arith.andi %ne3A_209, %ne3A_204 : i1
        %add3A_211 = arith.addi %rem3A_202, %select_n3A_201 : i32
        %select_n3A_212 = arith.select %and3A_210, %add3A_211, %rem3A_202 : i32
        %mul3A_213 = arith.constant 2 : i32
        %mul3A_214 = arith.muli %select_n3A_212, %mul3A_213 : i32
        %dma_wait3A_215 = arith.constant 0 : i32
        %dma_wait3A_216 = tpu.memref_slice %arg6[%mul3A_214, %dma_wait3A_215] : memref<8x128xi32, #tpu.memory_space<vmem>> -> memref<2x128xi32, #tpu.memory_space<vmem>>
        %dma_wait3A_217 = arith.constant 0 : i32
        %dma_wait3A_218 = arith.constant 0 : i32
        %dma_wait3A_219 = tpu.memref_slice %arg3[%add3A_196, %dma_wait3A_217, %dma_wait3A_218] : memref<2816x2x128xi32, #tpu.memory_space<hbm>> -> memref<1x2x128xi32, #tpu.memory_space<hbm>>
        %dma_wait3A_220 = tpu.memref_squeeze %dma_wait3A_219 : memref<1x2x128xi32, #tpu.memory_space<hbm>> -> memref<2x128xi32, #tpu.memory_space<hbm>>
        %dma_wait3A_221 = arith.constant 0 : i32
        %dma_wait3A_222 = tpu.memref_slice %arg6[%mul3A_214, %dma_wait3A_221] : memref<8x128xi32, #tpu.memory_space<vmem>> -> memref<2x128xi32, #tpu.memory_space<vmem>>
        %dma_wait3A_223 = arith.constant 0 : i32
        %dma_wait3A_224 = arith.constant 0 : i32
        %dma_wait3A_225 = tpu.memref_slice %arg3[%add3A_196, %dma_wait3A_223, %dma_wait3A_224] : memref<2816x2x128xi32, #tpu.memory_space<hbm>> -> memref<1x2x128xi32, #tpu.memory_space<hbm>>
        %dma_wait3A_226 = tpu.memref_squeeze %dma_wait3A_225 : memref<1x2x128xi32, #tpu.memory_space<hbm>> -> memref<2x128xi32, #tpu.memory_space<hbm>>
        tpu.wait_dma2 semaphore(%arg8 : memref<!tpu.dma_semaphore, #tpu.memory_space<semaphore_mem>>) src(%dma_wait3A_226 : memref<2x128xi32, #tpu.memory_space<hbm>>) dst(%dma_wait3A_222 : memref<2x128xi32, #tpu.memory_space<vmem>>)
        %add3A_227 = arith.constant 2 : i32
        %add3A_228 = arith.addi %while3A_86, %add3A_227 : i32
        %jit3A_229 = arith.constant 4 : i32
        %eq3A_230 = arith.constant 0 : i32
        %eq3A_231 = arith.cmpi eq, %jit3A_229, %eq3A_230 : i32
        %jit3A_232 = arith.constant 1 : i32
        %select_n3A_233 = arith.select %eq3A_231, %jit3A_232, %jit3A_229 : i32
        %rem3A_234 = arith.remsi %add3A_228, %select_n3A_233 : i32
        %ne3A_235 = arith.constant 0 : i32
        %ne3A_236 = arith.cmpi ne, %rem3A_234, %ne3A_235 : i32
        %lt3A_237 = arith.constant 0 : i32
        %lt3A_238 = arith.cmpi slt, %rem3A_234, %lt3A_237 : i32
        %lt3A_239 = arith.constant 0 : i32
        %lt3A_240 = arith.cmpi slt, %select_n3A_233, %lt3A_239 : i32
        %ne3A_241 = arith.xori %lt3A_238, %lt3A_240 : i1
        %and3A_242 = arith.andi %ne3A_241, %ne3A_236 : i1
        %add3A_243 = arith.addi %rem3A_234, %select_n3A_233 : i32
        %select_n3A_244 = arith.select %and3A_242, %add3A_243, %rem3A_234 : i32
        %mul3A_245 = arith.constant 2 : i32
        %mul3A_246 = arith.muli %select_n3A_244, %mul3A_245 : i32
        %jit3A_247 = arith.constant 3 : i32
        %eq3A_248 = arith.constant 0 : i32
        %eq3A_249 = arith.cmpi eq, %jit3A_247, %eq3A_248 : i32
        %jit3A_250 = arith.constant 1 : i32
        %select_n3A_251 = arith.select %eq3A_249, %jit3A_250, %jit3A_247 : i32
        %rem3A_252 = arith.remsi %add3A_228, %select_n3A_251 : i32
        %ne3A_253 = arith.constant 0 : i32
        %ne3A_254 = arith.cmpi ne, %rem3A_252, %ne3A_253 : i32
        %lt3A_255 = arith.constant 0 : i32
        %lt3A_256 = arith.cmpi slt, %rem3A_252, %lt3A_255 : i32
        %lt3A_257 = arith.constant 0 : i32
        %lt3A_258 = arith.cmpi slt, %select_n3A_251, %lt3A_257 : i32
        %ne3A_259 = arith.xori %lt3A_256, %lt3A_258 : i1
        %and3A_260 = arith.andi %ne3A_259, %ne3A_254 : i1
        %add3A_261 = arith.addi %rem3A_252, %select_n3A_251 : i32
        %select_n3A_262 = arith.select %and3A_260, %add3A_261, %rem3A_252 : i32
        %dma_start3A_263 = arith.constant 0 : i32
        %dma_start3A_264 = arith.constant 0 : i32
        %dma_start3A_265 = tpu.memref_slice %arg7[%select_n3A_262, %dma_start3A_263, %dma_start3A_264] : memref<3x128x128xf32, #tpu.memory_space<vmem>> -> memref<1x128x128xf32, #tpu.memory_space<vmem>>
        %dma_start3A_266 = tpu.memref_squeeze %dma_start3A_265 : memref<1x128x128xf32, #tpu.memory_space<vmem>> -> memref<128x128xf32, #tpu.memory_space<vmem>>
        %dma_start3A_267 = arith.constant 0 : i32
        %dma_start3A_268 = tpu.memref_slice %arg6[%mul3A_246, %dma_start3A_267] : memref<8x128xi32, #tpu.memory_space<vmem>> -> memref<1x128xi32, #tpu.memory_space<vmem>>
        %dma_start3A_269 = tpu.memref_squeeze %dma_start3A_268 : memref<1x128xi32, #tpu.memory_space<vmem>> -> memref<128xi32, #tpu.memory_space<vmem>>
        %dma_start3A_270 = arith.constant 0 : i32
        %dma_start3A_271 = arith.constant 0 : i32
        %dma_start3A_272 = tpu.memref_slice %arg2[%dma_start3A_270, %dma_start3A_271] : memref<10000x128xf32, #tpu.memory_space<hbm>> -> memref<10000x128xf32, #tpu.memory_space<hbm>>
        tpu.enqueue_indirect_dma source(%dma_start3A_272 : memref<10000x128xf32, #tpu.memory_space<hbm>>) target(%dma_start3A_266 : memref<128x128xf32, #tpu.memory_space<vmem>>) offsets(%dma_start3A_269 : memref<128xi32, #tpu.memory_space<vmem>>) semaphore(%arg9 : memref<!tpu.dma_semaphore, #tpu.memory_space<semaphore_mem>>)
      } else {
      }
      %add3A_185 = arith.constant 3 : i32
      %add3A_186 = arith.addi %while3A_86, %add3A_185 : i32
      %lt3A_187 = arith.cmpi slt, %add3A_186, %min3A : i32
      %convert_element_type3A_188 = arith.extui %lt3A_187 : i1 to i32
      %cond3A_189 = arith.constant 0 : i32
      %cond3A_190 = arith.cmpi ne, %convert_element_type3A_188, %cond3A_189 : i32
      scf.if %cond3A_190 {
        %add3A_192 = arith.constant 3 : i32
        %add3A_193 = arith.addi %while3A_86, %add3A_192 : i32
        %mul3A_194 = arith.constant 88 : i32
        %mul3A_195 = arith.muli %add3A, %mul3A_194 : i32
        %add3A_196 = arith.addi %mul3A_195, %add3A_193 : i32
        %jit3A_197 = arith.constant 4 : i32
        %eq3A_198 = arith.constant 0 : i32
        %eq3A_199 = arith.cmpi eq, %jit3A_197, %eq3A_198 : i32
        %jit3A_200 = arith.constant 1 : i32
        %select_n3A_201 = arith.select %eq3A_199, %jit3A_200, %jit3A_197 : i32
        %rem3A_202 = arith.remsi %add3A_193, %select_n3A_201 : i32
        %ne3A_203 = arith.constant 0 : i32
        %ne3A_204 = arith.cmpi ne, %rem3A_202, %ne3A_203 : i32
        %lt3A_205 = arith.constant 0 : i32
        %lt3A_206 = arith.cmpi slt, %rem3A_202, %lt3A_205 : i32
        %lt3A_207 = arith.constant 0 : i32
        %lt3A_208 = arith.cmpi slt, %select_n3A_201, %lt3A_207 : i32
        %ne3A_209 = arith.xori %lt3A_206, %lt3A_208 : i1
        %and3A_210 = arith.andi %ne3A_209, %ne3A_204 : i1
        %add3A_211 = arith.addi %rem3A_202, %select_n3A_201 : i32
        %select_n3A_212 = arith.select %and3A_210, %add3A_211, %rem3A_202 : i32
        %mul3A_213 = arith.constant 2 : i32
        %mul3A_214 = arith.muli %select_n3A_212, %mul3A_213 : i32
        %dma_start3A_215 = arith.constant 0 : i32
        %dma_start3A_216 = tpu.memref_slice %arg6[%mul3A_214, %dma_start3A_215] : memref<8x128xi32, #tpu.memory_space<vmem>> -> memref<2x128xi32, #tpu.memory_space<vmem>>
        %dma_start3A_217 = arith.constant 0 : i32
        %dma_start3A_218 = arith.constant 0 : i32
        %dma_start3A_219 = tpu.memref_slice %arg3[%add3A_196, %dma_start3A_217, %dma_start3A_218] : memref<2816x2x128xi32, #tpu.memory_space<hbm>> -> memref<1x2x128xi32, #tpu.memory_space<hbm>>
        %dma_start3A_220 = tpu.memref_squeeze %dma_start3A_219 : memref<1x2x128xi32, #tpu.memory_space<hbm>> -> memref<2x128xi32, #tpu.memory_space<hbm>>
        %dma_start3A_221 = arith.constant 0 : i32
        %dma_start3A_222 = tpu.memref_slice %arg6[%mul3A_214, %dma_start3A_221] : memref<8x128xi32, #tpu.memory_space<vmem>> -> memref<2x128xi32, #tpu.memory_space<vmem>>
        %dma_start3A_223 = arith.constant 0 : i32
        %dma_start3A_224 = arith.constant 0 : i32
        %dma_start3A_225 = tpu.memref_slice %arg3[%add3A_196, %dma_start3A_223, %dma_start3A_224] : memref<2816x2x128xi32, #tpu.memory_space<hbm>> -> memref<1x2x128xi32, #tpu.memory_space<hbm>>
        %dma_start3A_226 = tpu.memref_squeeze %dma_start3A_225 : memref<1x2x128xi32, #tpu.memory_space<hbm>> -> memref<2x128xi32, #tpu.memory_space<hbm>>
        tpu.enqueue_dma source(%dma_start3A_226 : memref<2x128xi32, #tpu.memory_space<hbm>>) target(%dma_start3A_222 : memref<2x128xi32, #tpu.memory_space<vmem>>) target_semaphore(%arg8 : memref<!tpu.dma_semaphore, #tpu.memory_space<semaphore_mem>>)
      } else {
      }
      %while3A_191 = arith.constant 0 : i32
      scf.yield %while3A_191 : i32
    }
    %ge3A = arith.constant 1 : i32
    %ge3A_77 = arith.cmpi sge, %min3A, %ge3A : i32
    %convert_element_type3A_78 = arith.extui %ge3A_77 : i1 to i32
    %cond3A_79 = arith.constant 0 : i32
    %cond3A_80 = arith.cmpi ne, %convert_element_type3A_78, %cond3A_79 : i32
    scf.if %cond3A_80 {
      %sub3A_86 = arith.constant 1 : i32
      %sub3A_87 = arith.subi %min3A, %sub3A_86 : i32
      %jit3A_88 = arith.constant 3 : i32
      %eq3A = arith.constant 0 : i32
      %eq3A_89 = arith.cmpi eq, %jit3A_88, %eq3A : i32
      %jit3A_90 = arith.constant 1 : i32
      %select_n3A_91 = arith.select %eq3A_89, %jit3A_90, %jit3A_88 : i32
      %rem3A_92 = arith.remsi %sub3A_87, %select_n3A_91 : i32
      %ne3A_93 = arith.constant 0 : i32
      %ne3A_94 = arith.cmpi ne, %rem3A_92, %ne3A_93 : i32
      %lt3A = arith.constant 0 : i32
      %lt3A_95 = arith.cmpi slt, %rem3A_92, %lt3A : i32
      %lt3A_96 = arith.constant 0 : i32
      %lt3A_97 = arith.cmpi slt, %select_n3A_91, %lt3A_96 : i32
      %ne3A_98 = arith.xori %lt3A_95, %lt3A_97 : i1
      %and3A_99 = arith.andi %ne3A_98, %ne3A_94 : i1
      %add3A_100 = arith.addi %rem3A_92, %select_n3A_91 : i32
      %select_n3A_101 = arith.select %and3A_99, %add3A_100, %rem3A_92 : i32
      %jit3A_102 = arith.constant 4 : i32
      %eq3A_103 = arith.constant 0 : i32
      %eq3A_104 = arith.cmpi eq, %jit3A_102, %eq3A_103 : i32
      %jit3A_105 = arith.constant 1 : i32
      %select_n3A_106 = arith.select %eq3A_104, %jit3A_105, %jit3A_102 : i32
      %rem3A_107 = arith.remsi %sub3A_87, %select_n3A_106 : i32
      %ne3A_108 = arith.constant 0 : i32
      %ne3A_109 = arith.cmpi ne, %rem3A_107, %ne3A_108 : i32
      %lt3A_110 = arith.constant 0 : i32
      %lt3A_111 = arith.cmpi slt, %rem3A_107, %lt3A_110 : i32
      %lt3A_112 = arith.constant 0 : i32
      %lt3A_113 = arith.cmpi slt, %select_n3A_106, %lt3A_112 : i32
      %ne3A_114 = arith.xori %lt3A_111, %lt3A_113 : i1
      %and3A_115 = arith.andi %ne3A_114, %ne3A_109 : i1
      %add3A_116 = arith.addi %rem3A_107, %select_n3A_106 : i32
      %select_n3A_117 = arith.select %and3A_115, %add3A_116, %rem3A_107 : i32
      %mul3A_118 = arith.constant 2 : i32
      %mul3A_119 = arith.muli %select_n3A_117, %mul3A_118 : i32
      %add3A_120 = arith.constant 1 : i32
      %add3A_121 = arith.addi %mul3A_119, %add3A_120 : i32
      %dma_wait3A = arith.constant 0 : i32
      %dma_wait3A_122 = arith.constant 0 : i32
      %dma_wait3A_123 = tpu.memref_slice %arg7[%select_n3A_101, %dma_wait3A, %dma_wait3A_122] : memref<3x128x128xf32, #tpu.memory_space<vmem>> -> memref<1x128x128xf32, #tpu.memory_space<vmem>>
      %dma_wait3A_124 = tpu.memref_squeeze %dma_wait3A_123 : memref<1x128x128xf32, #tpu.memory_space<vmem>> -> memref<128x128xf32, #tpu.memory_space<vmem>>
      %dma_wait3A_125 = arith.constant 0 : i32
      %dma_wait3A_126 = tpu.memref_slice %arg6[%add3A_121, %dma_wait3A_125] : memref<8x128xi32, #tpu.memory_space<vmem>> -> memref<1x128xi32, #tpu.memory_space<vmem>>
      %dma_wait3A_127 = tpu.memref_squeeze %dma_wait3A_126 : memref<1x128xi32, #tpu.memory_space<vmem>> -> memref<128xi32, #tpu.memory_space<vmem>>
      %dma_wait3A_128 = arith.constant 0 : i32
      %dma_wait3A_129 = arith.constant 0 : i32
      %dma_wait3A_130 = tpu.memref_slice %arg5[%dma_wait3A_128, %dma_wait3A_129] : memref<10112x128xf32, #tpu.memory_space<vmem_shared>> -> memref<10112x128xf32, #tpu.memory_space<vmem_shared>>
      tpu.wait_indirect_dma semaphore(%arg10 : memref<!tpu.dma_semaphore, #tpu.memory_space<semaphore_mem>>) src(%dma_wait3A_124 : memref<128x128xf32, #tpu.memory_space<vmem>>) dst(%dma_wait3A_130 : memref<10112x128xf32, #tpu.memory_space<vmem_shared>>)
    } else {
    }
    %barrier3A_81 = arith.constant 0 : index
    tpu.barrier barrier_id(%barrier3A_81)
    %mul3A_82 = arith.constant 632 : i32
    %mul3A_83 = arith.muli %arg1, %mul3A_82 : i32
    %mul3A_84 = arith.constant 632 : i32
    %mul3A_85 = arith.muli %arg1, %mul3A_84 : i32
    "tpu.region"() ({
      %run_scoped3A_86 = tpu.sem_alloc : memref<!tpu.dma_semaphore, #tpu.memory_space<semaphore_mem>>
      %dma_start3A = arith.constant 0 : i32
      %dma_start3A_87 = tpu.memref_slice %arg4[%arg0, %mul3A_85, %dma_start3A] : memref<2x10112x128xf32, #tpu.memory_space<hbm>> -> memref<1x632x128xf32, #tpu.memory_space<hbm>>
      %dma_start3A_88 = tpu.memref_squeeze %dma_start3A_87 : memref<1x632x128xf32, #tpu.memory_space<hbm>> -> memref<632x128xf32, #tpu.memory_space<hbm>>
      %dma_start3A_89 = arith.constant 0 : i32
      %dma_start3A_90 = tpu.memref_slice %arg5[%mul3A_83, %dma_start3A_89] : memref<10112x128xf32, #tpu.memory_space<vmem_shared>> -> memref<632x128xf32, #tpu.memory_space<vmem_shared>>
      tpu.enqueue_dma source(%dma_start3A_90 : memref<632x128xf32, #tpu.memory_space<vmem_shared>>) target(%dma_start3A_88 : memref<632x128xf32, #tpu.memory_space<hbm>>) target_semaphore(%run_scoped3A_86 : memref<!tpu.dma_semaphore, #tpu.memory_space<semaphore_mem>>)
      %dma_wait3A = arith.constant 0 : i32
      %dma_wait3A_91 = tpu.memref_slice %arg4[%arg0, %mul3A_85, %dma_wait3A] : memref<2x10112x128xf32, #tpu.memory_space<hbm>> -> memref<1x632x128xf32, #tpu.memory_space<hbm>>
      %dma_wait3A_92 = tpu.memref_squeeze %dma_wait3A_91 : memref<1x632x128xf32, #tpu.memory_space<hbm>> -> memref<632x128xf32, #tpu.memory_space<hbm>>
      %dma_wait3A_93 = arith.constant 0 : i32
      %dma_wait3A_94 = tpu.memref_slice %arg5[%mul3A_83, %dma_wait3A_93] : memref<10112x128xf32, #tpu.memory_space<vmem_shared>> -> memref<632x128xf32, #tpu.memory_space<vmem_shared>>
      tpu.wait_dma2 semaphore(%run_scoped3A_86 : memref<!tpu.dma_semaphore, #tpu.memory_space<semaphore_mem>>) src(%dma_wait3A_94 : memref<632x128xf32, #tpu.memory_space<vmem_shared>>) dst(%dma_wait3A_92 : memref<632x128xf32, #tpu.memory_space<hbm>>)
      tpu.yield
    }) : () -> ()
    return
  }
}

#map = affine_map<(d0, d1) -> (0, 0)>
#map1 = affine_map<(d0, d1) -> (0, 0, 0)>
module attributes {stable_mosaic.version = 14 : i64} {
  func.func @_prop_kernel(%arg0: i32, %arg1: i32, %arg2: memref<10000x128xf32, #tpu.memory_space<hbm>>, %arg3: memref<2816x2x128xi32, #tpu.memory_space<hbm>>, %arg4: memref<2x10112x128xf32, #tpu.memory_space<hbm>>, %arg5: memref<10112x128xf32, #tpu.memory_space<vmem_shared>>, %arg6: memref<8x128xi32, #tpu.memory_space<vmem>>, %arg7: memref<3x128x128xf32, #tpu.memory_space<vmem>>, %arg8: memref<!tpu.dma_semaphore, #tpu.memory_space<semaphore_mem>>, %arg9: memref<!tpu.dma_semaphore, #tpu.memory_space<semaphore_mem>>, %arg10: memref<!tpu.dma_semaphore, #tpu.memory_space<semaphore_mem>>) attributes {dimension_semantics = [#tpu.dimension_semantics<core_parallel>, #tpu.dimension_semantics<subcore_parallel>], iteration_bounds = array<i64: 2, 16>, scalar_prefetch = 0 : i64, scratch_operands = 6 : i64, tpu.core_type = #tpu.core_type<sc_vector_subcore>, window_params = [{transform_indices = #map}, {transform_indices = #map1}, {transform_indices = #map1}]} {
    %mul3A = arith.constant 16 : i32
    %mul3A_0 = arith.muli %arg0, %mul3A : i32
    %add3A = arith.addi %mul3A_0, %arg1 : i32
    %mul3A_1 = arith.constant 11264 : i32
    %mul3A_2 = arith.muli %add3A, %mul3A_1 : i32
    %sub3A = arith.constant 330000 : i32
    %sub3A_3 = arith.subi %sub3A, %mul3A_2 : i32
    %add3A_4 = arith.constant 128 : i32
    %add3A_5 = arith.addi %sub3A_3, %add3A_4 : i32
    %sub3A_6 = arith.constant 1 : i32
    %sub3A_7 = arith.subi %add3A_5, %sub3A_6 : i32
    %jit3A = arith.constant 128 : i32
    %div3A = arith.divsi %sub3A_7, %jit3A : i32
    %sign3A = arith.constant 0 : i32
    %sign3A_8 = arith.cmpi sgt, %sub3A_7, %sign3A : i32
    %sign3A_9 = arith.extui %sign3A_8 : i1 to i32
    %sign3A_10 = arith.constant 0 : i32
    %sign3A_11 = arith.cmpi slt, %sub3A_7, %sign3A_10 : i32
    %sign3A_12 = arith.extui %sign3A_11 : i1 to i32
    %sign3A_13 = arith.subi %sign3A_9, %sign3A_12 : i32
    %sign3A_14 = arith.constant 0 : i32
    %sign3A_15 = arith.cmpi sgt, %jit3A, %sign3A_14 : i32
    %sign3A_16 = arith.extui %sign3A_15 : i1 to i32
    %sign3A_17 = arith.constant 0 : i32
    %sign3A_18 = arith.cmpi slt, %jit3A, %sign3A_17 : i32
    %sign3A_19 = arith.extui %sign3A_18 : i1 to i32
    %sign3A_20 = arith.subi %sign3A_16, %sign3A_19 : i32
    %ne3A = arith.cmpi ne, %sign3A_13, %sign3A_20 : i32
    %rem3A = arith.remsi %sub3A_7, %jit3A : i32
    %ne3A_21 = arith.constant 0 : i32
    %ne3A_22 = arith.cmpi ne, %rem3A, %ne3A_21 : i32
    %and3A = arith.andi %ne3A, %ne3A_22 : i1
    %sub3A_23 = arith.constant 1 : i32
    %sub3A_24 = arith.subi %div3A, %sub3A_23 : i32
    %select_n3A = arith.select %and3A, %sub3A_24, %div3A : i32
    %jit3A_25 = arith.constant 0 : i32
    %jit3A_26 = arith.constant 88 : i32
    %max3A = arith.maxsi %jit3A_25, %select_n3A : i32
    %min3A = arith.minsi %jit3A_26, %max3A : i32
    %gt3A = arith.constant 0 : i32
    %gt3A_27 = arith.cmpi sgt, %min3A, %gt3A : i32
    %convert_element_type3A = arith.extui %gt3A_27 : i1 to i32
    %cond3A = arith.constant 0 : i32
    %cond3A_28 = arith.cmpi ne, %convert_element_type3A, %cond3A : i32
    scf.if %cond3A_28 {
      %mul3A_86 = arith.constant 88 : i32
      %mul3A_87 = arith.muli %add3A, %mul3A_86 : i32
      %add3A_88 = arith.constant 0 : i32
      %add3A_89 = arith.addi %mul3A_87, %add3A_88 : i32
      %dma_start3A = arith.constant 0 : i32
      %dma_start3A_90 = arith.constant 0 : i32
      %dma_start3A_91 = tpu.memref_slice %arg6[%dma_start3A, %dma_start3A_90] : memref<8x128xi32, #tpu.memory_space<vmem>> -> memref<2x128xi32, #tpu.memory_space<vmem>>
      %dma_start3A_92 = arith.constant 0 : i32
      %dma_start3A_93 = arith.constant 0 : i32
      %dma_start3A_94 = tpu.memref_slice %arg3[%add3A_89, %dma_start3A_92, %dma_start3A_93] : memref<2816x2x128xi32, #tpu.memory_space<hbm>> -> memref<1x2x128xi32, #tpu.memory_space<hbm>>
      %dma_start3A_95 = tpu.memref_squeeze %dma_start3A_94 : memref<1x2x128xi32, #tpu.memory_space<hbm>> -> memref<2x128xi32, #tpu.memory_space<hbm>>
      %dma_start3A_96 = arith.constant 0 : i32
      %dma_start3A_97 = arith.constant 0 : i32
      %dma_start3A_98 = tpu.memref_slice %arg6[%dma_start3A_96, %dma_start3A_97] : memref<8x128xi32, #tpu.memory_space<vmem>> -> memref<2x128xi32, #tpu.memory_space<vmem>>
      %dma_start3A_99 = arith.constant 0 : i32
      %dma_start3A_100 = arith.constant 0 : i32
      %dma_start3A_101 = tpu.memref_slice %arg3[%add3A_89, %dma_start3A_99, %dma_start3A_100] : memref<2816x2x128xi32, #tpu.memory_space<hbm>> -> memref<1x2x128xi32, #tpu.memory_space<hbm>>
      %dma_start3A_102 = tpu.memref_squeeze %dma_start3A_101 : memref<1x2x128xi32, #tpu.memory_space<hbm>> -> memref<2x128xi32, #tpu.memory_space<hbm>>
      tpu.enqueue_dma source(%dma_start3A_102 : memref<2x128xi32, #tpu.memory_space<hbm>>) target(%dma_start3A_98 : memref<2x128xi32, #tpu.memory_space<vmem>>) target_semaphore(%arg8 : memref<!tpu.dma_semaphore, #tpu.memory_space<semaphore_mem>>)
    } else {
    }
    %gt3A_29 = arith.constant 1 : i32
    %gt3A_30 = arith.cmpi sgt, %min3A, %gt3A_29 : i32
    %convert_element_type3A_31 = arith.extui %gt3A_30 : i1 to i32
    %cond3A_32 = arith.constant 0 : i32
    %cond3A_33 = arith.cmpi ne, %convert_element_type3A_31, %cond3A_32 : i32
    scf.if %cond3A_33 {
      %mul3A_86 = arith.constant 88 : i32
      %mul3A_87 = arith.muli %add3A, %mul3A_86 : i32
      %add3A_88 = arith.constant 1 : i32
      %add3A_89 = arith.addi %mul3A_87, %add3A_88 : i32
      %dma_start3A = arith.constant 2 : i32
      %dma_start3A_90 = arith.constant 0 : i32
      %dma_start3A_91 = tpu.memref_slice %arg6[%dma_start3A, %dma_start3A_90] : memref<8x128xi32, #tpu.memory_space<vmem>> -> memref<2x128xi32, #tpu.memory_space<vmem>>
      %dma_start3A_92 = arith.constant 0 : i32
      %dma_start3A_93 = arith.constant 0 : i32
      %dma_start3A_94 = tpu.memref_slice %arg3[%add3A_89, %dma_start3A_92, %dma_start3A_93] : memref<2816x2x128xi32, #tpu.memory_space<hbm>> -> memref<1x2x128xi32, #tpu.memory_space<hbm>>
      %dma_start3A_95 = tpu.memref_squeeze %dma_start3A_94 : memref<1x2x128xi32, #tpu.memory_space<hbm>> -> memref<2x128xi32, #tpu.memory_space<hbm>>
      %dma_start3A_96 = arith.constant 2 : i32
      %dma_start3A_97 = arith.constant 0 : i32
      %dma_start3A_98 = tpu.memref_slice %arg6[%dma_start3A_96, %dma_start3A_97] : memref<8x128xi32, #tpu.memory_space<vmem>> -> memref<2x128xi32, #tpu.memory_space<vmem>>
      %dma_start3A_99 = arith.constant 0 : i32
      %dma_start3A_100 = arith.constant 0 : i32
      %dma_start3A_101 = tpu.memref_slice %arg3[%add3A_89, %dma_start3A_99, %dma_start3A_100] : memref<2816x2x128xi32, #tpu.memory_space<hbm>> -> memref<1x2x128xi32, #tpu.memory_space<hbm>>
      %dma_start3A_102 = tpu.memref_squeeze %dma_start3A_101 : memref<1x2x128xi32, #tpu.memory_space<hbm>> -> memref<2x128xi32, #tpu.memory_space<hbm>>
      tpu.enqueue_dma source(%dma_start3A_102 : memref<2x128xi32, #tpu.memory_space<hbm>>) target(%dma_start3A_98 : memref<2x128xi32, #tpu.memory_space<vmem>>) target_semaphore(%arg8 : memref<!tpu.dma_semaphore, #tpu.memory_space<semaphore_mem>>)
    } else {
    }
    %gt3A_34 = arith.constant 2 : i32
    %gt3A_35 = arith.cmpi sgt, %min3A, %gt3A_34 : i32
    %convert_element_type3A_36 = arith.extui %gt3A_35 : i1 to i32
    %cond3A_37 = arith.constant 0 : i32
    %cond3A_38 = arith.cmpi ne, %convert_element_type3A_36, %cond3A_37 : i32
    scf.if %cond3A_38 {
      %mul3A_86 = arith.constant 88 : i32
      %mul3A_87 = arith.muli %add3A, %mul3A_86 : i32
      %add3A_88 = arith.constant 2 : i32
      %add3A_89 = arith.addi %mul3A_87, %add3A_88 : i32
      %dma_start3A = arith.constant 4 : i32
      %dma_start3A_90 = arith.constant 0 : i32
      %dma_start3A_91 = tpu.memref_slice %arg6[%dma_start3A, %dma_start3A_90] : memref<8x128xi32, #tpu.memory_space<vmem>> -> memref<2x128xi32, #tpu.memory_space<vmem>>
      %dma_start3A_92 = arith.constant 0 : i32
      %dma_start3A_93 = arith.constant 0 : i32
      %dma_start3A_94 = tpu.memref_slice %arg3[%add3A_89, %dma_start3A_92, %dma_start3A_93] : memref<2816x2x128xi32, #tpu.memory_space<hbm>> -> memref<1x2x128xi32, #tpu.memory_space<hbm>>
      %dma_start3A_95 = tpu.memref_squeeze %dma_start3A_94 : memref<1x2x128xi32, #tpu.memory_space<hbm>> -> memref<2x128xi32, #tpu.memory_space<hbm>>
      %dma_start3A_96 = arith.constant 4 : i32
      %dma_start3A_97 = arith.constant 0 : i32
      %dma_start3A_98 = tpu.memref_slice %arg6[%dma_start3A_96, %dma_start3A_97] : memref<8x128xi32, #tpu.memory_space<vmem>> -> memref<2x128xi32, #tpu.memory_space<vmem>>
      %dma_start3A_99 = arith.constant 0 : i32
      %dma_start3A_100 = arith.constant 0 : i32
      %dma_start3A_101 = tpu.memref_slice %arg3[%add3A_89, %dma_start3A_99, %dma_start3A_100] : memref<2816x2x128xi32, #tpu.memory_space<hbm>> -> memref<1x2x128xi32, #tpu.memory_space<hbm>>
      %dma_start3A_102 = tpu.memref_squeeze %dma_start3A_101 : memref<1x2x128xi32, #tpu.memory_space<hbm>> -> memref<2x128xi32, #tpu.memory_space<hbm>>
      tpu.enqueue_dma source(%dma_start3A_102 : memref<2x128xi32, #tpu.memory_space<hbm>>) target(%dma_start3A_98 : memref<2x128xi32, #tpu.memory_space<vmem>>) target_semaphore(%arg8 : memref<!tpu.dma_semaphore, #tpu.memory_space<semaphore_mem>>)
    } else {
    }
    %scan3A = arith.constant 0 : i32
    %scan3A_39 = arith.constant 0 : i32
    %scan3A_40 = arith.constant 1024 : i32
    %scan3A_41 = arith.addi %scan3A_39, %scan3A_40 : i32
    %scan3A_42 = arith.constant 1 : i32
    %scan3A_43 = scf.for %scan3A_86 = %scan3A_39 to %scan3A_41 step %scan3A_42 iter_args(%scan3A_87 = %scan3A) -> (i32)  : i32 {
      %broadcast_in_dim3A = arith.constant 0.000000e+00 : f32
      %broadcast_in_dim3A_88 = vector.broadcast %broadcast_in_dim3A : f32 to vector<16xf32>
      %jit3A_89 = arith.constant 8 : i32
      %div3A_90 = arith.divsi %scan3A_86, %jit3A_89 : i32
      %sign3A_91 = arith.constant 0 : i32
      %sign3A_92 = arith.cmpi sgt, %scan3A_86, %sign3A_91 : i32
      %sign3A_93 = arith.extui %sign3A_92 : i1 to i32
      %sign3A_94 = arith.constant 0 : i32
      %sign3A_95 = arith.cmpi slt, %scan3A_86, %sign3A_94 : i32
      %sign3A_96 = arith.extui %sign3A_95 : i1 to i32
      %sign3A_97 = arith.subi %sign3A_93, %sign3A_96 : i32
      %sign3A_98 = arith.constant 0 : i32
      %sign3A_99 = arith.cmpi sgt, %jit3A_89, %sign3A_98 : i32
      %sign3A_100 = arith.extui %sign3A_99 : i1 to i32
      %sign3A_101 = arith.constant 0 : i32
      %sign3A_102 = arith.cmpi slt, %jit3A_89, %sign3A_101 : i32
      %sign3A_103 = arith.extui %sign3A_102 : i1 to i32
      %sign3A_104 = arith.subi %sign3A_100, %sign3A_103 : i32
      %ne3A_105 = arith.cmpi ne, %sign3A_97, %sign3A_104 : i32
      %rem3A_106 = arith.remsi %scan3A_86, %jit3A_89 : i32
      %ne3A_107 = arith.constant 0 : i32
      %ne3A_108 = arith.cmpi ne, %rem3A_106, %ne3A_107 : i32
      %and3A_109 = arith.andi %ne3A_105, %ne3A_108 : i1
      %sub3A_110 = arith.constant 1 : i32
      %sub3A_111 = arith.subi %div3A_90, %sub3A_110 : i32
      %select_n3A_112 = arith.select %and3A_109, %sub3A_111, %div3A_90 : i32
      %jit3A_113 = arith.constant 8 : i32
      %eq3A = arith.constant 0 : i32
      %eq3A_114 = arith.cmpi eq, %jit3A_113, %eq3A : i32
      %jit3A_115 = arith.constant 1 : i32
      %select_n3A_116 = arith.select %eq3A_114, %jit3A_115, %jit3A_113 : i32
      %rem3A_117 = arith.remsi %scan3A_86, %select_n3A_116 : i32
      %ne3A_118 = arith.constant 0 : i32
      %ne3A_119 = arith.cmpi ne, %rem3A_117, %ne3A_118 : i32
      %lt3A = arith.constant 0 : i32
      %lt3A_120 = arith.cmpi slt, %rem3A_117, %lt3A : i32
      %lt3A_121 = arith.constant 0 : i32
      %lt3A_122 = arith.cmpi slt, %select_n3A_116, %lt3A_121 : i32
      %ne3A_123 = arith.xori %lt3A_120, %lt3A_122 : i1
      %and3A_124 = arith.andi %ne3A_123, %ne3A_119 : i1
      %add3A_125 = arith.addi %rem3A_117, %select_n3A_116 : i32
      %select_n3A_126 = arith.select %and3A_124, %add3A_125, %rem3A_117 : i32
      %mul3A_127 = arith.constant 16 : i32
      %mul3A_128 = arith.muli %select_n3A_126, %mul3A_127 : i32
      %swap3A = arith.constant 2 : i32
      %swap3A_129 = arith.index_cast %swap3A : i32 to index
      %swap3A_130 = arith.index_cast %select_n3A_112 : i32 to index
      %swap3A_131 = arith.index_cast %mul3A_128 : i32 to index
      %swap3A_132 = tpu.vector_load %arg7[%swap3A_129, %swap3A_130, %swap3A_131] {strides = array<i32>} : memref<3x128x128xf32, #tpu.memory_space<vmem>>, vector<1x1x16xf32>,
      %swap3A_133 = vector.shape_cast %swap3A_132 : vector<1x1x16xf32> to vector<16xf32>
      %swap3A_134 = vector.shape_cast %broadcast_in_dim3A_88 : vector<16xf32> to vector<1x1x16xf32>
      tpu.vector_store %arg7[%swap3A_129, %swap3A_130, %swap3A_131], %swap3A_134 {strides = array<i32>} : memref<3x128x128xf32, #tpu.memory_space<vmem>>, vector<1x1x16xf32>,
      %scan3A_135 = arith.constant 0 : i32
      scf.yield %scan3A_135 : i32
    }
    %scan3A_44 = arith.constant 1024 : i32
    %scan3A_45 = arith.constant 0 : i32
    %scan3A_46 = arith.constant 0 : i32
    %scan3A_47 = arith.constant 4 : i32
    %scan3A_48 = arith.addi %scan3A_46, %scan3A_47 : i32
    %scan3A_49 = arith.constant 1 : i32
    %scan3A_50 = scf.for %scan3A_86 = %scan3A_46 to %scan3A_48 step %scan3A_49 iter_args(%scan3A_87 = %scan3A_45) -> (i32)  : i32 {
      %mul3A_88 = arith.constant 632 : i32
      %mul3A_89 = arith.muli %arg1, %mul3A_88 : i32
      %mul3A_90 = arith.constant 128 : i32
      %mul3A_91 = arith.muli %scan3A_86, %mul3A_90 : i32
      %add3A_92 = arith.addi %mul3A_89, %mul3A_91 : i32
      %run_scoped3A_93 = arith.constant 2 : i32
      "tpu.region"() ({
        %run_scoped3A_95 = tpu.sem_alloc : memref<!tpu.dma_semaphore, #tpu.memory_space<semaphore_mem>>
        %dma_start3A = arith.constant 0 : i32
        %dma_start3A_96 = arith.constant 0 : i32
        %dma_start3A_97 = tpu.memref_slice %arg7[%run_scoped3A_93, %dma_start3A, %dma_start3A_96] : memref<3x128x128xf32, #tpu.memory_space<vmem>> -> memref<1x128x128xf32, #tpu.memory_space<vmem>>
        %dma_start3A_98 = tpu.memref_squeeze %dma_start3A_97 : memref<1x128x128xf32, #tpu.memory_space<vmem>> -> memref<128x128xf32, #tpu.memory_space<vmem>>
        %dma_start3A_99 = arith.constant 0 : i32
        %dma_start3A_100 = tpu.memref_slice %arg5[%add3A_92, %dma_start3A_99] : memref<10112x128xf32, #tpu.memory_space<vmem_shared>> -> memref<128x128xf32, #tpu.memory_space<vmem_shared>>
        %dma_start3A_101 = arith.constant 0 : i32
        %dma_start3A_102 = tpu.memref_slice %arg5[%add3A_92, %dma_start3A_101] : memref<10112x128xf32, #tpu.memory_space<vmem_shared>> -> memref<128x128xf32, #tpu.memory_space<vmem_shared>>
        %dma_start3A_103 = arith.constant 0 : i32
        %dma_start3A_104 = arith.constant 0 : i32
        %dma_start3A_105 = tpu.memref_slice %arg7[%run_scoped3A_93, %dma_start3A_103, %dma_start3A_104] : memref<3x128x128xf32, #tpu.memory_space<vmem>> -> memref<1x128x128xf32, #tpu.memory_space<vmem>>
        %dma_start3A_106 = tpu.memref_squeeze %dma_start3A_105 : memref<1x128x128xf32, #tpu.memory_space<vmem>> -> memref<128x128xf32, #tpu.memory_space<vmem>>
        tpu.enqueue_dma source(%dma_start3A_106 : memref<128x128xf32, #tpu.memory_space<vmem>>) target(%dma_start3A_102 : memref<128x128xf32, #tpu.memory_space<vmem_shared>>) target_semaphore(%run_scoped3A_95 : memref<!tpu.dma_semaphore, #tpu.memory_space<semaphore_mem>>)
        %dma_wait3A = arith.constant 0 : i32
        %dma_wait3A_107 = arith.constant 0 : i32
        %dma_wait3A_108 = tpu.memref_slice %arg7[%run_scoped3A_93, %dma_wait3A, %dma_wait3A_107] : memref<3x128x128xf32, #tpu.memory_space<vmem>> -> memref<1x128x128xf32, #tpu.memory_space<vmem>>
        %dma_wait3A_109 = tpu.memref_squeeze %dma_wait3A_108 : memref<1x128x128xf32, #tpu.memory_space<vmem>> -> memref<128x128xf32, #tpu.memory_space<vmem>>
        %dma_wait3A_110 = arith.constant 0 : i32
        %dma_wait3A_111 = tpu.memref_slice %arg5[%add3A_92, %dma_wait3A_110] : memref<10112x128xf32, #tpu.memory_space<vmem_shared>> -> memref<128x128xf32, #tpu.memory_space<vmem_shared>>
        %dma_wait3A_112 = arith.constant 0 : i32
        %dma_wait3A_113 = tpu.memref_slice %arg5[%add3A_92, %dma_wait3A_112] : memref<10112x128xf32, #tpu.memory_space<vmem_shared>> -> memref<128x128xf32, #tpu.memory_space<vmem_shared>>
        %dma_wait3A_114 = arith.constant 0 : i32
        %dma_wait3A_115 = arith.constant 0 : i32
        %dma_wait3A_116 = tpu.memref_slice %arg7[%run_scoped3A_93, %dma_wait3A_114, %dma_wait3A_115] : memref<3x128x128xf32, #tpu.memory_space<vmem>> -> memref<1x128x128xf32, #tpu.memory_space<vmem>>
        %dma_wait3A_117 = tpu.memref_squeeze %dma_wait3A_116 : memref<1x128x128xf32, #tpu.memory_space<vmem>> -> memref<128x128xf32, #tpu.memory_space<vmem>>
        tpu.wait_dma2 semaphore(%run_scoped3A_95 : memref<!tpu.dma_semaphore, #tpu.memory_space<semaphore_mem>>) src(%dma_wait3A_117 : memref<128x128xf32, #tpu.memory_space<vmem>>) dst(%dma_wait3A_113 : memref<128x128xf32, #tpu.memory_space<vmem_shared>>)
        tpu.yield
      }) : () -> ()
      %scan3A_94 = arith.constant 0 : i32
      scf.yield %scan3A_94 : i32
    }
    %scan3A_51 = arith.constant 4 : i32
    %mul3A_52 = arith.constant 632 : i32
    %mul3A_53 = arith.muli %arg1, %mul3A_52 : i32
    %add3A_54 = arith.constant 512 : i32
    %add3A_55 = arith.addi %mul3A_53, %add3A_54 : i32
    %run_scoped3A = arith.constant 2 : i32
    "tpu.region"() ({
      %run_scoped3A_86 = tpu.sem_alloc : memref<!tpu.dma_semaphore, #tpu.memory_space<semaphore_mem>>
      %dma_start3A = arith.constant 0 : i32
      %dma_start3A_87 = arith.constant 0 : i32
      %dma_start3A_88 = tpu.memref_slice %arg7[%run_scoped3A, %dma_start3A, %dma_start3A_87] : memref<3x128x128xf32, #tpu.memory_space<vmem>> -> memref<1x120x128xf32, #tpu.memory_space<vmem>>
      %dma_start3A_89 = tpu.memref_squeeze %dma_start3A_88 : memref<1x120x128xf32, #tpu.memory_space<vmem>> -> memref<120x128xf32, #tpu.memory_space<vmem>>
      %dma_start3A_90 = arith.constant 0 : i32
      %dma_start3A_91 = tpu.memref_slice %arg5[%add3A_55, %dma_start3A_90] : memref<10112x128xf32, #tpu.memory_space<vmem_shared>> -> memref<120x128xf32, #tpu.memory_space<vmem_shared>>
      %dma_start3A_92 = arith.constant 0 : i32
      %dma_start3A_93 = tpu.memref_slice %arg5[%add3A_55, %dma_start3A_92] : memref<10112x128xf32, #tpu.memory_space<vmem_shared>> -> memref<120x128xf32, #tpu.memory_space<vmem_shared>>
      %dma_start3A_94 = arith.constant 0 : i32
      %dma_start3A_95 = arith.constant 0 : i32
      %dma_start3A_96 = tpu.memref_slice %arg7[%run_scoped3A, %dma_start3A_94, %dma_start3A_95] : memref<3x128x128xf32, #tpu.memory_space<vmem>> -> memref<1x120x128xf32, #tpu.memory_space<vmem>>
      %dma_start3A_97 = tpu.memref_squeeze %dma_start3A_96 : memref<1x120x128xf32, #tpu.memory_space<vmem>> -> memref<120x128xf32, #tpu.memory_space<vmem>>
      tpu.enqueue_dma source(%dma_start3A_97 : memref<120x128xf32, #tpu.memory_space<vmem>>) target(%dma_start3A_93 : memref<120x128xf32, #tpu.memory_space<vmem_shared>>) target_semaphore(%run_scoped3A_86 : memref<!tpu.dma_semaphore, #tpu.memory_space<semaphore_mem>>)
      %dma_wait3A = arith.constant 0 : i32
      %dma_wait3A_98 = arith.constant 0 : i32
      %dma_wait3A_99 = tpu.memref_slice %arg7[%run_scoped3A, %dma_wait3A, %dma_wait3A_98] : memref<3x128x128xf32, #tpu.memory_space<vmem>> -> memref<1x120x128xf32, #tpu.memory_space<vmem>>
      %dma_wait3A_100 = tpu.memref_squeeze %dma_wait3A_99 : memref<1x120x128xf32, #tpu.memory_space<vmem>> -> memref<120x128xf32, #tpu.memory_space<vmem>>
      %dma_wait3A_101 = arith.constant 0 : i32
      %dma_wait3A_102 = tpu.memref_slice %arg5[%add3A_55, %dma_wait3A_101] : memref<10112x128xf32, #tpu.memory_space<vmem_shared>> -> memref<120x128xf32, #tpu.memory_space<vmem_shared>>
      %dma_wait3A_103 = arith.constant 0 : i32
      %dma_wait3A_104 = tpu.memref_slice %arg5[%add3A_55, %dma_wait3A_103] : memref<10112x128xf32, #tpu.memory_space<vmem_shared>> -> memref<120x128xf32, #tpu.memory_space<vmem_shared>>
      %dma_wait3A_105 = arith.constant 0 : i32
      %dma_wait3A_106 = arith.constant 0 : i32
      %dma_wait3A_107 = tpu.memref_slice %arg7[%run_scoped3A, %dma_wait3A_105, %dma_wait3A_106] : memref<3x128x128xf32, #tpu.memory_space<vmem>> -> memref<1x120x128xf32, #tpu.memory_space<vmem>>
      %dma_wait3A_108 = tpu.memref_squeeze %dma_wait3A_107 : memref<1x120x128xf32, #tpu.memory_space<vmem>> -> memref<120x128xf32, #tpu.memory_space<vmem>>
      tpu.wait_dma2 semaphore(%run_scoped3A_86 : memref<!tpu.dma_semaphore, #tpu.memory_space<semaphore_mem>>) src(%dma_wait3A_108 : memref<120x128xf32, #tpu.memory_space<vmem>>) dst(%dma_wait3A_104 : memref<120x128xf32, #tpu.memory_space<vmem_shared>>)
      tpu.yield
    }) : () -> ()
    %gt3A_56 = arith.constant 0 : i32
    %gt3A_57 = arith.cmpi sgt, %min3A, %gt3A_56 : i32
    %convert_element_type3A_58 = arith.extui %gt3A_57 : i1 to i32
    %cond3A_59 = arith.constant 0 : i32
    %cond3A_60 = arith.cmpi ne, %convert_element_type3A_58, %cond3A_59 : i32
    scf.if %cond3A_60 {
      %mul3A_86 = arith.constant 88 : i32
      %mul3A_87 = arith.muli %add3A, %mul3A_86 : i32
      %add3A_88 = arith.constant 0 : i32
      %add3A_89 = arith.addi %mul3A_87, %add3A_88 : i32
      %dma_wait3A = arith.constant 0 : i32
      %dma_wait3A_90 = arith.constant 0 : i32
      %dma_wait3A_91 = tpu.memref_slice %arg6[%dma_wait3A, %dma_wait3A_90] : memref<8x128xi32, #tpu.memory_space<vmem>> -> memref<2x128xi32, #tpu.memory_space<vmem>>
      %dma_wait3A_92 = arith.constant 0 : i32
      %dma_wait3A_93 = arith.constant 0 : i32
      %dma_wait3A_94 = tpu.memref_slice %arg3[%add3A_89, %dma_wait3A_92, %dma_wait3A_93] : memref<2816x2x128xi32, #tpu.memory_space<hbm>> -> memref<1x2x128xi32, #tpu.memory_space<hbm>>
      %dma_wait3A_95 = tpu.memref_squeeze %dma_wait3A_94 : memref<1x2x128xi32, #tpu.memory_space<hbm>> -> memref<2x128xi32, #tpu.memory_space<hbm>>
      %dma_wait3A_96 = arith.constant 0 : i32
      %dma_wait3A_97 = arith.constant 0 : i32
      %dma_wait3A_98 = tpu.memref_slice %arg6[%dma_wait3A_96, %dma_wait3A_97] : memref<8x128xi32, #tpu.memory_space<vmem>> -> memref<2x128xi32, #tpu.memory_space<vmem>>
      %dma_wait3A_99 = arith.constant 0 : i32
      %dma_wait3A_100 = arith.constant 0 : i32
      %dma_wait3A_101 = tpu.memref_slice %arg3[%add3A_89, %dma_wait3A_99, %dma_wait3A_100] : memref<2816x2x128xi32, #tpu.memory_space<hbm>> -> memref<1x2x128xi32, #tpu.memory_space<hbm>>
      %dma_wait3A_102 = tpu.memref_squeeze %dma_wait3A_101 : memref<1x2x128xi32, #tpu.memory_space<hbm>> -> memref<2x128xi32, #tpu.memory_space<hbm>>
      tpu.wait_dma2 semaphore(%arg8 : memref<!tpu.dma_semaphore, #tpu.memory_space<semaphore_mem>>) src(%dma_wait3A_102 : memref<2x128xi32, #tpu.memory_space<hbm>>) dst(%dma_wait3A_98 : memref<2x128xi32, #tpu.memory_space<vmem>>)
      %dma_start3A = arith.constant 0 : i32
      %dma_start3A_103 = arith.constant 0 : i32
      %dma_start3A_104 = arith.constant 0 : i32
      %dma_start3A_105 = arith.constant 0 : i32
      %dma_start3A_106 = tpu.memref_slice %arg7[%dma_start3A_103, %dma_start3A_104, %dma_start3A_105] : memref<3x128x128xf32, #tpu.memory_space<vmem>> -> memref<1x128x128xf32, #tpu.memory_space<vmem>>
      %dma_start3A_107 = tpu.memref_squeeze %dma_start3A_106 : memref<1x128x128xf32, #tpu.memory_space<vmem>> -> memref<128x128xf32, #tpu.memory_space<vmem>>
      %dma_start3A_108 = arith.constant 0 : i32
      %dma_start3A_109 = tpu.memref_slice %arg6[%dma_start3A, %dma_start3A_108] : memref<8x128xi32, #tpu.memory_space<vmem>> -> memref<1x128xi32, #tpu.memory_space<vmem>>
      %dma_start3A_110 = tpu.memref_squeeze %dma_start3A_109 : memref<1x128xi32, #tpu.memory_space<vmem>> -> memref<128xi32, #tpu.memory_space<vmem>>
      %dma_start3A_111 = arith.constant 0 : i32
      %dma_start3A_112 = arith.constant 0 : i32
      %dma_start3A_113 = tpu.memref_slice %arg2[%dma_start3A_111, %dma_start3A_112] : memref<10000x128xf32, #tpu.memory_space<hbm>> -> memref<10000x128xf32, #tpu.memory_space<hbm>>
      tpu.enqueue_indirect_dma source(%dma_start3A_113 : memref<10000x128xf32, #tpu.memory_space<hbm>>) target(%dma_start3A_107 : memref<128x128xf32, #tpu.memory_space<vmem>>) offsets(%dma_start3A_110 : memref<128xi32, #tpu.memory_space<vmem>>) semaphore(%arg9 : memref<!tpu.dma_semaphore, #tpu.memory_space<semaphore_mem>>)
    } else {
    }
    %gt3A_61 = arith.constant 1 : i32
    %gt3A_62 = arith.cmpi sgt, %min3A, %gt3A_61 : i32
    %convert_element_type3A_63 = arith.extui %gt3A_62 : i1 to i32
    %cond3A_64 = arith.constant 0 : i32
    %cond3A_65 = arith.cmpi ne, %convert_element_type3A_63, %cond3A_64 : i32
    scf.if %cond3A_65 {
      %mul3A_86 = arith.constant 88 : i32
      %mul3A_87 = arith.muli %add3A, %mul3A_86 : i32
      %add3A_88 = arith.constant 1 : i32
      %add3A_89 = arith.addi %mul3A_87, %add3A_88 : i32
      %dma_wait3A = arith.constant 2 : i32
      %dma_wait3A_90 = arith.constant 0 : i32
      %dma_wait3A_91 = tpu.memref_slice %arg6[%dma_wait3A, %dma_wait3A_90] : memref<8x128xi32, #tpu.memory_space<vmem>> -> memref<2x128xi32, #tpu.memory_space<vmem>>
      %dma_wait3A_92 = arith.constant 0 : i32
      %dma_wait3A_93 = arith.constant 0 : i32
      %dma_wait3A_94 = tpu.memref_slice %arg3[%add3A_89, %dma_wait3A_92, %dma_wait3A_93] : memref<2816x2x128xi32, #tpu.memory_space<hbm>> -> memref<1x2x128xi32, #tpu.memory_space<hbm>>
      %dma_wait3A_95 = tpu.memref_squeeze %dma_wait3A_94 : memref<1x2x128xi32, #tpu.memory_space<hbm>> -> memref<2x128xi32, #tpu.memory_space<hbm>>
      %dma_wait3A_96 = arith.constant 2 : i32
      %dma_wait3A_97 = arith.constant 0 : i32
      %dma_wait3A_98 = tpu.memref_slice %arg6[%dma_wait3A_96, %dma_wait3A_97] : memref<8x128xi32, #tpu.memory_space<vmem>> -> memref<2x128xi32, #tpu.memory_space<vmem>>
      %dma_wait3A_99 = arith.constant 0 : i32
      %dma_wait3A_100 = arith.constant 0 : i32
      %dma_wait3A_101 = tpu.memref_slice %arg3[%add3A_89, %dma_wait3A_99, %dma_wait3A_100] : memref<2816x2x128xi32, #tpu.memory_space<hbm>> -> memref<1x2x128xi32, #tpu.memory_space<hbm>>
      %dma_wait3A_102 = tpu.memref_squeeze %dma_wait3A_101 : memref<1x2x128xi32, #tpu.memory_space<hbm>> -> memref<2x128xi32, #tpu.memory_space<hbm>>
      tpu.wait_dma2 semaphore(%arg8 : memref<!tpu.dma_semaphore, #tpu.memory_space<semaphore_mem>>) src(%dma_wait3A_102 : memref<2x128xi32, #tpu.memory_space<hbm>>) dst(%dma_wait3A_98 : memref<2x128xi32, #tpu.memory_space<vmem>>)
      %dma_start3A = arith.constant 2 : i32
      %dma_start3A_103 = arith.constant 1 : i32
      %dma_start3A_104 = arith.constant 0 : i32
      %dma_start3A_105 = arith.constant 0 : i32
      %dma_start3A_106 = tpu.memref_slice %arg7[%dma_start3A_103, %dma_start3A_104, %dma_start3A_105] : memref<3x128x128xf32, #tpu.memory_space<vmem>> -> memref<1x128x128xf32, #tpu.memory_space<vmem>>
      %dma_start3A_107 = tpu.memref_squeeze %dma_start3A_106 : memref<1x128x128xf32, #tpu.memory_space<vmem>> -> memref<128x128xf32, #tpu.memory_space<vmem>>
      %dma_start3A_108 = arith.constant 0 : i32
      %dma_start3A_109 = tpu.memref_slice %arg6[%dma_start3A, %dma_start3A_108] : memref<8x128xi32, #tpu.memory_space<vmem>> -> memref<1x128xi32, #tpu.memory_space<vmem>>
      %dma_start3A_110 = tpu.memref_squeeze %dma_start3A_109 : memref<1x128xi32, #tpu.memory_space<vmem>> -> memref<128xi32, #tpu.memory_space<vmem>>
      %dma_start3A_111 = arith.constant 0 : i32
      %dma_start3A_112 = arith.constant 0 : i32
      %dma_start3A_113 = tpu.memref_slice %arg2[%dma_start3A_111, %dma_start3A_112] : memref<10000x128xf32, #tpu.memory_space<hbm>> -> memref<10000x128xf32, #tpu.memory_space<hbm>>
      tpu.enqueue_indirect_dma source(%dma_start3A_113 : memref<10000x128xf32, #tpu.memory_space<hbm>>) target(%dma_start3A_107 : memref<128x128xf32, #tpu.memory_space<vmem>>) offsets(%dma_start3A_110 : memref<128xi32, #tpu.memory_space<vmem>>) semaphore(%arg9 : memref<!tpu.dma_semaphore, #tpu.memory_space<semaphore_mem>>)
    } else {
    }
    %barrier3A = arith.constant 0 : index
    tpu.barrier barrier_id(%barrier3A)
    %while3A = arith.constant 0 : i32
    %while3A_66 = arith.constant 0 : i32
    %while3A_67 = arith.subi %min3A, %while3A : i32
    %while3A_68 = arith.addi %while3A, %while3A_67 : i32
    %while3A_69 = arith.constant 1 : i32
    %while3A_70 = arith.divsi %while3A_67, %while3A_69 : i32
    %while3A_71 = arith.muli %while3A_70, %while3A_69 : i32
    %while3A_72 = arith.addi %while3A, %while3A_71 : i32
    %while3A_73 = arith.constant 1 : i32
    %while3A_74 = scf.for %while3A_86 = %while3A to %while3A_72 step %while3A_73 iter_args(%while3A_87 = %while3A_66) -> (i32)  : i32 {
      %jit3A_88 = arith.constant 4 : i32
      %eq3A = arith.constant 0 : i32
      %eq3A_89 = arith.cmpi eq, %jit3A_88, %eq3A : i32
      %jit3A_90 = arith.constant 1 : i32
      %select_n3A_91 = arith.select %eq3A_89, %jit3A_90, %jit3A_88 : i32
      %rem3A_92 = arith.remsi %while3A_86, %select_n3A_91 : i32
      %ne3A_93 = arith.constant 0 : i32
      %ne3A_94 = arith.cmpi ne, %rem3A_92, %ne3A_93 : i32
      %lt3A = arith.constant 0 : i32
      %lt3A_95 = arith.cmpi slt, %rem3A_92, %lt3A : i32
      %lt3A_96 = arith.constant 0 : i32
      %lt3A_97 = arith.cmpi slt, %select_n3A_91, %lt3A_96 : i32
      %ne3A_98 = arith.xori %lt3A_95, %lt3A_97 : i1
      %and3A_99 = arith.andi %ne3A_98, %ne3A_94 : i1
      %add3A_100 = arith.addi %rem3A_92, %select_n3A_91 : i32
      %select_n3A_101 = arith.select %and3A_99, %add3A_100, %rem3A_92 : i32
      %mul3A_102 = arith.constant 2 : i32
      %mul3A_103 = arith.muli %select_n3A_101, %mul3A_102 : i32
      %jit3A_104 = arith.constant 3 : i32
      %eq3A_105 = arith.constant 0 : i32
      %eq3A_106 = arith.cmpi eq, %jit3A_104, %eq3A_105 : i32
      %jit3A_107 = arith.constant 1 : i32
      %select_n3A_108 = arith.select %eq3A_106, %jit3A_107, %jit3A_104 : i32
      %rem3A_109 = arith.remsi %while3A_86, %select_n3A_108 : i32
      %ne3A_110 = arith.constant 0 : i32
      %ne3A_111 = arith.cmpi ne, %rem3A_109, %ne3A_110 : i32
      %lt3A_112 = arith.constant 0 : i32
      %lt3A_113 = arith.cmpi slt, %rem3A_109, %lt3A_112 : i32
      %lt3A_114 = arith.constant 0 : i32
      %lt3A_115 = arith.cmpi slt, %select_n3A_108, %lt3A_114 : i32
      %ne3A_116 = arith.xori %lt3A_113, %lt3A_115 : i1
      %and3A_117 = arith.andi %ne3A_116, %ne3A_111 : i1
      %add3A_118 = arith.addi %rem3A_109, %select_n3A_108 : i32
      %select_n3A_119 = arith.select %and3A_117, %add3A_118, %rem3A_109 : i32
      %dma_wait3A = arith.constant 0 : i32
      %dma_wait3A_120 = arith.constant 0 : i32
      %dma_wait3A_121 = tpu.memref_slice %arg7[%select_n3A_119, %dma_wait3A, %dma_wait3A_120] : memref<3x128x128xf32, #tpu.memory_space<vmem>> -> memref<1x128x128xf32, #tpu.memory_space<vmem>>
      %dma_wait3A_122 = tpu.memref_squeeze %dma_wait3A_121 : memref<1x128x128xf32, #tpu.memory_space<vmem>> -> memref<128x128xf32, #tpu.memory_space<vmem>>
      %dma_wait3A_123 = arith.constant 0 : i32
      %dma_wait3A_124 = tpu.memref_slice %arg6[%mul3A_103, %dma_wait3A_123] : memref<8x128xi32, #tpu.memory_space<vmem>> -> memref<1x128xi32, #tpu.memory_space<vmem>>
      %dma_wait3A_125 = tpu.memref_squeeze %dma_wait3A_124 : memref<1x128xi32, #tpu.memory_space<vmem>> -> memref<128xi32, #tpu.memory_space<vmem>>
      %dma_wait3A_126 = arith.constant 0 : i32
      %dma_wait3A_127 = arith.constant 0 : i32
      %dma_wait3A_128 = tpu.memref_slice %arg2[%dma_wait3A_126, %dma_wait3A_127] : memref<10000x128xf32, #tpu.memory_space<hbm>> -> memref<10000x128xf32, #tpu.memory_space<hbm>>
      tpu.wait_indirect_dma semaphore(%arg9 : memref<!tpu.dma_semaphore, #tpu.memory_space<semaphore_mem>>) src(%dma_wait3A_128 : memref<10000x128xf32, #tpu.memory_space<hbm>>) dst(%dma_wait3A_122 : memref<128x128xf32, #tpu.memory_space<vmem>>)
      %jit3A_129 = arith.constant 3 : i32
      %eq3A_130 = arith.constant 0 : i32
      %eq3A_131 = arith.cmpi eq, %jit3A_129, %eq3A_130 : i32
      %jit3A_132 = arith.constant 1 : i32
      %select_n3A_133 = arith.select %eq3A_131, %jit3A_132, %jit3A_129 : i32
      %rem3A_134 = arith.remsi %while3A_86, %select_n3A_133 : i32
      %ne3A_135 = arith.constant 0 : i32
      %ne3A_136 = arith.cmpi ne, %rem3A_134, %ne3A_135 : i32
      %lt3A_137 = arith.constant 0 : i32
      %lt3A_138 = arith.cmpi slt, %rem3A_134, %lt3A_137 : i32
      %lt3A_139 = arith.constant 0 : i32
      %lt3A_140 = arith.cmpi slt, %select_n3A_133, %lt3A_139 : i32
      %ne3A_141 = arith.xori %lt3A_138, %lt3A_140 : i1
      %and3A_142 = arith.andi %ne3A_141, %ne3A_136 : i1
      %add3A_143 = arith.addi %rem3A_134, %select_n3A_133 : i32
      %select_n3A_144 = arith.select %and3A_142, %add3A_143, %rem3A_134 : i32
      %jit3A_145 = arith.constant 4 : i32
      %eq3A_146 = arith.constant 0 : i32
      %eq3A_147 = arith.cmpi eq, %jit3A_145, %eq3A_146 : i32
      %jit3A_148 = arith.constant 1 : i32
      %select_n3A_149 = arith.select %eq3A_147, %jit3A_148, %jit3A_145 : i32
      %rem3A_150 = arith.remsi %while3A_86, %select_n3A_149 : i32
      %ne3A_151 = arith.constant 0 : i32
      %ne3A_152 = arith.cmpi ne, %rem3A_150, %ne3A_151 : i32
      %lt3A_153 = arith.constant 0 : i32
      %lt3A_154 = arith.cmpi slt, %rem3A_150, %lt3A_153 : i32
      %lt3A_155 = arith.constant 0 : i32
      %lt3A_156 = arith.cmpi slt, %select_n3A_149, %lt3A_155 : i32
      %ne3A_157 = arith.xori %lt3A_154, %lt3A_156 : i1
      %and3A_158 = arith.andi %ne3A_157, %ne3A_152 : i1
      %add3A_159 = arith.addi %rem3A_150, %select_n3A_149 : i32
      %select_n3A_160 = arith.select %and3A_158, %add3A_159, %rem3A_150 : i32
      %mul3A_161 = arith.constant 2 : i32
      %mul3A_162 = arith.muli %select_n3A_160, %mul3A_161 : i32
      %add3A_163 = arith.constant 1 : i32
      %add3A_164 = arith.addi %mul3A_162, %add3A_163 : i32
      %dma_start3A = arith.constant 0 : i32
      %dma_start3A_165 = arith.constant 0 : i32
      %dma_start3A_166 = tpu.memref_slice %arg7[%select_n3A_144, %dma_start3A, %dma_start3A_165] : memref<3x128x128xf32, #tpu.memory_space<vmem>> -> memref<1x128x128xf32, #tpu.memory_space<vmem>>
      %dma_start3A_167 = tpu.memref_squeeze %dma_start3A_166 : memref<1x128x128xf32, #tpu.memory_space<vmem>> -> memref<128x128xf32, #tpu.memory_space<vmem>>
      %dma_start3A_168 = arith.constant 0 : i32
      %dma_start3A_169 = tpu.memref_slice %arg6[%add3A_164, %dma_start3A_168] : memref<8x128xi32, #tpu.memory_space<vmem>> -> memref<1x128xi32, #tpu.memory_space<vmem>>
      %dma_start3A_170 = tpu.memref_squeeze %dma_start3A_169 : memref<1x128xi32, #tpu.memory_space<vmem>> -> memref<128xi32, #tpu.memory_space<vmem>>
      %dma_start3A_171 = arith.constant 0 : i32
      %dma_start3A_172 = arith.constant 0 : i32
      %dma_start3A_173 = tpu.memref_slice %arg5[%dma_start3A_171, %dma_start3A_172] : memref<10112x128xf32, #tpu.memory_space<vmem_shared>> -> memref<10112x128xf32, #tpu.memory_space<vmem_shared>>
      tpu.enqueue_indirect_dma source(%dma_start3A_167 : memref<128x128xf32, #tpu.memory_space<vmem>>) target(%dma_start3A_173 : memref<10112x128xf32, #tpu.memory_space<vmem_shared>>) offsets(%dma_start3A_170 : memref<128xi32, #tpu.memory_space<vmem>>) semaphore(%arg10 : memref<!tpu.dma_semaphore, #tpu.memory_space<semaphore_mem>>) {add = true}
      %ge3A_174 = arith.constant 1 : i32
      %ge3A_175 = arith.cmpi sge, %while3A_86, %ge3A_174 : i32
      %convert_element_type3A_176 = arith.extui %ge3A_175 : i1 to i32
      %cond3A_177 = arith.constant 0 : i32
      %cond3A_178 = arith.cmpi ne, %convert_element_type3A_176, %cond3A_177 : i32
      scf.if %cond3A_178 {
        %sub3A_192 = arith.constant 1 : i32
        %sub3A_193 = arith.subi %while3A_86, %sub3A_192 : i32
        %jit3A_194 = arith.constant 3 : i32
        %eq3A_195 = arith.constant 0 : i32
        %eq3A_196 = arith.cmpi eq, %jit3A_194, %eq3A_195 : i32
        %jit3A_197 = arith.constant 1 : i32
        %select_n3A_198 = arith.select %eq3A_196, %jit3A_197, %jit3A_194 : i32
        %rem3A_199 = arith.remsi %sub3A_193, %select_n3A_198 : i32
        %ne3A_200 = arith.constant 0 : i32
        %ne3A_201 = arith.cmpi ne, %rem3A_199, %ne3A_200 : i32
        %lt3A_202 = arith.constant 0 : i32
        %lt3A_203 = arith.cmpi slt, %rem3A_199, %lt3A_202 : i32
        %lt3A_204 = arith.constant 0 : i32
        %lt3A_205 = arith.cmpi slt, %select_n3A_198, %lt3A_204 : i32
        %ne3A_206 = arith.xori %lt3A_203, %lt3A_205 : i1
        %and3A_207 = arith.andi %ne3A_206, %ne3A_201 : i1
        %add3A_208 = arith.addi %rem3A_199, %select_n3A_198 : i32
        %select_n3A_209 = arith.select %and3A_207, %add3A_208, %rem3A_199 : i32
        %jit3A_210 = arith.constant 4 : i32
        %eq3A_211 = arith.constant 0 : i32
        %eq3A_212 = arith.cmpi eq, %jit3A_210, %eq3A_211 : i32
        %jit3A_213 = arith.constant 1 : i32
        %select_n3A_214 = arith.select %eq3A_212, %jit3A_213, %jit3A_210 : i32
        %rem3A_215 = arith.remsi %sub3A_193, %select_n3A_214 : i32
        %ne3A_216 = arith.constant 0 : i32
        %ne3A_217 = arith.cmpi ne, %rem3A_215, %ne3A_216 : i32
        %lt3A_218 = arith.constant 0 : i32
        %lt3A_219 = arith.cmpi slt, %rem3A_215, %lt3A_218 : i32
        %lt3A_220 = arith.constant 0 : i32
        %lt3A_221 = arith.cmpi slt, %select_n3A_214, %lt3A_220 : i32
        %ne3A_222 = arith.xori %lt3A_219, %lt3A_221 : i1
        %and3A_223 = arith.andi %ne3A_222, %ne3A_217 : i1
        %add3A_224 = arith.addi %rem3A_215, %select_n3A_214 : i32
        %select_n3A_225 = arith.select %and3A_223, %add3A_224, %rem3A_215 : i32
        %mul3A_226 = arith.constant 2 : i32
        %mul3A_227 = arith.muli %select_n3A_225, %mul3A_226 : i32
        %add3A_228 = arith.constant 1 : i32
        %add3A_229 = arith.addi %mul3A_227, %add3A_228 : i32
        %dma_wait3A_230 = arith.constant 0 : i32
        %dma_wait3A_231 = arith.constant 0 : i32
        %dma_wait3A_232 = tpu.memref_slice %arg7[%select_n3A_209, %dma_wait3A_230, %dma_wait3A_231] : memref<3x128x128xf32, #tpu.memory_space<vmem>> -> memref<1x128x128xf32, #tpu.memory_space<vmem>>
        %dma_wait3A_233 = tpu.memref_squeeze %dma_wait3A_232 : memref<1x128x128xf32, #tpu.memory_space<vmem>> -> memref<128x128xf32, #tpu.memory_space<vmem>>
        %dma_wait3A_234 = arith.constant 0 : i32
        %dma_wait3A_235 = tpu.memref_slice %arg6[%add3A_229, %dma_wait3A_234] : memref<8x128xi32, #tpu.memory_space<vmem>> -> memref<1x128xi32, #tpu.memory_space<vmem>>
        %dma_wait3A_236 = tpu.memref_squeeze %dma_wait3A_235 : memref<1x128xi32, #tpu.memory_space<vmem>> -> memref<128xi32, #tpu.memory_space<vmem>>
        %dma_wait3A_237 = arith.constant 0 : i32
        %dma_wait3A_238 = arith.constant 0 : i32
        %dma_wait3A_239 = tpu.memref_slice %arg5[%dma_wait3A_237, %dma_wait3A_238] : memref<10112x128xf32, #tpu.memory_space<vmem_shared>> -> memref<10112x128xf32, #tpu.memory_space<vmem_shared>>
        tpu.wait_indirect_dma semaphore(%arg10 : memref<!tpu.dma_semaphore, #tpu.memory_space<semaphore_mem>>) src(%dma_wait3A_233 : memref<128x128xf32, #tpu.memory_space<vmem>>) dst(%dma_wait3A_239 : memref<10112x128xf32, #tpu.memory_space<vmem_shared>>)
      } else {
      }
      %add3A_179 = arith.constant 2 : i32
      %add3A_180 = arith.addi %while3A_86, %add3A_179 : i32
      %lt3A_181 = arith.cmpi slt, %add3A_180, %min3A : i32
      %convert_element_type3A_182 = arith.extui %lt3A_181 : i1 to i32
      %cond3A_183 = arith.constant 0 : i32
      %cond3A_184 = arith.cmpi ne, %convert_element_type3A_182, %cond3A_183 : i32
      scf.if %cond3A_184 {
        %add3A_192 = arith.constant 2 : i32
        %add3A_193 = arith.addi %while3A_86, %add3A_192 : i32
        %mul3A_194 = arith.constant 88 : i32
        %mul3A_195 = arith.muli %add3A, %mul3A_194 : i32
        %add3A_196 = arith.addi %mul3A_195, %add3A_193 : i32
        %jit3A_197 = arith.constant 4 : i32
        %eq3A_198 = arith.constant 0 : i32
        %eq3A_199 = arith.cmpi eq, %jit3A_197, %eq3A_198 : i32
        %jit3A_200 = arith.constant 1 : i32
        %select_n3A_201 = arith.select %eq3A_199, %jit3A_200, %jit3A_197 : i32
        %rem3A_202 = arith.remsi %add3A_193, %select_n3A_201 : i32
        %ne3A_203 = arith.constant 0 : i32
        %ne3A_204 = arith.cmpi ne, %rem3A_202, %ne3A_203 : i32
        %lt3A_205 = arith.constant 0 : i32
        %lt3A_206 = arith.cmpi slt, %rem3A_202, %lt3A_205 : i32
        %lt3A_207 = arith.constant 0 : i32
        %lt3A_208 = arith.cmpi slt, %select_n3A_201, %lt3A_207 : i32
        %ne3A_209 = arith.xori %lt3A_206, %lt3A_208 : i1
        %and3A_210 = arith.andi %ne3A_209, %ne3A_204 : i1
        %add3A_211 = arith.addi %rem3A_202, %select_n3A_201 : i32
        %select_n3A_212 = arith.select %and3A_210, %add3A_211, %rem3A_202 : i32
        %mul3A_213 = arith.constant 2 : i32
        %mul3A_214 = arith.muli %select_n3A_212, %mul3A_213 : i32
        %dma_wait3A_215 = arith.constant 0 : i32
        %dma_wait3A_216 = tpu.memref_slice %arg6[%mul3A_214, %dma_wait3A_215] : memref<8x128xi32, #tpu.memory_space<vmem>> -> memref<2x128xi32, #tpu.memory_space<vmem>>
        %dma_wait3A_217 = arith.constant 0 : i32
        %dma_wait3A_218 = arith.constant 0 : i32
        %dma_wait3A_219 = tpu.memref_slice %arg3[%add3A_196, %dma_wait3A_217, %dma_wait3A_218] : memref<2816x2x128xi32, #tpu.memory_space<hbm>> -> memref<1x2x128xi32, #tpu.memory_space<hbm>>
        %dma_wait3A_220 = tpu.memref_squeeze %dma_wait3A_219 : memref<1x2x128xi32, #tpu.memory_space<hbm>> -> memref<2x128xi32, #tpu.memory_space<hbm>>
        %dma_wait3A_221 = arith.constant 0 : i32
        %dma_wait3A_222 = tpu.memref_slice %arg6[%mul3A_214, %dma_wait3A_221] : memref<8x128xi32, #tpu.memory_space<vmem>> -> memref<2x128xi32, #tpu.memory_space<vmem>>
        %dma_wait3A_223 = arith.constant 0 : i32
        %dma_wait3A_224 = arith.constant 0 : i32
        %dma_wait3A_225 = tpu.memref_slice %arg3[%add3A_196, %dma_wait3A_223, %dma_wait3A_224] : memref<2816x2x128xi32, #tpu.memory_space<hbm>> -> memref<1x2x128xi32, #tpu.memory_space<hbm>>
        %dma_wait3A_226 = tpu.memref_squeeze %dma_wait3A_225 : memref<1x2x128xi32, #tpu.memory_space<hbm>> -> memref<2x128xi32, #tpu.memory_space<hbm>>
        tpu.wait_dma2 semaphore(%arg8 : memref<!tpu.dma_semaphore, #tpu.memory_space<semaphore_mem>>) src(%dma_wait3A_226 : memref<2x128xi32, #tpu.memory_space<hbm>>) dst(%dma_wait3A_222 : memref<2x128xi32, #tpu.memory_space<vmem>>)
        %add3A_227 = arith.constant 2 : i32
        %add3A_228 = arith.addi %while3A_86, %add3A_227 : i32
        %jit3A_229 = arith.constant 4 : i32
        %eq3A_230 = arith.constant 0 : i32
        %eq3A_231 = arith.cmpi eq, %jit3A_229, %eq3A_230 : i32
        %jit3A_232 = arith.constant 1 : i32
        %select_n3A_233 = arith.select %eq3A_231, %jit3A_232, %jit3A_229 : i32
        %rem3A_234 = arith.remsi %add3A_228, %select_n3A_233 : i32
        %ne3A_235 = arith.constant 0 : i32
        %ne3A_236 = arith.cmpi ne, %rem3A_234, %ne3A_235 : i32
        %lt3A_237 = arith.constant 0 : i32
        %lt3A_238 = arith.cmpi slt, %rem3A_234, %lt3A_237 : i32
        %lt3A_239 = arith.constant 0 : i32
        %lt3A_240 = arith.cmpi slt, %select_n3A_233, %lt3A_239 : i32
        %ne3A_241 = arith.xori %lt3A_238, %lt3A_240 : i1
        %and3A_242 = arith.andi %ne3A_241, %ne3A_236 : i1
        %add3A_243 = arith.addi %rem3A_234, %select_n3A_233 : i32
        %select_n3A_244 = arith.select %and3A_242, %add3A_243, %rem3A_234 : i32
        %mul3A_245 = arith.constant 2 : i32
        %mul3A_246 = arith.muli %select_n3A_244, %mul3A_245 : i32
        %jit3A_247 = arith.constant 3 : i32
        %eq3A_248 = arith.constant 0 : i32
        %eq3A_249 = arith.cmpi eq, %jit3A_247, %eq3A_248 : i32
        %jit3A_250 = arith.constant 1 : i32
        %select_n3A_251 = arith.select %eq3A_249, %jit3A_250, %jit3A_247 : i32
        %rem3A_252 = arith.remsi %add3A_228, %select_n3A_251 : i32
        %ne3A_253 = arith.constant 0 : i32
        %ne3A_254 = arith.cmpi ne, %rem3A_252, %ne3A_253 : i32
        %lt3A_255 = arith.constant 0 : i32
        %lt3A_256 = arith.cmpi slt, %rem3A_252, %lt3A_255 : i32
        %lt3A_257 = arith.constant 0 : i32
        %lt3A_258 = arith.cmpi slt, %select_n3A_251, %lt3A_257 : i32
        %ne3A_259 = arith.xori %lt3A_256, %lt3A_258 : i1
        %and3A_260 = arith.andi %ne3A_259, %ne3A_254 : i1
        %add3A_261 = arith.addi %rem3A_252, %select_n3A_251 : i32
        %select_n3A_262 = arith.select %and3A_260, %add3A_261, %rem3A_252 : i32
        %dma_start3A_263 = arith.constant 0 : i32
        %dma_start3A_264 = arith.constant 0 : i32
        %dma_start3A_265 = tpu.memref_slice %arg7[%select_n3A_262, %dma_start3A_263, %dma_start3A_264] : memref<3x128x128xf32, #tpu.memory_space<vmem>> -> memref<1x128x128xf32, #tpu.memory_space<vmem>>
        %dma_start3A_266 = tpu.memref_squeeze %dma_start3A_265 : memref<1x128x128xf32, #tpu.memory_space<vmem>> -> memref<128x128xf32, #tpu.memory_space<vmem>>
        %dma_start3A_267 = arith.constant 0 : i32
        %dma_start3A_268 = tpu.memref_slice %arg6[%mul3A_246, %dma_start3A_267] : memref<8x128xi32, #tpu.memory_space<vmem>> -> memref<1x128xi32, #tpu.memory_space<vmem>>
        %dma_start3A_269 = tpu.memref_squeeze %dma_start3A_268 : memref<1x128xi32, #tpu.memory_space<vmem>> -> memref<128xi32, #tpu.memory_space<vmem>>
        %dma_start3A_270 = arith.constant 0 : i32
        %dma_start3A_271 = arith.constant 0 : i32
        %dma_start3A_272 = tpu.memref_slice %arg2[%dma_start3A_270, %dma_start3A_271] : memref<10000x128xf32, #tpu.memory_space<hbm>> -> memref<10000x128xf32, #tpu.memory_space<hbm>>
        tpu.enqueue_indirect_dma source(%dma_start3A_272 : memref<10000x128xf32, #tpu.memory_space<hbm>>) target(%dma_start3A_266 : memref<128x128xf32, #tpu.memory_space<vmem>>) offsets(%dma_start3A_269 : memref<128xi32, #tpu.memory_space<vmem>>) semaphore(%arg9 : memref<!tpu.dma_semaphore, #tpu.memory_space<semaphore_mem>>)
      } else {
      }
      %add3A_185 = arith.constant 3 : i32
      %add3A_186 = arith.addi %while3A_86, %add3A_185 : i32
      %lt3A_187 = arith.cmpi slt, %add3A_186, %min3A : i32
      %convert_element_type3A_188 = arith.extui %lt3A_187 : i1 to i32
      %cond3A_189 = arith.constant 0 : i32
      %cond3A_190 = arith.cmpi ne, %convert_element_type3A_188, %cond3A_189 : i32
      scf.if %cond3A_190 {
        %add3A_192 = arith.constant 3 : i32
        %add3A_193 = arith.addi %while3A_86, %add3A_192 : i32
        %mul3A_194 = arith.constant 88 : i32
        %mul3A_195 = arith.muli %add3A, %mul3A_194 : i32
        %add3A_196 = arith.addi %mul3A_195, %add3A_193 : i32
        %jit3A_197 = arith.constant 4 : i32
        %eq3A_198 = arith.constant 0 : i32
        %eq3A_199 = arith.cmpi eq, %jit3A_197, %eq3A_198 : i32
        %jit3A_200 = arith.constant 1 : i32
        %select_n3A_201 = arith.select %eq3A_199, %jit3A_200, %jit3A_197 : i32
        %rem3A_202 = arith.remsi %add3A_193, %select_n3A_201 : i32
        %ne3A_203 = arith.constant 0 : i32
        %ne3A_204 = arith.cmpi ne, %rem3A_202, %ne3A_203 : i32
        %lt3A_205 = arith.constant 0 : i32
        %lt3A_206 = arith.cmpi slt, %rem3A_202, %lt3A_205 : i32
        %lt3A_207 = arith.constant 0 : i32
        %lt3A_208 = arith.cmpi slt, %select_n3A_201, %lt3A_207 : i32
        %ne3A_209 = arith.xori %lt3A_206, %lt3A_208 : i1
        %and3A_210 = arith.andi %ne3A_209, %ne3A_204 : i1
        %add3A_211 = arith.addi %rem3A_202, %select_n3A_201 : i32
        %select_n3A_212 = arith.select %and3A_210, %add3A_211, %rem3A_202 : i32
        %mul3A_213 = arith.constant 2 : i32
        %mul3A_214 = arith.muli %select_n3A_212, %mul3A_213 : i32
        %dma_start3A_215 = arith.constant 0 : i32
        %dma_start3A_216 = tpu.memref_slice %arg6[%mul3A_214, %dma_start3A_215] : memref<8x128xi32, #tpu.memory_space<vmem>> -> memref<2x128xi32, #tpu.memory_space<vmem>>
        %dma_start3A_217 = arith.constant 0 : i32
        %dma_start3A_218 = arith.constant 0 : i32
        %dma_start3A_219 = tpu.memref_slice %arg3[%add3A_196, %dma_start3A_217, %dma_start3A_218] : memref<2816x2x128xi32, #tpu.memory_space<hbm>> -> memref<1x2x128xi32, #tpu.memory_space<hbm>>
        %dma_start3A_220 = tpu.memref_squeeze %dma_start3A_219 : memref<1x2x128xi32, #tpu.memory_space<hbm>> -> memref<2x128xi32, #tpu.memory_space<hbm>>
        %dma_start3A_221 = arith.constant 0 : i32
        %dma_start3A_222 = tpu.memref_slice %arg6[%mul3A_214, %dma_start3A_221] : memref<8x128xi32, #tpu.memory_space<vmem>> -> memref<2x128xi32, #tpu.memory_space<vmem>>
        %dma_start3A_223 = arith.constant 0 : i32
        %dma_start3A_224 = arith.constant 0 : i32
        %dma_start3A_225 = tpu.memref_slice %arg3[%add3A_196, %dma_start3A_223, %dma_start3A_224] : memref<2816x2x128xi32, #tpu.memory_space<hbm>> -> memref<1x2x128xi32, #tpu.memory_space<hbm>>
        %dma_start3A_226 = tpu.memref_squeeze %dma_start3A_225 : memref<1x2x128xi32, #tpu.memory_space<hbm>> -> memref<2x128xi32, #tpu.memory_space<hbm>>
        tpu.enqueue_dma source(%dma_start3A_226 : memref<2x128xi32, #tpu.memory_space<hbm>>) target(%dma_start3A_222 : memref<2x128xi32, #tpu.memory_space<vmem>>) target_semaphore(%arg8 : memref<!tpu.dma_semaphore, #tpu.memory_space<semaphore_mem>>)
      } else {
      }
      %while3A_191 = arith.constant 0 : i32
      scf.yield %while3A_191 : i32
    }
    %while3A_75 = arith.constant 1 : i32
    %while3A_76 = scf.for %while3A_86 = %while3A_72 to %while3A_68 step %while3A_75 iter_args(%while3A_87 = %while3A_74) -> (i32)  : i32 {
      %jit3A_88 = arith.constant 4 : i32
      %eq3A = arith.constant 0 : i32
      %eq3A_89 = arith.cmpi eq, %jit3A_88, %eq3A : i32
      %jit3A_90 = arith.constant 1 : i32
      %select_n3A_91 = arith.select %eq3A_89, %jit3A_90, %jit3A_88 : i32
      %rem3A_92 = arith.remsi %while3A_86, %select_n3A_91 : i32
      %ne3A_93 = arith.constant 0 : i32
      %ne3A_94 = arith.cmpi ne, %rem3A_92, %ne3A_93 : i32
      %lt3A = arith.constant 0 : i32
      %lt3A_95 = arith.cmpi slt, %rem3A_92, %lt3A : i32
      %lt3A_96 = arith.constant 0 : i32
      %lt3A_97 = arith.cmpi slt, %select_n3A_91, %lt3A_96 : i32
      %ne3A_98 = arith.xori %lt3A_95, %lt3A_97 : i1
      %and3A_99 = arith.andi %ne3A_98, %ne3A_94 : i1
      %add3A_100 = arith.addi %rem3A_92, %select_n3A_91 : i32
      %select_n3A_101 = arith.select %and3A_99, %add3A_100, %rem3A_92 : i32
      %mul3A_102 = arith.constant 2 : i32
      %mul3A_103 = arith.muli %select_n3A_101, %mul3A_102 : i32
      %jit3A_104 = arith.constant 3 : i32
      %eq3A_105 = arith.constant 0 : i32
      %eq3A_106 = arith.cmpi eq, %jit3A_104, %eq3A_105 : i32
      %jit3A_107 = arith.constant 1 : i32
      %select_n3A_108 = arith.select %eq3A_106, %jit3A_107, %jit3A_104 : i32
      %rem3A_109 = arith.remsi %while3A_86, %select_n3A_108 : i32
      %ne3A_110 = arith.constant 0 : i32
      %ne3A_111 = arith.cmpi ne, %rem3A_109, %ne3A_110 : i32
      %lt3A_112 = arith.constant 0 : i32
      %lt3A_113 = arith.cmpi slt, %rem3A_109, %lt3A_112 : i32
      %lt3A_114 = arith.constant 0 : i32
      %lt3A_115 = arith.cmpi slt, %select_n3A_108, %lt3A_114 : i32
      %ne3A_116 = arith.xori %lt3A_113, %lt3A_115 : i1
      %and3A_117 = arith.andi %ne3A_116, %ne3A_111 : i1
      %add3A_118 = arith.addi %rem3A_109, %select_n3A_108 : i32
      %select_n3A_119 = arith.select %and3A_117, %add3A_118, %rem3A_109 : i32
      %dma_wait3A = arith.constant 0 : i32
      %dma_wait3A_120 = arith.constant 0 : i32
      %dma_wait3A_121 = tpu.memref_slice %arg7[%select_n3A_119, %dma_wait3A, %dma_wait3A_120] : memref<3x128x128xf32, #tpu.memory_space<vmem>> -> memref<1x128x128xf32, #tpu.memory_space<vmem>>
      %dma_wait3A_122 = tpu.memref_squeeze %dma_wait3A_121 : memref<1x128x128xf32, #tpu.memory_space<vmem>> -> memref<128x128xf32, #tpu.memory_space<vmem>>
      %dma_wait3A_123 = arith.constant 0 : i32
      %dma_wait3A_124 = tpu.memref_slice %arg6[%mul3A_103, %dma_wait3A_123] : memref<8x128xi32, #tpu.memory_space<vmem>> -> memref<1x128xi32, #tpu.memory_space<vmem>>
      %dma_wait3A_125 = tpu.memref_squeeze %dma_wait3A_124 : memref<1x128xi32, #tpu.memory_space<vmem>> -> memref<128xi32, #tpu.memory_space<vmem>>
      %dma_wait3A_126 = arith.constant 0 : i32
      %dma_wait3A_127 = arith.constant 0 : i32
      %dma_wait3A_128 = tpu.memref_slice %arg2[%dma_wait3A_126, %dma_wait3A_127] : memref<10000x128xf32, #tpu.memory_space<hbm>> -> memref<10000x128xf32, #tpu.memory_space<hbm>>
      tpu.wait_indirect_dma semaphore(%arg9 : memref<!tpu.dma_semaphore, #tpu.memory_space<semaphore_mem>>) src(%dma_wait3A_128 : memref<10000x128xf32, #tpu.memory_space<hbm>>) dst(%dma_wait3A_122 : memref<128x128xf32, #tpu.memory_space<vmem>>)
      %jit3A_129 = arith.constant 3 : i32
      %eq3A_130 = arith.constant 0 : i32
      %eq3A_131 = arith.cmpi eq, %jit3A_129, %eq3A_130 : i32
      %jit3A_132 = arith.constant 1 : i32
      %select_n3A_133 = arith.select %eq3A_131, %jit3A_132, %jit3A_129 : i32
      %rem3A_134 = arith.remsi %while3A_86, %select_n3A_133 : i32
      %ne3A_135 = arith.constant 0 : i32
      %ne3A_136 = arith.cmpi ne, %rem3A_134, %ne3A_135 : i32
      %lt3A_137 = arith.constant 0 : i32
      %lt3A_138 = arith.cmpi slt, %rem3A_134, %lt3A_137 : i32
      %lt3A_139 = arith.constant 0 : i32
      %lt3A_140 = arith.cmpi slt, %select_n3A_133, %lt3A_139 : i32
      %ne3A_141 = arith.xori %lt3A_138, %lt3A_140 : i1
      %and3A_142 = arith.andi %ne3A_141, %ne3A_136 : i1
      %add3A_143 = arith.addi %rem3A_134, %select_n3A_133 : i32
      %select_n3A_144 = arith.select %and3A_142, %add3A_143, %rem3A_134 : i32
      %jit3A_145 = arith.constant 4 : i32
      %eq3A_146 = arith.constant 0 : i32
      %eq3A_147 = arith.cmpi eq, %jit3A_145, %eq3A_146 : i32
      %jit3A_148 = arith.constant 1 : i32
      %select_n3A_149 = arith.select %eq3A_147, %jit3A_148, %jit3A_145 : i32
      %rem3A_150 = arith.remsi %while3A_86, %select_n3A_149 : i32
      %ne3A_151 = arith.constant 0 : i32
      %ne3A_152 = arith.cmpi ne, %rem3A_150, %ne3A_151 : i32
      %lt3A_153 = arith.constant 0 : i32
      %lt3A_154 = arith.cmpi slt, %rem3A_150, %lt3A_153 : i32
      %lt3A_155 = arith.constant 0 : i32
      %lt3A_156 = arith.cmpi slt, %select_n3A_149, %lt3A_155 : i32
      %ne3A_157 = arith.xori %lt3A_154, %lt3A_156 : i1
      %and3A_158 = arith.andi %ne3A_157, %ne3A_152 : i1
      %add3A_159 = arith.addi %rem3A_150, %select_n3A_149 : i32
      %select_n3A_160 = arith.select %and3A_158, %add3A_159, %rem3A_150 : i32
      %mul3A_161 = arith.constant 2 : i32
      %mul3A_162 = arith.muli %select_n3A_160, %mul3A_161 : i32
      %add3A_163 = arith.constant 1 : i32
      %add3A_164 = arith.addi %mul3A_162, %add3A_163 : i32
      %dma_start3A = arith.constant 0 : i32
      %dma_start3A_165 = arith.constant 0 : i32
      %dma_start3A_166 = tpu.memref_slice %arg7[%select_n3A_144, %dma_start3A, %dma_start3A_165] : memref<3x128x128xf32, #tpu.memory_space<vmem>> -> memref<1x128x128xf32, #tpu.memory_space<vmem>>
      %dma_start3A_167 = tpu.memref_squeeze %dma_start3A_166 : memref<1x128x128xf32, #tpu.memory_space<vmem>> -> memref<128x128xf32, #tpu.memory_space<vmem>>
      %dma_start3A_168 = arith.constant 0 : i32
      %dma_start3A_169 = tpu.memref_slice %arg6[%add3A_164, %dma_start3A_168] : memref<8x128xi32, #tpu.memory_space<vmem>> -> memref<1x128xi32, #tpu.memory_space<vmem>>
      %dma_start3A_170 = tpu.memref_squeeze %dma_start3A_169 : memref<1x128xi32, #tpu.memory_space<vmem>> -> memref<128xi32, #tpu.memory_space<vmem>>
      %dma_start3A_171 = arith.constant 0 : i32
      %dma_start3A_172 = arith.constant 0 : i32
      %dma_start3A_173 = tpu.memref_slice %arg5[%dma_start3A_171, %dma_start3A_172] : memref<10112x128xf32, #tpu.memory_space<vmem_shared>> -> memref<10112x128xf32, #tpu.memory_space<vmem_shared>>
      tpu.enqueue_indirect_dma source(%dma_start3A_167 : memref<128x128xf32, #tpu.memory_space<vmem>>) target(%dma_start3A_173 : memref<10112x128xf32, #tpu.memory_space<vmem_shared>>) offsets(%dma_start3A_170 : memref<128xi32, #tpu.memory_space<vmem>>) semaphore(%arg10 : memref<!tpu.dma_semaphore, #tpu.memory_space<semaphore_mem>>) {add = true}
      %ge3A_174 = arith.constant 1 : i32
      %ge3A_175 = arith.cmpi sge, %while3A_86, %ge3A_174 : i32
      %convert_element_type3A_176 = arith.extui %ge3A_175 : i1 to i32
      %cond3A_177 = arith.constant 0 : i32
      %cond3A_178 = arith.cmpi ne, %convert_element_type3A_176, %cond3A_177 : i32
      scf.if %cond3A_178 {
        %sub3A_192 = arith.constant 1 : i32
        %sub3A_193 = arith.subi %while3A_86, %sub3A_192 : i32
        %jit3A_194 = arith.constant 3 : i32
        %eq3A_195 = arith.constant 0 : i32
        %eq3A_196 = arith.cmpi eq, %jit3A_194, %eq3A_195 : i32
        %jit3A_197 = arith.constant 1 : i32
        %select_n3A_198 = arith.select %eq3A_196, %jit3A_197, %jit3A_194 : i32
        %rem3A_199 = arith.remsi %sub3A_193, %select_n3A_198 : i32
        %ne3A_200 = arith.constant 0 : i32
        %ne3A_201 = arith.cmpi ne, %rem3A_199, %ne3A_200 : i32
        %lt3A_202 = arith.constant 0 : i32
        %lt3A_203 = arith.cmpi slt, %rem3A_199, %lt3A_202 : i32
        %lt3A_204 = arith.constant 0 : i32
        %lt3A_205 = arith.cmpi slt, %select_n3A_198, %lt3A_204 : i32
        %ne3A_206 = arith.xori %lt3A_203, %lt3A_205 : i1
        %and3A_207 = arith.andi %ne3A_206, %ne3A_201 : i1
        %add3A_208 = arith.addi %rem3A_199, %select_n3A_198 : i32
        %select_n3A_209 = arith.select %and3A_207, %add3A_208, %rem3A_199 : i32
        %jit3A_210 = arith.constant 4 : i32
        %eq3A_211 = arith.constant 0 : i32
        %eq3A_212 = arith.cmpi eq, %jit3A_210, %eq3A_211 : i32
        %jit3A_213 = arith.constant 1 : i32
        %select_n3A_214 = arith.select %eq3A_212, %jit3A_213, %jit3A_210 : i32
        %rem3A_215 = arith.remsi %sub3A_193, %select_n3A_214 : i32
        %ne3A_216 = arith.constant 0 : i32
        %ne3A_217 = arith.cmpi ne, %rem3A_215, %ne3A_216 : i32
        %lt3A_218 = arith.constant 0 : i32
        %lt3A_219 = arith.cmpi slt, %rem3A_215, %lt3A_218 : i32
        %lt3A_220 = arith.constant 0 : i32
        %lt3A_221 = arith.cmpi slt, %select_n3A_214, %lt3A_220 : i32
        %ne3A_222 = arith.xori %lt3A_219, %lt3A_221 : i1
        %and3A_223 = arith.andi %ne3A_222, %ne3A_217 : i1
        %add3A_224 = arith.addi %rem3A_215, %select_n3A_214 : i32
        %select_n3A_225 = arith.select %and3A_223, %add3A_224, %rem3A_215 : i32
        %mul3A_226 = arith.constant 2 : i32
        %mul3A_227 = arith.muli %select_n3A_225, %mul3A_226 : i32
        %add3A_228 = arith.constant 1 : i32
        %add3A_229 = arith.addi %mul3A_227, %add3A_228 : i32
        %dma_wait3A_230 = arith.constant 0 : i32
        %dma_wait3A_231 = arith.constant 0 : i32
        %dma_wait3A_232 = tpu.memref_slice %arg7[%select_n3A_209, %dma_wait3A_230, %dma_wait3A_231] : memref<3x128x128xf32, #tpu.memory_space<vmem>> -> memref<1x128x128xf32, #tpu.memory_space<vmem>>
        %dma_wait3A_233 = tpu.memref_squeeze %dma_wait3A_232 : memref<1x128x128xf32, #tpu.memory_space<vmem>> -> memref<128x128xf32, #tpu.memory_space<vmem>>
        %dma_wait3A_234 = arith.constant 0 : i32
        %dma_wait3A_235 = tpu.memref_slice %arg6[%add3A_229, %dma_wait3A_234] : memref<8x128xi32, #tpu.memory_space<vmem>> -> memref<1x128xi32, #tpu.memory_space<vmem>>
        %dma_wait3A_236 = tpu.memref_squeeze %dma_wait3A_235 : memref<1x128xi32, #tpu.memory_space<vmem>> -> memref<128xi32, #tpu.memory_space<vmem>>
        %dma_wait3A_237 = arith.constant 0 : i32
        %dma_wait3A_238 = arith.constant 0 : i32
        %dma_wait3A_239 = tpu.memref_slice %arg5[%dma_wait3A_237, %dma_wait3A_238] : memref<10112x128xf32, #tpu.memory_space<vmem_shared>> -> memref<10112x128xf32, #tpu.memory_space<vmem_shared>>
        tpu.wait_indirect_dma semaphore(%arg10 : memref<!tpu.dma_semaphore, #tpu.memory_space<semaphore_mem>>) src(%dma_wait3A_233 : memref<128x128xf32, #tpu.memory_space<vmem>>) dst(%dma_wait3A_239 : memref<10112x128xf32, #tpu.memory_space<vmem_shared>>)
      } else {
      }
      %add3A_179 = arith.constant 2 : i32
      %add3A_180 = arith.addi %while3A_86, %add3A_179 : i32
      %lt3A_181 = arith.cmpi slt, %add3A_180, %min3A : i32
      %convert_element_type3A_182 = arith.extui %lt3A_181 : i1 to i32
      %cond3A_183 = arith.constant 0 : i32
      %cond3A_184 = arith.cmpi ne, %convert_element_type3A_182, %cond3A_183 : i32
      scf.if %cond3A_184 {
        %add3A_192 = arith.constant 2 : i32
        %add3A_193 = arith.addi %while3A_86, %add3A_192 : i32
        %mul3A_194 = arith.constant 88 : i32
        %mul3A_195 = arith.muli %add3A, %mul3A_194 : i32
        %add3A_196 = arith.addi %mul3A_195, %add3A_193 : i32
        %jit3A_197 = arith.constant 4 : i32
        %eq3A_198 = arith.constant 0 : i32
        %eq3A_199 = arith.cmpi eq, %jit3A_197, %eq3A_198 : i32
        %jit3A_200 = arith.constant 1 : i32
        %select_n3A_201 = arith.select %eq3A_199, %jit3A_200, %jit3A_197 : i32
        %rem3A_202 = arith.remsi %add3A_193, %select_n3A_201 : i32
        %ne3A_203 = arith.constant 0 : i32
        %ne3A_204 = arith.cmpi ne, %rem3A_202, %ne3A_203 : i32
        %lt3A_205 = arith.constant 0 : i32
        %lt3A_206 = arith.cmpi slt, %rem3A_202, %lt3A_205 : i32
        %lt3A_207 = arith.constant 0 : i32
        %lt3A_208 = arith.cmpi slt, %select_n3A_201, %lt3A_207 : i32
        %ne3A_209 = arith.xori %lt3A_206, %lt3A_208 : i1
        %and3A_210 = arith.andi %ne3A_209, %ne3A_204 : i1
        %add3A_211 = arith.addi %rem3A_202, %select_n3A_201 : i32
        %select_n3A_212 = arith.select %and3A_210, %add3A_211, %rem3A_202 : i32
        %mul3A_213 = arith.constant 2 : i32
        %mul3A_214 = arith.muli %select_n3A_212, %mul3A_213 : i32
        %dma_wait3A_215 = arith.constant 0 : i32
        %dma_wait3A_216 = tpu.memref_slice %arg6[%mul3A_214, %dma_wait3A_215] : memref<8x128xi32, #tpu.memory_space<vmem>> -> memref<2x128xi32, #tpu.memory_space<vmem>>
        %dma_wait3A_217 = arith.constant 0 : i32
        %dma_wait3A_218 = arith.constant 0 : i32
        %dma_wait3A_219 = tpu.memref_slice %arg3[%add3A_196, %dma_wait3A_217, %dma_wait3A_218] : memref<2816x2x128xi32, #tpu.memory_space<hbm>> -> memref<1x2x128xi32, #tpu.memory_space<hbm>>
        %dma_wait3A_220 = tpu.memref_squeeze %dma_wait3A_219 : memref<1x2x128xi32, #tpu.memory_space<hbm>> -> memref<2x128xi32, #tpu.memory_space<hbm>>
        %dma_wait3A_221 = arith.constant 0 : i32
        %dma_wait3A_222 = tpu.memref_slice %arg6[%mul3A_214, %dma_wait3A_221] : memref<8x128xi32, #tpu.memory_space<vmem>> -> memref<2x128xi32, #tpu.memory_space<vmem>>
        %dma_wait3A_223 = arith.constant 0 : i32
        %dma_wait3A_224 = arith.constant 0 : i32
        %dma_wait3A_225 = tpu.memref_slice %arg3[%add3A_196, %dma_wait3A_223, %dma_wait3A_224] : memref<2816x2x128xi32, #tpu.memory_space<hbm>> -> memref<1x2x128xi32, #tpu.memory_space<hbm>>
        %dma_wait3A_226 = tpu.memref_squeeze %dma_wait3A_225 : memref<1x2x128xi32, #tpu.memory_space<hbm>> -> memref<2x128xi32, #tpu.memory_space<hbm>>
        tpu.wait_dma2 semaphore(%arg8 : memref<!tpu.dma_semaphore, #tpu.memory_space<semaphore_mem>>) src(%dma_wait3A_226 : memref<2x128xi32, #tpu.memory_space<hbm>>) dst(%dma_wait3A_222 : memref<2x128xi32, #tpu.memory_space<vmem>>)
        %add3A_227 = arith.constant 2 : i32
        %add3A_228 = arith.addi %while3A_86, %add3A_227 : i32
        %jit3A_229 = arith.constant 4 : i32
        %eq3A_230 = arith.constant 0 : i32
        %eq3A_231 = arith.cmpi eq, %jit3A_229, %eq3A_230 : i32
        %jit3A_232 = arith.constant 1 : i32
        %select_n3A_233 = arith.select %eq3A_231, %jit3A_232, %jit3A_229 : i32
        %rem3A_234 = arith.remsi %add3A_228, %select_n3A_233 : i32
        %ne3A_235 = arith.constant 0 : i32
        %ne3A_236 = arith.cmpi ne, %rem3A_234, %ne3A_235 : i32
        %lt3A_237 = arith.constant 0 : i32
        %lt3A_238 = arith.cmpi slt, %rem3A_234, %lt3A_237 : i32
        %lt3A_239 = arith.constant 0 : i32
        %lt3A_240 = arith.cmpi slt, %select_n3A_233, %lt3A_239 : i32
        %ne3A_241 = arith.xori %lt3A_238, %lt3A_240 : i1
        %and3A_242 = arith.andi %ne3A_241, %ne3A_236 : i1
        %add3A_243 = arith.addi %rem3A_234, %select_n3A_233 : i32
        %select_n3A_244 = arith.select %and3A_242, %add3A_243, %rem3A_234 : i32
        %mul3A_245 = arith.constant 2 : i32
        %mul3A_246 = arith.muli %select_n3A_244, %mul3A_245 : i32
        %jit3A_247 = arith.constant 3 : i32
        %eq3A_248 = arith.constant 0 : i32
        %eq3A_249 = arith.cmpi eq, %jit3A_247, %eq3A_248 : i32
        %jit3A_250 = arith.constant 1 : i32
        %select_n3A_251 = arith.select %eq3A_249, %jit3A_250, %jit3A_247 : i32
        %rem3A_252 = arith.remsi %add3A_228, %select_n3A_251 : i32
        %ne3A_253 = arith.constant 0 : i32
        %ne3A_254 = arith.cmpi ne, %rem3A_252, %ne3A_253 : i32
        %lt3A_255 = arith.constant 0 : i32
        %lt3A_256 = arith.cmpi slt, %rem3A_252, %lt3A_255 : i32
        %lt3A_257 = arith.constant 0 : i32
        %lt3A_258 = arith.cmpi slt, %select_n3A_251, %lt3A_257 : i32
        %ne3A_259 = arith.xori %lt3A_256, %lt3A_258 : i1
        %and3A_260 = arith.andi %ne3A_259, %ne3A_254 : i1
        %add3A_261 = arith.addi %rem3A_252, %select_n3A_251 : i32
        %select_n3A_262 = arith.select %and3A_260, %add3A_261, %rem3A_252 : i32
        %dma_start3A_263 = arith.constant 0 : i32
        %dma_start3A_264 = arith.constant 0 : i32
        %dma_start3A_265 = tpu.memref_slice %arg7[%select_n3A_262, %dma_start3A_263, %dma_start3A_264] : memref<3x128x128xf32, #tpu.memory_space<vmem>> -> memref<1x128x128xf32, #tpu.memory_space<vmem>>
        %dma_start3A_266 = tpu.memref_squeeze %dma_start3A_265 : memref<1x128x128xf32, #tpu.memory_space<vmem>> -> memref<128x128xf32, #tpu.memory_space<vmem>>
        %dma_start3A_267 = arith.constant 0 : i32
        %dma_start3A_268 = tpu.memref_slice %arg6[%mul3A_246, %dma_start3A_267] : memref<8x128xi32, #tpu.memory_space<vmem>> -> memref<1x128xi32, #tpu.memory_space<vmem>>
        %dma_start3A_269 = tpu.memref_squeeze %dma_start3A_268 : memref<1x128xi32, #tpu.memory_space<vmem>> -> memref<128xi32, #tpu.memory_space<vmem>>
        %dma_start3A_270 = arith.constant 0 : i32
        %dma_start3A_271 = arith.constant 0 : i32
        %dma_start3A_272 = tpu.memref_slice %arg2[%dma_start3A_270, %dma_start3A_271] : memref<10000x128xf32, #tpu.memory_space<hbm>> -> memref<10000x128xf32, #tpu.memory_space<hbm>>
        tpu.enqueue_indirect_dma source(%dma_start3A_272 : memref<10000x128xf32, #tpu.memory_space<hbm>>) target(%dma_start3A_266 : memref<128x128xf32, #tpu.memory_space<vmem>>) offsets(%dma_start3A_269 : memref<128xi32, #tpu.memory_space<vmem>>) semaphore(%arg9 : memref<!tpu.dma_semaphore, #tpu.memory_space<semaphore_mem>>)
      } else {
      }
      %add3A_185 = arith.constant 3 : i32
      %add3A_186 = arith.addi %while3A_86, %add3A_185 : i32
      %lt3A_187 = arith.cmpi slt, %add3A_186, %min3A : i32
      %convert_element_type3A_188 = arith.extui %lt3A_187 : i1 to i32
      %cond3A_189 = arith.constant 0 : i32
      %cond3A_190 = arith.cmpi ne, %convert_element_type3A_188, %cond3A_189 : i32
      scf.if %cond3A_190 {
        %add3A_192 = arith.constant 3 : i32
        %add3A_193 = arith.addi %while3A_86, %add3A_192 : i32
        %mul3A_194 = arith.constant 88 : i32
        %mul3A_195 = arith.muli %add3A, %mul3A_194 : i32
        %add3A_196 = arith.addi %mul3A_195, %add3A_193 : i32
        %jit3A_197 = arith.constant 4 : i32
        %eq3A_198 = arith.constant 0 : i32
        %eq3A_199 = arith.cmpi eq, %jit3A_197, %eq3A_198 : i32
        %jit3A_200 = arith.constant 1 : i32
        %select_n3A_201 = arith.select %eq3A_199, %jit3A_200, %jit3A_197 : i32
        %rem3A_202 = arith.remsi %add3A_193, %select_n3A_201 : i32
        %ne3A_203 = arith.constant 0 : i32
        %ne3A_204 = arith.cmpi ne, %rem3A_202, %ne3A_203 : i32
        %lt3A_205 = arith.constant 0 : i32
        %lt3A_206 = arith.cmpi slt, %rem3A_202, %lt3A_205 : i32
        %lt3A_207 = arith.constant 0 : i32
        %lt3A_208 = arith.cmpi slt, %select_n3A_201, %lt3A_207 : i32
        %ne3A_209 = arith.xori %lt3A_206, %lt3A_208 : i1
        %and3A_210 = arith.andi %ne3A_209, %ne3A_204 : i1
        %add3A_211 = arith.addi %rem3A_202, %select_n3A_201 : i32
        %select_n3A_212 = arith.select %and3A_210, %add3A_211, %rem3A_202 : i32
        %mul3A_213 = arith.constant 2 : i32
        %mul3A_214 = arith.muli %select_n3A_212, %mul3A_213 : i32
        %dma_start3A_215 = arith.constant 0 : i32
        %dma_start3A_216 = tpu.memref_slice %arg6[%mul3A_214, %dma_start3A_215] : memref<8x128xi32, #tpu.memory_space<vmem>> -> memref<2x128xi32, #tpu.memory_space<vmem>>
        %dma_start3A_217 = arith.constant 0 : i32
        %dma_start3A_218 = arith.constant 0 : i32
        %dma_start3A_219 = tpu.memref_slice %arg3[%add3A_196, %dma_start3A_217, %dma_start3A_218] : memref<2816x2x128xi32, #tpu.memory_space<hbm>> -> memref<1x2x128xi32, #tpu.memory_space<hbm>>
        %dma_start3A_220 = tpu.memref_squeeze %dma_start3A_219 : memref<1x2x128xi32, #tpu.memory_space<hbm>> -> memref<2x128xi32, #tpu.memory_space<hbm>>
        %dma_start3A_221 = arith.constant 0 : i32
        %dma_start3A_222 = tpu.memref_slice %arg6[%mul3A_214, %dma_start3A_221] : memref<8x128xi32, #tpu.memory_space<vmem>> -> memref<2x128xi32, #tpu.memory_space<vmem>>
        %dma_start3A_223 = arith.constant 0 : i32
        %dma_start3A_224 = arith.constant 0 : i32
        %dma_start3A_225 = tpu.memref_slice %arg3[%add3A_196, %dma_start3A_223, %dma_start3A_224] : memref<2816x2x128xi32, #tpu.memory_space<hbm>> -> memref<1x2x128xi32, #tpu.memory_space<hbm>>
        %dma_start3A_226 = tpu.memref_squeeze %dma_start3A_225 : memref<1x2x128xi32, #tpu.memory_space<hbm>> -> memref<2x128xi32, #tpu.memory_space<hbm>>
        tpu.enqueue_dma source(%dma_start3A_226 : memref<2x128xi32, #tpu.memory_space<hbm>>) target(%dma_start3A_222 : memref<2x128xi32, #tpu.memory_space<vmem>>) target_semaphore(%arg8 : memref<!tpu.dma_semaphore, #tpu.memory_space<semaphore_mem>>)
      } else {
      }
      %while3A_191 = arith.constant 0 : i32
      scf.yield %while3A_191 : i32
    }
    %ge3A = arith.constant 1 : i32
    %ge3A_77 = arith.cmpi sge, %min3A, %ge3A : i32
    %convert_element_type3A_78 = arith.extui %ge3A_77 : i1 to i32
    %cond3A_79 = arith.constant 0 : i32
    %cond3A_80 = arith.cmpi ne, %convert_element_type3A_78, %cond3A_79 : i32
    scf.if %cond3A_80 {
      %sub3A_86 = arith.constant 1 : i32
      %sub3A_87 = arith.subi %min3A, %sub3A_86 : i32
      %jit3A_88 = arith.constant 3 : i32
      %eq3A = arith.constant 0 : i32
      %eq3A_89 = arith.cmpi eq, %jit3A_88, %eq3A : i32
      %jit3A_90 = arith.constant 1 : i32
      %select_n3A_91 = arith.select %eq3A_89, %jit3A_90, %jit3A_88 : i32
      %rem3A_92 = arith.remsi %sub3A_87, %select_n3A_91 : i32
      %ne3A_93 = arith.constant 0 : i32
      %ne3A_94 = arith.cmpi ne, %rem3A_92, %ne3A_93 : i32
      %lt3A = arith.constant 0 : i32
      %lt3A_95 = arith.cmpi slt, %rem3A_92, %lt3A : i32
      %lt3A_96 = arith.constant 0 : i32
      %lt3A_97 = arith.cmpi slt, %select_n3A_91, %lt3A_96 : i32
      %ne3A_98 = arith.xori %lt3A_95, %lt3A_97 : i1
      %and3A_99 = arith.andi %ne3A_98, %ne3A_94 : i1
      %add3A_100 = arith.addi %rem3A_92, %select_n3A_91 : i32
      %select_n3A_101 = arith.select %and3A_99, %add3A_100, %rem3A_92 : i32
      %jit3A_102 = arith.constant 4 : i32
      %eq3A_103 = arith.constant 0 : i32
      %eq3A_104 = arith.cmpi eq, %jit3A_102, %eq3A_103 : i32
      %jit3A_105 = arith.constant 1 : i32
      %select_n3A_106 = arith.select %eq3A_104, %jit3A_105, %jit3A_102 : i32
      %rem3A_107 = arith.remsi %sub3A_87, %select_n3A_106 : i32
      %ne3A_108 = arith.constant 0 : i32
      %ne3A_109 = arith.cmpi ne, %rem3A_107, %ne3A_108 : i32
      %lt3A_110 = arith.constant 0 : i32
      %lt3A_111 = arith.cmpi slt, %rem3A_107, %lt3A_110 : i32
      %lt3A_112 = arith.constant 0 : i32
      %lt3A_113 = arith.cmpi slt, %select_n3A_106, %lt3A_112 : i32
      %ne3A_114 = arith.xori %lt3A_111, %lt3A_113 : i1
      %and3A_115 = arith.andi %ne3A_114, %ne3A_109 : i1
      %add3A_116 = arith.addi %rem3A_107, %select_n3A_106 : i32
      %select_n3A_117 = arith.select %and3A_115, %add3A_116, %rem3A_107 : i32
      %mul3A_118 = arith.constant 2 : i32
      %mul3A_119 = arith.muli %select_n3A_117, %mul3A_118 : i32
      %add3A_120 = arith.constant 1 : i32
      %add3A_121 = arith.addi %mul3A_119, %add3A_120 : i32
      %dma_wait3A = arith.constant 0 : i32
      %dma_wait3A_122 = arith.constant 0 : i32
      %dma_wait3A_123 = tpu.memref_slice %arg7[%select_n3A_101, %dma_wait3A, %dma_wait3A_122] : memref<3x128x128xf32, #tpu.memory_space<vmem>> -> memref<1x128x128xf32, #tpu.memory_space<vmem>>
      %dma_wait3A_124 = tpu.memref_squeeze %dma_wait3A_123 : memref<1x128x128xf32, #tpu.memory_space<vmem>> -> memref<128x128xf32, #tpu.memory_space<vmem>>
      %dma_wait3A_125 = arith.constant 0 : i32
      %dma_wait3A_126 = tpu.memref_slice %arg6[%add3A_121, %dma_wait3A_125] : memref<8x128xi32, #tpu.memory_space<vmem>> -> memref<1x128xi32, #tpu.memory_space<vmem>>
      %dma_wait3A_127 = tpu.memref_squeeze %dma_wait3A_126 : memref<1x128xi32, #tpu.memory_space<vmem>> -> memref<128xi32, #tpu.memory_space<vmem>>
      %dma_wait3A_128 = arith.constant 0 : i32
      %dma_wait3A_129 = arith.constant 0 : i32
      %dma_wait3A_130 = tpu.memref_slice %arg5[%dma_wait3A_128, %dma_wait3A_129] : memref<10112x128xf32, #tpu.memory_space<vmem_shared>> -> memref<10112x128xf32, #tpu.memory_space<vmem_shared>>
      tpu.wait_indirect_dma semaphore(%arg10 : memref<!tpu.dma_semaphore, #tpu.memory_space<semaphore_mem>>) src(%dma_wait3A_124 : memref<128x128xf32, #tpu.memory_space<vmem>>) dst(%dma_wait3A_130 : memref<10112x128xf32, #tpu.memory_space<vmem_shared>>)
    } else {
    }
    %barrier3A_81 = arith.constant 0 : index
    tpu.barrier barrier_id(%barrier3A_81)
    %mul3A_82 = arith.constant 632 : i32
    %mul3A_83 = arith.muli %arg1, %mul3A_82 : i32
    %mul3A_84 = arith.constant 632 : i32
    %mul3A_85 = arith.muli %arg1, %mul3A_84 : i32
    "tpu.region"() ({
      %run_scoped3A_86 = tpu.sem_alloc : memref<!tpu.dma_semaphore, #tpu.memory_space<semaphore_mem>>
      %dma_start3A = arith.constant 0 : i32
      %dma_start3A_87 = tpu.memref_slice %arg4[%arg0, %mul3A_85, %dma_start3A] : memref<2x10112x128xf32, #tpu.memory_space<hbm>> -> memref<1x632x128xf32, #tpu.memory_space<hbm>>
      %dma_start3A_88 = tpu.memref_squeeze %dma_start3A_87 : memref<1x632x128xf32, #tpu.memory_space<hbm>> -> memref<632x128xf32, #tpu.memory_space<hbm>>
      %dma_start3A_89 = arith.constant 0 : i32
      %dma_start3A_90 = tpu.memref_slice %arg5[%mul3A_83, %dma_start3A_89] : memref<10112x128xf32, #tpu.memory_space<vmem_shared>> -> memref<632x128xf32, #tpu.memory_space<vmem_shared>>
      tpu.enqueue_dma source(%dma_start3A_90 : memref<632x128xf32, #tpu.memory_space<vmem_shared>>) target(%dma_start3A_88 : memref<632x128xf32, #tpu.memory_space<hbm>>) target_semaphore(%run_scoped3A_86 : memref<!tpu.dma_semaphore, #tpu.memory_space<semaphore_mem>>)
      %dma_wait3A = arith.constant 0 : i32
      %dma_wait3A_91 = tpu.memref_slice %arg4[%arg0, %mul3A_85, %dma_wait3A] : memref<2x10112x128xf32, #tpu.memory_space<hbm>> -> memref<1x632x128xf32, #tpu.memory_space<hbm>>
      %dma_wait3A_92 = tpu.memref_squeeze %dma_wait3A_91 : memref<1x632x128xf32, #tpu.memory_space<hbm>> -> memref<632x128xf32, #tpu.memory_space<hbm>>
      %dma_wait3A_93 = arith.constant 0 : i32
      %dma_wait3A_94 = tpu.memref_slice %arg5[%mul3A_83, %dma_wait3A_93] : memref<10112x128xf32, #tpu.memory_space<vmem_shared>> -> memref<632x128xf32, #tpu.memory_space<vmem_shared>>
      tpu.wait_dma2 semaphore(%run_scoped3A_86 : memref<!tpu.dma_semaphore, #tpu.memory_space<semaphore_mem>>) src(%dma_wait3A_94 : memref<632x128xf32, #tpu.memory_space<vmem_shared>>) dst(%dma_wait3A_92 : memref<632x128xf32, #tpu.memory_space<hbm>>)
      tpu.yield
    }) : () -> ()
    return
  }
}

module attributes {stable_mosaic.version = 14 : i64} {
  func.func @_in_body(%arg0: i32, %arg1: memref<2x2000x16xf32, #tpu.memory_space<vmem>>, %arg2: memref<2000x128xf32, #tpu.memory_space<vmem>>, %arg3: memref<128x128xf32, #tpu.memory_space<vmem>>, %arg4: memref<2000x128xf32, #tpu.memory_space<vmem>>) attributes {dimension_semantics = [#tpu.dimension_semantics<arbitrary>], iteration_bounds = array<i64: 5>, scalar_prefetch = 0 : i64, scratch_operands = 0 : i64, tpu.core_type = #tpu.core_type<tc>, window_params = [{transform_indices = @transform_0, window_bounds = array<i64: 2, 2000, 16>}, {transform_indices = @transform_1, window_bounds = array<i64: 2000, 128>}, {pipeline_mode = #tpu.pipeline_mode<synchronous>, transform_indices = @transform_2, window_bounds = array<i64: 128, 128>}, {transform_indices = @transform_3, window_bounds = array<i64: 2000, 128>}]} {
    %get3A = arith.constant 0 : index
    %get3A_0 = arith.constant 0 : index
    %get3A_1 = vector.load %arg2[%get3A, %get3A_0] : memref<2000x128xf32, #tpu.memory_space<vmem>>, vector<2000x128xf32>
    %get3A_2 = arith.constant 0 : index
    %get3A_3 = arith.constant 0 : index
    %get3A_4 = vector.load %arg3[%get3A_2, %get3A_3] : memref<128x128xf32, #tpu.memory_space<vmem>>, vector<128x128xf32>
    %dot_general3A = arith.constant dense<0.000000e+00> : vector<2000x128xf32>
    %dot_general3A_5 = tpu.matmul %get3A_1, %get3A_4, %dot_general3A {dimension_numbers = #tpu.dot_dimension_numbers<[1], [0], [0], [1], [0, 0, 1, 1], [], []>, transpose_lhs_hint = false} : vector<2000x128xf32>, vector<128x128xf32>, vector<2000x128xf32> -> vector<2000x128xf32>
    %get3A_6 = arith.constant 0 : index
    %get3A_7 = arith.constant 0 : index
    %get3A_8 = arith.constant 0 : index
    %get3A_9 = vector.load %arg1[%get3A_6, %get3A_7, %get3A_8] : memref<2x2000x16xf32, #tpu.memory_space<vmem>>, vector<2x2000x16xf32>
    %slice3A = vector.extract_strided_slice %get3A_9 {offsets = [0, 0, 0], sizes = [1, 2000, 1], strides = [1, 1, 1]} : vector<2x2000x16xf32> to vector<1x2000x1xf32>
    %squeeze3A = vector.shape_cast %slice3A : vector<1x2000x1xf32> to vector<2000x1xf32>
    %slice3A_10 = vector.extract_strided_slice %get3A_9 {offsets = [1, 0, 0], sizes = [1, 2000, 1], strides = [1, 1, 1]} : vector<2x2000x16xf32> to vector<1x2000x1xf32>
    %squeeze3A_11 = vector.shape_cast %slice3A_10 : vector<1x2000x1xf32> to vector<2000x1xf32>
    %add3A = arith.addf %squeeze3A, %squeeze3A_11 : vector<2000x1xf32>
    %rsqrt3A = math.rsqrt %add3A : vector<2000x1xf32>
    %broadcast_in_dim3A = vector.shape_cast %rsqrt3A : vector<2000x1xf32> to vector<2000x1xf32>
    %broadcast_in_dim3A_12 = vector.broadcast %broadcast_in_dim3A : vector<2000x1xf32> to vector<2000x128xf32>
    %mul3A = arith.mulf %broadcast_in_dim3A_12, %dot_general3A_5 : vector<2000x128xf32>
    %swap3A = arith.constant 0 : index
    %swap3A_13 = arith.constant 0 : index
    %swap3A_14 = vector.load %arg4[%swap3A, %swap3A_13] : memref<2000x128xf32, #tpu.memory_space<vmem>>, vector<2000x128xf32>
    tpu.vector_store %arg4[%swap3A, %swap3A_13], %mul3A {strides = array<i32>} : memref<2000x128xf32, #tpu.memory_space<vmem>>, vector<2000x128xf32>,
    return
  }
  func.func @transform_0(%arg0: i32) -> (i32, i32, i32) {
    %c0_i32 = arith.constant 0 : i32
    %c0_i32_0 = arith.constant 0 : i32
    %c0_i32_1 = arith.constant 0 : i32
    return %c0_i32, %arg0, %c0_i32_0 : i32, i32, i32
  }
  func.func @transform_1(%arg0: i32) -> (i32, i32) {
    %c0_i32 = arith.constant 0 : i32
    %c0_i32_0 = arith.constant 0 : i32
    return %arg0, %c0_i32 : i32, i32
  }
  func.func @transform_2(%arg0: i32) -> (i32, i32) {
    %c0_i32 = arith.constant 0 : i32
    %c0_i32_0 = arith.constant 0 : i32
    %c0_i32_1 = arith.constant 0 : i32
    return %c0_i32, %c0_i32_0 : i32, i32
  }
  func.func @transform_3(%arg0: i32) -> (i32, i32) {
    %c0_i32 = arith.constant 0 : i32
    %c0_i32_0 = arith.constant 0 : i32
    return %arg0, %c0_i32 : i32, i32
  }
}

module attributes {stable_mosaic.version = 14 : i64} {
  func.func @_mid_body(%arg0: i32, %arg1: memref<2x2000x16xf32, #tpu.memory_space<vmem>>, %arg2: memref<2x2000x128xf32, #tpu.memory_space<vmem>>, %arg3: memref<1x128xf32, #tpu.memory_space<vmem>>, %arg4: memref<128x128xf32, #tpu.memory_space<vmem>>, %arg5: memref<2000x128xf32, #tpu.memory_space<vmem>>) attributes {dimension_semantics = [#tpu.dimension_semantics<arbitrary>], iteration_bounds = array<i64: 5>, scalar_prefetch = 0 : i64, scratch_operands = 0 : i64, tpu.core_type = #tpu.core_type<tc>, window_params = [{transform_indices = @transform_0, window_bounds = array<i64: 2, 2000, 16>}, {transform_indices = @transform_1, window_bounds = array<i64: 2, 2000, 128>}, {pipeline_mode = #tpu.pipeline_mode<synchronous>, transform_indices = @transform_2, window_bounds = array<i64: 1, 128>}, {pipeline_mode = #tpu.pipeline_mode<synchronous>, transform_indices = @transform_3, window_bounds = array<i64: 128, 128>}, {transform_indices = @transform_4, window_bounds = array<i64: 2000, 128>}]} {
    %get3A = arith.constant 0 : index
    %get3A_0 = arith.constant 0 : index
    %get3A_1 = arith.constant 0 : index
    %get3A_2 = vector.load %arg2[%get3A, %get3A_0, %get3A_1] : memref<2x2000x128xf32, #tpu.memory_space<vmem>>, vector<2x2000x128xf32>
    %get3A_3 = arith.constant 0 : index
    %get3A_4 = arith.constant 0 : index
    %get3A_5 = arith.constant 0 : index
    %get3A_6 = vector.load %arg1[%get3A_3, %get3A_4, %get3A_5] : memref<2x2000x16xf32, #tpu.memory_space<vmem>>, vector<2x2000x16xf32>
    %slice3A = vector.extract_strided_slice %get3A_6 {offsets = [0, 0, 0], sizes = [1, 2000, 1], strides = [1, 1, 1]} : vector<2x2000x16xf32> to vector<1x2000x1xf32>
    %squeeze3A = vector.shape_cast %slice3A : vector<1x2000x1xf32> to vector<2000x1xf32>
    %slice3A_7 = vector.extract_strided_slice %get3A_6 {offsets = [1, 0, 0], sizes = [1, 2000, 1], strides = [1, 1, 1]} : vector<2x2000x16xf32> to vector<1x2000x1xf32>
    %squeeze3A_8 = vector.shape_cast %slice3A_7 : vector<1x2000x1xf32> to vector<2000x1xf32>
    %add3A = arith.addf %squeeze3A, %squeeze3A_8 : vector<2000x1xf32>
    %rsqrt3A = math.rsqrt %add3A : vector<2000x1xf32>
    %broadcast_in_dim3A = vector.shape_cast %rsqrt3A : vector<2000x1xf32> to vector<2000x1xf32>
    %broadcast_in_dim3A_9 = vector.broadcast %broadcast_in_dim3A : vector<2000x1xf32> to vector<2000x128xf32>
    %slice3A_10 = vector.extract_strided_slice %get3A_2 {offsets = [0, 0, 0], sizes = [1, 2000, 128], strides = [1, 1, 1]} : vector<2x2000x128xf32> to vector<1x2000x128xf32>
    %squeeze3A_11 = vector.shape_cast %slice3A_10 : vector<1x2000x128xf32> to vector<2000x128xf32>
    %slice3A_12 = vector.extract_strided_slice %get3A_2 {offsets = [1, 0, 0], sizes = [1, 2000, 128], strides = [1, 1, 1]} : vector<2x2000x128xf32> to vector<1x2000x128xf32>
    %squeeze3A_13 = vector.shape_cast %slice3A_12 : vector<1x2000x128xf32> to vector<2000x128xf32>
    %add3A_14 = arith.addf %squeeze3A_11, %squeeze3A_13 : vector<2000x128xf32>
    %mul3A = arith.mulf %broadcast_in_dim3A_9, %add3A_14 : vector<2000x128xf32>
    %get3A_15 = arith.constant 0 : index
    %get3A_16 = arith.constant 0 : index
    %get3A_17 = vector.load %arg3[%get3A_15, %get3A_16] : memref<1x128xf32, #tpu.memory_space<vmem>>, vector<1x128xf32>
    %add3A_18 = vector.broadcast %get3A_17 : vector<1x128xf32> to vector<2000x128xf32>
    %add3A_19 = arith.addf %mul3A, %add3A_18 : vector<2000x128xf32>
    %max3A = arith.constant 0.000000e+00 : f32
    %max3A_20 = vector.broadcast %max3A : f32 to vector<2000x128xf32>
    %max3A_21 = arith.maximumf %add3A_19, %max3A_20 : vector<2000x128xf32>
    %get3A_22 = arith.constant 0 : index
    %get3A_23 = arith.constant 0 : index
    %get3A_24 = vector.load %arg4[%get3A_22, %get3A_23] : memref<128x128xf32, #tpu.memory_space<vmem>>, vector<128x128xf32>
    %dot_general3A = arith.constant dense<0.000000e+00> : vector<2000x128xf32>
    %dot_general3A_25 = tpu.matmul %max3A_21, %get3A_24, %dot_general3A {dimension_numbers = #tpu.dot_dimension_numbers<[1], [0], [0], [1], [0, 0, 1, 1], [], []>, transpose_lhs_hint = false} : vector<2000x128xf32>, vector<128x128xf32>, vector<2000x128xf32> -> vector<2000x128xf32>
    %mul3A_26 = arith.mulf %broadcast_in_dim3A_9, %dot_general3A_25 : vector<2000x128xf32>
    %swap3A = arith.constant 0 : index
    %swap3A_27 = arith.constant 0 : index
    %swap3A_28 = vector.load %arg5[%swap3A, %swap3A_27] : memref<2000x128xf32, #tpu.memory_space<vmem>>, vector<2000x128xf32>
    tpu.vector_store %arg5[%swap3A, %swap3A_27], %mul3A_26 {strides = array<i32>} : memref<2000x128xf32, #tpu.memory_space<vmem>>, vector<2000x128xf32>,
    return
  }
  func.func @transform_0(%arg0: i32) -> (i32, i32, i32) {
    %c0_i32 = arith.constant 0 : i32
    %c0_i32_0 = arith.constant 0 : i32
    %c0_i32_1 = arith.constant 0 : i32
    return %c0_i32, %arg0, %c0_i32_0 : i32, i32, i32
  }
  func.func @transform_1(%arg0: i32) -> (i32, i32, i32) {
    %c0_i32 = arith.constant 0 : i32
    %c0_i32_0 = arith.constant 0 : i32
    %c0_i32_1 = arith.constant 0 : i32
    return %c0_i32, %arg0, %c0_i32_0 : i32, i32, i32
  }
  func.func @transform_2(%arg0: i32) -> (i32, i32) {
    %c0_i32 = arith.constant 0 : i32
    %c0_i32_0 = arith.constant 0 : i32
    %c0_i32_1 = arith.constant 0 : i32
    return %c0_i32, %c0_i32_0 : i32, i32
  }
  func.func @transform_3(%arg0: i32) -> (i32, i32) {
    %c0_i32 = arith.constant 0 : i32
    %c0_i32_0 = arith.constant 0 : i32
    %c0_i32_1 = arith.constant 0 : i32
    return %c0_i32, %c0_i32_0 : i32, i32
  }
  func.func @transform_4(%arg0: i32) -> (i32, i32) {
    %c0_i32 = arith.constant 0 : i32
    %c0_i32_0 = arith.constant 0 : i32
    return %arg0, %c0_i32 : i32, i32
  }
}

module attributes {stable_mosaic.version = 14 : i64} {
  func.func @_mid_act_body(%arg0: i32, %arg1: memref<2x2000x16xf32, #tpu.memory_space<vmem>>, %arg2: memref<2x2000x128xf32, #tpu.memory_space<vmem>>, %arg3: memref<1x128xf32, #tpu.memory_space<vmem>>, %arg4: memref<128x128xf32, #tpu.memory_space<vmem>>, %arg5: memref<2000x128xf32, #tpu.memory_space<vmem>>, %arg6: memref<2000x128xf32, #tpu.memory_space<vmem>>) attributes {dimension_semantics = [#tpu.dimension_semantics<arbitrary>], iteration_bounds = array<i64: 5>, scalar_prefetch = 0 : i64, scratch_operands = 0 : i64, tpu.core_type = #tpu.core_type<tc>, window_params = [{transform_indices = @transform_0, window_bounds = array<i64: 2, 2000, 16>}, {transform_indices = @transform_1, window_bounds = array<i64: 2, 2000, 128>}, {pipeline_mode = #tpu.pipeline_mode<synchronous>, transform_indices = @transform_2, window_bounds = array<i64: 1, 128>}, {pipeline_mode = #tpu.pipeline_mode<synchronous>, transform_indices = @transform_3, window_bounds = array<i64: 128, 128>}, {transform_indices = @transform_4, window_bounds = array<i64: 2000, 128>}, {transform_indices = @transform_5, window_bounds = array<i64: 2000, 128>}]} {
    %get3A = arith.constant 0 : index
    %get3A_0 = arith.constant 0 : index
    %get3A_1 = arith.constant 0 : index
    %get3A_2 = vector.load %arg2[%get3A, %get3A_0, %get3A_1] : memref<2x2000x128xf32, #tpu.memory_space<vmem>>, vector<2x2000x128xf32>
    %get3A_3 = arith.constant 0 : index
    %get3A_4 = arith.constant 0 : index
    %get3A_5 = arith.constant 0 : index
    %get3A_6 = vector.load %arg1[%get3A_3, %get3A_4, %get3A_5] : memref<2x2000x16xf32, #tpu.memory_space<vmem>>, vector<2x2000x16xf32>
    %slice3A = vector.extract_strided_slice %get3A_6 {offsets = [0, 0, 0], sizes = [1, 2000, 1], strides = [1, 1, 1]} : vector<2x2000x16xf32> to vector<1x2000x1xf32>
    %squeeze3A = vector.shape_cast %slice3A : vector<1x2000x1xf32> to vector<2000x1xf32>
    %slice3A_7 = vector.extract_strided_slice %get3A_6 {offsets = [1, 0, 0], sizes = [1, 2000, 1], strides = [1, 1, 1]} : vector<2x2000x16xf32> to vector<1x2000x1xf32>
    %squeeze3A_8 = vector.shape_cast %slice3A_7 : vector<1x2000x1xf32> to vector<2000x1xf32>
    %add3A = arith.addf %squeeze3A, %squeeze3A_8 : vector<2000x1xf32>
    %rsqrt3A = math.rsqrt %add3A : vector<2000x1xf32>
    %broadcast_in_dim3A = vector.shape_cast %rsqrt3A : vector<2000x1xf32> to vector<2000x1xf32>
    %broadcast_in_dim3A_9 = vector.broadcast %broadcast_in_dim3A : vector<2000x1xf32> to vector<2000x128xf32>
    %slice3A_10 = vector.extract_strided_slice %get3A_2 {offsets = [0, 0, 0], sizes = [1, 2000, 128], strides = [1, 1, 1]} : vector<2x2000x128xf32> to vector<1x2000x128xf32>
    %squeeze3A_11 = vector.shape_cast %slice3A_10 : vector<1x2000x128xf32> to vector<2000x128xf32>
    %slice3A_12 = vector.extract_strided_slice %get3A_2 {offsets = [1, 0, 0], sizes = [1, 2000, 128], strides = [1, 1, 1]} : vector<2x2000x128xf32> to vector<1x2000x128xf32>
    %squeeze3A_13 = vector.shape_cast %slice3A_12 : vector<1x2000x128xf32> to vector<2000x128xf32>
    %add3A_14 = arith.addf %squeeze3A_11, %squeeze3A_13 : vector<2000x128xf32>
    %mul3A = arith.mulf %broadcast_in_dim3A_9, %add3A_14 : vector<2000x128xf32>
    %get3A_15 = arith.constant 0 : index
    %get3A_16 = arith.constant 0 : index
    %get3A_17 = vector.load %arg3[%get3A_15, %get3A_16] : memref<1x128xf32, #tpu.memory_space<vmem>>, vector<1x128xf32>
    %add3A_18 = vector.broadcast %get3A_17 : vector<1x128xf32> to vector<2000x128xf32>
    %add3A_19 = arith.addf %mul3A, %add3A_18 : vector<2000x128xf32>
    %max3A = arith.constant 0.000000e+00 : f32
    %max3A_20 = vector.broadcast %max3A : f32 to vector<2000x128xf32>
    %max3A_21 = arith.maximumf %add3A_19, %max3A_20 : vector<2000x128xf32>
    %get3A_22 = arith.constant 0 : index
    %get3A_23 = arith.constant 0 : index
    %get3A_24 = vector.load %arg4[%get3A_22, %get3A_23] : memref<128x128xf32, #tpu.memory_space<vmem>>, vector<128x128xf32>
    %dot_general3A = arith.constant dense<0.000000e+00> : vector<2000x128xf32>
    %dot_general3A_25 = tpu.matmul %max3A_21, %get3A_24, %dot_general3A {dimension_numbers = #tpu.dot_dimension_numbers<[1], [0], [0], [1], [0, 0, 1, 1], [], []>, transpose_lhs_hint = false} : vector<2000x128xf32>, vector<128x128xf32>, vector<2000x128xf32> -> vector<2000x128xf32>
    %mul3A_26 = arith.mulf %broadcast_in_dim3A_9, %dot_general3A_25 : vector<2000x128xf32>
    %swap3A = arith.constant 0 : index
    %swap3A_27 = arith.constant 0 : index
    %swap3A_28 = vector.load %arg5[%swap3A, %swap3A_27] : memref<2000x128xf32, #tpu.memory_space<vmem>>, vector<2000x128xf32>
    tpu.vector_store %arg5[%swap3A, %swap3A_27], %mul3A_26 {strides = array<i32>} : memref<2000x128xf32, #tpu.memory_space<vmem>>, vector<2000x128xf32>,
    %swap3A_29 = arith.constant 0 : index
    %swap3A_30 = arith.constant 0 : index
    %swap3A_31 = vector.load %arg6[%swap3A_29, %swap3A_30] : memref<2000x128xf32, #tpu.memory_space<vmem>>, vector<2000x128xf32>
    tpu.vector_store %arg6[%swap3A_29, %swap3A_30], %max3A_21 {strides = array<i32>} : memref<2000x128xf32, #tpu.memory_space<vmem>>, vector<2000x128xf32>,
    return
  }
  func.func @transform_0(%arg0: i32) -> (i32, i32, i32) {
    %c0_i32 = arith.constant 0 : i32
    %c0_i32_0 = arith.constant 0 : i32
    %c0_i32_1 = arith.constant 0 : i32
    return %c0_i32, %arg0, %c0_i32_0 : i32, i32, i32
  }
  func.func @transform_1(%arg0: i32) -> (i32, i32, i32) {
    %c0_i32 = arith.constant 0 : i32
    %c0_i32_0 = arith.constant 0 : i32
    %c0_i32_1 = arith.constant 0 : i32
    return %c0_i32, %arg0, %c0_i32_0 : i32, i32, i32
  }
  func.func @transform_2(%arg0: i32) -> (i32, i32) {
    %c0_i32 = arith.constant 0 : i32
    %c0_i32_0 = arith.constant 0 : i32
    %c0_i32_1 = arith.constant 0 : i32
    return %c0_i32, %c0_i32_0 : i32, i32
  }
  func.func @transform_3(%arg0: i32) -> (i32, i32) {
    %c0_i32 = arith.constant 0 : i32
    %c0_i32_0 = arith.constant 0 : i32
    %c0_i32_1 = arith.constant 0 : i32
    return %c0_i32, %c0_i32_0 : i32, i32
  }
  func.func @transform_4(%arg0: i32) -> (i32, i32) {
    %c0_i32 = arith.constant 0 : i32
    %c0_i32_0 = arith.constant 0 : i32
    return %arg0, %c0_i32 : i32, i32
  }
  func.func @transform_5(%arg0: i32) -> (i32, i32) {
    %c0_i32 = arith.constant 0 : i32
    %c0_i32_0 = arith.constant 0 : i32
    return %arg0, %c0_i32 : i32, i32
  }
}

module attributes {stable_mosaic.version = 14 : i64} {
  func.func @_out_body(%arg0: i32, %arg1: memref<2x2000x16xf32, #tpu.memory_space<vmem>>, %arg2: memref<2x2000x128xf32, #tpu.memory_space<vmem>>, %arg3: memref<1x128xf32, #tpu.memory_space<vmem>>, %arg4: memref<2000x128xf32, #tpu.memory_space<vmem>>) attributes {dimension_semantics = [#tpu.dimension_semantics<arbitrary>], iteration_bounds = array<i64: 5>, scalar_prefetch = 0 : i64, scratch_operands = 0 : i64, tpu.core_type = #tpu.core_type<tc>, window_params = [{transform_indices = @transform_0, window_bounds = array<i64: 2, 2000, 16>}, {transform_indices = @transform_1, window_bounds = array<i64: 2, 2000, 128>}, {pipeline_mode = #tpu.pipeline_mode<synchronous>, transform_indices = @transform_2, window_bounds = array<i64: 1, 128>}, {transform_indices = @transform_3, window_bounds = array<i64: 2000, 128>}]} {
    %get3A = arith.constant 0 : index
    %get3A_0 = arith.constant 0 : index
    %get3A_1 = arith.constant 0 : index
    %get3A_2 = vector.load %arg2[%get3A, %get3A_0, %get3A_1] : memref<2x2000x128xf32, #tpu.memory_space<vmem>>, vector<2x2000x128xf32>
    %get3A_3 = arith.constant 0 : index
    %get3A_4 = arith.constant 0 : index
    %get3A_5 = arith.constant 0 : index
    %get3A_6 = vector.load %arg1[%get3A_3, %get3A_4, %get3A_5] : memref<2x2000x16xf32, #tpu.memory_space<vmem>>, vector<2x2000x16xf32>
    %slice3A = vector.extract_strided_slice %get3A_6 {offsets = [0, 0, 0], sizes = [1, 2000, 1], strides = [1, 1, 1]} : vector<2x2000x16xf32> to vector<1x2000x1xf32>
    %squeeze3A = vector.shape_cast %slice3A : vector<1x2000x1xf32> to vector<2000x1xf32>
    %slice3A_7 = vector.extract_strided_slice %get3A_6 {offsets = [1, 0, 0], sizes = [1, 2000, 1], strides = [1, 1, 1]} : vector<2x2000x16xf32> to vector<1x2000x1xf32>
    %squeeze3A_8 = vector.shape_cast %slice3A_7 : vector<1x2000x1xf32> to vector<2000x1xf32>
    %add3A = arith.addf %squeeze3A, %squeeze3A_8 : vector<2000x1xf32>
    %rsqrt3A = math.rsqrt %add3A : vector<2000x1xf32>
    %broadcast_in_dim3A = vector.shape_cast %rsqrt3A : vector<2000x1xf32> to vector<2000x1xf32>
    %broadcast_in_dim3A_9 = vector.broadcast %broadcast_in_dim3A : vector<2000x1xf32> to vector<2000x128xf32>
    %slice3A_10 = vector.extract_strided_slice %get3A_2 {offsets = [0, 0, 0], sizes = [1, 2000, 128], strides = [1, 1, 1]} : vector<2x2000x128xf32> to vector<1x2000x128xf32>
    %squeeze3A_11 = vector.shape_cast %slice3A_10 : vector<1x2000x128xf32> to vector<2000x128xf32>
    %slice3A_12 = vector.extract_strided_slice %get3A_2 {offsets = [1, 0, 0], sizes = [1, 2000, 128], strides = [1, 1, 1]} : vector<2x2000x128xf32> to vector<1x2000x128xf32>
    %squeeze3A_13 = vector.shape_cast %slice3A_12 : vector<1x2000x128xf32> to vector<2000x128xf32>
    %add3A_14 = arith.addf %squeeze3A_11, %squeeze3A_13 : vector<2000x128xf32>
    %mul3A = arith.mulf %broadcast_in_dim3A_9, %add3A_14 : vector<2000x128xf32>
    %get3A_15 = arith.constant 0 : index
    %get3A_16 = arith.constant 0 : index
    %get3A_17 = vector.load %arg3[%get3A_15, %get3A_16] : memref<1x128xf32, #tpu.memory_space<vmem>>, vector<1x128xf32>
    %add3A_18 = vector.broadcast %get3A_17 : vector<1x128xf32> to vector<2000x128xf32>
    %add3A_19 = arith.addf %mul3A, %add3A_18 : vector<2000x128xf32>
    %swap3A = arith.constant 0 : index
    %swap3A_20 = arith.constant 0 : index
    %swap3A_21 = vector.load %arg4[%swap3A, %swap3A_20] : memref<2000x128xf32, #tpu.memory_space<vmem>>, vector<2000x128xf32>
    tpu.vector_store %arg4[%swap3A, %swap3A_20], %add3A_19 {strides = array<i32>} : memref<2000x128xf32, #tpu.memory_space<vmem>>, vector<2000x128xf32>,
    return
  }
  func.func @transform_0(%arg0: i32) -> (i32, i32, i32) {
    %c0_i32 = arith.constant 0 : i32
    %c0_i32_0 = arith.constant 0 : i32
    %c0_i32_1 = arith.constant 0 : i32
    return %c0_i32, %arg0, %c0_i32_0 : i32, i32, i32
  }
  func.func @transform_1(%arg0: i32) -> (i32, i32, i32) {
    %c0_i32 = arith.constant 0 : i32
    %c0_i32_0 = arith.constant 0 : i32
    %c0_i32_1 = arith.constant 0 : i32
    return %c0_i32, %arg0, %c0_i32_0 : i32, i32, i32
  }
  func.func @transform_2(%arg0: i32) -> (i32, i32) {
    %c0_i32 = arith.constant 0 : i32
    %c0_i32_0 = arith.constant 0 : i32
    %c0_i32_1 = arith.constant 0 : i32
    return %c0_i32, %c0_i32_0 : i32, i32
  }
  func.func @transform_3(%arg0: i32) -> (i32, i32) {
    %c0_i32 = arith.constant 0 : i32
    %c0_i32_0 = arith.constant 0 : i32
    return %arg0, %c0_i32 : i32, i32
  }
}

</mosaic_0001>

<sc_bundles>
// kernel: kernel.12.cloned.1.call-start
scs
__scs_entry_jumppad:
0x0: {  	(pc) =	sbr.rel $0x88, $3  }
0x1: {  	(tag) =	ssettag $0x0;
	lr =	simm.s32 $0x1  }
0x2: {  	[smem:$0x3F97] =	sst lr;
	_ =	strace $0xD0000000  }
0x3: {  	_ = 	snop  }
0x4: {  	_ = 	snop  }
0x5: {  	_ = 	snop  }
0x6: {  	_ = 	snop  }
0x7: {  	_ = 	snop  }
__scs_overlays_trampoline_lowered:
0x8: {  	[smem:$0x3FA6] =	sst s0  }
0x9: {  	[smem:$0x3FA7] =	sst s1  }
0xa: {  	[smem:$0x3FA8] =	sst s2  }
0xb: {  	[smem:$0x3FA9] =	sst s3  }
0xc: {  	[smem:$0x3FAA] =	sst s4  }
0xd: {  	[smem:$0x3FAB] =	sst s5  }
0xe: {  	[smem:$0x3FAC] =	sst s6  }
0xf: {  	[smem:$0x3FAD] =	sst s7  }
0x10: {  	[smem:$0x3FAE] =	sst s8  }
0x11: {  	[smem:$0x3FAF] =	sst s9;
	s0 =	simm.s32 @!p0 $0x0  }
0x12: {  	s1 =	sld [smem:$0x3F95];
	s0 =	simm.s32 @p0 $0x1  }
0x13: {  	[smem:$0x3FB0] =	sst s0;
	s0 =	simm.s32 @!p1 $0x0  }
0x14: {  	s2 =	sld [smem:$0x3F94];
	s0 =	simm.s32 @p1 $0x1  }
0x15: {  	[smem:$0x3FB1] =	sst s0;
	s0 =	simm.s32 @!p2 $0x0  }
0x16: {  	s3 =	sld [smem:$0x3FDB];
	s0 =	simm.s32 @p2 $0x1  }
0x17: {  	s4 =	simm.s32 $0x1BF5;
	[smem:$0x3FB3] =	sst s0  }
0x18: {  	s0 =	sld [smem:$0x3F96];
	_ =	swait.ge [sflag:s4], $0x0  }
0x19: {  	s7 =	sld [smem:$0x3F97]  }
0x1a: {  	s8 =	sadd.s32 $0xFFFFE003, lr  }
0x1b: {  	s9 =	sadd.s32 $0xFFFFFEF7, lr;
	s5 =	simm.s32 $0xFFFFFFFF;
	p2 =	slt.u32 s8, $0xFFFFF086  }
0x1c: {  	p1 =	slt.u32 s9, $0xF7A;
	s5 =	simm.s32 @!p2 $0x0  }
0x1d: {  	s5 =	simm.s32 @p1 $0x1;
	p0 =	seq.s32 s7, s2  }
0x1e: {  	s7 =	smul.u32 @!p0 $0xF7A, s2;
	p2 =	seq.s32 @!p0 s5, $0x0  }
0x1f: {  	s9 =	smul.u32 $0xF7A, s1;
	s8 =	simm.s32 @!p0 $0x1BF5;
	p2 =	por !p2, p0  }
0x20: {  	[sflag:s8] =	ssyncset.s32 @!p0 $0xFFFFF086;
	s6 =	sadd.s32 @!p0 s3, s7;
	s7 =	simm.s32 @!p0 $0x108  }
0x21: {  	s3 =	sadd.s32 s3, s9;
	s6 =	sadd.s32 @!p0 $0x88, s6;
	s7 =	simm.s32 @p2 $0x1082  }
0x22: {  	[simem:s7], [sflag:s8] =	dma.local @!p0 [hbm:s6], $0xF7A  }
0x23: {  	s9 =	sor.u32 $0xD0000000, s2;
	s6 =	simm.s32 $0x108;
	_ =	swait.ge @!p0 [sflag:s8], $0x0  }
0x24: {  	s3 =	sadd.s32 $0x88, s3;
	s6 =	simm.s32 @!p1 $0x1082;
	[sflag:s4] =	ssyncset.s32 $0xFFFFF086  }
0x25: {  	[simem:s6], [sflag:s4] =	dma.local [hbm:s3], $0xF7A  }
0x26: {  	[smem:$0x3F97] =	sst s1;
	(tag) =	ssettag s2;
	_ =	strace s9  }
0x27: {  	s1 =	sld [smem:$0x3FA7]  }
0x28: {  	s2 =	sld [smem:$0x3FA8]  }
0x29: {  	s4 =	sld [smem:$0x3FAA]  }
0x2a: {  	p0 =	seq.s32 s5, $0x0;
	s5 =	sld [smem:$0x3FAB]  }
0x2b: {  	s6 =	sld [smem:$0x3FAC]  }
0x2c: {  	s7 =	sld [smem:$0x3FAD]  }
0x2d: {  	s3 =	simm.s32 $0x108;
	s8 =	sld [smem:$0x3FAE]  }
0x2e: {  	s3 =	simm.s32 @!p0 $0x1082;
	s9 =	sld [smem:$0x3FAF]  }
0x2f: {  	lr =	sadd.s32 s0, s3;
	s0 =	sld [smem:$0x3FA6]  }
0x30: {  	s3 =	sld [smem:$0x3FA9]  }
0x31: {  	[smem:$0x3FB2] =	sst s10  }
0x32: {  	s10 =	sld [smem:$0x3FB0];
	_ =	sdelay $0x3  }
0x33: {  	p0 =	seq.s32 s10, $0x1;
	s10 =	sld [smem:$0x3FB2];
	_ =	sdelay $0x3  }
0x34: {  	[smem:$0x3FB2] =	sst s10  }
0x35: {  	s10 =	sld [smem:$0x3FB1];
	_ =	sdelay $0x3  }
0x36: {  	p1 =	seq.s32 s10, $0x1;
	s10 =	sld [smem:$0x3FB2];
	_ =	sdelay $0x3  }
0x37: {  	[smem:$0x3FB2] =	sst s10  }
0x38: {  	s10 =	sld [smem:$0x3FB3]  }
0x39: {  	_ = 	snop;
	(pc) =	sbr.ind lr, $3  }
0x3a: {  	_ = 	snop  }
0x3b: {  	_ = 	snop  }
0x3c: {  	p2 =	seq.s32 s10, $0x1;
	s10 =	sld [smem:$0x3FB2]  }
0x3d: {  	_ =	shalt  }
0x3e: {  	_ =	shalt  }
0x3f: {  	_ =	shalt  }
0x40: {  	_ =	shalt  }
0x41: {  	_ =	shalt  }
0x42: {  	_ =	shalt  }
0x43: {  	_ =	shalt  }
0x44: {  	_ =	shalt  }
0x45: {  	_ =	shalt  }
0x46: {  	_ =	shalt  }
0x47: {  	_ =	shalt  }
0x48: {  	_ =	shalt  }
0x49: {  	_ =	shalt  }
0x4a: {  	_ =	shalt  }
0x4b: {  	_ =	shalt  }
0x4c: {  	_ =	shalt  }
0x4d: {  	_ =	shalt  }
0x4e: {  	_ =	shalt  }
0x4f: {  	_ =	shalt  }
0x50: {  	_ =	shalt  }
0x51: {  	_ =	shalt  }
0x52: {  	_ =	shalt  }
0x53: {  	_ =	shalt  }
0x54: {  	_ =	shalt  }
0x55: {  	_ =	shalt  }
0x56: {  	_ =	shalt  }
0x57: {  	_ =	shalt  }
0x58: {  	_ =	shalt  }
0x59: {  	_ =	shalt  }
0x5a: {  	_ =	shalt  }
0x5b: {  	_ =	shalt  }
0x5c: {  	_ =	shalt  }
0x5d: {  	_ =	shalt  }
0x5e: {  	_ =	shalt  }
0x5f: {  	_ =	shalt  }
0x60: {  	_ =	shalt  }
0x61: {  	_ =	shalt  }
0x62: {  	_ =	shalt  }
0x63: {  	_ =	shalt  }
0x64: {  	_ =	shalt  }
0x65: {  	_ =	shalt  }
0x66: {  	_ =	shalt  }
0x67: {  	_ =	shalt  }
0x68: {  	_ =	shalt  }
0x69: {  	_ =	shalt  }
0x6a: {  	_ =	shalt  }
0x6b: {  	_ =	shalt  }
0x6c: {  	_ =	shalt  }
0x6d: {  	_ =	shalt  }
0x6e: {  	_ =	shalt  }
0x6f: {  	_ =	shalt  }
0x70: {  	_ =	shalt  }
0x71: {  	_ =	shalt  }
0x72: {  	_ =	shalt  }
0x73: {  	_ =	shalt  }
0x74: {  	_ =	shalt  }
0x75: {  	_ =	shalt  }
0x76: {  	_ =	shalt  }
0x77: {  	_ =	shalt  }
0x78: {  	_ =	shalt  }
0x79: {  	_ =	shalt  }
0x7a: {  	_ =	shalt  }
0x7b: {  	_ =	shalt  }
0x7c: {  	_ =	shalt  }
0x7d: {  	_ =	shalt  }
0x7e: {  	_ =	shalt  }
0x7f: {  	_ =	shalt  }
0x80: {  	_ =	shalt  }
0x81: {  	_ =	shalt  }
0x82: {  	_ =	shalt  }
0x83: {  	_ =	shalt  }
0x84: {  	_ =	shalt  }
0x85: {  	_ =	shalt  }
0x86: {  	_ =	shalt  }
0x87: {  	_ =	shalt  }
.Lfunc_end0:
.L_simem_size_0:
called_computation_lowered:
.L_overlay_start_0:
0x88: {  	s2 =	sld [smem:$0x3FD9]  }
0x89: {  	s3 =	sld [smem:$0x3FFE];
	_ =	sdelay $0x1  }
0x8a: {  	s1 =	srdreg.scid  }
0x8b: {  	s0 =	sand.u32 $0x1, s1  }
0x8c: {  	s14 =	sshll.u32 s0, $0xA;
	s2 =	sadd.s32 s3, s2  }
0x8d: {  	s2 =	sadd.s32 s2, s14  }
0x8e: {  	[smem:$0x3FBE] =	sst s2  }
0x8f: {  	_ = 	snop  }
0x90: {  	s2 =	sld [smem:$0x3FD0];
	_ =	sdelay $0x2  }
0x91: {  	s15 =	simm.s32 $0xA;
	s4 =	simm.s32 $0x10  }
0x92: {  	[smem:s4], [sflag:s15] =	dma.local [hbm:s2], $0x1  }
0x93: {  	_ =	swait.eq [sflag:s15], $0x1  }
0x94: {  	[sflag:s15] =	ssyncset.done $0x0  }
0x95: {  	[sflag:s15] =	ssyncadd.s32 $0xFFFFFFFF  }
0x96: {  	s16 =	sld [smem:$0x10];
	(tm) =	ssettm $0x1  }
0x97: {  	s17 =	sld [smem:$0x3FFB];
	_ =	sdelay $0x3  }
0x98: {  	_ =	strace s17  }
0x99: {  	s3 =	sld [smem:$0x3FFC];
	_ =	sdelay $0x3  }
0x9a: {  	_ =	strace s3  }
0x9b: {  	s3 =	sld [smem:$0x3FFD];
	_ =	sdelay $0x3  }
0x9c: {  	_ =	strace s3  }
0x9d: {  	_ =	strace $0x8FFFFFFF  }
0x9e: {  	s18 =	sld [smem:$0x3FDB];
	_ =	sdelay $0x1  }
0x9f: {  	s19 =	simm.s32 $_scs_section_size  }
0xa0: {  	s5 =	simm.s32 $_size__tile_overlayer_lowered;
	s6 =	simm.s32 $_tile_overlayer_lowered  }
0xa1: {  	s22 =	simm.s32 $0x1BFF;
	s21 =	sshll.u32 s6, $0x1;
	s3 =	sadd.s32 s19, s18  }
0xa2: {  	s7 =	simm.s32 $0x0;
	s20 =	sshll.u32 s5, $0x1;
	s5 =	sadd.s32 s21, s3  }
0xa3: {  	[timem:s7], [sflag:s22] =	dma.local [hbm:s5], s20  }
0xa4: {  	_ =	swait.ge [sflag:s22], s20  }
0xa5: {  	s4 =	ssub.s32 $0x0, s20;
	[sflag:s22] =	ssyncset.done $0x0  }
0xa6: {  	[sflag:s22] =	ssyncadd.s32 s4;
	_ =	sdelay $0x1  }
0xa7: {  	s23 =	simm.s32 $0x1B8B  }
0xa8: {  	_ =	swait.ge [sflag:s23], $0x1  }
0xa9: {  	[sflag:s23] =	ssyncset.done $0x0  }
0xaa: {  	s25 =	simm.s32 $0x1B8E;
	s24 =	sld [smem:$0x3FFE];
	[sflag:s23] =	ssyncadd.s32 $0xFFFFFFFF  }
0xab: {  	s26 =	simm.s32 $execute0_lowered;
	[smem:$0x3FD2] =	sst s25  }
0xac: {  	s5 =	sshll.u32 s26, $0x1;
	_ =	strace $0x80000046;
	[dreg:$0x1] =	wrdreg $0xFFFFFFFF  }
0xad: {  	s28 =	simm.s32 $_size_execute0_lowered;
	s3 =	sadd.s32 s3, s5;
	[dreg:$0x0] =	wrdreg $0x0  }
0xae: {  	s5 =	sshll.u32 s28, $0x1;
	[dreg:$0x2] =	wrdreg s3  }
0xaf: {  	[dreg:$0x3] =	wrdreg s5  }
0xb0: {  	[dreg:$0x4] =	wrdreg $0xC0  }
0xb1: {  	_ =	task [dreg:s7], $0x5FFFF  }
0xb2: {  	[dreg:$0x1] =	wrdreg $0xFFFFFFFF  }
0xb3: {  	[dreg:$0x0] =	wrdreg $0x60  }
0xb4: {  	[dreg:$0x2] =	wrdreg s16  }
0xb5: {  	[dreg:$0x3] =	wrdreg s24  }
0xb6: {  	[dreg:$0x4] =	wrdreg $0x0  }
0xb7: {  	[dreg:$0x5] =	wrdreg $0x9  }
0xb8: {  	_ =	task.clear_ibuf [dreg:s7], $0x6FFFF;
	_ =	strace $0x90000046  }
0xb9: {  	s29 =	simm.s32 $0x9;
	_ =	strace $0x80000048  }
0xba: {  	_ =	swait.ge [sflag:s29], $0x1  }
0xbb: {  	[sflag:s29] =	ssyncadd.s32 $0xFFFFFFFF  }
0xbc: {  	_ =	strace $0x90000048  }
0xbd: {  	_ =	sfence  }
0xbe: {  	s30 =	sld [smem:$0x0];
	_ =	sdelay $0x2  }
0xbf: {  	s31 =	sshll.u32 s1, $0xD;
	s1 =	sshrl.u32 s1, $0x2  }
0xc0: {  	s3 =	sand.u32 $0x4000, s31;
	s1 =	sadd.s32 s1, s30  }
0xc1: {  	s0 =	sor.u32 s3, s0;
	s1 =	sshll.u32 s1, $0x11  }
0xc2: {  	s0 =	sor.u32 s1, s0  }
0xc3: {  	s0 =	sadd.s32 $0x8F2B, s0  }
0xc4: {  	[sflag:s0] =	ssyncadd.remote.s32 $0x1  }
0xc5: {  	_ =	sfence.sel $0xFFFF  }
0xc6: {  	[dreg:$0x0] =	wrdreg $0xFFFFFFFF;
	(pc) =	sbr.abs _section_cstart, $3  }
0xc7: {  	[dreg:$0x1] =	wrdreg $0xFFFFFFFF  }
0xc8: {  	_ =	task.clear_ibuf [dreg:s7], $0x2FFFF;
	_ =	strace $0x9FFFFFFF  }
0xc9: {  	(tm) =	ssettm $0x7FFFFFFF  }
tec
execute0_lowered:
.L_overlay_start_1:
0x0: {  	(tag) =	ssettag $0x1  }
0x1: {  	s6 =	rddreg [dreg:$0x0]  }
0x2: {  	s0 =	srdreg.scid;
	s8 =	rddreg [dreg:$0x1]  }
0x3: {  	s2 =	rddreg [dreg:$0x2];
	s3 =	simm.s32 $0x0;
	s4 =	sand.u32 $0x1, s0  }
0x4: {  	s14 =	simm.s32 $0x5380;
	s0 =	stileid.u32;
	s5 =	smul.u32 $0x13C000, s4  }
0x5: {  	s15 =	simm.s32 $0x2;
	s1 =	sshll.u32 s4, $0x4;
	s10 =	smul.u32 $0x13C00, s0  }
0x6: {  	s18 =	simm.s32 $0x80;
	s11 =	smul.u32 $0x4F000, s0;
	s7 =	sor.u32 s0, s1  }
0x7: {  	s19 =	simm.s32 $0x1;
	[smem:$0x7FF] =	sst s3;
	s9 =	smul.u32 $0xFFFFD400, s7  }
0x8: {  	s29 =	ssub.s32 $0x2, s4;
	s16 =	sshll.u32 s0, $0x6;
	s1 =	rddreg [dreg:$0x3]  }
0x9: {  	_ =	strace $0x80000047;
	s31 =	sshrl.u32 s29, $0x1;
	s9 =	sadd.s32 $0x5098F, s9  }
0xa: {  	s16 =	sor.u32 $0x1C02, s16;
	s5 =	sadd.s32 s10, s5;
	s26 =	sshra.s32 s9, $0x1F  }
0xb: {  	s30 =	sshrl.u32 s11, $0x2;
	s7 =	smul.u32 $0x580, s7;
	s12 =	sshrl.u32 s26, $0x19  }
0xc: {  	s11 =	ssub.s32 s29, s31;
	s5 =	sshrl.u32 s5, $0x3;
	s28 =	sadd.s32 s12, s9  }
0xd: {  	s4 =	sadd.s32 s30, s2;
	s8 =	sadd.s32 s5, s8;
	s5 =	sshra.s32 s28, $0x7  }
.Ltmp0:
0xe: {  	s6 =	sadd.s32 s6, s7;
	s10 =	sadd.s32 s26, s5;
	(pc) =	sbr.rel .LBB2_1-.Ltmp0, $4  }
0xf: {  	s13 =	sadd.s32 $0xC000, s4;
	s17 =	sshrl.u32 s4, $0x3;
	p1 =	sgt.s32 s10, $0x1  }
0x10: {  	s7 =	sadd.s32 $0x3400, s8;
	p0 =	slt.s32 s10, $0x1;
	s10 =	simm.s32 @!p1 $0x1  }
0x11: {  	s12 =	sadd.s32 $0x8000, s4;
	s5 =	sadd.s32 $0x10000, s4;
	s8 =	smin.u32 s10, $0x58  }
0x12: {  	v0 =	vimm.f32 $0.0e+00;
	v1 =	vimm.f32 $1.000000000e+00;
	s9 =	smin.u32 s10, $0x10;
	s10 =	smax.u32 s11, $0x1;
	s11 =	sadd.s32 $0x4000, s4  }
.LBB2_10:
0x13: {  	[sflag:s19] =	ssyncadd.s32 $0xFFFFF800  }
.LBB2_11:
0x14: {  	s3 =	sadd.s32 $0x1, s3  }
0x15: {  	p1 =	sne.s32 s3, s10  }
.Ltmp1:
0x16: {  	[bflag:$0x0] =	sbarrier.arrive $0xFFFF;
	(pc) =	sbr.rel @!p1 .LBB2_12-.Ltmp1, $4  }
0x17: {  	[hbm:s7], [sflag:s16] =	dma.local [spmem:s17], $0x2780  }
0x18: {  	_ =	swait.ge [sflag:s15], $0x2780  }
0x19: {  	[sflag:s15] =	ssyncset.done $0x0  }
0x1a: {  	[sflag:s15] =	ssyncadd.s32 $0xFFFFD880  }
.LBB2_1:
0x1b: {  	s20 =	simm.s32 $0x200;
	s21 =	simm.s32 $0x0  }
.LBB2_2:
0x1c: {  	p1 =	sne.s32 s20, $0xFE00;
	[tilespmem:s21+$0x5380] =	vst v0;
	s21 =	smov.u32 s20;
	s20 =	sadd.s32 $0x200, s20  }
.Ltmp2:
0x1d: {  	(pc) =	sbr.rel @p1 .LBB2_2-.Ltmp2, $2  }
0x1e: {  	_ =	sdelay $0x2  }
0x1f: {  	s21 =	sshra.s32 s21, $0x2  }
0x20: {  	[tilespmem:s21+$0x5380] =	vst v0  }
0x21: {  	[spmem:s4] =	stream.linear.scatter [tilespmem:s14], [sflag:$0x2], $0x4000, $0x38;
	[tilespmem:$0x9380] =	vst v63  }
0x22: {  	_ =	swait.ge [sflag:s15], $0x4000  }
0x23: {  	[sflag:s15] =	ssyncset.done $0x0  }
0x24: {  	[sflag:s15] =	ssyncadd.s32 $0xFFFFC000  }
0x25: {  	[spmem:s11] =	stream.linear.scatter [tilespmem:s14], [sflag:$0x2], $0x4000, $0x38;
	[tilespmem:$0x9380] =	vst v63  }
0x26: {  	_ =	swait.ge [sflag:s15], $0x4000  }
0x27: {  	[sflag:s15] =	ssyncset.done $0x0  }
0x28: {  	[sflag:s15] =	ssyncadd.s32 $0xFFFFC000  }
0x29: {  	[spmem:s12] =	stream.linear.scatter [tilespmem:s14], [sflag:$0x2], $0x4000, $0x38;
	[tilespmem:$0x9380] =	vst v63  }
0x2a: {  	_ =	swait.ge [sflag:s15], $0x4000  }
0x2b: {  	[sflag:s15] =	ssyncset.done $0x0  }
0x2c: {  	[sflag:s15] =	ssyncadd.s32 $0xFFFFC000  }
0x2d: {  	[spmem:s13] =	stream.linear.scatter [tilespmem:s14], [sflag:$0x2], $0x4000, $0x38;
	[tilespmem:$0x9380] =	vst v63  }
0x2e: {  	_ =	swait.ge [sflag:s15], $0x4000  }
0x2f: {  	[sflag:s15] =	ssyncset.done $0x0  }
0x30: {  	[sflag:s15] =	ssyncadd.s32 $0xFFFFC000  }
0x31: {  	[spmem:s5] =	stream.linear.scatter [tilespmem:s14], [sflag:$0x2], $0x3C00, $0x38;
	[tilespmem:$0x9380] =	vst v63  }
0x32: {  	_ =	swait.ge [sflag:s15], $0x3C00  }
0x33: {  	[sflag:s15] =	ssyncset.done $0x0  }
0x34: {  	s20 =	simm.s32 $0x200;
	s21 =	simm.s32 $0x0;
	[sflag:s15] =	ssyncadd.s32 $0xFFFFC400  }
.LBB2_4:
0x35: {  	p1 =	sne.s32 s20, $0xFE00;
	[tilespmem:s21+$0x5380] =	vst v1;
	s21 =	smov.u32 s20;
	s20 =	sadd.s32 $0x200, s20  }
.Ltmp3:
0x36: {  	(pc) =	sbr.rel @p1 .LBB2_4-.Ltmp3, $2  }
0x37: {  	_ =	sdelay $0x2  }
0x38: {  	s21 =	sshra.s32 s21, $0x2  }
0x39: {  	[tilespmem:s21+$0x5380] =	vst v1;
	s31 =	simm.s32 $0x0  }
.Ltmp4:
0x3a: {  	s20 =	simm.s32 $0x2780;
	[bflag:$0x0] =	sbarrier.arrive $0xFFFF;
	(pc) =	sbr.rel @p0 .LBB2_11-.Ltmp4, $4  }
0x3b: {  	[tilespmem:s20], [sflag:$0x2] =	stream.linear.gather [hbm4b:s6+s31], $0x2C00, $0x38;
	[tilespmem:$0x9380] =	vst v63  }
0x3c: {  	_ =	swait.ge [sflag:s15], $0x2C00  }
0x3d: {  	[sflag:s15] =	ssyncset.done $0x0  }
0x3e: {  	[sflag:s15] =	ssyncadd.s32 $0xFFFFD400  }
0x3f: {  	[spmem:s2] =	stream.indirect.scatter.add.f32 [tilespmem:s14], [sflag:$0x1], $0x10, s20, s18, $0xb8;
	[tilespmem:$0x9380] =	vst v63  }
0x40: {  	p2 =	sne.s32 s8, $0x1  }
.Ltmp5:
0x41: {  	_ = 	snop;
	(pc) =	sbr.rel @!p2 .LBB2_8-.Ltmp5, $4  }
0x42: {  	p1 =	por $0x1, $0x1  }
0x43: {  	s22 =	simm.s32 @!p1 $0x1  }
0x44: {  	_ =	swait.ge @!p1 [sflag:s22], $0x800  }
0x45: {  	s21 =	simm.s32 $0x1;
	[sflag:s22] =	ssyncset.done @!p1 $0x0  }
.LBB2_7:
0x46: {  	[sflag:s22] =	ssyncadd.s32 @!p1 $0xFFFFF800  }
0x47: {  	s20 =	sadd.s32 $0x80, s20;
	s22 =	smov.u32 s21;
	s21 =	sadd.s32 $0x1, s21  }
0x48: {  	p2 =	sne.s32 s8, s21  }
0x49: {  	[spmem:s2] =	stream.indirect.scatter.add.f32 [tilespmem:s14], [sflag:$0x1], $0x10, s20, s18, $0xb8;
	[tilespmem:$0x9380] =	vst v63  }
.Ltmp6:
0x4a: {  	_ = 	snop;
	(pc) =	sbr.rel @p2 .LBB2_7-.Ltmp6, $4  }
0x4b: {  	p1 =	slt.u32 s22, $0x10  }
0x4c: {  	s22 =	simm.s32 @!p1 $0x1  }
0x4d: {  	_ =	swait.ge @!p1 [sflag:s22], $0x800  }
0x4e: {  	[sflag:s22] =	ssyncset.done @!p1 $0x0  }
.LBB2_8:
0x4f: {  	[sflag:s22] =	ssyncadd.s32 @!p1 $0xFFFFF800;
	p1 =	sne.s32 s9, $0x1  }
.Ltmp7:
0x50: {  	_ = 	snop;
	(pc) =	sbr.rel @!p1 .LBB2_10-.Ltmp7, $3  }
0x51: {  	_ =	sdelay $0x1  }
0x52: {  	_ =	swait.ge [sflag:s19], $0x800  }
0x53: {  	s20 =	sadd.s32 $0xFFFFFFFF, s9;
	[sflag:s19] =	ssyncset.done $0x0  }
.LBB2_9:
0x54: {  	p1 =	sne.s32 s20, $0x1;
	s20 =	sadd.s32 $0xFFFFFFFF, s20;
	[sflag:s19] =	ssyncadd.s32 $0xFFFFF800  }
.Ltmp8:
0x55: {  	(pc) =	sbr.rel @p1 .LBB2_9-.Ltmp8, $3  }
0x56: {  	_ =	sdelay $0x1  }
0x57: {  	_ =	swait.ge [sflag:s19], $0x800  }
0x58: {  	[sflag:s19] =	ssyncset.done $0x0  }
.Ltmp9:
0x59: {  	_ = 	snop;
	(pc) =	sbr.rel .LBB2_10-.Ltmp9, $1  }
0x5a: {  	_ =	sdelay $0x3  }
.LBB2_12:
0x5b: {  	_ =	sfence.sel $0x180000  }
0x5c: {  	[bflag:$0x0] =	sbarrier.arrive $0xFFFF  }
0x5d: {  	p0 =	sne.s32 s0, $0x0;
	_ =	strace $0x90000047  }
0x5e: {  	s0 =	sadd.s32 @!p0 $0x100000, s1;
	[bflag:$0x2] =	sbarrier.arrive $0xFFFF  }
0x5f: {  	[sflag:s0] =	ssyncadd.tile.s32 @!p0 $0x1;
	_ =	shalt  }
.Lfunc_end2:
_tile_overlayer_lowered:
.L_overlay_start_2:
0x60: {  	(tag) =	ssettag $0x2  }
0x61: {  	s0 =	rddreg [dreg:$0x0];
	s2 =	stileid.u32  }
0x62: {  	s1 =	rddreg [dreg:$0x1];
	p0 =	sne.s32 s2, $0x0  }
0x63: {  	s3 =	rddreg [dreg:$0x2];
	[bflag:$0x3] =	sbarrier.arrive $0xFFFF;
	s2 =	simm.s32 @!p0 $0x1C02  }
0x64: {  	[timem:s3], [sflag:s2] =	dma.local @!p0 [hbm:s0], s1  }
0x65: {  	s0 =	simm.s32 @!p0 $0x2  }
0x66: {  	_ =	swait.ge @!p0 [sflag:s0], s1  }
0x67: {  	s1 =	ssub.s32 @!p0 $0x0, s1;
	[sflag:s0] =	ssyncset.done @!p0 $0x0  }
0x68: {  	[sflag:s0] =	ssyncadd.s32 @!p0 s1  }
0x69: {  	[bflag:$0x3] =	sbarrier.arrive $0xFFFF  }
0x6a: {  	_ =	shalt  }

// kernel: kernel.15.cloned.1.call-start
scs
__scs_entry_jumppad:
0x0: {  	(pc) =	sbr.rel $0x88, $3  }
0x1: {  	(tag) =	ssettag $0x0;
	lr =	simm.s32 $0x1  }
0x2: {  	[smem:$0x3F97] =	sst lr;
	_ =	strace $0xD0000000  }
0x3: {  	_ = 	snop  }
0x4: {  	_ = 	snop  }
0x5: {  	_ = 	snop  }
0x6: {  	_ = 	snop  }
0x7: {  	_ = 	snop  }
__scs_overlays_trampoline_lowered:
0x8: {  	[smem:$0x3FA6] =	sst s0  }
0x9: {  	[smem:$0x3FA7] =	sst s1  }
0xa: {  	[smem:$0x3FA8] =	sst s2  }
0xb: {  	[smem:$0x3FA9] =	sst s3  }
0xc: {  	[smem:$0x3FAA] =	sst s4  }
0xd: {  	[smem:$0x3FAB] =	sst s5  }
0xe: {  	[smem:$0x3FAC] =	sst s6  }
0xf: {  	[smem:$0x3FAD] =	sst s7  }
0x10: {  	[smem:$0x3FAE] =	sst s8  }
0x11: {  	[smem:$0x3FAF] =	sst s9;
	s0 =	simm.s32 @!p0 $0x0  }
0x12: {  	s1 =	sld [smem:$0x3F95];
	s0 =	simm.s32 @p0 $0x1  }
0x13: {  	[smem:$0x3FB0] =	sst s0;
	s0 =	simm.s32 @!p1 $0x0  }
0x14: {  	s2 =	sld [smem:$0x3F94];
	s0 =	simm.s32 @p1 $0x1  }
0x15: {  	[smem:$0x3FB1] =	sst s0;
	s0 =	simm.s32 @!p2 $0x0  }
0x16: {  	s3 =	sld [smem:$0x3FDB];
	s0 =	simm.s32 @p2 $0x1  }
0x17: {  	s4 =	simm.s32 $0x1BF5;
	[smem:$0x3FB3] =	sst s0  }
0x18: {  	s0 =	sld [smem:$0x3F96];
	_ =	swait.ge [sflag:s4], $0x0  }
0x19: {  	s7 =	sld [smem:$0x3F97]  }
0x1a: {  	s8 =	sadd.s32 $0xFFFFE003, lr  }
0x1b: {  	s9 =	sadd.s32 $0xFFFFFEF7, lr;
	s5 =	simm.s32 $0xFFFFFFFF;
	p2 =	slt.u32 s8, $0xFFFFF086  }
0x1c: {  	p1 =	slt.u32 s9, $0xF7A;
	s5 =	simm.s32 @!p2 $0x0  }
0x1d: {  	s5 =	simm.s32 @p1 $0x1;
	p0 =	seq.s32 s7, s2  }
0x1e: {  	s7 =	smul.u32 @!p0 $0xF7A, s2;
	p2 =	seq.s32 @!p0 s5, $0x0  }
0x1f: {  	s9 =	smul.u32 $0xF7A, s1;
	s8 =	simm.s32 @!p0 $0x1BF5;
	p2 =	por !p2, p0  }
0x20: {  	[sflag:s8] =	ssyncset.s32 @!p0 $0xFFFFF086;
	s6 =	sadd.s32 @!p0 s3, s7;
	s7 =	simm.s32 @!p0 $0x108  }
0x21: {  	s3 =	sadd.s32 s3, s9;
	s6 =	sadd.s32 @!p0 $0x88, s6;
	s7 =	simm.s32 @p2 $0x1082  }
0x22: {  	[simem:s7], [sflag:s8] =	dma.local @!p0 [hbm:s6], $0xF7A  }
0x23: {  	s9 =	sor.u32 $0xD0000000, s2;
	s6 =	simm.s32 $0x108;
	_ =	swait.ge @!p0 [sflag:s8], $0x0  }
0x24: {  	s3 =	sadd.s32 $0x88, s3;
	s6 =	simm.s32 @!p1 $0x1082;
	[sflag:s4] =	ssyncset.s32 $0xFFFFF086  }
0x25: {  	[simem:s6], [sflag:s4] =	dma.local [hbm:s3], $0xF7A  }
0x26: {  	[smem:$0x3F97] =	sst s1;
	(tag) =	ssettag s2;
	_ =	strace s9  }
0x27: {  	s1 =	sld [smem:$0x3FA7]  }
0x28: {  	s2 =	sld [smem:$0x3FA8]  }
0x29: {  	s4 =	sld [smem:$0x3FAA]  }
0x2a: {  	p0 =	seq.s32 s5, $0x0;
	s5 =	sld [smem:$0x3FAB]  }
0x2b: {  	s6 =	sld [smem:$0x3FAC]  }
0x2c: {  	s7 =	sld [smem:$0x3FAD]  }
0x2d: {  	s3 =	simm.s32 $0x108;
	s8 =	sld [smem:$0x3FAE]  }
0x2e: {  	s3 =	simm.s32 @!p0 $0x1082;
	s9 =	sld [smem:$0x3FAF]  }
0x2f: {  	lr =	sadd.s32 s0, s3;
	s0 =	sld [smem:$0x3FA6]  }
0x30: {  	s3 =	sld [smem:$0x3FA9]  }
0x31: {  	[smem:$0x3FB2] =	sst s10  }
0x32: {  	s10 =	sld [smem:$0x3FB0];
	_ =	sdelay $0x3  }
0x33: {  	p0 =	seq.s32 s10, $0x1;
	s10 =	sld [smem:$0x3FB2];
	_ =	sdelay $0x3  }
0x34: {  	[smem:$0x3FB2] =	sst s10  }
0x35: {  	s10 =	sld [smem:$0x3FB1];
	_ =	sdelay $0x3  }
0x36: {  	p1 =	seq.s32 s10, $0x1;
	s10 =	sld [smem:$0x3FB2];
	_ =	sdelay $0x3  }
0x37: {  	[smem:$0x3FB2] =	sst s10  }
0x38: {  	s10 =	sld [smem:$0x3FB3]  }
0x39: {  	_ = 	snop;
	(pc) =	sbr.ind lr, $3  }
0x3a: {  	_ = 	snop  }
0x3b: {  	_ = 	snop  }
0x3c: {  	p2 =	seq.s32 s10, $0x1;
	s10 =	sld [smem:$0x3FB2]  }
0x3d: {  	_ =	shalt  }
0x3e: {  	_ =	shalt  }
0x3f: {  	_ =	shalt  }
0x40: {  	_ =	shalt  }
0x41: {  	_ =	shalt  }
0x42: {  	_ =	shalt  }
0x43: {  	_ =	shalt  }
0x44: {  	_ =	shalt  }
0x45: {  	_ =	shalt  }
0x46: {  	_ =	shalt  }
0x47: {  	_ =	shalt  }
0x48: {  	_ =	shalt  }
0x49: {  	_ =	shalt  }
0x4a: {  	_ =	shalt  }
0x4b: {  	_ =	shalt  }
0x4c: {  	_ =	shalt  }
0x4d: {  	_ =	shalt  }
0x4e: {  	_ =	shalt  }
0x4f: {  	_ =	shalt  }
0x50: {  	_ =	shalt  }
0x51: {  	_ =	shalt  }
0x52: {  	_ =	shalt  }
0x53: {  	_ =	shalt  }
0x54: {  	_ =	shalt  }
0x55: {  	_ =	shalt  }
0x56: {  	_ =	shalt  }
0x57: {  	_ =	shalt  }
0x58: {  	_ =	shalt  }
0x59: {  	_ =	shalt  }
0x5a: {  	_ =	shalt  }
0x5b: {  	_ =	shalt  }
0x5c: {  	_ =	shalt  }
0x5d: {  	_ =	shalt  }
0x5e: {  	_ =	shalt  }
0x5f: {  	_ =	shalt  }
0x60: {  	_ =	shalt  }
0x61: {  	_ =	shalt  }
0x62: {  	_ =	shalt  }
0x63: {  	_ =	shalt  }
0x64: {  	_ =	shalt  }
0x65: {  	_ =	shalt  }
0x66: {  	_ =	shalt  }
0x67: {  	_ =	shalt  }
0x68: {  	_ =	shalt  }
0x69: {  	_ =	shalt  }
0x6a: {  	_ =	shalt  }
0x6b: {  	_ =	shalt  }
0x6c: {  	_ =	shalt  }
0x6d: {  	_ =	shalt  }
0x6e: {  	_ =	shalt  }
0x6f: {  	_ =	shalt  }
0x70: {  	_ =	shalt  }
0x71: {  	_ =	shalt  }
0x72: {  	_ =	shalt  }
0x73: {  	_ =	shalt  }
0x74: {  	_ =	shalt  }
0x75: {  	_ =	shalt  }
0x76: {  	_ =	shalt  }
0x77: {  	_ =	shalt  }
0x78: {  	_ =	shalt  }
0x79: {  	_ =	shalt  }
0x7a: {  	_ =	shalt  }
0x7b: {  	_ =	shalt  }
0x7c: {  	_ =	shalt  }
0x7d: {  	_ =	shalt  }
0x7e: {  	_ =	shalt  }
0x7f: {  	_ =	shalt  }
0x80: {  	_ =	shalt  }
0x81: {  	_ =	shalt  }
0x82: {  	_ =	shalt  }
0x83: {  	_ =	shalt  }
0x84: {  	_ =	shalt  }
0x85: {  	_ =	shalt  }
0x86: {  	_ =	shalt  }
0x87: {  	_ =	shalt  }
.Lfunc_end0:
.L_simem_size_0:
called_computation.1_lowered:
.L_overlay_start_0:
0x88: {  	s2 =	sld [smem:$0x3FD9]  }
0x89: {  	s3 =	sld [smem:$0x3FFE];
	_ =	sdelay $0x1  }
0x8a: {  	s1 =	srdreg.scid  }
0x8b: {  	s0 =	sand.u32 $0x1, s1  }
0x8c: {  	s14 =	sshll.u32 s0, $0xA;
	s2 =	sadd.s32 s3, s2  }
0x8d: {  	s2 =	sadd.s32 s2, s14  }
0x8e: {  	[smem:$0x3FBE] =	sst s2  }
0x8f: {  	_ = 	snop  }
0x90: {  	s2 =	sld [smem:$0x3FD0];
	_ =	sdelay $0x2  }
0x91: {  	s15 =	simm.s32 $0xA;
	s4 =	simm.s32 $0x10  }
0x92: {  	[smem:s4], [sflag:s15] =	dma.local [hbm:s2], $0x1  }
0x93: {  	_ =	swait.eq [sflag:s15], $0x1  }
0x94: {  	[sflag:s15] =	ssyncset.done $0x0  }
0x95: {  	[sflag:s15] =	ssyncadd.s32 $0xFFFFFFFF  }
0x96: {  	s16 =	sld [smem:$0x10];
	(tm) =	ssettm $0x1  }
0x97: {  	s17 =	sld [smem:$0x3FFB];
	_ =	sdelay $0x3  }
0x98: {  	_ =	strace s17  }
0x99: {  	s3 =	sld [smem:$0x3FFC];
	_ =	sdelay $0x3  }
0x9a: {  	_ =	strace s3  }
0x9b: {  	s3 =	sld [smem:$0x3FFD];
	_ =	sdelay $0x3  }
0x9c: {  	_ =	strace s3  }
0x9d: {  	_ =	strace $0x8FFFFFFF  }
0x9e: {  	s18 =	sld [smem:$0x3FDB];
	_ =	sdelay $0x1  }
0x9f: {  	s19 =	simm.s32 $_scs_section_size  }
0xa0: {  	s5 =	simm.s32 $_size__tile_overlayer_lowered;
	s6 =	simm.s32 $_tile_overlayer_lowered  }
0xa1: {  	s22 =	simm.s32 $0x1BFF;
	s21 =	sshll.u32 s6, $0x1;
	s3 =	sadd.s32 s19, s18  }
0xa2: {  	s7 =	simm.s32 $0x0;
	s20 =	sshll.u32 s5, $0x1;
	s5 =	sadd.s32 s21, s3  }
0xa3: {  	[timem:s7], [sflag:s22] =	dma.local [hbm:s5], s20  }
0xa4: {  	_ =	swait.ge [sflag:s22], s20  }
0xa5: {  	s4 =	ssub.s32 $0x0, s20;
	[sflag:s22] =	ssyncset.done $0x0  }
0xa6: {  	[sflag:s22] =	ssyncadd.s32 s4;
	_ =	sdelay $0x1  }
0xa7: {  	s23 =	simm.s32 $0x1B8B  }
0xa8: {  	_ =	swait.ge [sflag:s23], $0x1  }
0xa9: {  	[sflag:s23] =	ssyncset.done $0x0  }
0xaa: {  	s25 =	simm.s32 $0x1B8E;
	s24 =	sld [smem:$0x3FFE];
	[sflag:s23] =	ssyncadd.s32 $0xFFFFFFFF  }
0xab: {  	s26 =	simm.s32 $execute0_lowered;
	[smem:$0x3FD2] =	sst s25  }
0xac: {  	s5 =	sshll.u32 s26, $0x1;
	_ =	strace $0x80000049;
	[dreg:$0x1] =	wrdreg $0xFFFFFFFF  }
0xad: {  	s28 =	simm.s32 $_size_execute0_lowered;
	s3 =	sadd.s32 s3, s5;
	[dreg:$0x0] =	wrdreg $0x0  }
0xae: {  	s5 =	sshll.u32 s28, $0x1;
	[dreg:$0x2] =	wrdreg s3  }
0xaf: {  	[dreg:$0x3] =	wrdreg s5  }
0xb0: {  	[dreg:$0x4] =	wrdreg $0xC0  }
0xb1: {  	_ =	task [dreg:s7], $0x5FFFF  }
0xb2: {  	[dreg:$0x1] =	wrdreg $0xFFFFFFFF  }
0xb3: {  	[dreg:$0x0] =	wrdreg $0x60  }
0xb4: {  	[dreg:$0x2] =	wrdreg s16  }
0xb5: {  	[dreg:$0x3] =	wrdreg s24  }
0xb6: {  	[dreg:$0x4] =	wrdreg $0x0  }
0xb7: {  	[dreg:$0x5] =	wrdreg $0x9  }
0xb8: {  	_ =	task.clear_ibuf [dreg:s7], $0x6FFFF;
	_ =	strace $0x90000049  }
0xb9: {  	s29 =	simm.s32 $0x9;
	_ =	strace $0x8000004B  }
0xba: {  	_ =	swait.ge [sflag:s29], $0x1  }
0xbb: {  	[sflag:s29] =	ssyncadd.s32 $0xFFFFFFFF  }
0xbc: {  	_ =	strace $0x9000004B  }
0xbd: {  	_ =	sfence  }
0xbe: {  	s30 =	sld [smem:$0x0];
	_ =	sdelay $0x2  }
0xbf: {  	s31 =	sshll.u32 s1, $0xD;
	s1 =	sshrl.u32 s1, $0x2  }
0xc0: {  	s3 =	sand.u32 $0x4000, s31;
	s1 =	sadd.s32 s1, s30  }
0xc1: {  	s0 =	sor.u32 s3, s0;
	s1 =	sshll.u32 s1, $0x11  }
0xc2: {  	s0 =	sor.u32 s1, s0  }
0xc3: {  	s0 =	sadd.s32 $0x8F2B, s0  }
0xc4: {  	[sflag:s0] =	ssyncadd.remote.s32 $0x1  }
0xc5: {  	_ =	sfence.sel $0xFFFF  }
0xc6: {  	[dreg:$0x0] =	wrdreg $0xFFFFFFFF;
	(pc) =	sbr.abs _section_cstart, $3  }
0xc7: {  	[dreg:$0x1] =	wrdreg $0xFFFFFFFF  }
0xc8: {  	_ =	task.clear_ibuf [dreg:s7], $0x2FFFF;
	_ =	strace $0x9FFFFFFF  }
0xc9: {  	(tm) =	ssettm $0x7FFFFFFF  }
tec
execute0_lowered:
.L_overlay_start_1:
0x0: {  	(tag) =	ssettag $0x1  }
0x1: {  	s2 =	rddreg [dreg:$0x0]  }
0x2: {  	s0 =	srdreg.scid;
	s6 =	rddreg [dreg:$0x1]  }
0x3: {  	s3 =	rddreg [dreg:$0x2];
	s12 =	sand.u32 $0x1, s0  }
0x4: {  	s0 =	stileid.u32;
	s7 =	smul.u32 $0x13C000, s12  }
0x5: {  	s19 =	simm.s32 $0x2;
	s20 =	simm.s32 $0x80;
	s9 =	smul.u32 $0x13C00, s0  }
0x6: {  	s21 =	simm.s32 $0x0;
	s16 =	sadd.s32 $0x52400, s6;
	s29 =	smul.u32 $0x4F000, s0  }
0x7: {  	s1 =	sshll.u32 s12, $0x4;
	s25 =	ssub.s32 $0x2, s12;
	s17 =	smul.u32 $0x580, s12  }
0x8: {  	s18 =	smul.u32 $0x58, s0;
	s5 =	sor.u32 s0, s1;
	s1 =	rddreg [dreg:$0x3]  }
0x9: {  	s28 =	sshrl.u32 s25, $0x1;
	s4 =	smul.u32 $0xFFFFD400, s5;
	s7 =	sadd.s32 s9, s7  }
0xa: {  	s26 =	smul.u32 $0xB00, s5;
	s14 =	ssub.s32 s25, s28;
	s30 =	sshrl.u32 s29, $0x2  }
0xb: {  	s17 =	sadd.s32 s18, s17;
	s18 =	simm.s32 $0x4;
	s7 =	sshrl.u32 s7, $0x3  }
0xc: {  	s9 =	sadd.s32 s30, s3;
	s12 =	smax.u32 s14, $0x1;
	s17 =	sshll.u32 s17, $0x5  }
0xd: {  	s8 =	sadd.s32 $0x5098F, s4;
	s4 =	simm.s32 $0x0;
	s13 =	sadd.s32 s7, s6  }
0xe: {  	s6 =	sadd.s32 s16, s26;
	s14 =	sadd.s32 $0x8000, s9;
	s10 =	sshra.s32 s8, $0x1F  }
0xf: {  	s16 =	sadd.s32 s17, s16;
	s17 =	simm.s32 $0x1C000;
	s11 =	sshrl.u32 s10, $0x19  }
0x10: {  	[smem:$0x7FF] =	sst s4;
	s7 =	sadd.s32 $0x20, s6;
	s8 =	sadd.s32 s11, s8  }
0x11: {  	s16 =	sadd.s32 $0x60, s16;
	_ =	strace $0x8000004A;
	s8 =	sshra.s32 s8, $0x7  }
0x12: {  	[dreg:$0x4] =	wrdreg s20;
	s20 =	simm.s32 $0x3;
	s15 =	sadd.s32 s10, s8  }
0x13: {  	s11 =	sadd.s32 $0x3400, s13;
	p0 =	sgt.s32 s15, $0x0;
	s10 =	smov.u32 s15  }
0x14: {  	s13 =	sadd.s32 $0x4000, s9;
	s10 =	simm.s32 @!p0 $0x0;
	p0 =	slt.s32 s15, $0x1  }
.Ltmp0:
0x15: {  	s5 =	smin.u32 s10, $0x58;
	p4 =	seq.s32 @!p0 s15, $0x1;
	(pc) =	sbr.rel .LBB2_1-.Ltmp0, $4  }
0x16: {  	s8 =	sadd.s32 $0x40, s6;
	s31 =	smax.u32 s5, $0x1;
	p1 =	por p4, p0  }
0x17: {  	s10 =	sadd.s32 $0x10000, s9;
	[dreg:$0x5] =	wrdreg s31;
	p3 =	slt.u32 @!p1 s15, $0x3  }
0x18: {  	s15 =	sadd.s32 $0xC000, s9;
	p2 =	por @!p0 p3, p4;
	p3 =	por @!p0 !p3, p4  }
0x19: {  	v0 =	vimm.f32 $0.0e+00;
	p4 =	por !p4, p0;
	p2 =	por p2, p0;
	p3 =	por !p3, p0  }
.LBB2_7:
0x1a: {  	s21 =	sadd.s32 $0x1, s21  }
0x1b: {  	s22 =	sshll.u32 s0, $0x6;
	[bflag:$0x0] =	sbarrier.arrive $0xFFFF;
	p5 =	sne.s32 s21, s12  }
.Ltmp1:
0x1c: {  	s23 =	sshrl.u32 s9, $0x3;
	s22 =	sor.u32 $0x1C04, s22;
	(pc) =	sbr.rel @!p5 .LBB2_8-.Ltmp1, $4  }
0x1d: {  	[hbm:s11], [sflag:s22] =	dma.local [spmem:s23], $0x2780  }
0x1e: {  	_ =	swait.ge [sflag:s18], $0x2780  }
0x1f: {  	[sflag:s18] =	ssyncset.done $0x0  }
0x20: {  	[sflag:s18] =	ssyncadd.s32 $0xFFFFD880  }
.LBB2_1:
0x21: {  	s22 =	simm.s32 @!p0 $0x0  }
0x22: {  	s23 =	simm.s32 @!p0 $0x13C00;
	p6 =	por @!p1 $0x1, $0x1;
	p5 =	por @!p2 $0x1, $0x1  }
0x23: {  	[tilespmem:s23], [sflag:$0x1] =	stream.linear.gather @!p0 [hbm4b:s6+s22], $0x100, $0x38;
	v63 =	vld [tilespmem:$0x0]  }
0x24: {  	s30 =	sand.u32 $0xFE00, s4;
	s31 =	sand.u32 $0x70, s4;
	s22 =	simm.s32 @!p1 $0x0  }
0x25: {  	s23 =	simm.s32 @!p1 $0x13D00;
	p6 =	por @!p3 p5, p5;
	p5 =	por @!p0 $0x0, $0x0  }
0x26: {  	s24 =	sshrl.u32 s30, $0x2;
	p6 =	por @!p4 p5, p5;
	p5 =	por $0x0, $0x0  }
0x27: {  	[tilespmem:s23], [sflag:$0x1] =	stream.linear.gather @!p1 [hbm4b:s7+s22], $0x100, $0x38;
	v63 =	vld [tilespmem:$0x0]  }
0x28: {  	s24 =	sor.u32 s31, s24;
	s22 =	simm.s32 @!p2 $0x0;
	s23 =	simm.s32 @!p2 $0x13E00  }
0x29: {  	[tilespmem:s23], [sflag:$0x1] =	stream.linear.gather @!p2 [hbm4b:s8+s22], $0x100, $0x38;
	v63 =	vld [tilespmem:$0x0]  }
0x2a: {  	p5 =	por @!p0 p6, p6;
	s22 =	simm.s32 $0x40;
	s23 =	simm.s32 $0x0  }
.LBB2_2:
0x2b: {  	p6 =	seq.s32 s22, $0xFFC0  }
0x2c: {  	[tilespmem:s24+$0x1C000] =	vst v0;
	s23 =	sadd.s32 $0x10, s23;
	s24 =	smov.u32 s22;
	s22 =	sadd.s32 $0x40, s22  }
.Ltmp2:
0x2d: {  	(pc) =	sbr.rel @!p6 .LBB2_2-.Ltmp2, $4  }
0x2e: {  	_ = 	snop  }
0x2f: {  	s24 =	sand.u32 $0xFE00, s24  }
0x30: {  	s25 =	sand.u32 $0x70, s23;
	s24 =	sshrl.u32 s24, $0x2  }
0x31: {  	s24 =	sor.u32 s25, s24  }
0x32: {  	[tilespmem:s24+$0x1C000] =	vst v0  }
0x33: {  	[spmem:s9] =	stream.linear.scatter [tilespmem:s17], [sflag:$0x4], $0x4000, $0x38;
	v63 =	vld [tilespmem:$0x0]  }
0x34: {  	_ =	swait.ge [sflag:s18], $0x4000  }
0x35: {  	[sflag:s18] =	ssyncset.done $0x0  }
0x36: {  	[sflag:s18] =	ssyncadd.s32 $0xFFFFC000  }
0x37: {  	[spmem:s13] =	stream.linear.scatter [tilespmem:s17], [sflag:$0x4], $0x4000, $0x38;
	v63 =	vld [tilespmem:$0x0]  }
0x38: {  	_ =	swait.ge [sflag:s18], $0x4000  }
0x39: {  	[sflag:s18] =	ssyncset.done $0x0  }
0x3a: {  	[sflag:s18] =	ssyncadd.s32 $0xFFFFC000  }
0x3b: {  	[spmem:s14] =	stream.linear.scatter [tilespmem:s17], [sflag:$0x4], $0x4000, $0x38;
	v63 =	vld [tilespmem:$0x0]  }
0x3c: {  	_ =	swait.ge [sflag:s18], $0x4000  }
0x3d: {  	[sflag:s18] =	ssyncset.done $0x0  }
0x3e: {  	[sflag:s18] =	ssyncadd.s32 $0xFFFFC000  }
0x3f: {  	[spmem:s15] =	stream.linear.scatter [tilespmem:s17], [sflag:$0x4], $0x4000, $0x38;
	v63 =	vld [tilespmem:$0x0]  }
0x40: {  	_ =	swait.ge [sflag:s18], $0x4000  }
0x41: {  	[sflag:s18] =	ssyncset.done $0x0  }
0x42: {  	[sflag:s18] =	ssyncadd.s32 $0xFFFFC000  }
0x43: {  	[spmem:s10] =	stream.linear.scatter [tilespmem:s17], [sflag:$0x4], $0x3C00, $0x38;
	v63 =	vld [tilespmem:$0x0]  }
0x44: {  	_ =	swait.ge [sflag:s18], $0x3C00  }
0x45: {  	[sflag:s18] =	ssyncset.done $0x0  }
0x46: {  	s22 =	simm.s32 @!p0 $0x1;
	[sflag:s18] =	ssyncadd.s32 $0xFFFFC400  }
0x47: {  	_ =	swait.ge @!p0 [sflag:s22], $0x100  }
0x48: {  	s23 =	simm.s32 @!p0 $0x13C00;
	[sflag:s22] =	ssyncset.done @!p0 $0x0  }
0x49: {  	s24 =	simm.s32 @!p0 $0x14000;
	[sflag:s22] =	ssyncadd.s32 @!p0 $0xFFFFFF00;
	s22 =	simm.s32 @!p0 $0x80  }
0x4a: {  	[tilespmem:s24], [sflag:$0x2] =	stream.indirect.gather @!p0 [hbm4b:s2+s22], $0x80, s23, s22, $0xb8;
	v63 =	vld [tilespmem:$0x0]  }
0x4b: {  	s22 =	simm.s32 @p5 $0x1  }
0x4c: {  	_ =	swait.ge @p5 [sflag:s22], $0x100  }
.Ltmp3:
0x4d: {  	s23 =	simm.s32 @p5 $0x13D00;
	[sflag:s22] =	ssyncset.done @p5 $0x0;
	(pc) =	sbr.rel @p0 .LBB2_7-.Ltmp3, $3  }
0x4e: {  	s24 =	simm.s32 @p5 $0x18000;
	[sflag:s22] =	ssyncadd.s32 @p5 $0xFFFFFF00;
	s22 =	simm.s32 @p5 $0x80  }
0x4f: {  	[tilespmem:s24], [sflag:$0x2] =	stream.indirect.gather @p5 [hbm4b:s2+s22], $0x80, s23, s22, $0xb8;
	v63 =	vld [tilespmem:$0x0]  }
0x50: {  	[bflag:$0x0] =	sbarrier.arrive $0xFFFF;
	_ =	sdelay $0x1  }
0x51: {  	s22 =	simm.s32 $0x0;
	s23 =	simm.s32 $0x1C000;
	s24 =	simm.s32 $0x2  }
0x52: {  	s25 =	simm.s32 $0x14000;
	s26 =	smov.u32 s16;
	s28 =	simm.s32 $0x0  }
.LBB2_5:
0x53: {  	s29 =	smulhi.u32 $0xAAAAAAAB, s28;
	_ =	sdelay $0x1  }
0x54: {  	s29 =	sshrl.u32 s29, $0x1  }
0x55: {  	s29 =	smul.u32 $0xFFFD0000, s29  }
0x56: {  	_ =	swait.ge [sflag:s19], $0x4000;
	s31 =	sand.u32 $0x300, s22  }
0x57: {  	s30 =	rddreg [dreg:$0x4];
	[sflag:s19] =	ssyncset.done $0x0;
	s29 =	sshra.s32 s29, $0x2  }
0x58: {  	s31 =	sor.u32 $0x13C80, s31;
	[sflag:s19] =	ssyncadd.s32 $0xFFFFC000;
	s29 =	sadd.s32 s29, s25  }
0x59: {  	[spmem:s3] =	stream.indirect.scatter.add.f32 [tilespmem:s29], [sflag:$0x3], $0x80, s31, s30, $0xb8;
	v63 =	vld [tilespmem:$0x0]  }
0x5a: {  	p5 =	seq.s32 s22, $0x0;
	s31 =	smulhi.u32 $0xAAAAAAAB, s24  }
0x5b: {  	s30 =	simm.s32 @!p5 $0x3  }
0x5c: {  	_ =	swait.ge @!p5 [sflag:s30], $0x4000;
	s29 =	sshrl.u32 s31, $0x1;
	s31 =	sadd.s32 $0x2, s28  }
0x5d: {  	[sflag:s30] =	ssyncset.done @!p5 $0x0;
	s29 =	smul.u32 $0xFFFD0000, s29;
	p6 =	sge.u32 s31, s5  }
0x5e: {  	[sflag:s30] =	ssyncadd.s32 @!p5 $0xFFFFC000;
	s30 =	simm.s32 @!p6 $0x1  }
0x5f: {  	s31 =	sadd.s32 @!p6 $0x200, s22;
	s29 =	sshra.s32 s29, $0x2;
	_ =	swait.ge @!p6 [sflag:s30], $0x100  }
0x60: {  	s31 =	sand.u32 @!p6 $0x300, s31;
	s29 =	sadd.s32 s29, s23;
	[sflag:s30] =	ssyncset.done @!p6 $0x0  }
0x61: {  	[sflag:s30] =	ssyncadd.s32 @!p6 $0xFFFFFF00;
	s30 =	sor.u32 @!p6 $0x13C00, s31;
	s31 =	simm.s32 @!p6 $0x80  }
0x62: {  	[tilespmem:s29], [sflag:$0x2] =	stream.indirect.gather @!p6 [hbm4b:s2+s31], $0x80, s30, s31, $0xb8;
	v63 =	vld [tilespmem:$0x0]  }
0x63: {  	s31 =	sadd.s32 $0x3, s28  }
0x64: {  	p5 =	sge.u32 s31, s5  }
0x65: {  	s29 =	sadd.s32 @!p5 $0x300, s22  }
0x66: {  	s28 =	sadd.s32 $0x1, s28;
	s29 =	sand.u32 @!p5 $0x300, s29  }
0x67: {  	s31 =	rddreg [dreg:$0x5];
	s30 =	simm.s32 @!p5 $0x0;
	s29 =	sor.u32 @!p5 $0x13C00, s29  }
0x68: {  	[tilespmem:s29], [sflag:$0x1] =	stream.linear.gather @!p5 [hbm4b:s26+s30], $0x100, $0x38;
	v63 =	vld [tilespmem:$0x0]  }
0x69: {  	p5 =	sne.s32 s28, s31  }
.Ltmp4:
0x6a: {  	_ = 	snop;
	(pc) =	sbr.rel @p5 .LBB2_5-.Ltmp4, $3  }
0x6b: {  	_ =	sdelay $0x1  }
0x6c: {  	s25 =	sadd.s32 $0x4000, s25;
	s24 =	sadd.s32 $0x1, s24  }
0x6d: {  	s23 =	sadd.s32 $0x4000, s23;
	s22 =	sadd.s32 $0x100, s22;
	s26 =	sadd.s32 $0x20, s26  }
.Ltmp5:
0x6e: {  	(pc) =	sbr.rel .LBB2_7-.Ltmp5, $4  }
0x6f: {  	_ = 	snop  }
0x70: {  	_ =	swait.ge [sflag:s20], $0x4000  }
0x71: {  	[sflag:s20] =	ssyncset.done $0x0  }
0x72: {  	[sflag:s20] =	ssyncadd.s32 $0xFFFFC000  }
.LBB2_8:
0x73: {  	_ =	sfence.sel $0x180000  }
0x74: {  	[bflag:$0x0] =	sbarrier.arrive $0xFFFF  }
0x75: {  	p0 =	sne.s32 s0, $0x0;
	_ =	strace $0x9000004A  }
0x76: {  	s0 =	sadd.s32 @!p0 $0x100000, s1;
	[bflag:$0x2] =	sbarrier.arrive $0xFFFF  }
0x77: {  	[sflag:s0] =	ssyncadd.tile.s32 @!p0 $0x1;
	_ =	shalt  }
.Lfunc_end2:
_tile_overlayer_lowered:
.L_overlay_start_2:
0x78: {  	(tag) =	ssettag $0x2  }
0x79: {  	s0 =	rddreg [dreg:$0x0];
	s2 =	stileid.u32  }
0x7a: {  	s1 =	rddreg [dreg:$0x1];
	p0 =	sne.s32 s2, $0x0  }
0x7b: {  	s3 =	rddreg [dreg:$0x2];
	[bflag:$0x3] =	sbarrier.arrive $0xFFFF;
	s2 =	simm.s32 @!p0 $0x1C04  }
0x7c: {  	[timem:s3], [sflag:s2] =	dma.local @!p0 [hbm:s0], s1  }
0x7d: {  	s0 =	simm.s32 @!p0 $0x4  }
0x7e: {  	_ =	swait.ge @!p0 [sflag:s0], s1  }
0x7f: {  	s1 =	ssub.s32 @!p0 $0x0, s1;
	[sflag:s0] =	ssyncset.done @!p0 $0x0  }
0x80: {  	[sflag:s0] =	ssyncadd.s32 @!p0 s1  }
0x81: {  	[bflag:$0x3] =	sbarrier.arrive $0xFFFF  }
0x82: {  	_ =	shalt  }

// kernel: kernel.18.cloned.1.call-start
scs
__scs_entry_jumppad:
0x0: {  	(pc) =	sbr.rel $0x88, $3  }
0x1: {  	(tag) =	ssettag $0x0;
	lr =	simm.s32 $0x1  }
0x2: {  	[smem:$0x3F97] =	sst lr;
	_ =	strace $0xD0000000  }
0x3: {  	_ = 	snop  }
0x4: {  	_ = 	snop  }
0x5: {  	_ = 	snop  }
0x6: {  	_ = 	snop  }
0x7: {  	_ = 	snop  }
__scs_overlays_trampoline_lowered:
0x8: {  	[smem:$0x3FA6] =	sst s0  }
0x9: {  	[smem:$0x3FA7] =	sst s1  }
0xa: {  	[smem:$0x3FA8] =	sst s2  }
0xb: {  	[smem:$0x3FA9] =	sst s3  }
0xc: {  	[smem:$0x3FAA] =	sst s4  }
0xd: {  	[smem:$0x3FAB] =	sst s5  }
0xe: {  	[smem:$0x3FAC] =	sst s6  }
0xf: {  	[smem:$0x3FAD] =	sst s7  }
0x10: {  	[smem:$0x3FAE] =	sst s8  }
0x11: {  	[smem:$0x3FAF] =	sst s9;
	s0 =	simm.s32 @!p0 $0x0  }
0x12: {  	s1 =	sld [smem:$0x3F95];
	s0 =	simm.s32 @p0 $0x1  }
0x13: {  	[smem:$0x3FB0] =	sst s0;
	s0 =	simm.s32 @!p1 $0x0  }
0x14: {  	s2 =	sld [smem:$0x3F94];
	s0 =	simm.s32 @p1 $0x1  }
0x15: {  	[smem:$0x3FB1] =	sst s0;
	s0 =	simm.s32 @!p2 $0x0  }
0x16: {  	s3 =	sld [smem:$0x3FDB];
	s0 =	simm.s32 @p2 $0x1  }
0x17: {  	s4 =	simm.s32 $0x1BF5;
	[smem:$0x3FB3] =	sst s0  }
0x18: {  	s0 =	sld [smem:$0x3F96];
	_ =	swait.ge [sflag:s4], $0x0  }
0x19: {  	s7 =	sld [smem:$0x3F97]  }
0x1a: {  	s8 =	sadd.s32 $0xFFFFE003, lr  }
0x1b: {  	s9 =	sadd.s32 $0xFFFFFEF7, lr;
	s5 =	simm.s32 $0xFFFFFFFF;
	p2 =	slt.u32 s8, $0xFFFFF086  }
0x1c: {  	p1 =	slt.u32 s9, $0xF7A;
	s5 =	simm.s32 @!p2 $0x0  }
0x1d: {  	s5 =	simm.s32 @p1 $0x1;
	p0 =	seq.s32 s7, s2  }
0x1e: {  	s7 =	smul.u32 @!p0 $0xF7A, s2;
	p2 =	seq.s32 @!p0 s5, $0x0  }
0x1f: {  	s9 =	smul.u32 $0xF7A, s1;
	s8 =	simm.s32 @!p0 $0x1BF5;
	p2 =	por !p2, p0  }
0x20: {  	[sflag:s8] =	ssyncset.s32 @!p0 $0xFFFFF086;
	s6 =	sadd.s32 @!p0 s3, s7;
	s7 =	simm.s32 @!p0 $0x108  }
0x21: {  	s3 =	sadd.s32 s3, s9;
	s6 =	sadd.s32 @!p0 $0x88, s6;
	s7 =	simm.s32 @p2 $0x1082  }
0x22: {  	[simem:s7], [sflag:s8] =	dma.local @!p0 [hbm:s6], $0xF7A  }
0x23: {  	s9 =	sor.u32 $0xD0000000, s2;
	s6 =	simm.s32 $0x108;
	_ =	swait.ge @!p0 [sflag:s8], $0x0  }
0x24: {  	s3 =	sadd.s32 $0x88, s3;
	s6 =	simm.s32 @!p1 $0x1082;
	[sflag:s4] =	ssyncset.s32 $0xFFFFF086  }
0x25: {  	[simem:s6], [sflag:s4] =	dma.local [hbm:s3], $0xF7A  }
0x26: {  	[smem:$0x3F97] =	sst s1;
	(tag) =	ssettag s2;
	_ =	strace s9  }
0x27: {  	s1 =	sld [smem:$0x3FA7]  }
0x28: {  	s2 =	sld [smem:$0x3FA8]  }
0x29: {  	s4 =	sld [smem:$0x3FAA]  }
0x2a: {  	p0 =	seq.s32 s5, $0x0;
	s5 =	sld [smem:$0x3FAB]  }
0x2b: {  	s6 =	sld [smem:$0x3FAC]  }
0x2c: {  	s7 =	sld [smem:$0x3FAD]  }
0x2d: {  	s3 =	simm.s32 $0x108;
	s8 =	sld [smem:$0x3FAE]  }
0x2e: {  	s3 =	simm.s32 @!p0 $0x1082;
	s9 =	sld [smem:$0x3FAF]  }
0x2f: {  	lr =	sadd.s32 s0, s3;
	s0 =	sld [smem:$0x3FA6]  }
0x30: {  	s3 =	sld [smem:$0x3FA9]  }
0x31: {  	[smem:$0x3FB2] =	sst s10  }
0x32: {  	s10 =	sld [smem:$0x3FB0];
	_ =	sdelay $0x3  }
0x33: {  	p0 =	seq.s32 s10, $0x1;
	s10 =	sld [smem:$0x3FB2];
	_ =	sdelay $0x3  }
0x34: {  	[smem:$0x3FB2] =	sst s10  }
0x35: {  	s10 =	sld [smem:$0x3FB1];
	_ =	sdelay $0x3  }
0x36: {  	p1 =	seq.s32 s10, $0x1;
	s10 =	sld [smem:$0x3FB2];
	_ =	sdelay $0x3  }
0x37: {  	[smem:$0x3FB2] =	sst s10  }
0x38: {  	s10 =	sld [smem:$0x3FB3]  }
0x39: {  	_ = 	snop;
	(pc) =	sbr.ind lr, $3  }
0x3a: {  	_ = 	snop  }
0x3b: {  	_ = 	snop  }
0x3c: {  	p2 =	seq.s32 s10, $0x1;
	s10 =	sld [smem:$0x3FB2]  }
0x3d: {  	_ =	shalt  }
0x3e: {  	_ =	shalt  }
0x3f: {  	_ =	shalt  }
0x40: {  	_ =	shalt  }
0x41: {  	_ =	shalt  }
0x42: {  	_ =	shalt  }
0x43: {  	_ =	shalt  }
0x44: {  	_ =	shalt  }
0x45: {  	_ =	shalt  }
0x46: {  	_ =	shalt  }
0x47: {  	_ =	shalt  }
0x48: {  	_ =	shalt  }
0x49: {  	_ =	shalt  }
0x4a: {  	_ =	shalt  }
0x4b: {  	_ =	shalt  }
0x4c: {  	_ =	shalt  }
0x4d: {  	_ =	shalt  }
0x4e: {  	_ =	shalt  }
0x4f: {  	_ =	shalt  }
0x50: {  	_ =	shalt  }
0x51: {  	_ =	shalt  }
0x52: {  	_ =	shalt  }
0x53: {  	_ =	shalt  }
0x54: {  	_ =	shalt  }
0x55: {  	_ =	shalt  }
0x56: {  	_ =	shalt  }
0x57: {  	_ =	shalt  }
0x58: {  	_ =	shalt  }
0x59: {  	_ =	shalt  }
0x5a: {  	_ =	shalt  }
0x5b: {  	_ =	shalt  }
0x5c: {  	_ =	shalt  }
0x5d: {  	_ =	shalt  }
0x5e: {  	_ =	shalt  }
0x5f: {  	_ =	shalt  }
0x60: {  	_ =	shalt  }
0x61: {  	_ =	shalt  }
0x62: {  	_ =	shalt  }
0x63: {  	_ =	shalt  }
0x64: {  	_ =	shalt  }
0x65: {  	_ =	shalt  }
0x66: {  	_ =	shalt  }
0x67: {  	_ =	shalt  }
0x68: {  	_ =	shalt  }
0x69: {  	_ =	shalt  }
0x6a: {  	_ =	shalt  }
0x6b: {  	_ =	shalt  }
0x6c: {  	_ =	shalt  }
0x6d: {  	_ =	shalt  }
0x6e: {  	_ =	shalt  }
0x6f: {  	_ =	shalt  }
0x70: {  	_ =	shalt  }
0x71: {  	_ =	shalt  }
0x72: {  	_ =	shalt  }
0x73: {  	_ =	shalt  }
0x74: {  	_ =	shalt  }
0x75: {  	_ =	shalt  }
0x76: {  	_ =	shalt  }
0x77: {  	_ =	shalt  }
0x78: {  	_ =	shalt  }
0x79: {  	_ =	shalt  }
0x7a: {  	_ =	shalt  }
0x7b: {  	_ =	shalt  }
0x7c: {  	_ =	shalt  }
0x7d: {  	_ =	shalt  }
0x7e: {  	_ =	shalt  }
0x7f: {  	_ =	shalt  }
0x80: {  	_ =	shalt  }
0x81: {  	_ =	shalt  }
0x82: {  	_ =	shalt  }
0x83: {  	_ =	shalt  }
0x84: {  	_ =	shalt  }
0x85: {  	_ =	shalt  }
0x86: {  	_ =	shalt  }
0x87: {  	_ =	shalt  }
.Lfunc_end0:
.L_simem_size_0:
called_computation.2_lowered:
.L_overlay_start_0:
0x88: {  	s2 =	sld [smem:$0x3FD9]  }
0x89: {  	s3 =	sld [smem:$0x3FFE];
	_ =	sdelay $0x1  }
0x8a: {  	s1 =	srdreg.scid  }
0x8b: {  	s0 =	sand.u32 $0x1, s1  }
0x8c: {  	s14 =	sshll.u32 s0, $0xA;
	s2 =	sadd.s32 s3, s2  }
0x8d: {  	s2 =	sadd.s32 s2, s14  }
0x8e: {  	[smem:$0x3FBE] =	sst s2  }
0x8f: {  	_ = 	snop  }
0x90: {  	s2 =	sld [smem:$0x3FD0];
	_ =	sdelay $0x2  }
0x91: {  	s15 =	simm.s32 $0xA;
	s4 =	simm.s32 $0x10  }
0x92: {  	[smem:s4], [sflag:s15] =	dma.local [hbm:s2], $0x1  }
0x93: {  	_ =	swait.eq [sflag:s15], $0x1  }
0x94: {  	[sflag:s15] =	ssyncset.done $0x0  }
0x95: {  	[sflag:s15] =	ssyncadd.s32 $0xFFFFFFFF  }
0x96: {  	s16 =	sld [smem:$0x10];
	(tm) =	ssettm $0x1  }
0x97: {  	s17 =	sld [smem:$0x3FFB];
	_ =	sdelay $0x3  }
0x98: {  	_ =	strace s17  }
0x99: {  	s3 =	sld [smem:$0x3FFC];
	_ =	sdelay $0x3  }
0x9a: {  	_ =	strace s3  }
0x9b: {  	s3 =	sld [smem:$0x3FFD];
	_ =	sdelay $0x3  }
0x9c: {  	_ =	strace s3  }
0x9d: {  	_ =	strace $0x8FFFFFFF  }
0x9e: {  	s18 =	sld [smem:$0x3FDB];
	_ =	sdelay $0x1  }
0x9f: {  	s19 =	simm.s32 $_scs_section_size  }
0xa0: {  	s5 =	simm.s32 $_size__tile_overlayer_lowered;
	s6 =	simm.s32 $_tile_overlayer_lowered  }
0xa1: {  	s22 =	simm.s32 $0x1BFF;
	s21 =	sshll.u32 s6, $0x1;
	s3 =	sadd.s32 s19, s18  }
0xa2: {  	s7 =	simm.s32 $0x0;
	s20 =	sshll.u32 s5, $0x1;
	s5 =	sadd.s32 s21, s3  }
0xa3: {  	[timem:s7], [sflag:s22] =	dma.local [hbm:s5], s20  }
0xa4: {  	_ =	swait.ge [sflag:s22], s20  }
0xa5: {  	s4 =	ssub.s32 $0x0, s20;
	[sflag:s22] =	ssyncset.done $0x0  }
0xa6: {  	[sflag:s22] =	ssyncadd.s32 s4;
	_ =	sdelay $0x1  }
0xa7: {  	s23 =	simm.s32 $0x1B8B  }
0xa8: {  	_ =	swait.ge [sflag:s23], $0x1  }
0xa9: {  	[sflag:s23] =	ssyncset.done $0x0  }
0xaa: {  	s25 =	simm.s32 $0x1B8E;
	s24 =	sld [smem:$0x3FFE];
	[sflag:s23] =	ssyncadd.s32 $0xFFFFFFFF  }
0xab: {  	s26 =	simm.s32 $execute0_lowered;
	[smem:$0x3FD2] =	sst s25  }
0xac: {  	s5 =	sshll.u32 s26, $0x1;
	_ =	strace $0x8000004C;
	[dreg:$0x1] =	wrdreg $0xFFFFFFFF  }
0xad: {  	s28 =	simm.s32 $_size_execute0_lowered;
	s3 =	sadd.s32 s3, s5;
	[dreg:$0x0] =	wrdreg $0x0  }
0xae: {  	s5 =	sshll.u32 s28, $0x1;
	[dreg:$0x2] =	wrdreg s3  }
0xaf: {  	[dreg:$0x3] =	wrdreg s5  }
0xb0: {  	[dreg:$0x4] =	wrdreg $0xC0  }
0xb1: {  	_ =	task [dreg:s7], $0x5FFFF  }
0xb2: {  	[dreg:$0x1] =	wrdreg $0xFFFFFFFF  }
0xb3: {  	[dreg:$0x0] =	wrdreg $0x60  }
0xb4: {  	[dreg:$0x2] =	wrdreg s16  }
0xb5: {  	[dreg:$0x3] =	wrdreg s24  }
0xb6: {  	[dreg:$0x4] =	wrdreg $0x0  }
0xb7: {  	[dreg:$0x5] =	wrdreg $0x9  }
0xb8: {  	_ =	task.clear_ibuf [dreg:s7], $0x6FFFF;
	_ =	strace $0x9000004C  }
0xb9: {  	s29 =	simm.s32 $0x9;
	_ =	strace $0x8000004E  }
0xba: {  	_ =	swait.ge [sflag:s29], $0x1  }
0xbb: {  	[sflag:s29] =	ssyncadd.s32 $0xFFFFFFFF  }
0xbc: {  	_ =	strace $0x9000004E  }
0xbd: {  	_ =	sfence  }
0xbe: {  	s30 =	sld [smem:$0x0];
	_ =	sdelay $0x2  }
0xbf: {  	s31 =	sshll.u32 s1, $0xD;
	s1 =	sshrl.u32 s1, $0x2  }
0xc0: {  	s3 =	sand.u32 $0x4000, s31;
	s1 =	sadd.s32 s1, s30  }
0xc1: {  	s0 =	sor.u32 s3, s0;
	s1 =	sshll.u32 s1, $0x11  }
0xc2: {  	s0 =	sor.u32 s1, s0  }
0xc3: {  	s0 =	sadd.s32 $0x8F2B, s0  }
0xc4: {  	[sflag:s0] =	ssyncadd.remote.s32 $0x1  }
0xc5: {  	_ =	sfence.sel $0xFFFF  }
0xc6: {  	[dreg:$0x0] =	wrdreg $0xFFFFFFFF;
	(pc) =	sbr.abs _section_cstart, $3  }
0xc7: {  	[dreg:$0x1] =	wrdreg $0xFFFFFFFF  }
0xc8: {  	_ =	task.clear_ibuf [dreg:s7], $0x2FFFF;
	_ =	strace $0x9FFFFFFF  }
0xc9: {  	(tm) =	ssettm $0x7FFFFFFF  }
tec
execute0_lowered:
.L_overlay_start_1:
0x0: {  	(tag) =	ssettag $0x1  }
0x1: {  	s2 =	rddreg [dreg:$0x0]  }
0x2: {  	s0 =	srdreg.scid;
	s6 =	rddreg [dreg:$0x1]  }
0x3: {  	s3 =	rddreg [dreg:$0x2];
	s12 =	sand.u32 $0x1, s0  }
0x4: {  	s0 =	stileid.u32;
	s7 =	smul.u32 $0x13C000, s12  }
0x5: {  	s19 =	simm.s32 $0x2;
	s20 =	simm.s32 $0x80;
	s9 =	smul.u32 $0x13C00, s0  }
0x6: {  	s21 =	simm.s32 $0x0;
	s16 =	sadd.s32 $0x52400, s6;
	s29 =	smul.u32 $0x4F000, s0  }
0x7: {  	s1 =	sshll.u32 s12, $0x4;
	s25 =	ssub.s32 $0x2, s12;
	s17 =	smul.u32 $0x580, s12  }
0x8: {  	s18 =	smul.u32 $0x58, s0;
	s5 =	sor.u32 s0, s1;
	s1 =	rddreg [dreg:$0x3]  }
0x9: {  	s28 =	sshrl.u32 s25, $0x1;
	s4 =	smul.u32 $0xFFFFD400, s5;
	s7 =	sadd.s32 s9, s7  }
0xa: {  	s26 =	smul.u32 $0xB00, s5;
	s14 =	ssub.s32 s25, s28;
	s30 =	sshrl.u32 s29, $0x2  }
0xb: {  	s17 =	sadd.s32 s18, s17;
	s18 =	simm.s32 $0x4;
	s7 =	sshrl.u32 s7, $0x3  }
0xc: {  	s9 =	sadd.s32 s30, s3;
	s12 =	smax.u32 s14, $0x1;
	s17 =	sshll.u32 s17, $0x5  }
0xd: {  	s8 =	sadd.s32 $0x5098F, s4;
	s4 =	simm.s32 $0x0;
	s13 =	sadd.s32 s7, s6  }
0xe: {  	s6 =	sadd.s32 s16, s26;
	s14 =	sadd.s32 $0x8000, s9;
	s10 =	sshra.s32 s8, $0x1F  }
0xf: {  	s16 =	sadd.s32 s17, s16;
	s17 =	simm.s32 $0x1C000;
	s11 =	sshrl.u32 s10, $0x19  }
0x10: {  	[smem:$0x7FF] =	sst s4;
	s7 =	sadd.s32 $0x20, s6;
	s8 =	sadd.s32 s11, s8  }
0x11: {  	s16 =	sadd.s32 $0x60, s16;
	_ =	strace $0x8000004D;
	s8 =	sshra.s32 s8, $0x7  }
0x12: {  	[dreg:$0x4] =	wrdreg s20;
	s20 =	simm.s32 $0x3;
	s15 =	sadd.s32 s10, s8  }
0x13: {  	s11 =	sadd.s32 $0x3400, s13;
	p0 =	sgt.s32 s15, $0x0;
	s10 =	smov.u32 s15  }
0x14: {  	s13 =	sadd.s32 $0x4000, s9;
	s10 =	simm.s32 @!p0 $0x0;
	p0 =	slt.s32 s15, $0x1  }
.Ltmp0:
0x15: {  	s5 =	smin.u32 s10, $0x58;
	p4 =	seq.s32 @!p0 s15, $0x1;
	(pc) =	sbr.rel .LBB2_1-.Ltmp0, $4  }
0x16: {  	s8 =	sadd.s32 $0x40, s6;
	s31 =	smax.u32 s5, $0x1;
	p1 =	por p4, p0  }
0x17: {  	s10 =	sadd.s32 $0x10000, s9;
	[dreg:$0x5] =	wrdreg s31;
	p3 =	slt.u32 @!p1 s15, $0x3  }
0x18: {  	s15 =	sadd.s32 $0xC000, s9;
	p2 =	por @!p0 p3, p4;
	p3 =	por @!p0 !p3, p4  }
0x19: {  	v0 =	vimm.f32 $0.0e+00;
	p4 =	por !p4, p0;
	p2 =	por p2, p0;
	p3 =	por !p3, p0  }
.LBB2_7:
0x1a: {  	s21 =	sadd.s32 $0x1, s21  }
0x1b: {  	s22 =	sshll.u32 s0, $0x6;
	[bflag:$0x0] =	sbarrier.arrive $0xFFFF;
	p5 =	sne.s32 s21, s12  }
.Ltmp1:
0x1c: {  	s23 =	sshrl.u32 s9, $0x3;
	s22 =	sor.u32 $0x1C04, s22;
	(pc) =	sbr.rel @!p5 .LBB2_8-.Ltmp1, $4  }
0x1d: {  	[hbm:s11], [sflag:s22] =	dma.local [spmem:s23], $0x2780  }
0x1e: {  	_ =	swait.ge [sflag:s18], $0x2780  }
0x1f: {  	[sflag:s18] =	ssyncset.done $0x0  }
0x20: {  	[sflag:s18] =	ssyncadd.s32 $0xFFFFD880  }
.LBB2_1:
0x21: {  	s22 =	simm.s32 @!p0 $0x0  }
0x22: {  	s23 =	simm.s32 @!p0 $0x13C00;
	p6 =	por @!p1 $0x1, $0x1;
	p5 =	por @!p2 $0x1, $0x1  }
0x23: {  	[tilespmem:s23], [sflag:$0x1] =	stream.linear.gather @!p0 [hbm4b:s6+s22], $0x100, $0x38;
	v63 =	vld [tilespmem:$0x0]  }
0x24: {  	s30 =	sand.u32 $0xFE00, s4;
	s31 =	sand.u32 $0x70, s4;
	s22 =	simm.s32 @!p1 $0x0  }
0x25: {  	s23 =	simm.s32 @!p1 $0x13D00;
	p6 =	por @!p3 p5, p5;
	p5 =	por @!p0 $0x0, $0x0  }
0x26: {  	s24 =	sshrl.u32 s30, $0x2;
	p6 =	por @!p4 p5, p5;
	p5 =	por $0x0, $0x0  }
0x27: {  	[tilespmem:s23], [sflag:$0x1] =	stream.linear.gather @!p1 [hbm4b:s7+s22], $0x100, $0x38;
	v63 =	vld [tilespmem:$0x0]  }
0x28: {  	s24 =	sor.u32 s31, s24;
	s22 =	simm.s32 @!p2 $0x0;
	s23 =	simm.s32 @!p2 $0x13E00  }
0x29: {  	[tilespmem:s23], [sflag:$0x1] =	stream.linear.gather @!p2 [hbm4b:s8+s22], $0x100, $0x38;
	v63 =	vld [tilespmem:$0x0]  }
0x2a: {  	p5 =	por @!p0 p6, p6;
	s22 =	simm.s32 $0x40;
	s23 =	simm.s32 $0x0  }
.LBB2_2:
0x2b: {  	p6 =	seq.s32 s22, $0xFFC0  }
0x2c: {  	[tilespmem:s24+$0x1C000] =	vst v0;
	s23 =	sadd.s32 $0x10, s23;
	s24 =	smov.u32 s22;
	s22 =	sadd.s32 $0x40, s22  }
.Ltmp2:
0x2d: {  	(pc) =	sbr.rel @!p6 .LBB2_2-.Ltmp2, $4  }
0x2e: {  	_ = 	snop  }
0x2f: {  	s24 =	sand.u32 $0xFE00, s24  }
0x30: {  	s25 =	sand.u32 $0x70, s23;
	s24 =	sshrl.u32 s24, $0x2  }
0x31: {  	s24 =	sor.u32 s25, s24  }
0x32: {  	[tilespmem:s24+$0x1C000] =	vst v0  }
0x33: {  	[spmem:s9] =	stream.linear.scatter [tilespmem:s17], [sflag:$0x4], $0x4000, $0x38;
	v63 =	vld [tilespmem:$0x0]  }
0x34: {  	_ =	swait.ge [sflag:s18], $0x4000  }
0x35: {  	[sflag:s18] =	ssyncset.done $0x0  }
0x36: {  	[sflag:s18] =	ssyncadd.s32 $0xFFFFC000  }
0x37: {  	[spmem:s13] =	stream.linear.scatter [tilespmem:s17], [sflag:$0x4], $0x4000, $0x38;
	v63 =	vld [tilespmem:$0x0]  }
0x38: {  	_ =	swait.ge [sflag:s18], $0x4000  }
0x39: {  	[sflag:s18] =	ssyncset.done $0x0  }
0x3a: {  	[sflag:s18] =	ssyncadd.s32 $0xFFFFC000  }
0x3b: {  	[spmem:s14] =	stream.linear.scatter [tilespmem:s17], [sflag:$0x4], $0x4000, $0x38;
	v63 =	vld [tilespmem:$0x0]  }
0x3c: {  	_ =	swait.ge [sflag:s18], $0x4000  }
0x3d: {  	[sflag:s18] =	ssyncset.done $0x0  }
0x3e: {  	[sflag:s18] =	ssyncadd.s32 $0xFFFFC000  }
0x3f: {  	[spmem:s15] =	stream.linear.scatter [tilespmem:s17], [sflag:$0x4], $0x4000, $0x38;
	v63 =	vld [tilespmem:$0x0]  }
0x40: {  	_ =	swait.ge [sflag:s18], $0x4000  }
0x41: {  	[sflag:s18] =	ssyncset.done $0x0  }
0x42: {  	[sflag:s18] =	ssyncadd.s32 $0xFFFFC000  }
0x43: {  	[spmem:s10] =	stream.linear.scatter [tilespmem:s17], [sflag:$0x4], $0x3C00, $0x38;
	v63 =	vld [tilespmem:$0x0]  }
0x44: {  	_ =	swait.ge [sflag:s18], $0x3C00  }
0x45: {  	[sflag:s18] =	ssyncset.done $0x0  }
0x46: {  	s22 =	simm.s32 @!p0 $0x1;
	[sflag:s18] =	ssyncadd.s32 $0xFFFFC400  }
0x47: {  	_ =	swait.ge @!p0 [sflag:s22], $0x100  }
0x48: {  	s23 =	simm.s32 @!p0 $0x13C00;
	[sflag:s22] =	ssyncset.done @!p0 $0x0  }
0x49: {  	s24 =	simm.s32 @!p0 $0x14000;
	[sflag:s22] =	ssyncadd.s32 @!p0 $0xFFFFFF00;
	s22 =	simm.s32 @!p0 $0x80  }
0x4a: {  	[tilespmem:s24], [sflag:$0x2] =	stream.indirect.gather @!p0 [hbm4b:s2+s22], $0x80, s23, s22, $0xb8;
	v63 =	vld [tilespmem:$0x0]  }
0x4b: {  	s22 =	simm.s32 @p5 $0x1  }
0x4c: {  	_ =	swait.ge @p5 [sflag:s22], $0x100  }
.Ltmp3:
0x4d: {  	s23 =	simm.s32 @p5 $0x13D00;
	[sflag:s22] =	ssyncset.done @p5 $0x0;
	(pc) =	sbr.rel @p0 .LBB2_7-.Ltmp3, $3  }
0x4e: {  	s24 =	simm.s32 @p5 $0x18000;
	[sflag:s22] =	ssyncadd.s32 @p5 $0xFFFFFF00;
	s22 =	simm.s32 @p5 $0x80  }
0x4f: {  	[tilespmem:s24], [sflag:$0x2] =	stream.indirect.gather @p5 [hbm4b:s2+s22], $0x80, s23, s22, $0xb8;
	v63 =	vld [tilespmem:$0x0]  }
0x50: {  	[bflag:$0x0] =	sbarrier.arrive $0xFFFF;
	_ =	sdelay $0x1  }
0x51: {  	s22 =	simm.s32 $0x0;
	s23 =	simm.s32 $0x1C000;
	s24 =	simm.s32 $0x2  }
0x52: {  	s25 =	simm.s32 $0x14000;
	s26 =	smov.u32 s16;
	s28 =	simm.s32 $0x0  }
.LBB2_5:
0x53: {  	s29 =	smulhi.u32 $0xAAAAAAAB, s28;
	_ =	sdelay $0x1  }
0x54: {  	s29 =	sshrl.u32 s29, $0x1  }
0x55: {  	s29 =	smul.u32 $0xFFFD0000, s29  }
0x56: {  	_ =	swait.ge [sflag:s19], $0x4000;
	s31 =	sand.u32 $0x300, s22  }
0x57: {  	s30 =	rddreg [dreg:$0x4];
	[sflag:s19] =	ssyncset.done $0x0;
	s29 =	sshra.s32 s29, $0x2  }
0x58: {  	s31 =	sor.u32 $0x13C80, s31;
	[sflag:s19] =	ssyncadd.s32 $0xFFFFC000;
	s29 =	sadd.s32 s29, s25  }
0x59: {  	[spmem:s3] =	stream.indirect.scatter.add.f32 [tilespmem:s29], [sflag:$0x3], $0x80, s31, s30, $0xb8;
	v63 =	vld [tilespmem:$0x0]  }
0x5a: {  	p5 =	seq.s32 s22, $0x0;
	s31 =	smulhi.u32 $0xAAAAAAAB, s24  }
0x5b: {  	s30 =	simm.s32 @!p5 $0x3  }
0x5c: {  	_ =	swait.ge @!p5 [sflag:s30], $0x4000;
	s29 =	sshrl.u32 s31, $0x1;
	s31 =	sadd.s32 $0x2, s28  }
0x5d: {  	[sflag:s30] =	ssyncset.done @!p5 $0x0;
	s29 =	smul.u32 $0xFFFD0000, s29;
	p6 =	sge.u32 s31, s5  }
0x5e: {  	[sflag:s30] =	ssyncadd.s32 @!p5 $0xFFFFC000;
	s30 =	simm.s32 @!p6 $0x1  }
0x5f: {  	s31 =	sadd.s32 @!p6 $0x200, s22;
	s29 =	sshra.s32 s29, $0x2;
	_ =	swait.ge @!p6 [sflag:s30], $0x100  }
0x60: {  	s31 =	sand.u32 @!p6 $0x300, s31;
	s29 =	sadd.s32 s29, s23;
	[sflag:s30] =	ssyncset.done @!p6 $0x0  }
0x61: {  	[sflag:s30] =	ssyncadd.s32 @!p6 $0xFFFFFF00;
	s30 =	sor.u32 @!p6 $0x13C00, s31;
	s31 =	simm.s32 @!p6 $0x80  }
0x62: {  	[tilespmem:s29], [sflag:$0x2] =	stream.indirect.gather @!p6 [hbm4b:s2+s31], $0x80, s30, s31, $0xb8;
	v63 =	vld [tilespmem:$0x0]  }
0x63: {  	s31 =	sadd.s32 $0x3, s28  }
0x64: {  	p5 =	sge.u32 s31, s5  }
0x65: {  	s29 =	sadd.s32 @!p5 $0x300, s22  }
0x66: {  	s28 =	sadd.s32 $0x1, s28;
	s29 =	sand.u32 @!p5 $0x300, s29  }
0x67: {  	s31 =	rddreg [dreg:$0x5];
	s30 =	simm.s32 @!p5 $0x0;
	s29 =	sor.u32 @!p5 $0x13C00, s29  }
0x68: {  	[tilespmem:s29], [sflag:$0x1] =	stream.linear.gather @!p5 [hbm4b:s26+s30], $0x100, $0x38;
	v63 =	vld [tilespmem:$0x0]  }
0x69: {  	p5 =	sne.s32 s28, s31  }
.Ltmp4:
0x6a: {  	_ = 	snop;
	(pc) =	sbr.rel @p5 .LBB2_5-.Ltmp4, $3  }
0x6b: {  	_ =	sdelay $0x1  }
0x6c: {  	s25 =	sadd.s32 $0x4000, s25;
	s24 =	sadd.s32 $0x1, s24  }
0x6d: {  	s23 =	sadd.s32 $0x4000, s23;
	s22 =	sadd.s32 $0x100, s22;
	s26 =	sadd.s32 $0x20, s26  }
.Ltmp5:
0x6e: {  	(pc) =	sbr.rel .LBB2_7-.Ltmp5, $4  }
0x6f: {  	_ = 	snop  }
0x70: {  	_ =	swait.ge [sflag:s20], $0x4000  }
0x71: {  	[sflag:s20] =	ssyncset.done $0x0  }
0x72: {  	[sflag:s20] =	ssyncadd.s32 $0xFFFFC000  }
.LBB2_8:
0x73: {  	_ =	sfence.sel $0x180000  }
0x74: {  	[bflag:$0x0] =	sbarrier.arrive $0xFFFF  }
0x75: {  	p0 =	sne.s32 s0, $0x0;
	_ =	strace $0x9000004D  }
0x76: {  	s0 =	sadd.s32 @!p0 $0x100000, s1;
	[bflag:$0x2] =	sbarrier.arrive $0xFFFF  }
0x77: {  	[sflag:s0] =	ssyncadd.tile.s32 @!p0 $0x1;
	_ =	shalt  }
.Lfunc_end2:
_tile_overlayer_lowered:
.L_overlay_start_2:
0x78: {  	(tag) =	ssettag $0x2  }
0x79: {  	s0 =	rddreg [dreg:$0x0];
	s2 =	stileid.u32  }
0x7a: {  	s1 =	rddreg [dreg:$0x1];
	p0 =	sne.s32 s2, $0x0  }
0x7b: {  	s3 =	rddreg [dreg:$0x2];
	[bflag:$0x3] =	sbarrier.arrive $0xFFFF;
	s2 =	simm.s32 @!p0 $0x1C04  }
0x7c: {  	[timem:s3], [sflag:s2] =	dma.local @!p0 [hbm:s0], s1  }
0x7d: {  	s0 =	simm.s32 @!p0 $0x4  }
0x7e: {  	_ =	swait.ge @!p0 [sflag:s0], s1  }
0x7f: {  	s1 =	ssub.s32 @!p0 $0x0, s1;
	[sflag:s0] =	ssyncset.done @!p0 $0x0  }
0x80: {  	[sflag:s0] =	ssyncadd.s32 @!p0 s1  }
0x81: {  	[bflag:$0x3] =	sbarrier.arrive $0xFFFF  }
0x82: {  	_ =	shalt  }

// kernel: kernel.21.cloned.1.call-start
scs
__scs_entry_jumppad:
0x0: {  	(pc) =	sbr.rel $0x88, $3  }
0x1: {  	(tag) =	ssettag $0x0;
	lr =	simm.s32 $0x1  }
0x2: {  	[smem:$0x3F97] =	sst lr;
	_ =	strace $0xD0000000  }
0x3: {  	_ = 	snop  }
0x4: {  	_ = 	snop  }
0x5: {  	_ = 	snop  }
0x6: {  	_ = 	snop  }
0x7: {  	_ = 	snop  }
__scs_overlays_trampoline_lowered:
0x8: {  	[smem:$0x3FA6] =	sst s0  }
0x9: {  	[smem:$0x3FA7] =	sst s1  }
0xa: {  	[smem:$0x3FA8] =	sst s2  }
0xb: {  	[smem:$0x3FA9] =	sst s3  }
0xc: {  	[smem:$0x3FAA] =	sst s4  }
0xd: {  	[smem:$0x3FAB] =	sst s5  }
0xe: {  	[smem:$0x3FAC] =	sst s6  }
0xf: {  	[smem:$0x3FAD] =	sst s7  }
0x10: {  	[smem:$0x3FAE] =	sst s8  }
0x11: {  	[smem:$0x3FAF] =	sst s9;
	s0 =	simm.s32 @!p0 $0x0  }
0x12: {  	s1 =	sld [smem:$0x3F95];
	s0 =	simm.s32 @p0 $0x1  }
0x13: {  	[smem:$0x3FB0] =	sst s0;
	s0 =	simm.s32 @!p1 $0x0  }
0x14: {  	s2 =	sld [smem:$0x3F94];
	s0 =	simm.s32 @p1 $0x1  }
0x15: {  	[smem:$0x3FB1] =	sst s0;
	s0 =	simm.s32 @!p2 $0x0  }
0x16: {  	s3 =	sld [smem:$0x3FDB];
	s0 =	simm.s32 @p2 $0x1  }
0x17: {  	s4 =	simm.s32 $0x1BF5;
	[smem:$0x3FB3] =	sst s0  }
0x18: {  	s0 =	sld [smem:$0x3F96];
	_ =	swait.ge [sflag:s4], $0x0  }
0x19: {  	s7 =	sld [smem:$0x3F97]  }
0x1a: {  	s8 =	sadd.s32 $0xFFFFE003, lr  }
0x1b: {  	s9 =	sadd.s32 $0xFFFFFEF7, lr;
	s5 =	simm.s32 $0xFFFFFFFF;
	p2 =	slt.u32 s8, $0xFFFFF086  }
0x1c: {  	p1 =	slt.u32 s9, $0xF7A;
	s5 =	simm.s32 @!p2 $0x0  }
0x1d: {  	s5 =	simm.s32 @p1 $0x1;
	p0 =	seq.s32 s7, s2  }
0x1e: {  	s7 =	smul.u32 @!p0 $0xF7A, s2;
	p2 =	seq.s32 @!p0 s5, $0x0  }
0x1f: {  	s9 =	smul.u32 $0xF7A, s1;
	s8 =	simm.s32 @!p0 $0x1BF5;
	p2 =	por !p2, p0  }
0x20: {  	[sflag:s8] =	ssyncset.s32 @!p0 $0xFFFFF086;
	s6 =	sadd.s32 @!p0 s3, s7;
	s7 =	simm.s32 @!p0 $0x108  }
0x21: {  	s3 =	sadd.s32 s3, s9;
	s6 =	sadd.s32 @!p0 $0x88, s6;
	s7 =	simm.s32 @p2 $0x1082  }
0x22: {  	[simem:s7], [sflag:s8] =	dma.local @!p0 [hbm:s6], $0xF7A  }
0x23: {  	s9 =	sor.u32 $0xD0000000, s2;
	s6 =	simm.s32 $0x108;
	_ =	swait.ge @!p0 [sflag:s8], $0x0  }
0x24: {  	s3 =	sadd.s32 $0x88, s3;
	s6 =	simm.s32 @!p1 $0x1082;
	[sflag:s4] =	ssyncset.s32 $0xFFFFF086  }
0x25: {  	[simem:s6], [sflag:s4] =	dma.local [hbm:s3], $0xF7A  }
0x26: {  	[smem:$0x3F97] =	sst s1;
	(tag) =	ssettag s2;
	_ =	strace s9  }
0x27: {  	s1 =	sld [smem:$0x3FA7]  }
0x28: {  	s2 =	sld [smem:$0x3FA8]  }
0x29: {  	s4 =	sld [smem:$0x3FAA]  }
0x2a: {  	p0 =	seq.s32 s5, $0x0;
	s5 =	sld [smem:$0x3FAB]  }
0x2b: {  	s6 =	sld [smem:$0x3FAC]  }
0x2c: {  	s7 =	sld [smem:$0x3FAD]  }
0x2d: {  	s3 =	simm.s32 $0x108;
	s8 =	sld [smem:$0x3FAE]  }
0x2e: {  	s3 =	simm.s32 @!p0 $0x1082;
	s9 =	sld [smem:$0x3FAF]  }
0x2f: {  	lr =	sadd.s32 s0, s3;
	s0 =	sld [smem:$0x3FA6]  }
0x30: {  	s3 =	sld [smem:$0x3FA9]  }
0x31: {  	[smem:$0x3FB2] =	sst s10  }
0x32: {  	s10 =	sld [smem:$0x3FB0];
	_ =	sdelay $0x3  }
0x33: {  	p0 =	seq.s32 s10, $0x1;
	s10 =	sld [smem:$0x3FB2];
	_ =	sdelay $0x3  }
0x34: {  	[smem:$0x3FB2] =	sst s10  }
0x35: {  	s10 =	sld [smem:$0x3FB1];
	_ =	sdelay $0x3  }
0x36: {  	p1 =	seq.s32 s10, $0x1;
	s10 =	sld [smem:$0x3FB2];
	_ =	sdelay $0x3  }
0x37: {  	[smem:$0x3FB2] =	sst s10  }
0x38: {  	s10 =	sld [smem:$0x3FB3]  }
0x39: {  	_ = 	snop;
	(pc) =	sbr.ind lr, $3  }
0x3a: {  	_ = 	snop  }
0x3b: {  	_ = 	snop  }
0x3c: {  	p2 =	seq.s32 s10, $0x1;
	s10 =	sld [smem:$0x3FB2]  }
0x3d: {  	_ =	shalt  }
0x3e: {  	_ =	shalt  }
0x3f: {  	_ =	shalt  }
0x40: {  	_ =	shalt  }
0x41: {  	_ =	shalt  }
0x42: {  	_ =	shalt  }
0x43: {  	_ =	shalt  }
0x44: {  	_ =	shalt  }
0x45: {  	_ =	shalt  }
0x46: {  	_ =	shalt  }
0x47: {  	_ =	shalt  }
0x48: {  	_ =	shalt  }
0x49: {  	_ =	shalt  }
0x4a: {  	_ =	shalt  }
0x4b: {  	_ =	shalt  }
0x4c: {  	_ =	shalt  }
0x4d: {  	_ =	shalt  }
0x4e: {  	_ =	shalt  }
0x4f: {  	_ =	shalt  }
0x50: {  	_ =	shalt  }
0x51: {  	_ =	shalt  }
0x52: {  	_ =	shalt  }
0x53: {  	_ =	shalt  }
0x54: {  	_ =	shalt  }
0x55: {  	_ =	shalt  }
0x56: {  	_ =	shalt  }
0x57: {  	_ =	shalt  }
0x58: {  	_ =	shalt  }
0x59: {  	_ =	shalt  }
0x5a: {  	_ =	shalt  }
0x5b: {  	_ =	shalt  }
0x5c: {  	_ =	shalt  }
0x5d: {  	_ =	shalt  }
0x5e: {  	_ =	shalt  }
0x5f: {  	_ =	shalt  }
0x60: {  	_ =	shalt  }
0x61: {  	_ =	shalt  }
0x62: {  	_ =	shalt  }
0x63: {  	_ =	shalt  }
0x64: {  	_ =	shalt  }
0x65: {  	_ =	shalt  }
0x66: {  	_ =	shalt  }
0x67: {  	_ =	shalt  }
0x68: {  	_ =	shalt  }
0x69: {  	_ =	shalt  }
0x6a: {  	_ =	shalt  }
0x6b: {  	_ =	shalt  }
0x6c: {  	_ =	shalt  }
0x6d: {  	_ =	shalt  }
0x6e: {  	_ =	shalt  }
0x6f: {  	_ =	shalt  }
0x70: {  	_ =	shalt  }
0x71: {  	_ =	shalt  }
0x72: {  	_ =	shalt  }
0x73: {  	_ =	shalt  }
0x74: {  	_ =	shalt  }
0x75: {  	_ =	shalt  }
0x76: {  	_ =	shalt  }
0x77: {  	_ =	shalt  }
0x78: {  	_ =	shalt  }
0x79: {  	_ =	shalt  }
0x7a: {  	_ =	shalt  }
0x7b: {  	_ =	shalt  }
0x7c: {  	_ =	shalt  }
0x7d: {  	_ =	shalt  }
0x7e: {  	_ =	shalt  }
0x7f: {  	_ =	shalt  }
0x80: {  	_ =	shalt  }
0x81: {  	_ =	shalt  }
0x82: {  	_ =	shalt  }
0x83: {  	_ =	shalt  }
0x84: {  	_ =	shalt  }
0x85: {  	_ =	shalt  }
0x86: {  	_ =	shalt  }
0x87: {  	_ =	shalt  }
.Lfunc_end0:
.L_simem_size_0:
called_computation.3_lowered:
.L_overlay_start_0:
0x88: {  	s2 =	sld [smem:$0x3FD9]  }
0x89: {  	s3 =	sld [smem:$0x3FFE];
	_ =	sdelay $0x1  }
0x8a: {  	s1 =	srdreg.scid  }
0x8b: {  	s0 =	sand.u32 $0x1, s1  }
0x8c: {  	s14 =	sshll.u32 s0, $0xA;
	s2 =	sadd.s32 s3, s2  }
0x8d: {  	s2 =	sadd.s32 s2, s14  }
0x8e: {  	[smem:$0x3FBE] =	sst s2  }
0x8f: {  	_ = 	snop  }
0x90: {  	s2 =	sld [smem:$0x3FD0];
	_ =	sdelay $0x2  }
0x91: {  	s15 =	simm.s32 $0xA;
	s4 =	simm.s32 $0x10  }
0x92: {  	[smem:s4], [sflag:s15] =	dma.local [hbm:s2], $0x1  }
0x93: {  	_ =	swait.eq [sflag:s15], $0x1  }
0x94: {  	[sflag:s15] =	ssyncset.done $0x0  }
0x95: {  	[sflag:s15] =	ssyncadd.s32 $0xFFFFFFFF  }
0x96: {  	s16 =	sld [smem:$0x10];
	(tm) =	ssettm $0x1  }
0x97: {  	s17 =	sld [smem:$0x3FFB];
	_ =	sdelay $0x3  }
0x98: {  	_ =	strace s17  }
0x99: {  	s3 =	sld [smem:$0x3FFC];
	_ =	sdelay $0x3  }
0x9a: {  	_ =	strace s3  }
0x9b: {  	s3 =	sld [smem:$0x3FFD];
	_ =	sdelay $0x3  }
0x9c: {  	_ =	strace s3  }
0x9d: {  	_ =	strace $0x8FFFFFFF  }
0x9e: {  	s18 =	sld [smem:$0x3FDB];
	_ =	sdelay $0x1  }
0x9f: {  	s19 =	simm.s32 $_scs_section_size  }
0xa0: {  	s5 =	simm.s32 $_size__tile_overlayer_lowered;
	s6 =	simm.s32 $_tile_overlayer_lowered  }
0xa1: {  	s22 =	simm.s32 $0x1BFF;
	s21 =	sshll.u32 s6, $0x1;
	s3 =	sadd.s32 s19, s18  }
0xa2: {  	s7 =	simm.s32 $0x0;
	s20 =	sshll.u32 s5, $0x1;
	s5 =	sadd.s32 s21, s3  }
0xa3: {  	[timem:s7], [sflag:s22] =	dma.local [hbm:s5], s20  }
0xa4: {  	_ =	swait.ge [sflag:s22], s20  }
0xa5: {  	s4 =	ssub.s32 $0x0, s20;
	[sflag:s22] =	ssyncset.done $0x0  }
0xa6: {  	[sflag:s22] =	ssyncadd.s32 s4;
	_ =	sdelay $0x1  }
0xa7: {  	s23 =	simm.s32 $0x1B8B  }
0xa8: {  	_ =	swait.ge [sflag:s23], $0x1  }
0xa9: {  	[sflag:s23] =	ssyncset.done $0x0  }
0xaa: {  	s25 =	simm.s32 $0x1B8E;
	s24 =	sld [smem:$0x3FFE];
	[sflag:s23] =	ssyncadd.s32 $0xFFFFFFFF  }
0xab: {  	s26 =	simm.s32 $execute0_lowered;
	[smem:$0x3FD2] =	sst s25  }
0xac: {  	s5 =	sshll.u32 s26, $0x1;
	_ =	strace $0x8000004F;
	[dreg:$0x1] =	wrdreg $0xFFFFFFFF  }
0xad: {  	s28 =	simm.s32 $_size_execute0_lowered;
	s3 =	sadd.s32 s3, s5;
	[dreg:$0x0] =	wrdreg $0x0  }
0xae: {  	s5 =	sshll.u32 s28, $0x1;
	[dreg:$0x2] =	wrdreg s3  }
0xaf: {  	[dreg:$0x3] =	wrdreg s5  }
0xb0: {  	[dreg:$0x4] =	wrdreg $0xC0  }
0xb1: {  	_ =	task [dreg:s7], $0x5FFFF  }
0xb2: {  	[dreg:$0x1] =	wrdreg $0xFFFFFFFF  }
0xb3: {  	[dreg:$0x0] =	wrdreg $0x60  }
0xb4: {  	[dreg:$0x2] =	wrdreg s16  }
0xb5: {  	[dreg:$0x3] =	wrdreg s24  }
0xb6: {  	[dreg:$0x4] =	wrdreg $0x0  }
0xb7: {  	[dreg:$0x5] =	wrdreg $0x9  }
0xb8: {  	_ =	task.clear_ibuf [dreg:s7], $0x6FFFF;
	_ =	strace $0x9000004F  }
0xb9: {  	s29 =	simm.s32 $0x9;
	_ =	strace $0x80000051  }
0xba: {  	_ =	swait.ge [sflag:s29], $0x1  }
0xbb: {  	[sflag:s29] =	ssyncadd.s32 $0xFFFFFFFF  }
0xbc: {  	_ =	strace $0x90000051  }
0xbd: {  	_ =	sfence  }
0xbe: {  	s30 =	sld [smem:$0x0];
	_ =	sdelay $0x2  }
0xbf: {  	s31 =	sshll.u32 s1, $0xD;
	s1 =	sshrl.u32 s1, $0x2  }
0xc0: {  	s3 =	sand.u32 $0x4000, s31;
	s1 =	sadd.s32 s1, s30  }
0xc1: {  	s0 =	sor.u32 s3, s0;
	s1 =	sshll.u32 s1, $0x11  }
0xc2: {  	s0 =	sor.u32 s1, s0  }
0xc3: {  	s0 =	sadd.s32 $0x8F2B, s0  }
0xc4: {  	[sflag:s0] =	ssyncadd.remote.s32 $0x1  }
0xc5: {  	_ =	sfence.sel $0xFFFF  }
0xc6: {  	[dreg:$0x0] =	wrdreg $0xFFFFFFFF;
	(pc) =	sbr.abs _section_cstart, $3  }
0xc7: {  	[dreg:$0x1] =	wrdreg $0xFFFFFFFF  }
0xc8: {  	_ =	task.clear_ibuf [dreg:s7], $0x2FFFF;
	_ =	strace $0x9FFFFFFF  }
0xc9: {  	(tm) =	ssettm $0x7FFFFFFF  }
tec
execute0_lowered:
.L_overlay_start_1:
0x0: {  	(tag) =	ssettag $0x1  }
0x1: {  	s2 =	rddreg [dreg:$0x0]  }
0x2: {  	s0 =	srdreg.scid;
	s6 =	rddreg [dreg:$0x1]  }
0x3: {  	s3 =	rddreg [dreg:$0x2];
	s12 =	sand.u32 $0x1, s0  }
0x4: {  	s0 =	stileid.u32;
	s7 =	smul.u32 $0x13C000, s12  }
0x5: {  	s19 =	simm.s32 $0x2;
	s20 =	simm.s32 $0x80;
	s9 =	smul.u32 $0x13C00, s0  }
0x6: {  	s21 =	simm.s32 $0x0;
	s16 =	sadd.s32 $0x52400, s6;
	s29 =	smul.u32 $0x4F000, s0  }
0x7: {  	s1 =	sshll.u32 s12, $0x4;
	s25 =	ssub.s32 $0x2, s12;
	s17 =	smul.u32 $0x580, s12  }
0x8: {  	s18 =	smul.u32 $0x58, s0;
	s5 =	sor.u32 s0, s1;
	s1 =	rddreg [dreg:$0x3]  }
0x9: {  	s28 =	sshrl.u32 s25, $0x1;
	s4 =	smul.u32 $0xFFFFD400, s5;
	s7 =	sadd.s32 s9, s7  }
0xa: {  	s26 =	smul.u32 $0xB00, s5;
	s14 =	ssub.s32 s25, s28;
	s30 =	sshrl.u32 s29, $0x2  }
0xb: {  	s17 =	sadd.s32 s18, s17;
	s18 =	simm.s32 $0x4;
	s7 =	sshrl.u32 s7, $0x3  }
0xc: {  	s9 =	sadd.s32 s30, s3;
	s12 =	smax.u32 s14, $0x1;
	s17 =	sshll.u32 s17, $0x5  }
0xd: {  	s8 =	sadd.s32 $0x5098F, s4;
	s4 =	simm.s32 $0x0;
	s13 =	sadd.s32 s7, s6  }
0xe: {  	s6 =	sadd.s32 s16, s26;
	s14 =	sadd.s32 $0x8000, s9;
	s10 =	sshra.s32 s8, $0x1F  }
0xf: {  	s16 =	sadd.s32 s17, s16;
	s17 =	simm.s32 $0x1C000;
	s11 =	sshrl.u32 s10, $0x19  }
0x10: {  	[smem:$0x7FF] =	sst s4;
	s7 =	sadd.s32 $0x20, s6;
	s8 =	sadd.s32 s11, s8  }
0x11: {  	s16 =	sadd.s32 $0x60, s16;
	_ =	strace $0x80000050;
	s8 =	sshra.s32 s8, $0x7  }
0x12: {  	[dreg:$0x4] =	wrdreg s20;
	s20 =	simm.s32 $0x3;
	s15 =	sadd.s32 s10, s8  }
0x13: {  	s11 =	sadd.s32 $0x3400, s13;
	p0 =	sgt.s32 s15, $0x0;
	s10 =	smov.u32 s15  }
0x14: {  	s13 =	sadd.s32 $0x4000, s9;
	s10 =	simm.s32 @!p0 $0x0;
	p0 =	slt.s32 s15, $0x1  }
.Ltmp0:
0x15: {  	s5 =	smin.u32 s10, $0x58;
	p4 =	seq.s32 @!p0 s15, $0x1;
	(pc) =	sbr.rel .LBB2_1-.Ltmp0, $4  }
0x16: {  	s8 =	sadd.s32 $0x40, s6;
	s31 =	smax.u32 s5, $0x1;
	p1 =	por p4, p0  }
0x17: {  	s10 =	sadd.s32 $0x10000, s9;
	[dreg:$0x5] =	wrdreg s31;
	p3 =	slt.u32 @!p1 s15, $0x3  }
0x18: {  	s15 =	sadd.s32 $0xC000, s9;
	p2 =	por @!p0 p3, p4;
	p3 =	por @!p0 !p3, p4  }
0x19: {  	v0 =	vimm.f32 $0.0e+00;
	p4 =	por !p4, p0;
	p2 =	por p2, p0;
	p3 =	por !p3, p0  }
.LBB2_7:
0x1a: {  	s21 =	sadd.s32 $0x1, s21  }
0x1b: {  	s22 =	sshll.u32 s0, $0x6;
	[bflag:$0x0] =	sbarrier.arrive $0xFFFF;
	p5 =	sne.s32 s21, s12  }
.Ltmp1:
0x1c: {  	s23 =	sshrl.u32 s9, $0x3;
	s22 =	sor.u32 $0x1C04, s22;
	(pc) =	sbr.rel @!p5 .LBB2_8-.Ltmp1, $4  }
0x1d: {  	[hbm:s11], [sflag:s22] =	dma.local [spmem:s23], $0x2780  }
0x1e: {  	_ =	swait.ge [sflag:s18], $0x2780  }
0x1f: {  	[sflag:s18] =	ssyncset.done $0x0  }
0x20: {  	[sflag:s18] =	ssyncadd.s32 $0xFFFFD880  }
.LBB2_1:
0x21: {  	s22 =	simm.s32 @!p0 $0x0  }
0x22: {  	s23 =	simm.s32 @!p0 $0x13C00;
	p6 =	por @!p1 $0x1, $0x1;
	p5 =	por @!p2 $0x1, $0x1  }
0x23: {  	[tilespmem:s23], [sflag:$0x1] =	stream.linear.gather @!p0 [hbm4b:s6+s22], $0x100, $0x38;
	v63 =	vld [tilespmem:$0x0]  }
0x24: {  	s30 =	sand.u32 $0xFE00, s4;
	s31 =	sand.u32 $0x70, s4;
	s22 =	simm.s32 @!p1 $0x0  }
0x25: {  	s23 =	simm.s32 @!p1 $0x13D00;
	p6 =	por @!p3 p5, p5;
	p5 =	por @!p0 $0x0, $0x0  }
0x26: {  	s24 =	sshrl.u32 s30, $0x2;
	p6 =	por @!p4 p5, p5;
	p5 =	por $0x0, $0x0  }
0x27: {  	[tilespmem:s23], [sflag:$0x1] =	stream.linear.gather @!p1 [hbm4b:s7+s22], $0x100, $0x38;
	v63 =	vld [tilespmem:$0x0]  }
0x28: {  	s24 =	sor.u32 s31, s24;
	s22 =	simm.s32 @!p2 $0x0;
	s23 =	simm.s32 @!p2 $0x13E00  }
0x29: {  	[tilespmem:s23], [sflag:$0x1] =	stream.linear.gather @!p2 [hbm4b:s8+s22], $0x100, $0x38;
	v63 =	vld [tilespmem:$0x0]  }
0x2a: {  	p5 =	por @!p0 p6, p6;
	s22 =	simm.s32 $0x40;
	s23 =	simm.s32 $0x0  }
.LBB2_2:
0x2b: {  	p6 =	seq.s32 s22, $0xFFC0  }
0x2c: {  	[tilespmem:s24+$0x1C000] =	vst v0;
	s23 =	sadd.s32 $0x10, s23;
	s24 =	smov.u32 s22;
	s22 =	sadd.s32 $0x40, s22  }
.Ltmp2:
0x2d: {  	(pc) =	sbr.rel @!p6 .LBB2_2-.Ltmp2, $4  }
0x2e: {  	_ = 	snop  }
0x2f: {  	s24 =	sand.u32 $0xFE00, s24  }
0x30: {  	s25 =	sand.u32 $0x70, s23;
	s24 =	sshrl.u32 s24, $0x2  }
0x31: {  	s24 =	sor.u32 s25, s24  }
0x32: {  	[tilespmem:s24+$0x1C000] =	vst v0  }
0x33: {  	[spmem:s9] =	stream.linear.scatter [tilespmem:s17], [sflag:$0x4], $0x4000, $0x38;
	v63 =	vld [tilespmem:$0x0]  }
0x34: {  	_ =	swait.ge [sflag:s18], $0x4000  }
0x35: {  	[sflag:s18] =	ssyncset.done $0x0  }
0x36: {  	[sflag:s18] =	ssyncadd.s32 $0xFFFFC000  }
0x37: {  	[spmem:s13] =	stream.linear.scatter [tilespmem:s17], [sflag:$0x4], $0x4000, $0x38;
	v63 =	vld [tilespmem:$0x0]  }
0x38: {  	_ =	swait.ge [sflag:s18], $0x4000  }
0x39: {  	[sflag:s18] =	ssyncset.done $0x0  }
0x3a: {  	[sflag:s18] =	ssyncadd.s32 $0xFFFFC000  }
0x3b: {  	[spmem:s14] =	stream.linear.scatter [tilespmem:s17], [sflag:$0x4], $0x4000, $0x38;
	v63 =	vld [tilespmem:$0x0]  }
0x3c: {  	_ =	swait.ge [sflag:s18], $0x4000  }
0x3d: {  	[sflag:s18] =	ssyncset.done $0x0  }
0x3e: {  	[sflag:s18] =	ssyncadd.s32 $0xFFFFC000  }
0x3f: {  	[spmem:s15] =	stream.linear.scatter [tilespmem:s17], [sflag:$0x4], $0x4000, $0x38;
	v63 =	vld [tilespmem:$0x0]  }
0x40: {  	_ =	swait.ge [sflag:s18], $0x4000  }
0x41: {  	[sflag:s18] =	ssyncset.done $0x0  }
0x42: {  	[sflag:s18] =	ssyncadd.s32 $0xFFFFC000  }
0x43: {  	[spmem:s10] =	stream.linear.scatter [tilespmem:s17], [sflag:$0x4], $0x3C00, $0x38;
	v63 =	vld [tilespmem:$0x0]  }
0x44: {  	_ =	swait.ge [sflag:s18], $0x3C00  }
0x45: {  	[sflag:s18] =	ssyncset.done $0x0  }
0x46: {  	s22 =	simm.s32 @!p0 $0x1;
	[sflag:s18] =	ssyncadd.s32 $0xFFFFC400  }
0x47: {  	_ =	swait.ge @!p0 [sflag:s22], $0x100  }
0x48: {  	s23 =	simm.s32 @!p0 $0x13C00;
	[sflag:s22] =	ssyncset.done @!p0 $0x0  }
0x49: {  	s24 =	simm.s32 @!p0 $0x14000;
	[sflag:s22] =	ssyncadd.s32 @!p0 $0xFFFFFF00;
	s22 =	simm.s32 @!p0 $0x80  }
0x4a: {  	[tilespmem:s24], [sflag:$0x2] =	stream.indirect.gather @!p0 [hbm4b:s2+s22], $0x80, s23, s22, $0xb8;
	v63 =	vld [tilespmem:$0x0]  }
0x4b: {  	s22 =	simm.s32 @p5 $0x1  }
0x4c: {  	_ =	swait.ge @p5 [sflag:s22], $0x100  }
.Ltmp3:
0x4d: {  	s23 =	simm.s32 @p5 $0x13D00;
	[sflag:s22] =	ssyncset.done @p5 $0x0;
	(pc) =	sbr.rel @p0 .LBB2_7-.Ltmp3, $3  }
0x4e: {  	s24 =	simm.s32 @p5 $0x18000;
	[sflag:s22] =	ssyncadd.s32 @p5 $0xFFFFFF00;
	s22 =	simm.s32 @p5 $0x80  }
0x4f: {  	[tilespmem:s24], [sflag:$0x2] =	stream.indirect.gather @p5 [hbm4b:s2+s22], $0x80, s23, s22, $0xb8;
	v63 =	vld [tilespmem:$0x0]  }
0x50: {  	[bflag:$0x0] =	sbarrier.arrive $0xFFFF;
	_ =	sdelay $0x1  }
0x51: {  	s22 =	simm.s32 $0x0;
	s23 =	simm.s32 $0x1C000;
	s24 =	simm.s32 $0x2  }
0x52: {  	s25 =	simm.s32 $0x14000;
	s26 =	smov.u32 s16;
	s28 =	simm.s32 $0x0  }
.LBB2_5:
0x53: {  	s29 =	smulhi.u32 $0xAAAAAAAB, s28;
	_ =	sdelay $0x1  }
0x54: {  	s29 =	sshrl.u32 s29, $0x1  }
0x55: {  	s29 =	smul.u32 $0xFFFD0000, s29  }
0x56: {  	_ =	swait.ge [sflag:s19], $0x4000;
	s31 =	sand.u32 $0x300, s22  }
0x57: {  	s30 =	rddreg [dreg:$0x4];
	[sflag:s19] =	ssyncset.done $0x0;
	s29 =	sshra.s32 s29, $0x2  }
0x58: {  	s31 =	sor.u32 $0x13C80, s31;
	[sflag:s19] =	ssyncadd.s32 $0xFFFFC000;
	s29 =	sadd.s32 s29, s25  }
0x59: {  	[spmem:s3] =	stream.indirect.scatter.add.f32 [tilespmem:s29], [sflag:$0x3], $0x80, s31, s30, $0xb8;
	v63 =	vld [tilespmem:$0x0]  }
0x5a: {  	p5 =	seq.s32 s22, $0x0;
	s31 =	smulhi.u32 $0xAAAAAAAB, s24  }
0x5b: {  	s30 =	simm.s32 @!p5 $0x3  }
0x5c: {  	_ =	swait.ge @!p5 [sflag:s30], $0x4000;
	s29 =	sshrl.u32 s31, $0x1;
	s31 =	sadd.s32 $0x2, s28  }
0x5d: {  	[sflag:s30] =	ssyncset.done @!p5 $0x0;
	s29 =	smul.u32 $0xFFFD0000, s29;
	p6 =	sge.u32 s31, s5  }
0x5e: {  	[sflag:s30] =	ssyncadd.s32 @!p5 $0xFFFFC000;
	s30 =	simm.s32 @!p6 $0x1  }
0x5f: {  	s31 =	sadd.s32 @!p6 $0x200, s22;
	s29 =	sshra.s32 s29, $0x2;
	_ =	swait.ge @!p6 [sflag:s30], $0x100  }
0x60: {  	s31 =	sand.u32 @!p6 $0x300, s31;
	s29 =	sadd.s32 s29, s23;
	[sflag:s30] =	ssyncset.done @!p6 $0x0  }
0x61: {  	[sflag:s30] =	ssyncadd.s32 @!p6 $0xFFFFFF00;
	s30 =	sor.u32 @!p6 $0x13C00, s31;
	s31 =	simm.s32 @!p6 $0x80  }
0x62: {  	[tilespmem:s29], [sflag:$0x2] =	stream.indirect.gather @!p6 [hbm4b:s2+s31], $0x80, s30, s31, $0xb8;
	v63 =	vld [tilespmem:$0x0]  }
0x63: {  	s31 =	sadd.s32 $0x3, s28  }
0x64: {  	p5 =	sge.u32 s31, s5  }
0x65: {  	s29 =	sadd.s32 @!p5 $0x300, s22  }
0x66: {  	s28 =	sadd.s32 $0x1, s28;
	s29 =	sand.u32 @!p5 $0x300, s29  }
0x67: {  	s31 =	rddreg [dreg:$0x5];
	s30 =	simm.s32 @!p5 $0x0;
	s29 =	sor.u32 @!p5 $0x13C00, s29  }
0x68: {  	[tilespmem:s29], [sflag:$0x1] =	stream.linear.gather @!p5 [hbm4b:s26+s30], $0x100, $0x38;
	v63 =	vld [tilespmem:$0x0]  }
0x69: {  	p5 =	sne.s32 s28, s31  }
.Ltmp4:
0x6a: {  	_ = 	snop;
	(pc) =	sbr.rel @p5 .LBB2_5-.Ltmp4, $3  }
0x6b: {  	_ =	sdelay $0x1  }
0x6c: {  	s25 =	sadd.s32 $0x4000, s25;
	s24 =	sadd.s32 $0x1, s24  }
0x6d: {  	s23 =	sadd.s32 $0x4000, s23;
	s22 =	sadd.s32 $0x100, s22;
	s26 =	sadd.s32 $0x20, s26  }
.Ltmp5:
0x6e: {  	(pc) =	sbr.rel .LBB2_7-.Ltmp5, $4  }
0x6f: {  	_ = 	snop  }
0x70: {  	_ =	swait.ge [sflag:s20], $0x4000  }
0x71: {  	[sflag:s20] =	ssyncset.done $0x0  }
0x72: {  	[sflag:s20] =	ssyncadd.s32 $0xFFFFC000  }
.LBB2_8:
0x73: {  	_ =	sfence.sel $0x180000  }
0x74: {  	[bflag:$0x0] =	sbarrier.arrive $0xFFFF  }
0x75: {  	p0 =	sne.s32 s0, $0x0;
	_ =	strace $0x90000050  }
0x76: {  	s0 =	sadd.s32 @!p0 $0x100000, s1;
	[bflag:$0x2] =	sbarrier.arrive $0xFFFF  }
0x77: {  	[sflag:s0] =	ssyncadd.tile.s32 @!p0 $0x1;
	_ =	shalt  }
.Lfunc_end2:
_tile_overlayer_lowered:
.L_overlay_start_2:
0x78: {  	(tag) =	ssettag $0x2  }
0x79: {  	s0 =	rddreg [dreg:$0x0];
	s2 =	stileid.u32  }
0x7a: {  	s1 =	rddreg [dreg:$0x1];
	p0 =	sne.s32 s2, $0x0  }
0x7b: {  	s3 =	rddreg [dreg:$0x2];
	[bflag:$0x3] =	sbarrier.arrive $0xFFFF;
	s2 =	simm.s32 @!p0 $0x1C04  }
0x7c: {  	[timem:s3], [sflag:s2] =	dma.local @!p0 [hbm:s0], s1  }
0x7d: {  	s0 =	simm.s32 @!p0 $0x4  }
0x7e: {  	_ =	swait.ge @!p0 [sflag:s0], s1  }
0x7f: {  	s1 =	ssub.s32 @!p0 $0x0, s1;
	[sflag:s0] =	ssyncset.done @!p0 $0x0  }
0x80: {  	[sflag:s0] =	ssyncadd.s32 @!p0 s1  }
0x81: {  	[bflag:$0x3] =	sbarrier.arrive $0xFFFF  }
0x82: {  	_ =	shalt  }

// kernel: kernel.24.cloned.1.call-start
scs
__scs_entry_jumppad:
0x0: {  	(pc) =	sbr.rel $0x88, $3  }
0x1: {  	(tag) =	ssettag $0x0;
	lr =	simm.s32 $0x1  }
0x2: {  	[smem:$0x3F97] =	sst lr;
	_ =	strace $0xD0000000  }
0x3: {  	_ = 	snop  }
0x4: {  	_ = 	snop  }
0x5: {  	_ = 	snop  }
0x6: {  	_ = 	snop  }
0x7: {  	_ = 	snop  }
__scs_overlays_trampoline_lowered:
0x8: {  	[smem:$0x3FA6] =	sst s0  }
0x9: {  	[smem:$0x3FA7] =	sst s1  }
0xa: {  	[smem:$0x3FA8] =	sst s2  }
0xb: {  	[smem:$0x3FA9] =	sst s3  }
0xc: {  	[smem:$0x3FAA] =	sst s4  }
0xd: {  	[smem:$0x3FAB] =	sst s5  }
0xe: {  	[smem:$0x3FAC] =	sst s6  }
0xf: {  	[smem:$0x3FAD] =	sst s7  }
0x10: {  	[smem:$0x3FAE] =	sst s8  }
0x11: {  	[smem:$0x3FAF] =	sst s9;
	s0 =	simm.s32 @!p0 $0x0  }
0x12: {  	s1 =	sld [smem:$0x3F95];
	s0 =	simm.s32 @p0 $0x1  }
0x13: {  	[smem:$0x3FB0] =	sst s0;
	s0 =	simm.s32 @!p1 $0x0  }
0x14: {  	s2 =	sld [smem:$0x3F94];
	s0 =	simm.s32 @p1 $0x1  }
0x15: {  	[smem:$0x3FB1] =	sst s0;
	s0 =	simm.s32 @!p2 $0x0  }
0x16: {  	s3 =	sld [smem:$0x3FDB];
	s0 =	simm.s32 @p2 $0x1  }
0x17: {  	s4 =	simm.s32 $0x1BF5;
	[smem:$0x3FB3] =	sst s0  }
0x18: {  	s0 =	sld [smem:$0x3F96];
	_ =	swait.ge [sflag:s4], $0x0  }
0x19: {  	s7 =	sld [smem:$0x3F97]  }
0x1a: {  	s8 =	sadd.s32 $0xFFFFE003, lr  }
0x1b: {  	s9 =	sadd.s32 $0xFFFFFEF7, lr;
	s5 =	simm.s32 $0xFFFFFFFF;
	p2 =	slt.u32 s8, $0xFFFFF086  }
0x1c: {  	p1 =	slt.u32 s9, $0xF7A;
	s5 =	simm.s32 @!p2 $0x0  }
0x1d: {  	s5 =	simm.s32 @p1 $0x1;
	p0 =	seq.s32 s7, s2  }
0x1e: {  	s7 =	smul.u32 @!p0 $0xF7A, s2;
	p2 =	seq.s32 @!p0 s5, $0x0  }
0x1f: {  	s9 =	smul.u32 $0xF7A, s1;
	s8 =	simm.s32 @!p0 $0x1BF5;
	p2 =	por !p2, p0  }
0x20: {  	[sflag:s8] =	ssyncset.s32 @!p0 $0xFFFFF086;
	s6 =	sadd.s32 @!p0 s3, s7;
	s7 =	simm.s32 @!p0 $0x108  }
0x21: {  	s3 =	sadd.s32 s3, s9;
	s6 =	sadd.s32 @!p0 $0x88, s6;
	s7 =	simm.s32 @p2 $0x1082  }
0x22: {  	[simem:s7], [sflag:s8] =	dma.local @!p0 [hbm:s6], $0xF7A  }
0x23: {  	s9 =	sor.u32 $0xD0000000, s2;
	s6 =	simm.s32 $0x108;
	_ =	swait.ge @!p0 [sflag:s8], $0x0  }
0x24: {  	s3 =	sadd.s32 $0x88, s3;
	s6 =	simm.s32 @!p1 $0x1082;
	[sflag:s4] =	ssyncset.s32 $0xFFFFF086  }
0x25: {  	[simem:s6], [sflag:s4] =	dma.local [hbm:s3], $0xF7A  }
0x26: {  	[smem:$0x3F97] =	sst s1;
	(tag) =	ssettag s2;
	_ =	strace s9  }
0x27: {  	s1 =	sld [smem:$0x3FA7]  }
0x28: {  	s2 =	sld [smem:$0x3FA8]  }
0x29: {  	s4 =	sld [smem:$0x3FAA]  }
0x2a: {  	p0 =	seq.s32 s5, $0x0;
	s5 =	sld [smem:$0x3FAB]  }
0x2b: {  	s6 =	sld [smem:$0x3FAC]  }
0x2c: {  	s7 =	sld [smem:$0x3FAD]  }
0x2d: {  	s3 =	simm.s32 $0x108;
	s8 =	sld [smem:$0x3FAE]  }
0x2e: {  	s3 =	simm.s32 @!p0 $0x1082;
	s9 =	sld [smem:$0x3FAF]  }
0x2f: {  	lr =	sadd.s32 s0, s3;
	s0 =	sld [smem:$0x3FA6]  }
0x30: {  	s3 =	sld [smem:$0x3FA9]  }
0x31: {  	[smem:$0x3FB2] =	sst s10  }
0x32: {  	s10 =	sld [smem:$0x3FB0];
	_ =	sdelay $0x3  }
0x33: {  	p0 =	seq.s32 s10, $0x1;
	s10 =	sld [smem:$0x3FB2];
	_ =	sdelay $0x3  }
0x34: {  	[smem:$0x3FB2] =	sst s10  }
0x35: {  	s10 =	sld [smem:$0x3FB1];
	_ =	sdelay $0x3  }
0x36: {  	p1 =	seq.s32 s10, $0x1;
	s10 =	sld [smem:$0x3FB2];
	_ =	sdelay $0x3  }
0x37: {  	[smem:$0x3FB2] =	sst s10  }
0x38: {  	s10 =	sld [smem:$0x3FB3]  }
0x39: {  	_ = 	snop;
	(pc) =	sbr.ind lr, $3  }
0x3a: {  	_ = 	snop  }
0x3b: {  	_ = 	snop  }
0x3c: {  	p2 =	seq.s32 s10, $0x1;
	s10 =	sld [smem:$0x3FB2]  }
0x3d: {  	_ =	shalt  }
0x3e: {  	_ =	shalt  }
0x3f: {  	_ =	shalt  }
0x40: {  	_ =	shalt  }
0x41: {  	_ =	shalt  }
0x42: {  	_ =	shalt  }
0x43: {  	_ =	shalt  }
0x44: {  	_ =	shalt  }
0x45: {  	_ =	shalt  }
0x46: {  	_ =	shalt  }
0x47: {  	_ =	shalt  }
0x48: {  	_ =	shalt  }
0x49: {  	_ =	shalt  }
0x4a: {  	_ =	shalt  }
0x4b: {  	_ =	shalt  }
0x4c: {  	_ =	shalt  }
0x4d: {  	_ =	shalt  }
0x4e: {  	_ =	shalt  }
0x4f: {  	_ =	shalt  }
0x50: {  	_ =	shalt  }
0x51: {  	_ =	shalt  }
0x52: {  	_ =	shalt  }
0x53: {  	_ =	shalt  }
0x54: {  	_ =	shalt  }
0x55: {  	_ =	shalt  }
0x56: {  	_ =	shalt  }
0x57: {  	_ =	shalt  }
0x58: {  	_ =	shalt  }
0x59: {  	_ =	shalt  }
0x5a: {  	_ =	shalt  }
0x5b: {  	_ =	shalt  }
0x5c: {  	_ =	shalt  }
0x5d: {  	_ =	shalt  }
0x5e: {  	_ =	shalt  }
0x5f: {  	_ =	shalt  }
0x60: {  	_ =	shalt  }
0x61: {  	_ =	shalt  }
0x62: {  	_ =	shalt  }
0x63: {  	_ =	shalt  }
0x64: {  	_ =	shalt  }
0x65: {  	_ =	shalt  }
0x66: {  	_ =	shalt  }
0x67: {  	_ =	shalt  }
0x68: {  	_ =	shalt  }
0x69: {  	_ =	shalt  }
0x6a: {  	_ =	shalt  }
0x6b: {  	_ =	shalt  }
0x6c: {  	_ =	shalt  }
0x6d: {  	_ =	shalt  }
0x6e: {  	_ =	shalt  }
0x6f: {  	_ =	shalt  }
0x70: {  	_ =	shalt  }
0x71: {  	_ =	shalt  }
0x72: {  	_ =	shalt  }
0x73: {  	_ =	shalt  }
0x74: {  	_ =	shalt  }
0x75: {  	_ =	shalt  }
0x76: {  	_ =	shalt  }
0x77: {  	_ =	shalt  }
0x78: {  	_ =	shalt  }
0x79: {  	_ =	shalt  }
0x7a: {  	_ =	shalt  }
0x7b: {  	_ =	shalt  }
0x7c: {  	_ =	shalt  }
0x7d: {  	_ =	shalt  }
0x7e: {  	_ =	shalt  }
0x7f: {  	_ =	shalt  }
0x80: {  	_ =	shalt  }
0x81: {  	_ =	shalt  }
0x82: {  	_ =	shalt  }
0x83: {  	_ =	shalt  }
0x84: {  	_ =	shalt  }
0x85: {  	_ =	shalt  }
0x86: {  	_ =	shalt  }
0x87: {  	_ =	shalt  }
.Lfunc_end0:
.L_simem_size_0:
called_computation.4_lowered:
.L_overlay_start_0:
0x88: {  	s2 =	sld [smem:$0x3FD9]  }
0x89: {  	s3 =	sld [smem:$0x3FFE];
	_ =	sdelay $0x1  }
0x8a: {  	s1 =	srdreg.scid  }
0x8b: {  	s0 =	sand.u32 $0x1, s1  }
0x8c: {  	s14 =	sshll.u32 s0, $0xA;
	s2 =	sadd.s32 s3, s2  }
0x8d: {  	s2 =	sadd.s32 s2, s14  }
0x8e: {  	[smem:$0x3FBE] =	sst s2  }
0x8f: {  	_ = 	snop  }
0x90: {  	s2 =	sld [smem:$0x3FD0];
	_ =	sdelay $0x2  }
0x91: {  	s15 =	simm.s32 $0xA;
	s4 =	simm.s32 $0x10  }
0x92: {  	[smem:s4], [sflag:s15] =	dma.local [hbm:s2], $0x1  }
0x93: {  	_ =	swait.eq [sflag:s15], $0x1  }
0x94: {  	[sflag:s15] =	ssyncset.done $0x0  }
0x95: {  	[sflag:s15] =	ssyncadd.s32 $0xFFFFFFFF  }
0x96: {  	s16 =	sld [smem:$0x10];
	(tm) =	ssettm $0x1  }
0x97: {  	s17 =	sld [smem:$0x3FFB];
	_ =	sdelay $0x3  }
0x98: {  	_ =	strace s17  }
0x99: {  	s3 =	sld [smem:$0x3FFC];
	_ =	sdelay $0x3  }
0x9a: {  	_ =	strace s3  }
0x9b: {  	s3 =	sld [smem:$0x3FFD];
	_ =	sdelay $0x3  }
0x9c: {  	_ =	strace s3  }
0x9d: {  	_ =	strace $0x8FFFFFFF  }
0x9e: {  	s18 =	sld [smem:$0x3FDB];
	_ =	sdelay $0x1  }
0x9f: {  	s19 =	simm.s32 $_scs_section_size  }
0xa0: {  	s5 =	simm.s32 $_size__tile_overlayer_lowered;
	s6 =	simm.s32 $_tile_overlayer_lowered  }
0xa1: {  	s22 =	simm.s32 $0x1BFF;
	s21 =	sshll.u32 s6, $0x1;
	s3 =	sadd.s32 s19, s18  }
0xa2: {  	s7 =	simm.s32 $0x0;
	s20 =	sshll.u32 s5, $0x1;
	s5 =	sadd.s32 s21, s3  }
0xa3: {  	[timem:s7], [sflag:s22] =	dma.local [hbm:s5], s20  }
0xa4: {  	_ =	swait.ge [sflag:s22], s20  }
0xa5: {  	s4 =	ssub.s32 $0x0, s20;
	[sflag:s22] =	ssyncset.done $0x0  }
0xa6: {  	[sflag:s22] =	ssyncadd.s32 s4;
	_ =	sdelay $0x1  }
0xa7: {  	s23 =	simm.s32 $0x1B8B  }
0xa8: {  	_ =	swait.ge [sflag:s23], $0x1  }
0xa9: {  	[sflag:s23] =	ssyncset.done $0x0  }
0xaa: {  	s25 =	simm.s32 $0x1B8E;
	s24 =	sld [smem:$0x3FFE];
	[sflag:s23] =	ssyncadd.s32 $0xFFFFFFFF  }
0xab: {  	s26 =	simm.s32 $execute0_lowered;
	[smem:$0x3FD2] =	sst s25  }
0xac: {  	s5 =	sshll.u32 s26, $0x1;
	_ =	strace $0x80000052;
	[dreg:$0x1] =	wrdreg $0xFFFFFFFF  }
0xad: {  	s28 =	simm.s32 $_size_execute0_lowered;
	s3 =	sadd.s32 s3, s5;
	[dreg:$0x0] =	wrdreg $0x0  }
0xae: {  	s5 =	sshll.u32 s28, $0x1;
	[dreg:$0x2] =	wrdreg s3  }
0xaf: {  	[dreg:$0x3] =	wrdreg s5  }
0xb0: {  	[dreg:$0x4] =	wrdreg $0xC0  }
0xb1: {  	_ =	task [dreg:s7], $0x5FFFF  }
0xb2: {  	[dreg:$0x1] =	wrdreg $0xFFFFFFFF  }
0xb3: {  	[dreg:$0x0] =	wrdreg $0x60  }
0xb4: {  	[dreg:$0x2] =	wrdreg s16  }
0xb5: {  	[dreg:$0x3] =	wrdreg s24  }
0xb6: {  	[dreg:$0x4] =	wrdreg $0x0  }
0xb7: {  	[dreg:$0x5] =	wrdreg $0x9  }
0xb8: {  	_ =	task.clear_ibuf [dreg:s7], $0x6FFFF;
	_ =	strace $0x90000052  }
0xb9: {  	s29 =	simm.s32 $0x9;
	_ =	strace $0x80000054  }
0xba: {  	_ =	swait.ge [sflag:s29], $0x1  }
0xbb: {  	[sflag:s29] =	ssyncadd.s32 $0xFFFFFFFF  }
0xbc: {  	_ =	strace $0x90000054  }
0xbd: {  	_ =	sfence  }
0xbe: {  	s30 =	sld [smem:$0x0];
	_ =	sdelay $0x2  }
0xbf: {  	s31 =	sshll.u32 s1, $0xD;
	s1 =	sshrl.u32 s1, $0x2  }
0xc0: {  	s3 =	sand.u32 $0x4000, s31;
	s1 =	sadd.s32 s1, s30  }
0xc1: {  	s0 =	sor.u32 s3, s0;
	s1 =	sshll.u32 s1, $0x11  }
0xc2: {  	s0 =	sor.u32 s1, s0  }
0xc3: {  	s0 =	sadd.s32 $0x8F2B, s0  }
0xc4: {  	[sflag:s0] =	ssyncadd.remote.s32 $0x1  }
0xc5: {  	_ =	sfence.sel $0xFFFF  }
0xc6: {  	[dreg:$0x0] =	wrdreg $0xFFFFFFFF;
	(pc) =	sbr.abs _section_cstart, $3  }
0xc7: {  	[dreg:$0x1] =	wrdreg $0xFFFFFFFF  }
0xc8: {  	_ =	task.clear_ibuf [dreg:s7], $0x2FFFF;
	_ =	strace $0x9FFFFFFF  }
0xc9: {  	(tm) =	ssettm $0x7FFFFFFF  }
tec
execute0_lowered:
.L_overlay_start_1:
0x0: {  	(tag) =	ssettag $0x1  }
0x1: {  	s2 =	rddreg [dreg:$0x0]  }
0x2: {  	s0 =	srdreg.scid;
	s6 =	rddreg [dreg:$0x1]  }
0x3: {  	s3 =	rddreg [dreg:$0x2];
	s12 =	sand.u32 $0x1, s0  }
0x4: {  	s0 =	stileid.u32;
	s7 =	smul.u32 $0x13C000, s12  }
0x5: {  	s19 =	simm.s32 $0x2;
	s20 =	simm.s32 $0x80;
	s9 =	smul.u32 $0x13C00, s0  }
0x6: {  	s21 =	simm.s32 $0x0;
	s16 =	sadd.s32 $0x52400, s6;
	s29 =	smul.u32 $0x4F000, s0  }
0x7: {  	s1 =	sshll.u32 s12, $0x4;
	s25 =	ssub.s32 $0x2, s12;
	s17 =	smul.u32 $0x580, s12  }
0x8: {  	s18 =	smul.u32 $0x58, s0;
	s5 =	sor.u32 s0, s1;
	s1 =	rddreg [dreg:$0x3]  }
0x9: {  	s28 =	sshrl.u32 s25, $0x1;
	s4 =	smul.u32 $0xFFFFD400, s5;
	s7 =	sadd.s32 s9, s7  }
0xa: {  	s26 =	smul.u32 $0xB00, s5;
	s14 =	ssub.s32 s25, s28;
	s30 =	sshrl.u32 s29, $0x2  }
0xb: {  	s17 =	sadd.s32 s18, s17;
	s18 =	simm.s32 $0x4;
	s7 =	sshrl.u32 s7, $0x3  }
0xc: {  	s9 =	sadd.s32 s30, s3;
	s12 =	smax.u32 s14, $0x1;
	s17 =	sshll.u32 s17, $0x5  }
0xd: {  	s8 =	sadd.s32 $0x5098F, s4;
	s4 =	simm.s32 $0x0;
	s13 =	sadd.s32 s7, s6  }
0xe: {  	s6 =	sadd.s32 s16, s26;
	s14 =	sadd.s32 $0x8000, s9;
	s10 =	sshra.s32 s8, $0x1F  }
0xf: {  	s16 =	sadd.s32 s17, s16;
	s17 =	simm.s32 $0x1C000;
	s11 =	sshrl.u32 s10, $0x19  }
0x10: {  	[smem:$0x7FF] =	sst s4;
	s7 =	sadd.s32 $0x20, s6;
	s8 =	sadd.s32 s11, s8  }
0x11: {  	s16 =	sadd.s32 $0x60, s16;
	_ =	strace $0x80000053;
	s8 =	sshra.s32 s8, $0x7  }
0x12: {  	[dreg:$0x4] =	wrdreg s20;
	s20 =	simm.s32 $0x3;
	s15 =	sadd.s32 s10, s8  }
0x13: {  	s11 =	sadd.s32 $0x3400, s13;
	p0 =	sgt.s32 s15, $0x0;
	s10 =	smov.u32 s15  }
0x14: {  	s13 =	sadd.s32 $0x4000, s9;
	s10 =	simm.s32 @!p0 $0x0;
	p0 =	slt.s32 s15, $0x1  }
.Ltmp0:
0x15: {  	s5 =	smin.u32 s10, $0x58;
	p4 =	seq.s32 @!p0 s15, $0x1;
	(pc) =	sbr.rel .LBB2_1-.Ltmp0, $4  }
0x16: {  	s8 =	sadd.s32 $0x40, s6;
	s31 =	smax.u32 s5, $0x1;
	p1 =	por p4, p0  }
0x17: {  	s10 =	sadd.s32 $0x10000, s9;
	[dreg:$0x5] =	wrdreg s31;
	p3 =	slt.u32 @!p1 s15, $0x3  }
0x18: {  	s15 =	sadd.s32 $0xC000, s9;
	p2 =	por @!p0 p3, p4;
	p3 =	por @!p0 !p3, p4  }
0x19: {  	v0 =	vimm.f32 $0.0e+00;
	p4 =	por !p4, p0;
	p2 =	por p2, p0;
	p3 =	por !p3, p0  }
.LBB2_7:
0x1a: {  	s21 =	sadd.s32 $0x1, s21  }
0x1b: {  	s22 =	sshll.u32 s0, $0x6;
	[bflag:$0x0] =	sbarrier.arrive $0xFFFF;
	p5 =	sne.s32 s21, s12  }
.Ltmp1:
0x1c: {  	s23 =	sshrl.u32 s9, $0x3;
	s22 =	sor.u32 $0x1C04, s22;
	(pc) =	sbr.rel @!p5 .LBB2_8-.Ltmp1, $4  }
0x1d: {  	[hbm:s11], [sflag:s22] =	dma.local [spmem:s23], $0x2780  }
0x1e: {  	_ =	swait.ge [sflag:s18], $0x2780  }
0x1f: {  	[sflag:s18] =	ssyncset.done $0x0  }
0x20: {  	[sflag:s18] =	ssyncadd.s32 $0xFFFFD880  }
.LBB2_1:
0x21: {  	s22 =	simm.s32 @!p0 $0x0  }
0x22: {  	s23 =	simm.s32 @!p0 $0x13C00;
	p6 =	por @!p1 $0x1, $0x1;
	p5 =	por @!p2 $0x1, $0x1  }
0x23: {  	[tilespmem:s23], [sflag:$0x1] =	stream.linear.gather @!p0 [hbm4b:s6+s22], $0x100, $0x38;
	v63 =	vld [tilespmem:$0x0]  }
0x24: {  	s30 =	sand.u32 $0xFE00, s4;
	s31 =	sand.u32 $0x70, s4;
	s22 =	simm.s32 @!p1 $0x0  }
0x25: {  	s23 =	simm.s32 @!p1 $0x13D00;
	p6 =	por @!p3 p5, p5;
	p5 =	por @!p0 $0x0, $0x0  }
0x26: {  	s24 =	sshrl.u32 s30, $0x2;
	p6 =	por @!p4 p5, p5;
	p5 =	por $0x0, $0x0  }
0x27: {  	[tilespmem:s23], [sflag:$0x1] =	stream.linear.gather @!p1 [hbm4b:s7+s22], $0x100, $0x38;
	v63 =	vld [tilespmem:$0x0]  }
0x28: {  	s24 =	sor.u32 s31, s24;
	s22 =	simm.s32 @!p2 $0x0;
	s23 =	simm.s32 @!p2 $0x13E00  }
0x29: {  	[tilespmem:s23], [sflag:$0x1] =	stream.linear.gather @!p2 [hbm4b:s8+s22], $0x100, $0x38;
	v63 =	vld [tilespmem:$0x0]  }
0x2a: {  	p5 =	por @!p0 p6, p6;
	s22 =	simm.s32 $0x40;
	s23 =	simm.s32 $0x0  }
.LBB2_2:
0x2b: {  	p6 =	seq.s32 s22, $0xFFC0  }
0x2c: {  	[tilespmem:s24+$0x1C000] =	vst v0;
	s23 =	sadd.s32 $0x10, s23;
	s24 =	smov.u32 s22;
	s22 =	sadd.s32 $0x40, s22  }
.Ltmp2:
0x2d: {  	(pc) =	sbr.rel @!p6 .LBB2_2-.Ltmp2, $4  }
0x2e: {  	_ = 	snop  }
0x2f: {  	s24 =	sand.u32 $0xFE00, s24  }
0x30: {  	s25 =	sand.u32 $0x70, s23;
	s24 =	sshrl.u32 s24, $0x2  }
0x31: {  	s24 =	sor.u32 s25, s24  }
0x32: {  	[tilespmem:s24+$0x1C000] =	vst v0  }
0x33: {  	[spmem:s9] =	stream.linear.scatter [tilespmem:s17], [sflag:$0x4], $0x4000, $0x38;
	v63 =	vld [tilespmem:$0x0]  }
0x34: {  	_ =	swait.ge [sflag:s18], $0x4000  }
0x35: {  	[sflag:s18] =	ssyncset.done $0x0  }
0x36: {  	[sflag:s18] =	ssyncadd.s32 $0xFFFFC000  }
0x37: {  	[spmem:s13] =	stream.linear.scatter [tilespmem:s17], [sflag:$0x4], $0x4000, $0x38;
	v63 =	vld [tilespmem:$0x0]  }
0x38: {  	_ =	swait.ge [sflag:s18], $0x4000  }
0x39: {  	[sflag:s18] =	ssyncset.done $0x0  }
0x3a: {  	[sflag:s18] =	ssyncadd.s32 $0xFFFFC000  }
0x3b: {  	[spmem:s14] =	stream.linear.scatter [tilespmem:s17], [sflag:$0x4], $0x4000, $0x38;
	v63 =	vld [tilespmem:$0x0]  }
0x3c: {  	_ =	swait.ge [sflag:s18], $0x4000  }
0x3d: {  	[sflag:s18] =	ssyncset.done $0x0  }
0x3e: {  	[sflag:s18] =	ssyncadd.s32 $0xFFFFC000  }
0x3f: {  	[spmem:s15] =	stream.linear.scatter [tilespmem:s17], [sflag:$0x4], $0x4000, $0x38;
	v63 =	vld [tilespmem:$0x0]  }
0x40: {  	_ =	swait.ge [sflag:s18], $0x4000  }
0x41: {  	[sflag:s18] =	ssyncset.done $0x0  }
0x42: {  	[sflag:s18] =	ssyncadd.s32 $0xFFFFC000  }
0x43: {  	[spmem:s10] =	stream.linear.scatter [tilespmem:s17], [sflag:$0x4], $0x3C00, $0x38;
	v63 =	vld [tilespmem:$0x0]  }
0x44: {  	_ =	swait.ge [sflag:s18], $0x3C00  }
0x45: {  	[sflag:s18] =	ssyncset.done $0x0  }
0x46: {  	s22 =	simm.s32 @!p0 $0x1;
	[sflag:s18] =	ssyncadd.s32 $0xFFFFC400  }
0x47: {  	_ =	swait.ge @!p0 [sflag:s22], $0x100  }
0x48: {  	s23 =	simm.s32 @!p0 $0x13C00;
	[sflag:s22] =	ssyncset.done @!p0 $0x0  }
0x49: {  	s24 =	simm.s32 @!p0 $0x14000;
	[sflag:s22] =	ssyncadd.s32 @!p0 $0xFFFFFF00;
	s22 =	simm.s32 @!p0 $0x80  }
0x4a: {  	[tilespmem:s24], [sflag:$0x2] =	stream.indirect.gather @!p0 [hbm4b:s2+s22], $0x80, s23, s22, $0xb8;
	v63 =	vld [tilespmem:$0x0]  }
0x4b: {  	s22 =	simm.s32 @p5 $0x1  }
0x4c: {  	_ =	swait.ge @p5 [sflag:s22], $0x100  }
.Ltmp3:
0x4d: {  	s23 =	simm.s32 @p5 $0x13D00;
	[sflag:s22] =	ssyncset.done @p5 $0x0;
	(pc) =	sbr.rel @p0 .LBB2_7-.Ltmp3, $3  }
0x4e: {  	s24 =	simm.s32 @p5 $0x18000;
	[sflag:s22] =	ssyncadd.s32 @p5 $0xFFFFFF00;
	s22 =	simm.s32 @p5 $0x80  }
0x4f: {  	[tilespmem:s24], [sflag:$0x2] =	stream.indirect.gather @p5 [hbm4b:s2+s22], $0x80, s23, s22, $0xb8;
	v63 =	vld [tilespmem:$0x0]  }
0x50: {  	[bflag:$0x0] =	sbarrier.arrive $0xFFFF;
	_ =	sdelay $0x1  }
0x51: {  	s22 =	simm.s32 $0x0;
	s23 =	simm.s32 $0x1C000;
	s24 =	simm.s32 $0x2  }
0x52: {  	s25 =	simm.s32 $0x14000;
	s26 =	smov.u32 s16;
	s28 =	simm.s32 $0x0  }
.LBB2_5:
0x53: {  	s29 =	smulhi.u32 $0xAAAAAAAB, s28;
	_ =	sdelay $0x1  }
0x54: {  	s29 =	sshrl.u32 s29, $0x1  }
0x55: {  	s29 =	smul.u32 $0xFFFD0000, s29  }
0x56: {  	_ =	swait.ge [sflag:s19], $0x4000;
	s31 =	sand.u32 $0x300, s22  }
0x57: {  	s30 =	rddreg [dreg:$0x4];
	[sflag:s19] =	ssyncset.done $0x0;
	s29 =	sshra.s32 s29, $0x2  }
0x58: {  	s31 =	sor.u32 $0x13C80, s31;
	[sflag:s19] =	ssyncadd.s32 $0xFFFFC000;
	s29 =	sadd.s32 s29, s25  }
0x59: {  	[spmem:s3] =	stream.indirect.scatter.add.f32 [tilespmem:s29], [sflag:$0x3], $0x80, s31, s30, $0xb8;
	v63 =	vld [tilespmem:$0x0]  }
0x5a: {  	p5 =	seq.s32 s22, $0x0;
	s31 =	smulhi.u32 $0xAAAAAAAB, s24  }
0x5b: {  	s30 =	simm.s32 @!p5 $0x3  }
0x5c: {  	_ =	swait.ge @!p5 [sflag:s30], $0x4000;
	s29 =	sshrl.u32 s31, $0x1;
	s31 =	sadd.s32 $0x2, s28  }
0x5d: {  	[sflag:s30] =	ssyncset.done @!p5 $0x0;
	s29 =	smul.u32 $0xFFFD0000, s29;
	p6 =	sge.u32 s31, s5  }
0x5e: {  	[sflag:s30] =	ssyncadd.s32 @!p5 $0xFFFFC000;
	s30 =	simm.s32 @!p6 $0x1  }
0x5f: {  	s31 =	sadd.s32 @!p6 $0x200, s22;
	s29 =	sshra.s32 s29, $0x2;
	_ =	swait.ge @!p6 [sflag:s30], $0x100  }
0x60: {  	s31 =	sand.u32 @!p6 $0x300, s31;
	s29 =	sadd.s32 s29, s23;
	[sflag:s30] =	ssyncset.done @!p6 $0x0  }
0x61: {  	[sflag:s30] =	ssyncadd.s32 @!p6 $0xFFFFFF00;
	s30 =	sor.u32 @!p6 $0x13C00, s31;
	s31 =	simm.s32 @!p6 $0x80  }
0x62: {  	[tilespmem:s29], [sflag:$0x2] =	stream.indirect.gather @!p6 [hbm4b:s2+s31], $0x80, s30, s31, $0xb8;
	v63 =	vld [tilespmem:$0x0]  }
0x63: {  	s31 =	sadd.s32 $0x3, s28  }
0x64: {  	p5 =	sge.u32 s31, s5  }
0x65: {  	s29 =	sadd.s32 @!p5 $0x300, s22  }
0x66: {  	s28 =	sadd.s32 $0x1, s28;
	s29 =	sand.u32 @!p5 $0x300, s29  }
0x67: {  	s31 =	rddreg [dreg:$0x5];
	s30 =	simm.s32 @!p5 $0x0;
	s29 =	sor.u32 @!p5 $0x13C00, s29  }
0x68: {  	[tilespmem:s29], [sflag:$0x1] =	stream.linear.gather @!p5 [hbm4b:s26+s30], $0x100, $0x38;
	v63 =	vld [tilespmem:$0x0]  }
0x69: {  	p5 =	sne.s32 s28, s31  }
.Ltmp4:
0x6a: {  	_ = 	snop;
	(pc) =	sbr.rel @p5 .LBB2_5-.Ltmp4, $3  }
0x6b: {  	_ =	sdelay $0x1  }
0x6c: {  	s25 =	sadd.s32 $0x4000, s25;
	s24 =	sadd.s32 $0x1, s24  }
0x6d: {  	s23 =	sadd.s32 $0x4000, s23;
	s22 =	sadd.s32 $0x100, s22;
	s26 =	sadd.s32 $0x20, s26  }
.Ltmp5:
0x6e: {  	(pc) =	sbr.rel .LBB2_7-.Ltmp5, $4  }
0x6f: {  	_ = 	snop  }
0x70: {  	_ =	swait.ge [sflag:s20], $0x4000  }
0x71: {  	[sflag:s20] =	ssyncset.done $0x0  }
0x72: {  	[sflag:s20] =	ssyncadd.s32 $0xFFFFC000  }
.LBB2_8:
0x73: {  	_ =	sfence.sel $0x180000  }
0x74: {  	[bflag:$0x0] =	sbarrier.arrive $0xFFFF  }
0x75: {  	p0 =	sne.s32 s0, $0x0;
	_ =	strace $0x90000053  }
0x76: {  	s0 =	sadd.s32 @!p0 $0x100000, s1;
	[bflag:$0x2] =	sbarrier.arrive $0xFFFF  }
0x77: {  	[sflag:s0] =	ssyncadd.tile.s32 @!p0 $0x1;
	_ =	shalt  }
.Lfunc_end2:
_tile_overlayer_lowered:
.L_overlay_start_2:
0x78: {  	(tag) =	ssettag $0x2  }
0x79: {  	s0 =	rddreg [dreg:$0x0];
	s2 =	stileid.u32  }
0x7a: {  	s1 =	rddreg [dreg:$0x1];
	p0 =	sne.s32 s2, $0x0  }
0x7b: {  	s3 =	rddreg [dreg:$0x2];
	[bflag:$0x3] =	sbarrier.arrive $0xFFFF;
	s2 =	simm.s32 @!p0 $0x1C04  }
0x7c: {  	[timem:s3], [sflag:s2] =	dma.local @!p0 [hbm:s0], s1  }
0x7d: {  	s0 =	simm.s32 @!p0 $0x4  }
0x7e: {  	_ =	swait.ge @!p0 [sflag:s0], s1  }
0x7f: {  	s1 =	ssub.s32 @!p0 $0x0, s1;
	[sflag:s0] =	ssyncset.done @!p0 $0x0  }
0x80: {  	[sflag:s0] =	ssyncadd.s32 @!p0 s1  }
0x81: {  	[bflag:$0x3] =	sbarrier.arrive $0xFFFF  }
0x82: {  	_ =	shalt  }

</sc_bundles>
